<compile_context>
chip_gen: v7x
topology: tpu7x:2x2x1
jax: 0.10.2.dev20260603
libtpu: 0.0.44.dev20260713+nightly
codegen_flags: <defaults>
</compile_context>

<pallas_src>
import functools

import jax
import jax.numpy as jnp
from jax import lax
from jax.experimental import pallas as pl
from jax.experimental.pallas import tpu as pltpu
from jax.experimental.pallas import tpu_sc as plsc

N = 83968
E = 1343488
NPG = 41
LAT = 41

NC, NS, LANES = 2, 16, 16
NW = NC * NS
EPW = E // NW
JW = 128
CH = 8
K = CH * JW
NCHUNK = EPW // K
RPT = N // NS
GROUPS = K // LANES

RB = 2048
NRB = N // RB


def _sc_pass1():
    mesh = plsc.VectorSubcoreMesh(
        core_axis_name="c", subcore_axis_name="s", num_cores=NC, num_subcores=NS
    )
    NACC = 5
    DRAIN = NACC * CH * JW

    @functools.partial(
        pl.kernel,
        mesh=mesh,
        out_type=jax.ShapeDtypeStruct((NC * NACC * N,), jnp.float32),
        scratch_types=[
            pltpu.VMEM((CH, JW), jnp.int32),
            pltpu.VMEM((CH, JW), jnp.int32),
            [pltpu.VMEM((K,), jnp.float32) for _ in range(6)],
            [pltpu.VMEM((K,), jnp.float32) for _ in range(NACC)],
            pltpu.VMEM((DRAIN,), jnp.float32),
            [pltpu.VMEM_SHARED((N,), jnp.float32) for _ in range(NACC)],
            [pltpu.SemaphoreType.DMA for _ in range(7)],
        ],
    )
    def sc1(src_hbm, dst_hbm, t_as, t_ad, t0, t1, t2, t3, zn_hbm, out_hbm,
            idx_s, idx_d, gat, prod, drain, accs, sems):
        cid = lax.axis_index("c")
        sid = lax.axis_index("s")
        wid = sid * NC + cid
        for t in range(NACC):
            pltpu.sync_copy(zn_hbm.at[pl.ds(sid * RPT, RPT)],
                            accs[t].at[pl.ds(sid * RPT, RPT)])
        plsc.subcore_barrier()
        row0 = wid * (EPW // JW)
        vas, vad, v0, v1, v2, v3 = gat
        oe, o0, o1, o2, o3 = prod
        addsem = sems[6]

        def chunk(i, carry):
            base = row0 + i * CH
            pltpu.sync_copy(src_hbm.at[pl.ds(base, CH)], idx_s)
            pltpu.sync_copy(dst_hbm.at[pl.ds(base, CH)], idx_d)
            cps = []
            for j in range(CH):
                sl = pl.ds(j * JW, JW)
                cps.append(pltpu.async_copy(t_as.at[idx_s.at[j]], vas.at[sl], sems[0]))
                cps.append(pltpu.async_copy(t_ad.at[idx_d.at[j]], vad.at[sl], sems[1]))
                cps.append(pltpu.async_copy(t0.at[idx_s.at[j]], v0.at[sl], sems[2]))
                cps.append(pltpu.async_copy(t1.at[idx_s.at[j]], v1.at[sl], sems[3]))
                cps.append(pltpu.async_copy(t2.at[idx_s.at[j]], v2.at[sl], sems[4]))
                cps.append(pltpu.async_copy(t3.at[idx_s.at[j]], v3.at[sl], sems[5]))

            @pl.when(i > 0)
            def _():
                pltpu.make_async_copy(zn_hbm.at[pl.ds(0, DRAIN)], drain,
                                      addsem).wait()

            for cp in cps:
                cp.wait()

            def grp(g, c2):
                sl = pl.ds(g * LANES, LANES)
                e = vas[sl] + vad[sl]
                e = jnp.where(e > 0.0, e, e * jnp.float32(0.2))
                ex = jnp.exp(e)
                oe[sl] = ex
                o0[sl] = ex * v0[sl]
                o1[sl] = ex * v1[sl]
                o2[sl] = ex * v2[sl]
                o3[sl] = ex * v3[sl]
                return c2

            lax.fori_loop(0, GROUPS, grp, 0)
            for j in range(CH):
                sl = pl.ds(j * JW, JW)
                pltpu.async_copy(oe.at[sl], accs[0].at[idx_d.at[j]], addsem, add=True)
                pltpu.async_copy(o0.at[sl], accs[1].at[idx_d.at[j]], addsem, add=True)
                pltpu.async_copy(o1.at[sl], accs[2].at[idx_d.at[j]], addsem, add=True)
                pltpu.async_copy(o2.at[sl], accs[3].at[idx_d.at[j]], addsem, add=True)
                pltpu.async_copy(o3.at[sl], accs[4].at[idx_d.at[j]], addsem, add=True)
            return carry

        lax.fori_loop(0, NCHUNK, chunk, 0)
        pltpu.make_async_copy(zn_hbm.at[pl.ds(0, DRAIN)], drain, addsem).wait()
        plsc.subcore_barrier()
        for t in range(NACC):
            off = (cid * NACC + t) * N + sid * RPT
            pltpu.sync_copy(accs[t].at[pl.ds(sid * RPT, RPT)],
                            out_hbm.at[pl.ds(off, RPT)])

    return sc1


def _sc_pass2():
    mesh = plsc.VectorSubcoreMesh(
        core_axis_name="c", subcore_axis_name="s", num_cores=NC, num_subcores=NS
    )
    NACC = 2
    DRAIN = NACC * CH * JW

    @functools.partial(
        pl.kernel,
        mesh=mesh,
        out_type=jax.ShapeDtypeStruct((NC * NACC * N,), jnp.float32),
        scratch_types=[
            pltpu.VMEM((CH, JW), jnp.int32),
            pltpu.VMEM((CH, JW), jnp.int32),
            [pltpu.VMEM((K,), jnp.float32) for _ in range(2)],
            [pltpu.VMEM((K,), jnp.float32) for _ in range(NACC)],
            pltpu.VMEM((16,), jnp.float32),
            pltpu.VMEM((16,), jnp.float32),
            pltpu.VMEM((DRAIN,), jnp.float32),
            [pltpu.VMEM_SHARED((N,), jnp.float32) for _ in range(NACC)],
            [pltpu.SemaphoreType.DMA for _ in range(3)],
        ],
    )
    def sc2(src_hbm, dst_hbm, t_c, as2_hbm, ad2_hbm, zn_hbm, out_hbm,
            idx_s, idx_d, gat, prod, as2v, ad2v, drain, accs, sems):
        cid = lax.axis_index("c")
        sid = lax.axis_index("s")
        wid = sid * NC + cid
        for t in range(NACC):
            pltpu.sync_copy(zn_hbm.at[pl.ds(sid * RPT, RPT)],
                            accs[t].at[pl.ds(sid * RPT, RPT)])
        pltpu.sync_copy(as2_hbm, as2v)
        pltpu.sync_copy(ad2_hbm, ad2v)
        plsc.subcore_barrier()
        row0 = wid * (EPW // JW)
        vcs, vcd = gat
        oe, o0 = prod
        addsem = sems[2]
        A = as2v[...]
        B = ad2v[...]

        def chunk(i, carry):
            base = row0 + i * CH
            pltpu.sync_copy(src_hbm.at[pl.ds(base, CH)], idx_s)
            pltpu.sync_copy(dst_hbm.at[pl.ds(base, CH)], idx_d)
            cps = []
            for j in range(CH):
                sl = pl.ds(j * JW, JW)
                cps.append(pltpu.async_copy(t_c.at[idx_s.at[j]], vcs.at[sl], sems[0]))
                cps.append(pltpu.async_copy(t_c.at[idx_d.at[j]], vcd.at[sl], sems[1]))

            @pl.when(i > 0)
            def _():
                pltpu.make_async_copy(zn_hbm.at[pl.ds(0, DRAIN)], drain,
                                      addsem).wait()

            for cp in cps:
                cp.wait()

            def grp(g, c2):
                sl = pl.ds(g * LANES, LANES)
                cs = vcs[sl]
                e = A * cs + B * vcd[sl]
                e = jnp.where(e > 0.0, e, e * jnp.float32(0.2))
                ex = jnp.exp(e)
                oe[sl] = ex
                o0[sl] = ex * cs
                return c2

            lax.fori_loop(0, GROUPS, grp, 0)
            for j in range(CH):
                sl = pl.ds(j * JW, JW)
                pltpu.async_copy(oe.at[sl], accs[0].at[idx_d.at[j]], addsem, add=True)
                pltpu.async_copy(o0.at[sl], accs[1].at[idx_d.at[j]], addsem, add=True)
            return carry

        lax.fori_loop(0, NCHUNK, chunk, 0)
        pltpu.make_async_copy(zn_hbm.at[pl.ds(0, DRAIN)], drain, addsem).wait()
        plsc.subcore_barrier()
        for t in range(NACC):
            off = (cid * NACC + t) * N + sid * RPT
            pltpu.sync_copy(accs[t].at[pl.ds(sid * RPT, RPT)],
                            out_hbm.at[pl.ds(off, RPT)])

    return sc2


def _tc_a(xt_ref, vs_ref, vd_ref, as_ref, ad_ref):
    xt = xt_ref[...]
    as_ref[...] = jnp.dot(vs_ref[...], xt, preferred_element_type=jnp.float32, precision=lax.Precision.HIGHEST)
    ad_ref[...] = jnp.dot(vd_ref[...], xt, preferred_element_type=jnp.float32, precision=lax.Precision.HIGHEST)


def _tc_b(acc_ref, xt_ref, as_ref, ad_ref, w1t_ref, b1_ref, w2t_ref,
          c_ref):
    acc = acc_ref[...]
    xt = xt_ref[...]
    es = as_ref[...] + ad_ref[...]
    es = jnp.where(es > 0.0, es, es * 0.2)
    exs = jnp.exp(es)
    den = acc[0:1] + acc[5:6] + exs
    s = acc[1:5] + acc[6:10] + exs * xt
    out1 = jnp.dot(w1t_ref[...], s, preferred_element_type=jnp.float32, precision=lax.Precision.HIGHEST)
    out1 = out1 / (den + 1e-16) + b1_ref[...]
    h = jnp.maximum(out1, 0.0)
    c_ref[...] = jnp.dot(w2t_ref[...], h, preferred_element_type=jnp.float32, precision=lax.Precision.HIGHEST)


def _tc_c(acc_ref, c_ref, as2_ref, ad2_ref, b2_ref, o_ref):
    acc = acc_ref[...]
    c = c_ref[...]
    es = (as2_ref[0] + ad2_ref[0]) * c
    es = jnp.where(es > 0.0, es, es * 0.2)
    exs = jnp.exp(es)
    den = acc[0:1] + acc[2:3] + exs
    num = acc[1:2] + acc[3:4] + exs * c
    o_ref[...] = jnp.maximum(num / (den + 1e-16) + b2_ref[0], 0.0)


def _tc_d(sh_ref, wp_ref, bp_ref, wv_ref, bv_ref, pi_ref, vf_ref):
    sh = sh_ref[...]
    pi_ref[...] = jnp.maximum(
        jnp.dot(sh, wp_ref[...], preferred_element_type=jnp.float32, precision=lax.Precision.HIGHEST)
        + bp_ref[...], 0.0)
    vf_ref[...] = jnp.maximum(
        jnp.dot(sh, wv_ref[...], preferred_element_type=jnp.float32, precision=lax.Precision.HIGHEST)
        + bv_ref[...], 0.0)


_SC1 = _sc_pass1()
_SC2 = _sc_pass2()


def kernel(x, edge_index, batch, W1, as1, ad1, b1, W2, as2, ad2, b2,
           Wp, bp, Wv, bv):
    f32 = jnp.float32
    src2d = edge_index[0].reshape(E // JW, JW)
    dst2d = edge_index[1].reshape(E // JW, JW)
    xt = x.T
    vs = jnp.dot(W1, as1, precision=lax.Precision.HIGHEST).reshape(1, 4)
    vd = jnp.dot(W1, ad1, precision=lax.Precision.HIGHEST).reshape(1, 4)
    zn = jnp.zeros((N,), f32)

    asv, adv = pl.pallas_call(
        _tc_a,
        grid=(NRB,),
        in_specs=[
            pl.BlockSpec((4, RB), lambda i: (0, i)),
            pl.BlockSpec((1, 4), lambda i: (0, 0)),
            pl.BlockSpec((1, 4), lambda i: (0, 0)),
        ],
        out_specs=[
            pl.BlockSpec((1, RB), lambda i: (0, i)),
            pl.BlockSpec((1, RB), lambda i: (0, i)),
        ],
        out_shape=[
            jax.ShapeDtypeStruct((1, N), f32),
            jax.ShapeDtypeStruct((1, N), f32),
        ],
    )(xt, vs, vd)

    acc1 = _SC1(src2d, dst2d, asv.reshape(N), adv.reshape(N),
                xt[0], xt[1], xt[2], xt[3], zn)

    c = pl.pallas_call(
        _tc_b,
        grid=(NRB,),
        in_specs=[
            pl.BlockSpec((10, RB), lambda i: (0, i)),
            pl.BlockSpec((4, RB), lambda i: (0, i)),
            pl.BlockSpec((1, RB), lambda i: (0, i)),
            pl.BlockSpec((1, RB), lambda i: (0, i)),
            pl.BlockSpec((LAT, 4), lambda i: (0, 0)),
            pl.BlockSpec((LAT, 1), lambda i: (0, 0)),
            pl.BlockSpec((1, LAT), lambda i: (0, 0)),
        ],
        out_specs=pl.BlockSpec((1, RB), lambda i: (0, i)),
        out_shape=jax.ShapeDtypeStruct((1, N), f32),
    )(acc1.reshape(NC * 5, N), xt, asv, adv, W1.T, b1.reshape(LAT, 1), W2.T)

    acc2 = _SC2(src2d, dst2d, c.reshape(N),
                jnp.broadcast_to(as2, (16,)).astype(f32),
                jnp.broadcast_to(ad2, (16,)).astype(f32), zn)

    out2 = pl.pallas_call(
        _tc_c,
        grid=(NRB,),
        in_specs=[
            pl.BlockSpec((4, RB), lambda i: (0, i)),
            pl.BlockSpec((1, RB), lambda i: (0, i)),
            pl.BlockSpec(memory_space=pltpu.SMEM),
            pl.BlockSpec(memory_space=pltpu.SMEM),
            pl.BlockSpec(memory_space=pltpu.SMEM),
        ],
        out_specs=pl.BlockSpec((1, RB), lambda i: (0, i)),
        out_shape=jax.ShapeDtypeStruct((1, N), f32),
    )(acc2.reshape(NC * 2, N), c, as2, ad2, b2)

    shared = out2.reshape(N // NPG, NPG)

    pi, vf = pl.pallas_call(
        _tc_d,
        in_specs=[
            pl.BlockSpec((N // NPG, NPG), lambda: (0, 0)),
            pl.BlockSpec((LAT, LAT), lambda: (0, 0)),
            pl.BlockSpec((1, LAT), lambda: (0, 0)),
            pl.BlockSpec((LAT, LAT), lambda: (0, 0)),
            pl.BlockSpec((1, LAT), lambda: (0, 0)),
        ],
        out_specs=[
            pl.BlockSpec((N // NPG, NPG), lambda: (0, 0)),
            pl.BlockSpec((N // NPG, NPG), lambda: (0, 0)),
        ],
        out_shape=[
            jax.ShapeDtypeStruct((N // NPG, NPG), f32),
            jax.ShapeDtypeStruct((N // NPG, NPG), f32),
        ],
    )(shared, Wp, bp.reshape(1, LAT), Wv, bv.reshape(1, LAT))

    return (pi, vf)

# --- scband reference (transcript-rebuilt; emitter-appended) ---
"""Pipeline reference for scband-gnnextractor-89764816486746 (READ-ONLY COPY).

The authoritative reference and input builder live on the scoring server;
editing this copy changes nothing except your own understanding.
"""

import jax, jax.numpy as jnp
import numpy as np

NUM_NODES = 83968
NUM_EDGES = 1343488
NUM_GRAPHS = 2048
NODES_PER_GRAPH = 41
LATENT = 41


def gat_conv(x, edge_index, W, att_src, att_dst, bias):
    # Faithful PyG GATConv (heads=1, negative_slope=0.2, add_self_loops=True)
    N = x.shape[0]
    loop = jnp.arange(N, dtype=edge_index.dtype)
    src = jnp.concatenate([edge_index[0], loop])
    dst = jnp.concatenate([edge_index[1], loop])
    h = x @ W                                  # [N, out]
    a_s = (h * att_src).sum(-1)                # [N]
    a_d = (h * att_dst).sum(-1)                # [N]
    e = a_s[src] + a_d[dst]                    # [E+N]
    e = jnp.where(e > 0, e, 0.2 * e)           # leaky_relu(0.2)
    m = jax.ops.segment_max(e, dst, num_segments=N)
    ex = jnp.exp(e - m[dst])
    den = jax.ops.segment_sum(ex, dst, num_segments=N)
    alpha = ex / (den[dst] + 1e-16)
    out = jax.ops.segment_sum(h[src] * alpha[:, None], dst, num_segments=N)
    return out + bias


def setup_inputs(seed: int = 0) -> dict:
    key = jax.random.key(seed)
    ks = jax.random.split(key, 14)
    x = jax.random.normal(ks[0], (NUM_NODES, 4), dtype=jnp.float32)
    edge_index = jax.random.randint(ks[1], (2, NUM_EDGES), 0, NUM_NODES, dtype=jnp.int32)
    batch = jnp.repeat(jnp.arange(NUM_GRAPHS, dtype=jnp.int32), NODES_PER_GRAPH)
    s = 0.1
    return {
        'x': x,
        'edge_index': edge_index,
        'batch': batch,
        'W1': jax.random.normal(ks[2], (4, LATENT), jnp.float32) * s,
        'as1': jax.random.normal(ks[3], (LATENT,), jnp.float32) * s,
        'ad1': jax.random.normal(ks[4], (LATENT,), jnp.float32) * s,
        'b1': jnp.zeros((LATENT,), jnp.float32),
        'W2': jax.random.normal(ks[5], (LATENT, 1), jnp.float32) * s,
        'as2': jax.random.normal(ks[6], (1,), jnp.float32) * s,
        'ad2': jax.random.normal(ks[7], (1,), jnp.float32) * s,
        'b2': jnp.zeros((1,), jnp.float32),
        'Wp': jax.random.normal(ks[8], (LATENT, LATENT), jnp.float32) * s,
        'bp': jnp.zeros((LATENT,), jnp.float32),
        'Wv': jax.random.normal(ks[9], (LATENT, LATENT), jnp.float32) * s,
        'bv': jnp.zeros((LATENT,), jnp.float32),
    }


def reference(x, edge_index, batch, W1, as1, ad1, b1, W2, as2, ad2, b2, Wp, bp, Wv, bv):
    B = batch.shape[0] // NODES_PER_GRAPH
    h = jax.nn.relu(gat_conv(x, edge_index, W1, as1, ad1, b1))
    h = jax.nn.relu(gat_conv(h, edge_index, W2, as2, ad2, b2))
    shared = h.reshape(B, -1)                  # [B, 41]
    pi = jax.nn.relu(shared @ Wp + bp)
    vf = jax.nn.relu(shared @ Wv + bv)
    return (pi, vf)

if __name__ == "__main__":
    import jax
    _d = setup_inputs()
    print(jax.jit(kernel)(*tuple(_d.values())))

</pallas_src>

<mosaic_0001>
#map = affine_map<(d0, d1) -> (0, 0)>
#map1 = affine_map<(d0, d1) -> (0)>
module attributes {stable_mosaic.version = 14 : i64} {
  func.func @sc2(%arg0: i32, %arg1: i32, %arg2: memref<10496x128xi32, #tpu.memory_space<hbm>>, %arg3: memref<10496x128xi32, #tpu.memory_space<hbm>>, %arg4: memref<83968xf32, #tpu.memory_space<hbm>>, %arg5: memref<16xf32, #tpu.memory_space<hbm>>, %arg6: memref<16xf32, #tpu.memory_space<hbm>>, %arg7: memref<83968xf32, #tpu.memory_space<hbm>>, %arg8: memref<335872xf32, #tpu.memory_space<hbm>>, %arg9: memref<8x128xi32, #tpu.memory_space<vmem>>, %arg10: memref<8x128xi32, #tpu.memory_space<vmem>>, %arg11: memref<1024xf32, #tpu.memory_space<vmem>>, %arg12: memref<1024xf32, #tpu.memory_space<vmem>>, %arg13: memref<1024xf32, #tpu.memory_space<vmem>>, %arg14: memref<1024xf32, #tpu.memory_space<vmem>>, %arg15: memref<16xf32, #tpu.memory_space<vmem>>, %arg16: memref<16xf32, #tpu.memory_space<vmem>>, %arg17: memref<2048xf32, #tpu.memory_space<vmem>>, %arg18: memref<83968xf32, #tpu.memory_space<vmem_shared>>, %arg19: memref<83968xf32, #tpu.memory_space<vmem_shared>>, %arg20: memref<!tpu.dma_semaphore, #tpu.memory_space<semaphore_mem>>, %arg21: memref<!tpu.dma_semaphore, #tpu.memory_space<semaphore_mem>>, %arg22: memref<!tpu.dma_semaphore, #tpu.memory_space<semaphore_mem>>) attributes {dimension_semantics = [#tpu.dimension_semantics<core_parallel>, #tpu.dimension_semantics<subcore_parallel>], iteration_bounds = array<i64: 2, 16>, scalar_prefetch = 0 : i64, scratch_operands = 14 : i64, tpu.core_type = #tpu.core_type<sc_vector_subcore>, window_params = [{transform_indices = #map}, {transform_indices = #map}, {transform_indices = #map1}, {transform_indices = #map1}, {transform_indices = #map1}, {transform_indices = #map1}, {transform_indices = #map1}]} {
    %mul3A = arith.constant 2 : i32
    %mul3A_0 = arith.muli %arg1, %mul3A : i32
    %add3A = arith.addi %mul3A_0, %arg0 : i32
    %mul3A_1 = arith.constant 5248 : i32
    %mul3A_2 = arith.muli %arg1, %mul3A_1 : i32
    %mul3A_3 = arith.constant 5248 : i32
    %mul3A_4 = arith.muli %arg1, %mul3A_3 : i32
    "tpu.region"() ({
      %run_scoped3A = tpu.sem_alloc : memref<!tpu.dma_semaphore, #tpu.memory_space<semaphore_mem>>
      %dma_start3A = tpu.memref_slice %arg18[%mul3A_4] : memref<83968xf32, #tpu.memory_space<vmem_shared>> -> memref<5248xf32, #tpu.memory_space<vmem_shared>>
      %dma_start3A_47 = tpu.memref_slice %arg7[%mul3A_2] : memref<83968xf32, #tpu.memory_space<hbm>> -> memref<5248xf32, #tpu.memory_space<hbm>>
      tpu.enqueue_dma source(%dma_start3A_47 : memref<5248xf32, #tpu.memory_space<hbm>>) target(%dma_start3A : memref<5248xf32, #tpu.memory_space<vmem_shared>>) target_semaphore(%run_scoped3A : memref<!tpu.dma_semaphore, #tpu.memory_space<semaphore_mem>>)
      %dma_wait3A_48 = tpu.memref_slice %arg18[%mul3A_4] : memref<83968xf32, #tpu.memory_space<vmem_shared>> -> memref<5248xf32, #tpu.memory_space<vmem_shared>>
      %dma_wait3A_49 = tpu.memref_slice %arg7[%mul3A_2] : memref<83968xf32, #tpu.memory_space<hbm>> -> memref<5248xf32, #tpu.memory_space<hbm>>
      tpu.wait_dma2 semaphore(%run_scoped3A : memref<!tpu.dma_semaphore, #tpu.memory_space<semaphore_mem>>) src(%dma_wait3A_49 : memref<5248xf32, #tpu.memory_space<hbm>>) dst(%dma_wait3A_48 : memref<5248xf32, #tpu.memory_space<vmem_shared>>)
      tpu.yield
    }) : () -> ()
    %mul3A_5 = arith.constant 5248 : i32
    %mul3A_6 = arith.muli %arg1, %mul3A_5 : i32
    %mul3A_7 = arith.constant 5248 : i32
    %mul3A_8 = arith.muli %arg1, %mul3A_7 : i32
    "tpu.region"() ({
      %run_scoped3A = tpu.sem_alloc : memref<!tpu.dma_semaphore, #tpu.memory_space<semaphore_mem>>
      %dma_start3A = tpu.memref_slice %arg19[%mul3A_8] : memref<83968xf32, #tpu.memory_space<vmem_shared>> -> memref<5248xf32, #tpu.memory_space<vmem_shared>>
      %dma_start3A_47 = tpu.memref_slice %arg7[%mul3A_6] : memref<83968xf32, #tpu.memory_space<hbm>> -> memref<5248xf32, #tpu.memory_space<hbm>>
      tpu.enqueue_dma source(%dma_start3A_47 : memref<5248xf32, #tpu.memory_space<hbm>>) target(%dma_start3A : memref<5248xf32, #tpu.memory_space<vmem_shared>>) target_semaphore(%run_scoped3A : memref<!tpu.dma_semaphore, #tpu.memory_space<semaphore_mem>>)
      %dma_wait3A_48 = tpu.memref_slice %arg19[%mul3A_8] : memref<83968xf32, #tpu.memory_space<vmem_shared>> -> memref<5248xf32, #tpu.memory_space<vmem_shared>>
      %dma_wait3A_49 = tpu.memref_slice %arg7[%mul3A_6] : memref<83968xf32, #tpu.memory_space<hbm>> -> memref<5248xf32, #tpu.memory_space<hbm>>
      tpu.wait_dma2 semaphore(%run_scoped3A : memref<!tpu.dma_semaphore, #tpu.memory_space<semaphore_mem>>) src(%dma_wait3A_49 : memref<5248xf32, #tpu.memory_space<hbm>>) dst(%dma_wait3A_48 : memref<5248xf32, #tpu.memory_space<vmem_shared>>)
      tpu.yield
    }) : () -> ()
    "tpu.region"() ({
      %run_scoped3A = tpu.sem_alloc : memref<!tpu.dma_semaphore, #tpu.memory_space<semaphore_mem>>
      tpu.enqueue_dma source(%arg5 : memref<16xf32, #tpu.memory_space<hbm>>) target(%arg15 : memref<16xf32, #tpu.memory_space<vmem>>) target_semaphore(%run_scoped3A : memref<!tpu.dma_semaphore, #tpu.memory_space<semaphore_mem>>)
      tpu.wait_dma2 semaphore(%run_scoped3A : memref<!tpu.dma_semaphore, #tpu.memory_space<semaphore_mem>>) src(%arg5 : memref<16xf32, #tpu.memory_space<hbm>>) dst(%arg15 : memref<16xf32, #tpu.memory_space<vmem>>)
      tpu.yield
    }) : () -> ()
    "tpu.region"() ({
      %run_scoped3A = tpu.sem_alloc : memref<!tpu.dma_semaphore, #tpu.memory_space<semaphore_mem>>
      tpu.enqueue_dma source(%arg6 : memref<16xf32, #tpu.memory_space<hbm>>) target(%arg16 : memref<16xf32, #tpu.memory_space<vmem>>) target_semaphore(%run_scoped3A : memref<!tpu.dma_semaphore, #tpu.memory_space<semaphore_mem>>)
      tpu.wait_dma2 semaphore(%run_scoped3A : memref<!tpu.dma_semaphore, #tpu.memory_space<semaphore_mem>>) src(%arg6 : memref<16xf32, #tpu.memory_space<hbm>>) dst(%arg16 : memref<16xf32, #tpu.memory_space<vmem>>)
      tpu.yield
    }) : () -> ()
    %barrier3A = arith.constant 0 : index
    tpu.barrier barrier_id(%barrier3A)
    %mul3A_9 = arith.constant 328 : i32
    %mul3A_10 = arith.muli %add3A, %mul3A_9 : i32
    %get3A = arith.constant 0 : index
    %get3A_11 = tpu.vector_load %arg15[%get3A] {strides = array<i32>} : memref<16xf32, #tpu.memory_space<vmem>>, vector<16xf32>,
    %get3A_12 = vector.shape_cast %get3A_11 : vector<16xf32> to vector<16xf32>
    %get3A_13 = arith.constant 0 : index
    %get3A_14 = tpu.vector_load %arg16[%get3A_13] {strides = array<i32>} : memref<16xf32, #tpu.memory_space<vmem>>, vector<16xf32>,
    %get3A_15 = vector.shape_cast %get3A_14 : vector<16xf32> to vector<16xf32>
    %scan3A = arith.constant 0 : i32
    %scan3A_16 = arith.constant 0 : i32
    %scan3A_17 = arith.constant 41 : i32
    %scan3A_18 = arith.addi %scan3A_16, %scan3A_17 : i32
    %scan3A_19 = arith.constant 1 : i32
    scf.for %scan3A_47 = %scan3A_16 to %scan3A_18 step %scan3A_19  : i32 {
      %mul3A_48 = arith.constant 8 : i32
      %mul3A_49 = arith.muli %scan3A_47, %mul3A_48 : i32
      %add3A_50 = arith.addi %mul3A_10, %mul3A_49 : i32
      "tpu.region"() ({
        %run_scoped3A = tpu.sem_alloc : memref<!tpu.dma_semaphore, #tpu.memory_space<semaphore_mem>>
        %dma_start3A_442 = arith.constant 0 : i32
        %dma_start3A_443 = tpu.memref_slice %arg2[%add3A_50, %dma_start3A_442] : memref<10496x128xi32, #tpu.memory_space<hbm>> -> memref<8x128xi32, #tpu.memory_space<hbm>>
        %dma_start3A_444 = arith.constant 0 : i32
        %dma_start3A_445 = tpu.memref_slice %arg2[%add3A_50, %dma_start3A_444] : memref<10496x128xi32, #tpu.memory_space<hbm>> -> memref<8x128xi32, #tpu.memory_space<hbm>>
        tpu.enqueue_dma source(%dma_start3A_445 : memref<8x128xi32, #tpu.memory_space<hbm>>) target(%arg9 : memref<8x128xi32, #tpu.memory_space<vmem>>) target_semaphore(%run_scoped3A : memref<!tpu.dma_semaphore, #tpu.memory_space<semaphore_mem>>)
        %dma_wait3A_446 = arith.constant 0 : i32
        %dma_wait3A_447 = tpu.memref_slice %arg2[%add3A_50, %dma_wait3A_446] : memref<10496x128xi32, #tpu.memory_space<hbm>> -> memref<8x128xi32, #tpu.memory_space<hbm>>
        %dma_wait3A_448 = arith.constant 0 : i32
        %dma_wait3A_449 = tpu.memref_slice %arg2[%add3A_50, %dma_wait3A_448] : memref<10496x128xi32, #tpu.memory_space<hbm>> -> memref<8x128xi32, #tpu.memory_space<hbm>>
        tpu.wait_dma2 semaphore(%run_scoped3A : memref<!tpu.dma_semaphore, #tpu.memory_space<semaphore_mem>>) src(%dma_wait3A_449 : memref<8x128xi32, #tpu.memory_space<hbm>>) dst(%arg9 : memref<8x128xi32, #tpu.memory_space<vmem>>)
        tpu.yield
      }) : () -> ()
      "tpu.region"() ({
        %run_scoped3A = tpu.sem_alloc : memref<!tpu.dma_semaphore, #tpu.memory_space<semaphore_mem>>
        %dma_start3A_442 = arith.constant 0 : i32
        %dma_start3A_443 = tpu.memref_slice %arg3[%add3A_50, %dma_start3A_442] : memref<10496x128xi32, #tpu.memory_space<hbm>> -> memref<8x128xi32, #tpu.memory_space<hbm>>
        %dma_start3A_444 = arith.constant 0 : i32
        %dma_start3A_445 = tpu.memref_slice %arg3[%add3A_50, %dma_start3A_444] : memref<10496x128xi32, #tpu.memory_space<hbm>> -> memref<8x128xi32, #tpu.memory_space<hbm>>
        tpu.enqueue_dma source(%dma_start3A_445 : memref<8x128xi32, #tpu.memory_space<hbm>>) target(%arg10 : memref<8x128xi32, #tpu.memory_space<vmem>>) target_semaphore(%run_scoped3A : memref<!tpu.dma_semaphore, #tpu.memory_space<semaphore_mem>>)
        %dma_wait3A_446 = arith.constant 0 : i32
        %dma_wait3A_447 = tpu.memref_slice %arg3[%add3A_50, %dma_wait3A_446] : memref<10496x128xi32, #tpu.memory_space<hbm>> -> memref<8x128xi32, #tpu.memory_space<hbm>>
        %dma_wait3A_448 = arith.constant 0 : i32
        %dma_wait3A_449 = tpu.memref_slice %arg3[%add3A_50, %dma_wait3A_448] : memref<10496x128xi32, #tpu.memory_space<hbm>> -> memref<8x128xi32, #tpu.memory_space<hbm>>
        tpu.wait_dma2 semaphore(%run_scoped3A : memref<!tpu.dma_semaphore, #tpu.memory_space<semaphore_mem>>) src(%dma_wait3A_449 : memref<8x128xi32, #tpu.memory_space<hbm>>) dst(%arg10 : memref<8x128xi32, #tpu.memory_space<vmem>>)
        tpu.yield
      }) : () -> ()
      %dma_start3A = arith.constant 0 : i32
      %dma_start3A_51 = arith.constant 0 : i32
      %dma_start3A_52 = tpu.memref_slice %arg11[%dma_start3A_51] : memref<1024xf32, #tpu.memory_space<vmem>> -> memref<128xf32, #tpu.memory_space<vmem>>
      %dma_start3A_53 = arith.constant 0 : i32
      %dma_start3A_54 = tpu.memref_slice %arg9[%dma_start3A, %dma_start3A_53] : memref<8x128xi32, #tpu.memory_space<vmem>> -> memref<1x128xi32, #tpu.memory_space<vmem>>
      %dma_start3A_55 = tpu.memref_squeeze %dma_start3A_54 : memref<1x128xi32, #tpu.memory_space<vmem>> -> memref<128xi32, #tpu.memory_space<vmem>>
      %dma_start3A_56 = arith.constant 0 : i32
      %dma_start3A_57 = tpu.memref_slice %arg4[%dma_start3A_56] : memref<83968xf32, #tpu.memory_space<hbm>> -> memref<83968xf32, #tpu.memory_space<hbm>>
      tpu.enqueue_indirect_dma source(%dma_start3A_57 : memref<83968xf32, #tpu.memory_space<hbm>>) target(%dma_start3A_52 : memref<128xf32, #tpu.memory_space<vmem>>) offsets(%dma_start3A_55 : memref<128xi32, #tpu.memory_space<vmem>>) semaphore(%arg20 : memref<!tpu.dma_semaphore, #tpu.memory_space<semaphore_mem>>)
      %dma_start3A_58 = arith.constant 0 : i32
      %dma_start3A_59 = arith.constant 0 : i32
      %dma_start3A_60 = tpu.memref_slice %arg12[%dma_start3A_59] : memref<1024xf32, #tpu.memory_space<vmem>> -> memref<128xf32, #tpu.memory_space<vmem>>
      %dma_start3A_61 = arith.constant 0 : i32
      %dma_start3A_62 = tpu.memref_slice %arg10[%dma_start3A_58, %dma_start3A_61] : memref<8x128xi32, #tpu.memory_space<vmem>> -> memref<1x128xi32, #tpu.memory_space<vmem>>
      %dma_start3A_63 = tpu.memref_squeeze %dma_start3A_62 : memref<1x128xi32, #tpu.memory_space<vmem>> -> memref<128xi32, #tpu.memory_space<vmem>>
      %dma_start3A_64 = arith.constant 0 : i32
      %dma_start3A_65 = tpu.memref_slice %arg4[%dma_start3A_64] : memref<83968xf32, #tpu.memory_space<hbm>> -> memref<83968xf32, #tpu.memory_space<hbm>>
      tpu.enqueue_indirect_dma source(%dma_start3A_65 : memref<83968xf32, #tpu.memory_space<hbm>>) target(%dma_start3A_60 : memref<128xf32, #tpu.memory_space<vmem>>) offsets(%dma_start3A_63 : memref<128xi32, #tpu.memory_space<vmem>>) semaphore(%arg21 : memref<!tpu.dma_semaphore, #tpu.memory_space<semaphore_mem>>)
      %dma_start3A_66 = arith.constant 1 : i32
      %dma_start3A_67 = arith.constant 128 : i32
      %dma_start3A_68 = tpu.memref_slice %arg11[%dma_start3A_67] : memref<1024xf32, #tpu.memory_space<vmem>> -> memref<128xf32, #tpu.memory_space<vmem>>
      %dma_start3A_69 = arith.constant 0 : i32
      %dma_start3A_70 = tpu.memref_slice %arg9[%dma_start3A_66, %dma_start3A_69] : memref<8x128xi32, #tpu.memory_space<vmem>> -> memref<1x128xi32, #tpu.memory_space<vmem>>
      %dma_start3A_71 = tpu.memref_squeeze %dma_start3A_70 : memref<1x128xi32, #tpu.memory_space<vmem>> -> memref<128xi32, #tpu.memory_space<vmem>>
      %dma_start3A_72 = arith.constant 0 : i32
      %dma_start3A_73 = tpu.memref_slice %arg4[%dma_start3A_72] : memref<83968xf32, #tpu.memory_space<hbm>> -> memref<83968xf32, #tpu.memory_space<hbm>>
      tpu.enqueue_indirect_dma source(%dma_start3A_73 : memref<83968xf32, #tpu.memory_space<hbm>>) target(%dma_start3A_68 : memref<128xf32, #tpu.memory_space<vmem>>) offsets(%dma_start3A_71 : memref<128xi32, #tpu.memory_space<vmem>>) semaphore(%arg20 : memref<!tpu.dma_semaphore, #tpu.memory_space<semaphore_mem>>)
      %dma_start3A_74 = arith.constant 1 : i32
      %dma_start3A_75 = arith.constant 128 : i32
      %dma_start3A_76 = tpu.memref_slice %arg12[%dma_start3A_75] : memref<1024xf32, #tpu.memory_space<vmem>> -> memref<128xf32, #tpu.memory_space<vmem>>
      %dma_start3A_77 = arith.constant 0 : i32
      %dma_start3A_78 = tpu.memref_slice %arg10[%dma_start3A_74, %dma_start3A_77] : memref<8x128xi32, #tpu.memory_space<vmem>> -> memref<1x128xi32, #tpu.memory_space<vmem>>
      %dma_start3A_79 = tpu.memref_squeeze %dma_start3A_78 : memref<1x128xi32, #tpu.memory_space<vmem>> -> memref<128xi32, #tpu.memory_space<vmem>>
      %dma_start3A_80 = arith.constant 0 : i32
      %dma_start3A_81 = tpu.memref_slice %arg4[%dma_start3A_80] : memref<83968xf32, #tpu.memory_space<hbm>> -> memref<83968xf32, #tpu.memory_space<hbm>>
      tpu.enqueue_indirect_dma source(%dma_start3A_81 : memref<83968xf32, #tpu.memory_space<hbm>>) target(%dma_start3A_76 : memref<128xf32, #tpu.memory_space<vmem>>) offsets(%dma_start3A_79 : memref<128xi32, #tpu.memory_space<vmem>>) semaphore(%arg21 : memref<!tpu.dma_semaphore, #tpu.memory_space<semaphore_mem>>)
      %dma_start3A_82 = arith.constant 2 : i32
      %dma_start3A_83 = arith.constant 256 : i32
      %dma_start3A_84 = tpu.memref_slice %arg11[%dma_start3A_83] : memref<1024xf32, #tpu.memory_space<vmem>> -> memref<128xf32, #tpu.memory_space<vmem>>
      %dma_start3A_85 = arith.constant 0 : i32
      %dma_start3A_86 = tpu.memref_slice %arg9[%dma_start3A_82, %dma_start3A_85] : memref<8x128xi32, #tpu.memory_space<vmem>> -> memref<1x128xi32, #tpu.memory_space<vmem>>
      %dma_start3A_87 = tpu.memref_squeeze %dma_start3A_86 : memref<1x128xi32, #tpu.memory_space<vmem>> -> memref<128xi32, #tpu.memory_space<vmem>>
      %dma_start3A_88 = arith.constant 0 : i32
      %dma_start3A_89 = tpu.memref_slice %arg4[%dma_start3A_88] : memref<83968xf32, #tpu.memory_space<hbm>> -> memref<83968xf32, #tpu.memory_space<hbm>>
      tpu.enqueue_indirect_dma source(%dma_start3A_89 : memref<83968xf32, #tpu.memory_space<hbm>>) target(%dma_start3A_84 : memref<128xf32, #tpu.memory_space<vmem>>) offsets(%dma_start3A_87 : memref<128xi32, #tpu.memory_space<vmem>>) semaphore(%arg20 : memref<!tpu.dma_semaphore, #tpu.memory_space<semaphore_mem>>)
      %dma_start3A_90 = arith.constant 2 : i32
      %dma_start3A_91 = arith.constant 256 : i32
      %dma_start3A_92 = tpu.memref_slice %arg12[%dma_start3A_91] : memref<1024xf32, #tpu.memory_space<vmem>> -> memref<128xf32, #tpu.memory_space<vmem>>
      %dma_start3A_93 = arith.constant 0 : i32
      %dma_start3A_94 = tpu.memref_slice %arg10[%dma_start3A_90, %dma_start3A_93] : memref<8x128xi32, #tpu.memory_space<vmem>> -> memref<1x128xi32, #tpu.memory_space<vmem>>
      %dma_start3A_95 = tpu.memref_squeeze %dma_start3A_94 : memref<1x128xi32, #tpu.memory_space<vmem>> -> memref<128xi32, #tpu.memory_space<vmem>>
      %dma_start3A_96 = arith.constant 0 : i32
      %dma_start3A_97 = tpu.memref_slice %arg4[%dma_start3A_96] : memref<83968xf32, #tpu.memory_space<hbm>> -> memref<83968xf32, #tpu.memory_space<hbm>>
      tpu.enqueue_indirect_dma source(%dma_start3A_97 : memref<83968xf32, #tpu.memory_space<hbm>>) target(%dma_start3A_92 : memref<128xf32, #tpu.memory_space<vmem>>) offsets(%dma_start3A_95 : memref<128xi32, #tpu.memory_space<vmem>>) semaphore(%arg21 : memref<!tpu.dma_semaphore, #tpu.memory_space<semaphore_mem>>)
      %dma_start3A_98 = arith.constant 3 : i32
      %dma_start3A_99 = arith.constant 384 : i32
      %dma_start3A_100 = tpu.memref_slice %arg11[%dma_start3A_99] : memref<1024xf32, #tpu.memory_space<vmem>> -> memref<128xf32, #tpu.memory_space<vmem>>
      %dma_start3A_101 = arith.constant 0 : i32
      %dma_start3A_102 = tpu.memref_slice %arg9[%dma_start3A_98, %dma_start3A_101] : memref<8x128xi32, #tpu.memory_space<vmem>> -> memref<1x128xi32, #tpu.memory_space<vmem>>
      %dma_start3A_103 = tpu.memref_squeeze %dma_start3A_102 : memref<1x128xi32, #tpu.memory_space<vmem>> -> memref<128xi32, #tpu.memory_space<vmem>>
      %dma_start3A_104 = arith.constant 0 : i32
      %dma_start3A_105 = tpu.memref_slice %arg4[%dma_start3A_104] : memref<83968xf32, #tpu.memory_space<hbm>> -> memref<83968xf32, #tpu.memory_space<hbm>>
      tpu.enqueue_indirect_dma source(%dma_start3A_105 : memref<83968xf32, #tpu.memory_space<hbm>>) target(%dma_start3A_100 : memref<128xf32, #tpu.memory_space<vmem>>) offsets(%dma_start3A_103 : memref<128xi32, #tpu.memory_space<vmem>>) semaphore(%arg20 : memref<!tpu.dma_semaphore, #tpu.memory_space<semaphore_mem>>)
      %dma_start3A_106 = arith.constant 3 : i32
      %dma_start3A_107 = arith.constant 384 : i32
      %dma_start3A_108 = tpu.memref_slice %arg12[%dma_start3A_107] : memref<1024xf32, #tpu.memory_space<vmem>> -> memref<128xf32, #tpu.memory_space<vmem>>
      %dma_start3A_109 = arith.constant 0 : i32
      %dma_start3A_110 = tpu.memref_slice %arg10[%dma_start3A_106, %dma_start3A_109] : memref<8x128xi32, #tpu.memory_space<vmem>> -> memref<1x128xi32, #tpu.memory_space<vmem>>
      %dma_start3A_111 = tpu.memref_squeeze %dma_start3A_110 : memref<1x128xi32, #tpu.memory_space<vmem>> -> memref<128xi32, #tpu.memory_space<vmem>>
      %dma_start3A_112 = arith.constant 0 : i32
      %dma_start3A_113 = tpu.memref_slice %arg4[%dma_start3A_112] : memref<83968xf32, #tpu.memory_space<hbm>> -> memref<83968xf32, #tpu.memory_space<hbm>>
      tpu.enqueue_indirect_dma source(%dma_start3A_113 : memref<83968xf32, #tpu.memory_space<hbm>>) target(%dma_start3A_108 : memref<128xf32, #tpu.memory_space<vmem>>) offsets(%dma_start3A_111 : memref<128xi32, #tpu.memory_space<vmem>>) semaphore(%arg21 : memref<!tpu.dma_semaphore, #tpu.memory_space<semaphore_mem>>)
      %dma_start3A_114 = arith.constant 4 : i32
      %dma_start3A_115 = arith.constant 512 : i32
      %dma_start3A_116 = tpu.memref_slice %arg11[%dma_start3A_115] : memref<1024xf32, #tpu.memory_space<vmem>> -> memref<128xf32, #tpu.memory_space<vmem>>
      %dma_start3A_117 = arith.constant 0 : i32
      %dma_start3A_118 = tpu.memref_slice %arg9[%dma_start3A_114, %dma_start3A_117] : memref<8x128xi32, #tpu.memory_space<vmem>> -> memref<1x128xi32, #tpu.memory_space<vmem>>
      %dma_start3A_119 = tpu.memref_squeeze %dma_start3A_118 : memref<1x128xi32, #tpu.memory_space<vmem>> -> memref<128xi32, #tpu.memory_space<vmem>>
      %dma_start3A_120 = arith.constant 0 : i32
      %dma_start3A_121 = tpu.memref_slice %arg4[%dma_start3A_120] : memref<83968xf32, #tpu.memory_space<hbm>> -> memref<83968xf32, #tpu.memory_space<hbm>>
      tpu.enqueue_indirect_dma source(%dma_start3A_121 : memref<83968xf32, #tpu.memory_space<hbm>>) target(%dma_start3A_116 : memref<128xf32, #tpu.memory_space<vmem>>) offsets(%dma_start3A_119 : memref<128xi32, #tpu.memory_space<vmem>>) semaphore(%arg20 : memref<!tpu.dma_semaphore, #tpu.memory_space<semaphore_mem>>)
      %dma_start3A_122 = arith.constant 4 : i32
      %dma_start3A_123 = arith.constant 512 : i32
      %dma_start3A_124 = tpu.memref_slice %arg12[%dma_start3A_123] : memref<1024xf32, #tpu.memory_space<vmem>> -> memref<128xf32, #tpu.memory_space<vmem>>
      %dma_start3A_125 = arith.constant 0 : i32
      %dma_start3A_126 = tpu.memref_slice %arg10[%dma_start3A_122, %dma_start3A_125] : memref<8x128xi32, #tpu.memory_space<vmem>> -> memref<1x128xi32, #tpu.memory_space<vmem>>
      %dma_start3A_127 = tpu.memref_squeeze %dma_start3A_126 : memref<1x128xi32, #tpu.memory_space<vmem>> -> memref<128xi32, #tpu.memory_space<vmem>>
      %dma_start3A_128 = arith.constant 0 : i32
      %dma_start3A_129 = tpu.memref_slice %arg4[%dma_start3A_128] : memref<83968xf32, #tpu.memory_space<hbm>> -> memref<83968xf32, #tpu.memory_space<hbm>>
      tpu.enqueue_indirect_dma source(%dma_start3A_129 : memref<83968xf32, #tpu.memory_space<hbm>>) target(%dma_start3A_124 : memref<128xf32, #tpu.memory_space<vmem>>) offsets(%dma_start3A_127 : memref<128xi32, #tpu.memory_space<vmem>>) semaphore(%arg21 : memref<!tpu.dma_semaphore, #tpu.memory_space<semaphore_mem>>)
      %dma_start3A_130 = arith.constant 5 : i32
      %dma_start3A_131 = arith.constant 640 : i32
      %dma_start3A_132 = tpu.memref_slice %arg11[%dma_start3A_131] : memref<1024xf32, #tpu.memory_space<vmem>> -> memref<128xf32, #tpu.memory_space<vmem>>
      %dma_start3A_133 = arith.constant 0 : i32
      %dma_start3A_134 = tpu.memref_slice %arg9[%dma_start3A_130, %dma_start3A_133] : memref<8x128xi32, #tpu.memory_space<vmem>> -> memref<1x128xi32, #tpu.memory_space<vmem>>
      %dma_start3A_135 = tpu.memref_squeeze %dma_start3A_134 : memref<1x128xi32, #tpu.memory_space<vmem>> -> memref<128xi32, #tpu.memory_space<vmem>>
      %dma_start3A_136 = arith.constant 0 : i32
      %dma_start3A_137 = tpu.memref_slice %arg4[%dma_start3A_136] : memref<83968xf32, #tpu.memory_space<hbm>> -> memref<83968xf32, #tpu.memory_space<hbm>>
      tpu.enqueue_indirect_dma source(%dma_start3A_137 : memref<83968xf32, #tpu.memory_space<hbm>>) target(%dma_start3A_132 : memref<128xf32, #tpu.memory_space<vmem>>) offsets(%dma_start3A_135 : memref<128xi32, #tpu.memory_space<vmem>>) semaphore(%arg20 : memref<!tpu.dma_semaphore, #tpu.memory_space<semaphore_mem>>)
      %dma_start3A_138 = arith.constant 5 : i32
      %dma_start3A_139 = arith.constant 640 : i32
      %dma_start3A_140 = tpu.memref_slice %arg12[%dma_start3A_139] : memref<1024xf32, #tpu.memory_space<vmem>> -> memref<128xf32, #tpu.memory_space<vmem>>
      %dma_start3A_141 = arith.constant 0 : i32
      %dma_start3A_142 = tpu.memref_slice %arg10[%dma_start3A_138, %dma_start3A_141] : memref<8x128xi32, #tpu.memory_space<vmem>> -> memref<1x128xi32, #tpu.memory_space<vmem>>
      %dma_start3A_143 = tpu.memref_squeeze %dma_start3A_142 : memref<1x128xi32, #tpu.memory_space<vmem>> -> memref<128xi32, #tpu.memory_space<vmem>>
      %dma_start3A_144 = arith.constant 0 : i32
      %dma_start3A_145 = tpu.memref_slice %arg4[%dma_start3A_144] : memref<83968xf32, #tpu.memory_space<hbm>> -> memref<83968xf32, #tpu.memory_space<hbm>>
      tpu.enqueue_indirect_dma source(%dma_start3A_145 : memref<83968xf32, #tpu.memory_space<hbm>>) target(%dma_start3A_140 : memref<128xf32, #tpu.memory_space<vmem>>) offsets(%dma_start3A_143 : memref<128xi32, #tpu.memory_space<vmem>>) semaphore(%arg21 : memref<!tpu.dma_semaphore, #tpu.memory_space<semaphore_mem>>)
      %dma_start3A_146 = arith.constant 6 : i32
      %dma_start3A_147 = arith.constant 768 : i32
      %dma_start3A_148 = tpu.memref_slice %arg11[%dma_start3A_147] : memref<1024xf32, #tpu.memory_space<vmem>> -> memref<128xf32, #tpu.memory_space<vmem>>
      %dma_start3A_149 = arith.constant 0 : i32
      %dma_start3A_150 = tpu.memref_slice %arg9[%dma_start3A_146, %dma_start3A_149] : memref<8x128xi32, #tpu.memory_space<vmem>> -> memref<1x128xi32, #tpu.memory_space<vmem>>
      %dma_start3A_151 = tpu.memref_squeeze %dma_start3A_150 : memref<1x128xi32, #tpu.memory_space<vmem>> -> memref<128xi32, #tpu.memory_space<vmem>>
      %dma_start3A_152 = arith.constant 0 : i32
      %dma_start3A_153 = tpu.memref_slice %arg4[%dma_start3A_152] : memref<83968xf32, #tpu.memory_space<hbm>> -> memref<83968xf32, #tpu.memory_space<hbm>>
      tpu.enqueue_indirect_dma source(%dma_start3A_153 : memref<83968xf32, #tpu.memory_space<hbm>>) target(%dma_start3A_148 : memref<128xf32, #tpu.memory_space<vmem>>) offsets(%dma_start3A_151 : memref<128xi32, #tpu.memory_space<vmem>>) semaphore(%arg20 : memref<!tpu.dma_semaphore, #tpu.memory_space<semaphore_mem>>)
      %dma_start3A_154 = arith.constant 6 : i32
      %dma_start3A_155 = arith.constant 768 : i32
      %dma_start3A_156 = tpu.memref_slice %arg12[%dma_start3A_155] : memref<1024xf32, #tpu.memory_space<vmem>> -> memref<128xf32, #tpu.memory_space<vmem>>
      %dma_start3A_157 = arith.constant 0 : i32
      %dma_start3A_158 = tpu.memref_slice %arg10[%dma_start3A_154, %dma_start3A_157] : memref<8x128xi32, #tpu.memory_space<vmem>> -> memref<1x128xi32, #tpu.memory_space<vmem>>
      %dma_start3A_159 = tpu.memref_squeeze %dma_start3A_158 : memref<1x128xi32, #tpu.memory_space<vmem>> -> memref<128xi32, #tpu.memory_space<vmem>>
      %dma_start3A_160 = arith.constant 0 : i32
      %dma_start3A_161 = tpu.memref_slice %arg4[%dma_start3A_160] : memref<83968xf32, #tpu.memory_space<hbm>> -> memref<83968xf32, #tpu.memory_space<hbm>>
      tpu.enqueue_indirect_dma source(%dma_start3A_161 : memref<83968xf32, #tpu.memory_space<hbm>>) target(%dma_start3A_156 : memref<128xf32, #tpu.memory_space<vmem>>) offsets(%dma_start3A_159 : memref<128xi32, #tpu.memory_space<vmem>>) semaphore(%arg21 : memref<!tpu.dma_semaphore, #tpu.memory_space<semaphore_mem>>)
      %dma_start3A_162 = arith.constant 7 : i32
      %dma_start3A_163 = arith.constant 896 : i32
      %dma_start3A_164 = tpu.memref_slice %arg11[%dma_start3A_163] : memref<1024xf32, #tpu.memory_space<vmem>> -> memref<128xf32, #tpu.memory_space<vmem>>
      %dma_start3A_165 = arith.constant 0 : i32
      %dma_start3A_166 = tpu.memref_slice %arg9[%dma_start3A_162, %dma_start3A_165] : memref<8x128xi32, #tpu.memory_space<vmem>> -> memref<1x128xi32, #tpu.memory_space<vmem>>
      %dma_start3A_167 = tpu.memref_squeeze %dma_start3A_166 : memref<1x128xi32, #tpu.memory_space<vmem>> -> memref<128xi32, #tpu.memory_space<vmem>>
      %dma_start3A_168 = arith.constant 0 : i32
      %dma_start3A_169 = tpu.memref_slice %arg4[%dma_start3A_168] : memref<83968xf32, #tpu.memory_space<hbm>> -> memref<83968xf32, #tpu.memory_space<hbm>>
      tpu.enqueue_indirect_dma source(%dma_start3A_169 : memref<83968xf32, #tpu.memory_space<hbm>>) target(%dma_start3A_164 : memref<128xf32, #tpu.memory_space<vmem>>) offsets(%dma_start3A_167 : memref<128xi32, #tpu.memory_space<vmem>>) semaphore(%arg20 : memref<!tpu.dma_semaphore, #tpu.memory_space<semaphore_mem>>)
      %dma_start3A_170 = arith.constant 7 : i32
      %dma_start3A_171 = arith.constant 896 : i32
      %dma_start3A_172 = tpu.memref_slice %arg12[%dma_start3A_171] : memref<1024xf32, #tpu.memory_space<vmem>> -> memref<128xf32, #tpu.memory_space<vmem>>
      %dma_start3A_173 = arith.constant 0 : i32
      %dma_start3A_174 = tpu.memref_slice %arg10[%dma_start3A_170, %dma_start3A_173] : memref<8x128xi32, #tpu.memory_space<vmem>> -> memref<1x128xi32, #tpu.memory_space<vmem>>
      %dma_start3A_175 = tpu.memref_squeeze %dma_start3A_174 : memref<1x128xi32, #tpu.memory_space<vmem>> -> memref<128xi32, #tpu.memory_space<vmem>>
      %dma_start3A_176 = arith.constant 0 : i32
      %dma_start3A_177 = tpu.memref_slice %arg4[%dma_start3A_176] : memref<83968xf32, #tpu.memory_space<hbm>> -> memref<83968xf32, #tpu.memory_space<hbm>>
      tpu.enqueue_indirect_dma source(%dma_start3A_177 : memref<83968xf32, #tpu.memory_space<hbm>>) target(%dma_start3A_172 : memref<128xf32, #tpu.memory_space<vmem>>) offsets(%dma_start3A_175 : memref<128xi32, #tpu.memory_space<vmem>>) semaphore(%arg21 : memref<!tpu.dma_semaphore, #tpu.memory_space<semaphore_mem>>)
      %gt3A = arith.constant 0 : i32
      %gt3A_178 = arith.cmpi sgt, %scan3A_47, %gt3A : i32
      %convert_element_type3A = arith.extui %gt3A_178 : i1 to i32
      %cond3A = arith.constant 0 : i32
      %cond3A_179 = arith.cmpi ne, %convert_element_type3A, %cond3A : i32
      scf.if %cond3A_179 {
        %dma_wait3A_442 = arith.constant 0 : i32
        %dma_wait3A_443 = tpu.memref_slice %arg7[%dma_wait3A_442] : memref<83968xf32, #tpu.memory_space<hbm>> -> memref<2048xf32, #tpu.memory_space<hbm>>
        %dma_wait3A_444 = arith.constant 0 : i32
        %dma_wait3A_445 = tpu.memref_slice %arg7[%dma_wait3A_444] : memref<83968xf32, #tpu.memory_space<hbm>> -> memref<2048xf32, #tpu.memory_space<hbm>>
        tpu.wait_dma2 semaphore(%arg22 : memref<!tpu.dma_semaphore, #tpu.memory_space<semaphore_mem>>) src(%dma_wait3A_445 : memref<2048xf32, #tpu.memory_space<hbm>>) dst(%arg17 : memref<2048xf32, #tpu.memory_space<vmem>>)
      } else {
      }
      %dma_wait3A_180 = arith.constant 0 : i32
      %dma_wait3A_181 = arith.constant 0 : i32
      %dma_wait3A_182 = tpu.memref_slice %arg11[%dma_wait3A_181] : memref<1024xf32, #tpu.memory_space<vmem>> -> memref<128xf32, #tpu.memory_space<vmem>>
      %dma_wait3A_183 = arith.constant 0 : i32
      %dma_wait3A_184 = tpu.memref_slice %arg9[%dma_wait3A_180, %dma_wait3A_183] : memref<8x128xi32, #tpu.memory_space<vmem>> -> memref<1x128xi32, #tpu.memory_space<vmem>>
      %dma_wait3A_185 = tpu.memref_squeeze %dma_wait3A_184 : memref<1x128xi32, #tpu.memory_space<vmem>> -> memref<128xi32, #tpu.memory_space<vmem>>
      %dma_wait3A_186 = arith.constant 0 : i32
      %dma_wait3A_187 = tpu.memref_slice %arg4[%dma_wait3A_186] : memref<83968xf32, #tpu.memory_space<hbm>> -> memref<83968xf32, #tpu.memory_space<hbm>>
      tpu.wait_indirect_dma semaphore(%arg20 : memref<!tpu.dma_semaphore, #tpu.memory_space<semaphore_mem>>) src(%dma_wait3A_187 : memref<83968xf32, #tpu.memory_space<hbm>>) dst(%dma_wait3A_182 : memref<128xf32, #tpu.memory_space<vmem>>)
      %dma_wait3A_188 = arith.constant 0 : i32
      %dma_wait3A_189 = arith.constant 0 : i32
      %dma_wait3A_190 = tpu.memref_slice %arg12[%dma_wait3A_189] : memref<1024xf32, #tpu.memory_space<vmem>> -> memref<128xf32, #tpu.memory_space<vmem>>
      %dma_wait3A_191 = arith.constant 0 : i32
      %dma_wait3A_192 = tpu.memref_slice %arg10[%dma_wait3A_188, %dma_wait3A_191] : memref<8x128xi32, #tpu.memory_space<vmem>> -> memref<1x128xi32, #tpu.memory_space<vmem>>
      %dma_wait3A_193 = tpu.memref_squeeze %dma_wait3A_192 : memref<1x128xi32, #tpu.memory_space<vmem>> -> memref<128xi32, #tpu.memory_space<vmem>>
      %dma_wait3A_194 = arith.constant 0 : i32
      %dma_wait3A_195 = tpu.memref_slice %arg4[%dma_wait3A_194] : memref<83968xf32, #tpu.memory_space<hbm>> -> memref<83968xf32, #tpu.memory_space<hbm>>
      tpu.wait_indirect_dma semaphore(%arg21 : memref<!tpu.dma_semaphore, #tpu.memory_space<semaphore_mem>>) src(%dma_wait3A_195 : memref<83968xf32, #tpu.memory_space<hbm>>) dst(%dma_wait3A_190 : memref<128xf32, #tpu.memory_space<vmem>>)
      %dma_wait3A_196 = arith.constant 1 : i32
      %dma_wait3A_197 = arith.constant 128 : i32
      %dma_wait3A_198 = tpu.memref_slice %arg11[%dma_wait3A_197] : memref<1024xf32, #tpu.memory_space<vmem>> -> memref<128xf32, #tpu.memory_space<vmem>>
      %dma_wait3A_199 = arith.constant 0 : i32
      %dma_wait3A_200 = tpu.memref_slice %arg9[%dma_wait3A_196, %dma_wait3A_199] : memref<8x128xi32, #tpu.memory_space<vmem>> -> memref<1x128xi32, #tpu.memory_space<vmem>>
      %dma_wait3A_201 = tpu.memref_squeeze %dma_wait3A_200 : memref<1x128xi32, #tpu.memory_space<vmem>> -> memref<128xi32, #tpu.memory_space<vmem>>
      %dma_wait3A_202 = arith.constant 0 : i32
      %dma_wait3A_203 = tpu.memref_slice %arg4[%dma_wait3A_202] : memref<83968xf32, #tpu.memory_space<hbm>> -> memref<83968xf32, #tpu.memory_space<hbm>>
      tpu.wait_indirect_dma semaphore(%arg20 : memref<!tpu.dma_semaphore, #tpu.memory_space<semaphore_mem>>) src(%dma_wait3A_203 : memref<83968xf32, #tpu.memory_space<hbm>>) dst(%dma_wait3A_198 : memref<128xf32, #tpu.memory_space<vmem>>)
      %dma_wait3A_204 = arith.constant 1 : i32
      %dma_wait3A_205 = arith.constant 128 : i32
      %dma_wait3A_206 = tpu.memref_slice %arg12[%dma_wait3A_205] : memref<1024xf32, #tpu.memory_space<vmem>> -> memref<128xf32, #tpu.memory_space<vmem>>
      %dma_wait3A_207 = arith.constant 0 : i32
      %dma_wait3A_208 = tpu.memref_slice %arg10[%dma_wait3A_204, %dma_wait3A_207] : memref<8x128xi32, #tpu.memory_space<vmem>> -> memref<1x128xi32, #tpu.memory_space<vmem>>
      %dma_wait3A_209 = tpu.memref_squeeze %dma_wait3A_208 : memref<1x128xi32, #tpu.memory_space<vmem>> -> memref<128xi32, #tpu.memory_space<vmem>>
      %dma_wait3A_210 = arith.constant 0 : i32
      %dma_wait3A_211 = tpu.memref_slice %arg4[%dma_wait3A_210] : memref<83968xf32, #tpu.memory_space<hbm>> -> memref<83968xf32, #tpu.memory_space<hbm>>
      tpu.wait_indirect_dma semaphore(%arg21 : memref<!tpu.dma_semaphore, #tpu.memory_space<semaphore_mem>>) src(%dma_wait3A_211 : memref<83968xf32, #tpu.memory_space<hbm>>) dst(%dma_wait3A_206 : memref<128xf32, #tpu.memory_space<vmem>>)
      %dma_wait3A_212 = arith.constant 2 : i32
      %dma_wait3A_213 = arith.constant 256 : i32
      %dma_wait3A_214 = tpu.memref_slice %arg11[%dma_wait3A_213] : memref<1024xf32, #tpu.memory_space<vmem>> -> memref<128xf32, #tpu.memory_space<vmem>>
      %dma_wait3A_215 = arith.constant 0 : i32
      %dma_wait3A_216 = tpu.memref_slice %arg9[%dma_wait3A_212, %dma_wait3A_215] : memref<8x128xi32, #tpu.memory_space<vmem>> -> memref<1x128xi32, #tpu.memory_space<vmem>>
      %dma_wait3A_217 = tpu.memref_squeeze %dma_wait3A_216 : memref<1x128xi32, #tpu.memory_space<vmem>> -> memref<128xi32, #tpu.memory_space<vmem>>
      %dma_wait3A_218 = arith.constant 0 : i32
      %dma_wait3A_219 = tpu.memref_slice %arg4[%dma_wait3A_218] : memref<83968xf32, #tpu.memory_space<hbm>> -> memref<83968xf32, #tpu.memory_space<hbm>>
      tpu.wait_indirect_dma semaphore(%arg20 : memref<!tpu.dma_semaphore, #tpu.memory_space<semaphore_mem>>) src(%dma_wait3A_219 : memref<83968xf32, #tpu.memory_space<hbm>>) dst(%dma_wait3A_214 : memref<128xf32, #tpu.memory_space<vmem>>)
      %dma_wait3A_220 = arith.constant 2 : i32
      %dma_wait3A_221 = arith.constant 256 : i32
      %dma_wait3A_222 = tpu.memref_slice %arg12[%dma_wait3A_221] : memref<1024xf32, #tpu.memory_space<vmem>> -> memref<128xf32, #tpu.memory_space<vmem>>
      %dma_wait3A_223 = arith.constant 0 : i32
      %dma_wait3A_224 = tpu.memref_slice %arg10[%dma_wait3A_220, %dma_wait3A_223] : memref<8x128xi32, #tpu.memory_space<vmem>> -> memref<1x128xi32, #tpu.memory_space<vmem>>
      %dma_wait3A_225 = tpu.memref_squeeze %dma_wait3A_224 : memref<1x128xi32, #tpu.memory_space<vmem>> -> memref<128xi32, #tpu.memory_space<vmem>>
      %dma_wait3A_226 = arith.constant 0 : i32
      %dma_wait3A_227 = tpu.memref_slice %arg4[%dma_wait3A_226] : memref<83968xf32, #tpu.memory_space<hbm>> -> memref<83968xf32, #tpu.memory_space<hbm>>
      tpu.wait_indirect_dma semaphore(%arg21 : memref<!tpu.dma_semaphore, #tpu.memory_space<semaphore_mem>>) src(%dma_wait3A_227 : memref<83968xf32, #tpu.memory_space<hbm>>) dst(%dma_wait3A_222 : memref<128xf32, #tpu.memory_space<vmem>>)
      %dma_wait3A_228 = arith.constant 3 : i32
      %dma_wait3A_229 = arith.constant 384 : i32
      %dma_wait3A_230 = tpu.memref_slice %arg11[%dma_wait3A_229] : memref<1024xf32, #tpu.memory_space<vmem>> -> memref<128xf32, #tpu.memory_space<vmem>>
      %dma_wait3A_231 = arith.constant 0 : i32
      %dma_wait3A_232 = tpu.memref_slice %arg9[%dma_wait3A_228, %dma_wait3A_231] : memref<8x128xi32, #tpu.memory_space<vmem>> -> memref<1x128xi32, #tpu.memory_space<vmem>>
      %dma_wait3A_233 = tpu.memref_squeeze %dma_wait3A_232 : memref<1x128xi32, #tpu.memory_space<vmem>> -> memref<128xi32, #tpu.memory_space<vmem>>
      %dma_wait3A_234 = arith.constant 0 : i32
      %dma_wait3A_235 = tpu.memref_slice %arg4[%dma_wait3A_234] : memref<83968xf32, #tpu.memory_space<hbm>> -> memref<83968xf32, #tpu.memory_space<hbm>>
      tpu.wait_indirect_dma semaphore(%arg20 : memref<!tpu.dma_semaphore, #tpu.memory_space<semaphore_mem>>) src(%dma_wait3A_235 : memref<83968xf32, #tpu.memory_space<hbm>>) dst(%dma_wait3A_230 : memref<128xf32, #tpu.memory_space<vmem>>)
      %dma_wait3A_236 = arith.constant 3 : i32
      %dma_wait3A_237 = arith.constant 384 : i32
      %dma_wait3A_238 = tpu.memref_slice %arg12[%dma_wait3A_237] : memref<1024xf32, #tpu.memory_space<vmem>> -> memref<128xf32, #tpu.memory_space<vmem>>
      %dma_wait3A_239 = arith.constant 0 : i32
      %dma_wait3A_240 = tpu.memref_slice %arg10[%dma_wait3A_236, %dma_wait3A_239] : memref<8x128xi32, #tpu.memory_space<vmem>> -> memref<1x128xi32, #tpu.memory_space<vmem>>
      %dma_wait3A_241 = tpu.memref_squeeze %dma_wait3A_240 : memref<1x128xi32, #tpu.memory_space<vmem>> -> memref<128xi32, #tpu.memory_space<vmem>>
      %dma_wait3A_242 = arith.constant 0 : i32
      %dma_wait3A_243 = tpu.memref_slice %arg4[%dma_wait3A_242] : memref<83968xf32, #tpu.memory_space<hbm>> -> memref<83968xf32, #tpu.memory_space<hbm>>
      tpu.wait_indirect_dma semaphore(%arg21 : memref<!tpu.dma_semaphore, #tpu.memory_space<semaphore_mem>>) src(%dma_wait3A_243 : memref<83968xf32, #tpu.memory_space<hbm>>) dst(%dma_wait3A_238 : memref<128xf32, #tpu.memory_space<vmem>>)
      %dma_wait3A_244 = arith.constant 4 : i32
      %dma_wait3A_245 = arith.constant 512 : i32
      %dma_wait3A_246 = tpu.memref_slice %arg11[%dma_wait3A_245] : memref<1024xf32, #tpu.memory_space<vmem>> -> memref<128xf32, #tpu.memory_space<vmem>>
      %dma_wait3A_247 = arith.constant 0 : i32
      %dma_wait3A_248 = tpu.memref_slice %arg9[%dma_wait3A_244, %dma_wait3A_247] : memref<8x128xi32, #tpu.memory_space<vmem>> -> memref<1x128xi32, #tpu.memory_space<vmem>>
      %dma_wait3A_249 = tpu.memref_squeeze %dma_wait3A_248 : memref<1x128xi32, #tpu.memory_space<vmem>> -> memref<128xi32, #tpu.memory_space<vmem>>
      %dma_wait3A_250 = arith.constant 0 : i32
      %dma_wait3A_251 = tpu.memref_slice %arg4[%dma_wait3A_250] : memref<83968xf32, #tpu.memory_space<hbm>> -> memref<83968xf32, #tpu.memory_space<hbm>>
      tpu.wait_indirect_dma semaphore(%arg20 : memref<!tpu.dma_semaphore, #tpu.memory_space<semaphore_mem>>) src(%dma_wait3A_251 : memref<83968xf32, #tpu.memory_space<hbm>>) dst(%dma_wait3A_246 : memref<128xf32, #tpu.memory_space<vmem>>)
      %dma_wait3A_252 = arith.constant 4 : i32
      %dma_wait3A_253 = arith.constant 512 : i32
      %dma_wait3A_254 = tpu.memref_slice %arg12[%dma_wait3A_253] : memref<1024xf32, #tpu.memory_space<vmem>> -> memref<128xf32, #tpu.memory_space<vmem>>
      %dma_wait3A_255 = arith.constant 0 : i32
      %dma_wait3A_256 = tpu.memref_slice %arg10[%dma_wait3A_252, %dma_wait3A_255] : memref<8x128xi32, #tpu.memory_space<vmem>> -> memref<1x128xi32, #tpu.memory_space<vmem>>
      %dma_wait3A_257 = tpu.memref_squeeze %dma_wait3A_256 : memref<1x128xi32, #tpu.memory_space<vmem>> -> memref<128xi32, #tpu.memory_space<vmem>>
      %dma_wait3A_258 = arith.constant 0 : i32
      %dma_wait3A_259 = tpu.memref_slice %arg4[%dma_wait3A_258] : memref<83968xf32, #tpu.memory_space<hbm>> -> memref<83968xf32, #tpu.memory_space<hbm>>
      tpu.wait_indirect_dma semaphore(%arg21 : memref<!tpu.dma_semaphore, #tpu.memory_space<semaphore_mem>>) src(%dma_wait3A_259 : memref<83968xf32, #tpu.memory_space<hbm>>) dst(%dma_wait3A_254 : memref<128xf32, #tpu.memory_space<vmem>>)
      %dma_wait3A_260 = arith.constant 5 : i32
      %dma_wait3A_261 = arith.constant 640 : i32
      %dma_wait3A_262 = tpu.memref_slice %arg11[%dma_wait3A_261] : memref<1024xf32, #tpu.memory_space<vmem>> -> memref<128xf32, #tpu.memory_space<vmem>>
      %dma_wait3A_263 = arith.constant 0 : i32
      %dma_wait3A_264 = tpu.memref_slice %arg9[%dma_wait3A_260, %dma_wait3A_263] : memref<8x128xi32, #tpu.memory_space<vmem>> -> memref<1x128xi32, #tpu.memory_space<vmem>>
      %dma_wait3A_265 = tpu.memref_squeeze %dma_wait3A_264 : memref<1x128xi32, #tpu.memory_space<vmem>> -> memref<128xi32, #tpu.memory_space<vmem>>
      %dma_wait3A_266 = arith.constant 0 : i32
      %dma_wait3A_267 = tpu.memref_slice %arg4[%dma_wait3A_266] : memref<83968xf32, #tpu.memory_space<hbm>> -> memref<83968xf32, #tpu.memory_space<hbm>>
      tpu.wait_indirect_dma semaphore(%arg20 : memref<!tpu.dma_semaphore, #tpu.memory_space<semaphore_mem>>) src(%dma_wait3A_267 : memref<83968xf32, #tpu.memory_space<hbm>>) dst(%dma_wait3A_262 : memref<128xf32, #tpu.memory_space<vmem>>)
      %dma_wait3A_268 = arith.constant 5 : i32
      %dma_wait3A_269 = arith.constant 640 : i32
      %dma_wait3A_270 = tpu.memref_slice %arg12[%dma_wait3A_269] : memref<1024xf32, #tpu.memory_space<vmem>> -> memref<128xf32, #tpu.memory_space<vmem>>
      %dma_wait3A_271 = arith.constant 0 : i32
      %dma_wait3A_272 = tpu.memref_slice %arg10[%dma_wait3A_268, %dma_wait3A_271] : memref<8x128xi32, #tpu.memory_space<vmem>> -> memref<1x128xi32, #tpu.memory_space<vmem>>
      %dma_wait3A_273 = tpu.memref_squeeze %dma_wait3A_272 : memref<1x128xi32, #tpu.memory_space<vmem>> -> memref<128xi32, #tpu.memory_space<vmem>>
      %dma_wait3A_274 = arith.constant 0 : i32
      %dma_wait3A_275 = tpu.memref_slice %arg4[%dma_wait3A_274] : memref<83968xf32, #tpu.memory_space<hbm>> -> memref<83968xf32, #tpu.memory_space<hbm>>
      tpu.wait_indirect_dma semaphore(%arg21 : memref<!tpu.dma_semaphore, #tpu.memory_space<semaphore_mem>>) src(%dma_wait3A_275 : memref<83968xf32, #tpu.memory_space<hbm>>) dst(%dma_wait3A_270 : memref<128xf32, #tpu.memory_space<vmem>>)
      %dma_wait3A_276 = arith.constant 6 : i32
      %dma_wait3A_277 = arith.constant 768 : i32
      %dma_wait3A_278 = tpu.memref_slice %arg11[%dma_wait3A_277] : memref<1024xf32, #tpu.memory_space<vmem>> -> memref<128xf32, #tpu.memory_space<vmem>>
      %dma_wait3A_279 = arith.constant 0 : i32
      %dma_wait3A_280 = tpu.memref_slice %arg9[%dma_wait3A_276, %dma_wait3A_279] : memref<8x128xi32, #tpu.memory_space<vmem>> -> memref<1x128xi32, #tpu.memory_space<vmem>>
      %dma_wait3A_281 = tpu.memref_squeeze %dma_wait3A_280 : memref<1x128xi32, #tpu.memory_space<vmem>> -> memref<128xi32, #tpu.memory_space<vmem>>
      %dma_wait3A_282 = arith.constant 0 : i32
      %dma_wait3A_283 = tpu.memref_slice %arg4[%dma_wait3A_282] : memref<83968xf32, #tpu.memory_space<hbm>> -> memref<83968xf32, #tpu.memory_space<hbm>>
      tpu.wait_indirect_dma semaphore(%arg20 : memref<!tpu.dma_semaphore, #tpu.memory_space<semaphore_mem>>) src(%dma_wait3A_283 : memref<83968xf32, #tpu.memory_space<hbm>>) dst(%dma_wait3A_278 : memref<128xf32, #tpu.memory_space<vmem>>)
      %dma_wait3A_284 = arith.constant 6 : i32
      %dma_wait3A_285 = arith.constant 768 : i32
      %dma_wait3A_286 = tpu.memref_slice %arg12[%dma_wait3A_285] : memref<1024xf32, #tpu.memory_space<vmem>> -> memref<128xf32, #tpu.memory_space<vmem>>
      %dma_wait3A_287 = arith.constant 0 : i32
      %dma_wait3A_288 = tpu.memref_slice %arg10[%dma_wait3A_284, %dma_wait3A_287] : memref<8x128xi32, #tpu.memory_space<vmem>> -> memref<1x128xi32, #tpu.memory_space<vmem>>
      %dma_wait3A_289 = tpu.memref_squeeze %dma_wait3A_288 : memref<1x128xi32, #tpu.memory_space<vmem>> -> memref<128xi32, #tpu.memory_space<vmem>>
      %dma_wait3A_290 = arith.constant 0 : i32
      %dma_wait3A_291 = tpu.memref_slice %arg4[%dma_wait3A_290] : memref<83968xf32, #tpu.memory_space<hbm>> -> memref<83968xf32, #tpu.memory_space<hbm>>
      tpu.wait_indirect_dma semaphore(%arg21 : memref<!tpu.dma_semaphore, #tpu.memory_space<semaphore_mem>>) src(%dma_wait3A_291 : memref<83968xf32, #tpu.memory_space<hbm>>) dst(%dma_wait3A_286 : memref<128xf32, #tpu.memory_space<vmem>>)
      %dma_wait3A_292 = arith.constant 7 : i32
      %dma_wait3A_293 = arith.constant 896 : i32
      %dma_wait3A_294 = tpu.memref_slice %arg11[%dma_wait3A_293] : memref<1024xf32, #tpu.memory_space<vmem>> -> memref<128xf32, #tpu.memory_space<vmem>>
      %dma_wait3A_295 = arith.constant 0 : i32
      %dma_wait3A_296 = tpu.memref_slice %arg9[%dma_wait3A_292, %dma_wait3A_295] : memref<8x128xi32, #tpu.memory_space<vmem>> -> memref<1x128xi32, #tpu.memory_space<vmem>>
      %dma_wait3A_297 = tpu.memref_squeeze %dma_wait3A_296 : memref<1x128xi32, #tpu.memory_space<vmem>> -> memref<128xi32, #tpu.memory_space<vmem>>
      %dma_wait3A_298 = arith.constant 0 : i32
      %dma_wait3A_299 = tpu.memref_slice %arg4[%dma_wait3A_298] : memref<83968xf32, #tpu.memory_space<hbm>> -> memref<83968xf32, #tpu.memory_space<hbm>>
      tpu.wait_indirect_dma semaphore(%arg20 : memref<!tpu.dma_semaphore, #tpu.memory_space<semaphore_mem>>) src(%dma_wait3A_299 : memref<83968xf32, #tpu.memory_space<hbm>>) dst(%dma_wait3A_294 : memref<128xf32, #tpu.memory_space<vmem>>)
      %dma_wait3A_300 = arith.constant 7 : i32
      %dma_wait3A_301 = arith.constant 896 : i32
      %dma_wait3A_302 = tpu.memref_slice %arg12[%dma_wait3A_301] : memref<1024xf32, #tpu.memory_space<vmem>> -> memref<128xf32, #tpu.memory_space<vmem>>
      %dma_wait3A_303 = arith.constant 0 : i32
      %dma_wait3A_304 = tpu.memref_slice %arg10[%dma_wait3A_300, %dma_wait3A_303] : memref<8x128xi32, #tpu.memory_space<vmem>> -> memref<1x128xi32, #tpu.memory_space<vmem>>
      %dma_wait3A_305 = tpu.memref_squeeze %dma_wait3A_304 : memref<1x128xi32, #tpu.memory_space<vmem>> -> memref<128xi32, #tpu.memory_space<vmem>>
      %dma_wait3A_306 = arith.constant 0 : i32
      %dma_wait3A_307 = tpu.memref_slice %arg4[%dma_wait3A_306] : memref<83968xf32, #tpu.memory_space<hbm>> -> memref<83968xf32, #tpu.memory_space<hbm>>
      tpu.wait_indirect_dma semaphore(%arg21 : memref<!tpu.dma_semaphore, #tpu.memory_space<semaphore_mem>>) src(%dma_wait3A_307 : memref<83968xf32, #tpu.memory_space<hbm>>) dst(%dma_wait3A_302 : memref<128xf32, #tpu.memory_space<vmem>>)
      %scan3A_308 = arith.constant 0 : i32
      %scan3A_309 = arith.constant 0 : i32
      %scan3A_310 = arith.constant 64 : i32
      %scan3A_311 = arith.addi %scan3A_309, %scan3A_310 : i32
      %scan3A_312 = arith.constant 1 : i32
      scf.for %scan3A_442 = %scan3A_309 to %scan3A_311 step %scan3A_312  : i32 {
        %mul3A_443 = arith.constant 16 : i32
        %mul3A_444 = arith.muli %scan3A_442, %mul3A_443 : i32
        %get3A_445 = arith.index_cast %mul3A_444 : i32 to index
        %get3A_446 = tpu.vector_load %arg11[%get3A_445] {strides = array<i32>} : memref<1024xf32, #tpu.memory_space<vmem>>, vector<16xf32>,
        %get3A_447 = vector.shape_cast %get3A_446 : vector<16xf32> to vector<16xf32>
        %mul3A_448 = arith.mulf %get3A_12, %get3A_447 : vector<16xf32>
        %get3A_449 = arith.index_cast %mul3A_444 : i32 to index
        %get3A_450 = tpu.vector_load %arg12[%get3A_449] {strides = array<i32>} : memref<1024xf32, #tpu.memory_space<vmem>>, vector<16xf32>,
        %get3A_451 = vector.shape_cast %get3A_450 : vector<16xf32> to vector<16xf32>
        %mul3A_452 = arith.mulf %get3A_15, %get3A_451 : vector<16xf32>
        %add3A_453 = arith.addf %mul3A_448, %mul3A_452 : vector<16xf32>
        %gt3A_454 = arith.constant 0.000000e+00 : f32
        %gt3A_455 = vector.broadcast %gt3A_454 : f32 to vector<16xf32>
        %gt3A_456 = arith.cmpf ogt, %add3A_453, %gt3A_455 : vector<16xf32>
        %mul3A_457 = arith.constant 2.000000e-01 : f32
        %mul3A_458 = vector.broadcast %mul3A_457 : f32 to vector<16xf32>
        %mul3A_459 = arith.mulf %add3A_453, %mul3A_458 : vector<16xf32>
        %select_n3A = arith.select %gt3A_456, %add3A_453, %mul3A_459 : vector<16xi1>, vector<16xf32>
        %exp3A = math.exp %select_n3A : vector<16xf32>
        %swap3A = arith.index_cast %mul3A_444 : i32 to index
        %swap3A_460 = tpu.vector_load %arg13[%swap3A] {strides = array<i32>} : memref<1024xf32, #tpu.memory_space<vmem>>, vector<16xf32>,
        %swap3A_461 = vector.shape_cast %swap3A_460 : vector<16xf32> to vector<16xf32>
        %swap3A_462 = vector.shape_cast %exp3A : vector<16xf32> to vector<16xf32>
        tpu.vector_store %arg13[%swap3A], %swap3A_462 {strides = array<i32>} : memref<1024xf32, #tpu.memory_space<vmem>>, vector<16xf32>,
        %mul3A_463 = arith.mulf %exp3A, %get3A_447 : vector<16xf32>
        %swap3A_464 = arith.index_cast %mul3A_444 : i32 to index
        %swap3A_465 = tpu.vector_load %arg14[%swap3A_464] {strides = array<i32>} : memref<1024xf32, #tpu.memory_space<vmem>>, vector<16xf32>,
        %swap3A_466 = vector.shape_cast %swap3A_465 : vector<16xf32> to vector<16xf32>
        %swap3A_467 = vector.shape_cast %mul3A_463 : vector<16xf32> to vector<16xf32>
        tpu.vector_store %arg14[%swap3A_464], %swap3A_467 {strides = array<i32>} : memref<1024xf32, #tpu.memory_space<vmem>>, vector<16xf32>,
      }
      %scan3A_313 = arith.constant 64 : i32
      %dma_start3A_314 = arith.constant 0 : i32
      %dma_start3A_315 = arith.constant 0 : i32
      %dma_start3A_316 = tpu.memref_slice %arg13[%dma_start3A_315] : memref<1024xf32, #tpu.memory_space<vmem>> -> memref<128xf32, #tpu.memory_space<vmem>>
      %dma_start3A_317 = arith.constant 0 : i32
      %dma_start3A_318 = tpu.memref_slice %arg10[%dma_start3A_314, %dma_start3A_317] : memref<8x128xi32, #tpu.memory_space<vmem>> -> memref<1x128xi32, #tpu.memory_space<vmem>>
      %dma_start3A_319 = tpu.memref_squeeze %dma_start3A_318 : memref<1x128xi32, #tpu.memory_space<vmem>> -> memref<128xi32, #tpu.memory_space<vmem>>
      %dma_start3A_320 = arith.constant 0 : i32
      %dma_start3A_321 = tpu.memref_slice %arg18[%dma_start3A_320] : memref<83968xf32, #tpu.memory_space<vmem_shared>> -> memref<83968xf32, #tpu.memory_space<vmem_shared>>
      tpu.enqueue_indirect_dma source(%dma_start3A_316 : memref<128xf32, #tpu.memory_space<vmem>>) target(%dma_start3A_321 : memref<83968xf32, #tpu.memory_space<vmem_shared>>) offsets(%dma_start3A_319 : memref<128xi32, #tpu.memory_space<vmem>>) semaphore(%arg22 : memref<!tpu.dma_semaphore, #tpu.memory_space<semaphore_mem>>) {add = true}
      %dma_start3A_322 = arith.constant 0 : i32
      %dma_start3A_323 = arith.constant 0 : i32
      %dma_start3A_324 = tpu.memref_slice %arg14[%dma_start3A_323] : memref<1024xf32, #tpu.memory_space<vmem>> -> memref<128xf32, #tpu.memory_space<vmem>>
      %dma_start3A_325 = arith.constant 0 : i32
      %dma_start3A_326 = tpu.memref_slice %arg10[%dma_start3A_322, %dma_start3A_325] : memref<8x128xi32, #tpu.memory_space<vmem>> -> memref<1x128xi32, #tpu.memory_space<vmem>>
      %dma_start3A_327 = tpu.memref_squeeze %dma_start3A_326 : memref<1x128xi32, #tpu.memory_space<vmem>> -> memref<128xi32, #tpu.memory_space<vmem>>
      %dma_start3A_328 = arith.constant 0 : i32
      %dma_start3A_329 = tpu.memref_slice %arg19[%dma_start3A_328] : memref<83968xf32, #tpu.memory_space<vmem_shared>> -> memref<83968xf32, #tpu.memory_space<vmem_shared>>
      tpu.enqueue_indirect_dma source(%dma_start3A_324 : memref<128xf32, #tpu.memory_space<vmem>>) target(%dma_start3A_329 : memref<83968xf32, #tpu.memory_space<vmem_shared>>) offsets(%dma_start3A_327 : memref<128xi32, #tpu.memory_space<vmem>>) semaphore(%arg22 : memref<!tpu.dma_semaphore, #tpu.memory_space<semaphore_mem>>) {add = true}
      %dma_start3A_330 = arith.constant 1 : i32
      %dma_start3A_331 = arith.constant 128 : i32
      %dma_start3A_332 = tpu.memref_slice %arg13[%dma_start3A_331] : memref<1024xf32, #tpu.memory_space<vmem>> -> memref<128xf32, #tpu.memory_space<vmem>>
      %dma_start3A_333 = arith.constant 0 : i32
      %dma_start3A_334 = tpu.memref_slice %arg10[%dma_start3A_330, %dma_start3A_333] : memref<8x128xi32, #tpu.memory_space<vmem>> -> memref<1x128xi32, #tpu.memory_space<vmem>>
      %dma_start3A_335 = tpu.memref_squeeze %dma_start3A_334 : memref<1x128xi32, #tpu.memory_space<vmem>> -> memref<128xi32, #tpu.memory_space<vmem>>
      %dma_start3A_336 = arith.constant 0 : i32
      %dma_start3A_337 = tpu.memref_slice %arg18[%dma_start3A_336] : memref<83968xf32, #tpu.memory_space<vmem_shared>> -> memref<83968xf32, #tpu.memory_space<vmem_shared>>
      tpu.enqueue_indirect_dma source(%dma_start3A_332 : memref<128xf32, #tpu.memory_space<vmem>>) target(%dma_start3A_337 : memref<83968xf32, #tpu.memory_space<vmem_shared>>) offsets(%dma_start3A_335 : memref<128xi32, #tpu.memory_space<vmem>>) semaphore(%arg22 : memref<!tpu.dma_semaphore, #tpu.memory_space<semaphore_mem>>) {add = true}
      %dma_start3A_338 = arith.constant 1 : i32
      %dma_start3A_339 = arith.constant 128 : i32
      %dma_start3A_340 = tpu.memref_slice %arg14[%dma_start3A_339] : memref<1024xf32, #tpu.memory_space<vmem>> -> memref<128xf32, #tpu.memory_space<vmem>>
      %dma_start3A_341 = arith.constant 0 : i32
      %dma_start3A_342 = tpu.memref_slice %arg10[%dma_start3A_338, %dma_start3A_341] : memref<8x128xi32, #tpu.memory_space<vmem>> -> memref<1x128xi32, #tpu.memory_space<vmem>>
      %dma_start3A_343 = tpu.memref_squeeze %dma_start3A_342 : memref<1x128xi32, #tpu.memory_space<vmem>> -> memref<128xi32, #tpu.memory_space<vmem>>
      %dma_start3A_344 = arith.constant 0 : i32
      %dma_start3A_345 = tpu.memref_slice %arg19[%dma_start3A_344] : memref<83968xf32, #tpu.memory_space<vmem_shared>> -> memref<83968xf32, #tpu.memory_space<vmem_shared>>
      tpu.enqueue_indirect_dma source(%dma_start3A_340 : memref<128xf32, #tpu.memory_space<vmem>>) target(%dma_start3A_345 : memref<83968xf32, #tpu.memory_space<vmem_shared>>) offsets(%dma_start3A_343 : memref<128xi32, #tpu.memory_space<vmem>>) semaphore(%arg22 : memref<!tpu.dma_semaphore, #tpu.memory_space<semaphore_mem>>) {add = true}
      %dma_start3A_346 = arith.constant 2 : i32
      %dma_start3A_347 = arith.constant 256 : i32
      %dma_start3A_348 = tpu.memref_slice %arg13[%dma_start3A_347] : memref<1024xf32, #tpu.memory_space<vmem>> -> memref<128xf32, #tpu.memory_space<vmem>>
      %dma_start3A_349 = arith.constant 0 : i32
      %dma_start3A_350 = tpu.memref_slice %arg10[%dma_start3A_346, %dma_start3A_349] : memref<8x128xi32, #tpu.memory_space<vmem>> -> memref<1x128xi32, #tpu.memory_space<vmem>>
      %dma_start3A_351 = tpu.memref_squeeze %dma_start3A_350 : memref<1x128xi32, #tpu.memory_space<vmem>> -> memref<128xi32, #tpu.memory_space<vmem>>
      %dma_start3A_352 = arith.constant 0 : i32
      %dma_start3A_353 = tpu.memref_slice %arg18[%dma_start3A_352] : memref<83968xf32, #tpu.memory_space<vmem_shared>> -> memref<83968xf32, #tpu.memory_space<vmem_shared>>
      tpu.enqueue_indirect_dma source(%dma_start3A_348 : memref<128xf32, #tpu.memory_space<vmem>>) target(%dma_start3A_353 : memref<83968xf32, #tpu.memory_space<vmem_shared>>) offsets(%dma_start3A_351 : memref<128xi32, #tpu.memory_space<vmem>>) semaphore(%arg22 : memref<!tpu.dma_semaphore, #tpu.memory_space<semaphore_mem>>) {add = true}
      %dma_start3A_354 = arith.constant 2 : i32
      %dma_start3A_355 = arith.constant 256 : i32
      %dma_start3A_356 = tpu.memref_slice %arg14[%dma_start3A_355] : memref<1024xf32, #tpu.memory_space<vmem>> -> memref<128xf32, #tpu.memory_space<vmem>>
      %dma_start3A_357 = arith.constant 0 : i32
      %dma_start3A_358 = tpu.memref_slice %arg10[%dma_start3A_354, %dma_start3A_357] : memref<8x128xi32, #tpu.memory_space<vmem>> -> memref<1x128xi32, #tpu.memory_space<vmem>>
      %dma_start3A_359 = tpu.memref_squeeze %dma_start3A_358 : memref<1x128xi32, #tpu.memory_space<vmem>> -> memref<128xi32, #tpu.memory_space<vmem>>
      %dma_start3A_360 = arith.constant 0 : i32
      %dma_start3A_361 = tpu.memref_slice %arg19[%dma_start3A_360] : memref<83968xf32, #tpu.memory_space<vmem_shared>> -> memref<83968xf32, #tpu.memory_space<vmem_shared>>
      tpu.enqueue_indirect_dma source(%dma_start3A_356 : memref<128xf32, #tpu.memory_space<vmem>>) target(%dma_start3A_361 : memref<83968xf32, #tpu.memory_space<vmem_shared>>) offsets(%dma_start3A_359 : memref<128xi32, #tpu.memory_space<vmem>>) semaphore(%arg22 : memref<!tpu.dma_semaphore, #tpu.memory_space<semaphore_mem>>) {add = true}
      %dma_start3A_362 = arith.constant 3 : i32
      %dma_start3A_363 = arith.constant 384 : i32
      %dma_start3A_364 = tpu.memref_slice %arg13[%dma_start3A_363] : memref<1024xf32, #tpu.memory_space<vmem>> -> memref<128xf32, #tpu.memory_space<vmem>>
      %dma_start3A_365 = arith.constant 0 : i32
      %dma_start3A_366 = tpu.memref_slice %arg10[%dma_start3A_362, %dma_start3A_365] : memref<8x128xi32, #tpu.memory_space<vmem>> -> memref<1x128xi32, #tpu.memory_space<vmem>>
      %dma_start3A_367 = tpu.memref_squeeze %dma_start3A_366 : memref<1x128xi32, #tpu.memory_space<vmem>> -> memref<128xi32, #tpu.memory_space<vmem>>
      %dma_start3A_368 = arith.constant 0 : i32
      %dma_start3A_369 = tpu.memref_slice %arg18[%dma_start3A_368] : memref<83968xf32, #tpu.memory_space<vmem_shared>> -> memref<83968xf32, #tpu.memory_space<vmem_shared>>
      tpu.enqueue_indirect_dma source(%dma_start3A_364 : memref<128xf32, #tpu.memory_space<vmem>>) target(%dma_start3A_369 : memref<83968xf32, #tpu.memory_space<vmem_shared>>) offsets(%dma_start3A_367 : memref<128xi32, #tpu.memory_space<vmem>>) semaphore(%arg22 : memref<!tpu.dma_semaphore, #tpu.memory_space<semaphore_mem>>) {add = true}
      %dma_start3A_370 = arith.constant 3 : i32
      %dma_start3A_371 = arith.constant 384 : i32
      %dma_start3A_372 = tpu.memref_slice %arg14[%dma_start3A_371] : memref<1024xf32, #tpu.memory_space<vmem>> -> memref<128xf32, #tpu.memory_space<vmem>>
      %dma_start3A_373 = arith.constant 0 : i32
      %dma_start3A_374 = tpu.memref_slice %arg10[%dma_start3A_370, %dma_start3A_373] : memref<8x128xi32, #tpu.memory_space<vmem>> -> memref<1x128xi32, #tpu.memory_space<vmem>>
      %dma_start3A_375 = tpu.memref_squeeze %dma_start3A_374 : memref<1x128xi32, #tpu.memory_space<vmem>> -> memref<128xi32, #tpu.memory_space<vmem>>
      %dma_start3A_376 = arith.constant 0 : i32
      %dma_start3A_377 = tpu.memref_slice %arg19[%dma_start3A_376] : memref<83968xf32, #tpu.memory_space<vmem_shared>> -> memref<83968xf32, #tpu.memory_space<vmem_shared>>
      tpu.enqueue_indirect_dma source(%dma_start3A_372 : memref<128xf32, #tpu.memory_space<vmem>>) target(%dma_start3A_377 : memref<83968xf32, #tpu.memory_space<vmem_shared>>) offsets(%dma_start3A_375 : memref<128xi32, #tpu.memory_space<vmem>>) semaphore(%arg22 : memref<!tpu.dma_semaphore, #tpu.memory_space<semaphore_mem>>) {add = true}
      %dma_start3A_378 = arith.constant 4 : i32
      %dma_start3A_379 = arith.constant 512 : i32
      %dma_start3A_380 = tpu.memref_slice %arg13[%dma_start3A_379] : memref<1024xf32, #tpu.memory_space<vmem>> -> memref<128xf32, #tpu.memory_space<vmem>>
      %dma_start3A_381 = arith.constant 0 : i32
      %dma_start3A_382 = tpu.memref_slice %arg10[%dma_start3A_378, %dma_start3A_381] : memref<8x128xi32, #tpu.memory_space<vmem>> -> memref<1x128xi32, #tpu.memory_space<vmem>>
      %dma_start3A_383 = tpu.memref_squeeze %dma_start3A_382 : memref<1x128xi32, #tpu.memory_space<vmem>> -> memref<128xi32, #tpu.memory_space<vmem>>
      %dma_start3A_384 = arith.constant 0 : i32
      %dma_start3A_385 = tpu.memref_slice %arg18[%dma_start3A_384] : memref<83968xf32, #tpu.memory_space<vmem_shared>> -> memref<83968xf32, #tpu.memory_space<vmem_shared>>
      tpu.enqueue_indirect_dma source(%dma_start3A_380 : memref<128xf32, #tpu.memory_space<vmem>>) target(%dma_start3A_385 : memref<83968xf32, #tpu.memory_space<vmem_shared>>) offsets(%dma_start3A_383 : memref<128xi32, #tpu.memory_space<vmem>>) semaphore(%arg22 : memref<!tpu.dma_semaphore, #tpu.memory_space<semaphore_mem>>) {add = true}
      %dma_start3A_386 = arith.constant 4 : i32
      %dma_start3A_387 = arith.constant 512 : i32
      %dma_start3A_388 = tpu.memref_slice %arg14[%dma_start3A_387] : memref<1024xf32, #tpu.memory_space<vmem>> -> memref<128xf32, #tpu.memory_space<vmem>>
      %dma_start3A_389 = arith.constant 0 : i32
      %dma_start3A_390 = tpu.memref_slice %arg10[%dma_start3A_386, %dma_start3A_389] : memref<8x128xi32, #tpu.memory_space<vmem>> -> memref<1x128xi32, #tpu.memory_space<vmem>>
      %dma_start3A_391 = tpu.memref_squeeze %dma_start3A_390 : memref<1x128xi32, #tpu.memory_space<vmem>> -> memref<128xi32, #tpu.memory_space<vmem>>
      %dma_start3A_392 = arith.constant 0 : i32
      %dma_start3A_393 = tpu.memref_slice %arg19[%dma_start3A_392] : memref<83968xf32, #tpu.memory_space<vmem_shared>> -> memref<83968xf32, #tpu.memory_space<vmem_shared>>
      tpu.enqueue_indirect_dma source(%dma_start3A_388 : memref<128xf32, #tpu.memory_space<vmem>>) target(%dma_start3A_393 : memref<83968xf32, #tpu.memory_space<vmem_shared>>) offsets(%dma_start3A_391 : memref<128xi32, #tpu.memory_space<vmem>>) semaphore(%arg22 : memref<!tpu.dma_semaphore, #tpu.memory_space<semaphore_mem>>) {add = true}
      %dma_start3A_394 = arith.constant 5 : i32
      %dma_start3A_395 = arith.constant 640 : i32
      %dma_start3A_396 = tpu.memref_slice %arg13[%dma_start3A_395] : memref<1024xf32, #tpu.memory_space<vmem>> -> memref<128xf32, #tpu.memory_space<vmem>>
      %dma_start3A_397 = arith.constant 0 : i32
      %dma_start3A_398 = tpu.memref_slice %arg10[%dma_start3A_394, %dma_start3A_397] : memref<8x128xi32, #tpu.memory_space<vmem>> -> memref<1x128xi32, #tpu.memory_space<vmem>>
      %dma_start3A_399 = tpu.memref_squeeze %dma_start3A_398 : memref<1x128xi32, #tpu.memory_space<vmem>> -> memref<128xi32, #tpu.memory_space<vmem>>
      %dma_start3A_400 = arith.constant 0 : i32
      %dma_start3A_401 = tpu.memref_slice %arg18[%dma_start3A_400] : memref<83968xf32, #tpu.memory_space<vmem_shared>> -> memref<83968xf32, #tpu.memory_space<vmem_shared>>
      tpu.enqueue_indirect_dma source(%dma_start3A_396 : memref<128xf32, #tpu.memory_space<vmem>>) target(%dma_start3A_401 : memref<83968xf32, #tpu.memory_space<vmem_shared>>) offsets(%dma_start3A_399 : memref<128xi32, #tpu.memory_space<vmem>>) semaphore(%arg22 : memref<!tpu.dma_semaphore, #tpu.memory_space<semaphore_mem>>) {add = true}
      %dma_start3A_402 = arith.constant 5 : i32
      %dma_start3A_403 = arith.constant 640 : i32
      %dma_start3A_404 = tpu.memref_slice %arg14[%dma_start3A_403] : memref<1024xf32, #tpu.memory_space<vmem>> -> memref<128xf32, #tpu.memory_space<vmem>>
      %dma_start3A_405 = arith.constant 0 : i32
      %dma_start3A_406 = tpu.memref_slice %arg10[%dma_start3A_402, %dma_start3A_405] : memref<8x128xi32, #tpu.memory_space<vmem>> -> memref<1x128xi32, #tpu.memory_space<vmem>>
      %dma_start3A_407 = tpu.memref_squeeze %dma_start3A_406 : memref<1x128xi32, #tpu.memory_space<vmem>> -> memref<128xi32, #tpu.memory_space<vmem>>
      %dma_start3A_408 = arith.constant 0 : i32
      %dma_start3A_409 = tpu.memref_slice %arg19[%dma_start3A_408] : memref<83968xf32, #tpu.memory_space<vmem_shared>> -> memref<83968xf32, #tpu.memory_space<vmem_shared>>
      tpu.enqueue_indirect_dma source(%dma_start3A_404 : memref<128xf32, #tpu.memory_space<vmem>>) target(%dma_start3A_409 : memref<83968xf32, #tpu.memory_space<vmem_shared>>) offsets(%dma_start3A_407 : memref<128xi32, #tpu.memory_space<vmem>>) semaphore(%arg22 : memref<!tpu.dma_semaphore, #tpu.memory_space<semaphore_mem>>) {add = true}
      %dma_start3A_410 = arith.constant 6 : i32
      %dma_start3A_411 = arith.constant 768 : i32
      %dma_start3A_412 = tpu.memref_slice %arg13[%dma_start3A_411] : memref<1024xf32, #tpu.memory_space<vmem>> -> memref<128xf32, #tpu.memory_space<vmem>>
      %dma_start3A_413 = arith.constant 0 : i32
      %dma_start3A_414 = tpu.memref_slice %arg10[%dma_start3A_410, %dma_start3A_413] : memref<8x128xi32, #tpu.memory_space<vmem>> -> memref<1x128xi32, #tpu.memory_space<vmem>>
      %dma_start3A_415 = tpu.memref_squeeze %dma_start3A_414 : memref<1x128xi32, #tpu.memory_space<vmem>> -> memref<128xi32, #tpu.memory_space<vmem>>
      %dma_start3A_416 = arith.constant 0 : i32
      %dma_start3A_417 = tpu.memref_slice %arg18[%dma_start3A_416] : memref<83968xf32, #tpu.memory_space<vmem_shared>> -> memref<83968xf32, #tpu.memory_space<vmem_shared>>
      tpu.enqueue_indirect_dma source(%dma_start3A_412 : memref<128xf32, #tpu.memory_space<vmem>>) target(%dma_start3A_417 : memref<83968xf32, #tpu.memory_space<vmem_shared>>) offsets(%dma_start3A_415 : memref<128xi32, #tpu.memory_space<vmem>>) semaphore(%arg22 : memref<!tpu.dma_semaphore, #tpu.memory_space<semaphore_mem>>) {add = true}
      %dma_start3A_418 = arith.constant 6 : i32
      %dma_start3A_419 = arith.constant 768 : i32
      %dma_start3A_420 = tpu.memref_slice %arg14[%dma_start3A_419] : memref<1024xf32, #tpu.memory_space<vmem>> -> memref<128xf32, #tpu.memory_space<vmem>>
      %dma_start3A_421 = arith.constant 0 : i32
      %dma_start3A_422 = tpu.memref_slice %arg10[%dma_start3A_418, %dma_start3A_421] : memref<8x128xi32, #tpu.memory_space<vmem>> -> memref<1x128xi32, #tpu.memory_space<vmem>>
      %dma_start3A_423 = tpu.memref_squeeze %dma_start3A_422 : memref<1x128xi32, #tpu.memory_space<vmem>> -> memref<128xi32, #tpu.memory_space<vmem>>
      %dma_start3A_424 = arith.constant 0 : i32
      %dma_start3A_425 = tpu.memref_slice %arg19[%dma_start3A_424] : memref<83968xf32, #tpu.memory_space<vmem_shared>> -> memref<83968xf32, #tpu.memory_space<vmem_shared>>
      tpu.enqueue_indirect_dma source(%dma_start3A_420 : memref<128xf32, #tpu.memory_space<vmem>>) target(%dma_start3A_425 : memref<83968xf32, #tpu.memory_space<vmem_shared>>) offsets(%dma_start3A_423 : memref<128xi32, #tpu.memory_space<vmem>>) semaphore(%arg22 : memref<!tpu.dma_semaphore, #tpu.memory_space<semaphore_mem>>) {add = true}
      %dma_start3A_426 = arith.constant 7 : i32
      %dma_start3A_427 = arith.constant 896 : i32
      %dma_start3A_428 = tpu.memref_slice %arg13[%dma_start3A_427] : memref<1024xf32, #tpu.memory_space<vmem>> -> memref<128xf32, #tpu.memory_space<vmem>>
      %dma_start3A_429 = arith.constant 0 : i32
      %dma_start3A_430 = tpu.memref_slice %arg10[%dma_start3A_426, %dma_start3A_429] : memref<8x128xi32, #tpu.memory_space<vmem>> -> memref<1x128xi32, #tpu.memory_space<vmem>>
      %dma_start3A_431 = tpu.memref_squeeze %dma_start3A_430 : memref<1x128xi32, #tpu.memory_space<vmem>> -> memref<128xi32, #tpu.memory_space<vmem>>
      %dma_start3A_432 = arith.constant 0 : i32
      %dma_start3A_433 = tpu.memref_slice %arg18[%dma_start3A_432] : memref<83968xf32, #tpu.memory_space<vmem_shared>> -> memref<83968xf32, #tpu.memory_space<vmem_shared>>
      tpu.enqueue_indirect_dma source(%dma_start3A_428 : memref<128xf32, #tpu.memory_space<vmem>>) target(%dma_start3A_433 : memref<83968xf32, #tpu.memory_space<vmem_shared>>) offsets(%dma_start3A_431 : memref<128xi32, #tpu.memory_space<vmem>>) semaphore(%arg22 : memref<!tpu.dma_semaphore, #tpu.memory_space<semaphore_mem>>) {add = true}
      %dma_start3A_434 = arith.constant 7 : i32
      %dma_start3A_435 = arith.constant 896 : i32
      %dma_start3A_436 = tpu.memref_slice %arg14[%dma_start3A_435] : memref<1024xf32, #tpu.memory_space<vmem>> -> memref<128xf32, #tpu.memory_space<vmem>>
      %dma_start3A_437 = arith.constant 0 : i32
      %dma_start3A_438 = tpu.memref_slice %arg10[%dma_start3A_434, %dma_start3A_437] : memref<8x128xi32, #tpu.memory_space<vmem>> -> memref<1x128xi32, #tpu.memory_space<vmem>>
      %dma_start3A_439 = tpu.memref_squeeze %dma_start3A_438 : memref<1x128xi32, #tpu.memory_space<vmem>> -> memref<128xi32, #tpu.memory_space<vmem>>
      %dma_start3A_440 = arith.constant 0 : i32
      %dma_start3A_441 = tpu.memref_slice %arg19[%dma_start3A_440] : memref<83968xf32, #tpu.memory_space<vmem_shared>> -> memref<83968xf32, #tpu.memory_space<vmem_shared>>
      tpu.enqueue_indirect_dma source(%dma_start3A_436 : memref<128xf32, #tpu.memory_space<vmem>>) target(%dma_start3A_441 : memref<83968xf32, #tpu.memory_space<vmem_shared>>) offsets(%dma_start3A_439 : memref<128xi32, #tpu.memory_space<vmem>>) semaphore(%arg22 : memref<!tpu.dma_semaphore, #tpu.memory_space<semaphore_mem>>) {add = true}
    }
    %scan3A_20 = arith.constant 41 : i32
    %dma_wait3A = arith.constant 0 : i32
    %dma_wait3A_21 = tpu.memref_slice %arg7[%dma_wait3A] : memref<83968xf32, #tpu.memory_space<hbm>> -> memref<2048xf32, #tpu.memory_space<hbm>>
    %dma_wait3A_22 = arith.constant 0 : i32
    %dma_wait3A_23 = tpu.memref_slice %arg7[%dma_wait3A_22] : memref<83968xf32, #tpu.memory_space<hbm>> -> memref<2048xf32, #tpu.memory_space<hbm>>
    tpu.wait_dma2 semaphore(%arg22 : memref<!tpu.dma_semaphore, #tpu.memory_space<semaphore_mem>>) src(%dma_wait3A_23 : memref<2048xf32, #tpu.memory_space<hbm>>) dst(%arg17 : memref<2048xf32, #tpu.memory_space<vmem>>)
    %barrier3A_24 = arith.constant 0 : index
    tpu.barrier barrier_id(%barrier3A_24)
    %mul3A_25 = arith.constant 2 : i32
    %mul3A_26 = arith.muli %arg0, %mul3A_25 : i32
    %add3A_27 = arith.constant 0 : i32
    %add3A_28 = arith.addi %mul3A_26, %add3A_27 : i32
    %mul3A_29 = arith.constant 83968 : i32
    %mul3A_30 = arith.muli %add3A_28, %mul3A_29 : i32
    %mul3A_31 = arith.constant 5248 : i32
    %mul3A_32 = arith.muli %arg1, %mul3A_31 : i32
    %add3A_33 = arith.addi %mul3A_30, %mul3A_32 : i32
    %mul3A_34 = arith.constant 5248 : i32
    %mul3A_35 = arith.muli %arg1, %mul3A_34 : i32
    "tpu.region"() ({
      %run_scoped3A = tpu.sem_alloc : memref<!tpu.dma_semaphore, #tpu.memory_space<semaphore_mem>>
      %dma_start3A = tpu.memref_slice %arg8[%add3A_33] : memref<335872xf32, #tpu.memory_space<hbm>> -> memref<5248xf32, #tpu.memory_space<hbm>>
      %dma_start3A_47 = tpu.memref_slice %arg18[%mul3A_35] : memref<83968xf32, #tpu.memory_space<vmem_shared>> -> memref<5248xf32, #tpu.memory_space<vmem_shared>>
      tpu.enqueue_dma source(%dma_start3A_47 : memref<5248xf32, #tpu.memory_space<vmem_shared>>) target(%dma_start3A : memref<5248xf32, #tpu.memory_space<hbm>>) target_semaphore(%run_scoped3A : memref<!tpu.dma_semaphore, #tpu.memory_space<semaphore_mem>>)
      %dma_wait3A_48 = tpu.memref_slice %arg8[%add3A_33] : memref<335872xf32, #tpu.memory_space<hbm>> -> memref<5248xf32, #tpu.memory_space<hbm>>
      %dma_wait3A_49 = tpu.memref_slice %arg18[%mul3A_35] : memref<83968xf32, #tpu.memory_space<vmem_shared>> -> memref<5248xf32, #tpu.memory_space<vmem_shared>>
      tpu.wait_dma2 semaphore(%run_scoped3A : memref<!tpu.dma_semaphore, #tpu.memory_space<semaphore_mem>>) src(%dma_wait3A_49 : memref<5248xf32, #tpu.memory_space<vmem_shared>>) dst(%dma_wait3A_48 : memref<5248xf32, #tpu.memory_space<hbm>>)
      tpu.yield
    }) : () -> ()
    %mul3A_36 = arith.constant 2 : i32
    %mul3A_37 = arith.muli %arg0, %mul3A_36 : i32
    %add3A_38 = arith.constant 1 : i32
    %add3A_39 = arith.addi %mul3A_37, %add3A_38 : i32
    %mul3A_40 = arith.constant 83968 : i32
    %mul3A_41 = arith.muli %add3A_39, %mul3A_40 : i32
    %mul3A_42 = arith.constant 5248 : i32
    %mul3A_43 = arith.muli %arg1, %mul3A_42 : i32
    %add3A_44 = arith.addi %mul3A_41, %mul3A_43 : i32
    %mul3A_45 = arith.constant 5248 : i32
    %mul3A_46 = arith.muli %arg1, %mul3A_45 : i32
    "tpu.region"() ({
      %run_scoped3A = tpu.sem_alloc : memref<!tpu.dma_semaphore, #tpu.memory_space<semaphore_mem>>
      %dma_start3A = tpu.memref_slice %arg8[%add3A_44] : memref<335872xf32, #tpu.memory_space<hbm>> -> memref<5248xf32, #tpu.memory_space<hbm>>
      %dma_start3A_47 = tpu.memref_slice %arg19[%mul3A_46] : memref<83968xf32, #tpu.memory_space<vmem_shared>> -> memref<5248xf32, #tpu.memory_space<vmem_shared>>
      tpu.enqueue_dma source(%dma_start3A_47 : memref<5248xf32, #tpu.memory_space<vmem_shared>>) target(%dma_start3A : memref<5248xf32, #tpu.memory_space<hbm>>) target_semaphore(%run_scoped3A : memref<!tpu.dma_semaphore, #tpu.memory_space<semaphore_mem>>)
      %dma_wait3A_48 = tpu.memref_slice %arg8[%add3A_44] : memref<335872xf32, #tpu.memory_space<hbm>> -> memref<5248xf32, #tpu.memory_space<hbm>>
      %dma_wait3A_49 = tpu.memref_slice %arg19[%mul3A_46] : memref<83968xf32, #tpu.memory_space<vmem_shared>> -> memref<5248xf32, #tpu.memory_space<vmem_shared>>
      tpu.wait_dma2 semaphore(%run_scoped3A : memref<!tpu.dma_semaphore, #tpu.memory_space<semaphore_mem>>) src(%dma_wait3A_49 : memref<5248xf32, #tpu.memory_space<vmem_shared>>) dst(%dma_wait3A_48 : memref<5248xf32, #tpu.memory_space<hbm>>)
      tpu.yield
    }) : () -> ()
    return
  }
}

#map = affine_map<(d0, d1) -> (0, 0)>
#map1 = affine_map<(d0, d1) -> (0)>
module attributes {stable_mosaic.version = 14 : i64} {
  func.func @sc1(%arg0: i32, %arg1: i32, %arg2: memref<10496x128xi32, #tpu.memory_space<hbm>>, %arg3: memref<10496x128xi32, #tpu.memory_space<hbm>>, %arg4: memref<83968xf32, #tpu.memory_space<hbm>>, %arg5: memref<83968xf32, #tpu.memory_space<hbm>>, %arg6: memref<83968xf32, #tpu.memory_space<hbm>>, %arg7: memref<83968xf32, #tpu.memory_space<hbm>>, %arg8: memref<83968xf32, #tpu.memory_space<hbm>>, %arg9: memref<83968xf32, #tpu.memory_space<hbm>>, %arg10: memref<83968xf32, #tpu.memory_space<hbm>>, %arg11: memref<839680xf32, #tpu.memory_space<hbm>>, %arg12: memref<8x128xi32, #tpu.memory_space<vmem>>, %arg13: memref<8x128xi32, #tpu.memory_space<vmem>>, %arg14: memref<1024xf32, #tpu.memory_space<vmem>>, %arg15: memref<1024xf32, #tpu.memory_space<vmem>>, %arg16: memref<1024xf32, #tpu.memory_space<vmem>>, %arg17: memref<1024xf32, #tpu.memory_space<vmem>>, %arg18: memref<1024xf32, #tpu.memory_space<vmem>>, %arg19: memref<1024xf32, #tpu.memory_space<vmem>>, %arg20: memref<1024xf32, #tpu.memory_space<vmem>>, %arg21: memref<1024xf32, #tpu.memory_space<vmem>>, %arg22: memref<1024xf32, #tpu.memory_space<vmem>>, %arg23: memref<1024xf32, #tpu.memory_space<vmem>>, %arg24: memref<1024xf32, #tpu.memory_space<vmem>>, %arg25: memref<5120xf32, #tpu.memory_space<vmem>>, %arg26: memref<83968xf32, #tpu.memory_space<vmem_shared>>, %arg27: memref<83968xf32, #tpu.memory_space<vmem_shared>>, %arg28: memref<83968xf32, #tpu.memory_space<vmem_shared>>, %arg29: memref<83968xf32, #tpu.memory_space<vmem_shared>>, %arg30: memref<83968xf32, #tpu.memory_space<vmem_shared>>, %arg31: memref<!tpu.dma_semaphore, #tpu.memory_space<semaphore_mem>>, %arg32: memref<!tpu.dma_semaphore, #tpu.memory_space<semaphore_mem>>, %arg33: memref<!tpu.dma_semaphore, #tpu.memory_space<semaphore_mem>>, %arg34: memref<!tpu.dma_semaphore, #tpu.memory_space<semaphore_mem>>, %arg35: memref<!tpu.dma_semaphore, #tpu.memory_space<semaphore_mem>>, %arg36: memref<!tpu.dma_semaphore, #tpu.memory_space<semaphore_mem>>, %arg37: memref<!tpu.dma_semaphore, #tpu.memory_space<semaphore_mem>>) attributes {dimension_semantics = [#tpu.dimension_semantics<core_parallel>, #tpu.dimension_semantics<subcore_parallel>], iteration_bounds = array<i64: 2, 16>, scalar_prefetch = 0 : i64, scratch_operands = 26 : i64, tpu.core_type = #tpu.core_type<sc_vector_subcore>, window_params = [{transform_indices = #map}, {transform_indices = #map}, {transform_indices = #map1}, {transform_indices = #map1}, {transform_indices = #map1}, {transform_indices = #map1}, {transform_indices = #map1}, {transform_indices = #map1}, {transform_indices = #map1}, {transform_indices = #map1}]} {
    %mul3A = arith.constant 2 : i32
    %mul3A_0 = arith.muli %arg1, %mul3A : i32
    %add3A = arith.addi %mul3A_0, %arg0 : i32
    %mul3A_1 = arith.constant 5248 : i32
    %mul3A_2 = arith.muli %arg1, %mul3A_1 : i32
    %mul3A_3 = arith.constant 5248 : i32
    %mul3A_4 = arith.muli %arg1, %mul3A_3 : i32
    "tpu.region"() ({
      %run_scoped3A = tpu.sem_alloc : memref<!tpu.dma_semaphore, #tpu.memory_space<semaphore_mem>>
      %dma_start3A = tpu.memref_slice %arg26[%mul3A_4] : memref<83968xf32, #tpu.memory_space<vmem_shared>> -> memref<5248xf32, #tpu.memory_space<vmem_shared>>
      %dma_start3A_87 = tpu.memref_slice %arg10[%mul3A_2] : memref<83968xf32, #tpu.memory_space<hbm>> -> memref<5248xf32, #tpu.memory_space<hbm>>
      tpu.enqueue_dma source(%dma_start3A_87 : memref<5248xf32, #tpu.memory_space<hbm>>) target(%dma_start3A : memref<5248xf32, #tpu.memory_space<vmem_shared>>) target_semaphore(%run_scoped3A : memref<!tpu.dma_semaphore, #tpu.memory_space<semaphore_mem>>)
      %dma_wait3A_88 = tpu.memref_slice %arg26[%mul3A_4] : memref<83968xf32, #tpu.memory_space<vmem_shared>> -> memref<5248xf32, #tpu.memory_space<vmem_shared>>
      %dma_wait3A_89 = tpu.memref_slice %arg10[%mul3A_2] : memref<83968xf32, #tpu.memory_space<hbm>> -> memref<5248xf32, #tpu.memory_space<hbm>>
      tpu.wait_dma2 semaphore(%run_scoped3A : memref<!tpu.dma_semaphore, #tpu.memory_space<semaphore_mem>>) src(%dma_wait3A_89 : memref<5248xf32, #tpu.memory_space<hbm>>) dst(%dma_wait3A_88 : memref<5248xf32, #tpu.memory_space<vmem_shared>>)
      tpu.yield
    }) : () -> ()
    %mul3A_5 = arith.constant 5248 : i32
    %mul3A_6 = arith.muli %arg1, %mul3A_5 : i32
    %mul3A_7 = arith.constant 5248 : i32
    %mul3A_8 = arith.muli %arg1, %mul3A_7 : i32
    "tpu.region"() ({
      %run_scoped3A = tpu.sem_alloc : memref<!tpu.dma_semaphore, #tpu.memory_space<semaphore_mem>>
      %dma_start3A = tpu.memref_slice %arg27[%mul3A_8] : memref<83968xf32, #tpu.memory_space<vmem_shared>> -> memref<5248xf32, #tpu.memory_space<vmem_shared>>
      %dma_start3A_87 = tpu.memref_slice %arg10[%mul3A_6] : memref<83968xf32, #tpu.memory_space<hbm>> -> memref<5248xf32, #tpu.memory_space<hbm>>
      tpu.enqueue_dma source(%dma_start3A_87 : memref<5248xf32, #tpu.memory_space<hbm>>) target(%dma_start3A : memref<5248xf32, #tpu.memory_space<vmem_shared>>) target_semaphore(%run_scoped3A : memref<!tpu.dma_semaphore, #tpu.memory_space<semaphore_mem>>)
      %dma_wait3A_88 = tpu.memref_slice %arg27[%mul3A_8] : memref<83968xf32, #tpu.memory_space<vmem_shared>> -> memref<5248xf32, #tpu.memory_space<vmem_shared>>
      %dma_wait3A_89 = tpu.memref_slice %arg10[%mul3A_6] : memref<83968xf32, #tpu.memory_space<hbm>> -> memref<5248xf32, #tpu.memory_space<hbm>>
      tpu.wait_dma2 semaphore(%run_scoped3A : memref<!tpu.dma_semaphore, #tpu.memory_space<semaphore_mem>>) src(%dma_wait3A_89 : memref<5248xf32, #tpu.memory_space<hbm>>) dst(%dma_wait3A_88 : memref<5248xf32, #tpu.memory_space<vmem_shared>>)
      tpu.yield
    }) : () -> ()
    %mul3A_9 = arith.constant 5248 : i32
    %mul3A_10 = arith.muli %arg1, %mul3A_9 : i32
    %mul3A_11 = arith.constant 5248 : i32
    %mul3A_12 = arith.muli %arg1, %mul3A_11 : i32
    "tpu.region"() ({
      %run_scoped3A = tpu.sem_alloc : memref<!tpu.dma_semaphore, #tpu.memory_space<semaphore_mem>>
      %dma_start3A = tpu.memref_slice %arg28[%mul3A_12] : memref<83968xf32, #tpu.memory_space<vmem_shared>> -> memref<5248xf32, #tpu.memory_space<vmem_shared>>
      %dma_start3A_87 = tpu.memref_slice %arg10[%mul3A_10] : memref<83968xf32, #tpu.memory_space<hbm>> -> memref<5248xf32, #tpu.memory_space<hbm>>
      tpu.enqueue_dma source(%dma_start3A_87 : memref<5248xf32, #tpu.memory_space<hbm>>) target(%dma_start3A : memref<5248xf32, #tpu.memory_space<vmem_shared>>) target_semaphore(%run_scoped3A : memref<!tpu.dma_semaphore, #tpu.memory_space<semaphore_mem>>)
      %dma_wait3A_88 = tpu.memref_slice %arg28[%mul3A_12] : memref<83968xf32, #tpu.memory_space<vmem_shared>> -> memref<5248xf32, #tpu.memory_space<vmem_shared>>
      %dma_wait3A_89 = tpu.memref_slice %arg10[%mul3A_10] : memref<83968xf32, #tpu.memory_space<hbm>> -> memref<5248xf32, #tpu.memory_space<hbm>>
      tpu.wait_dma2 semaphore(%run_scoped3A : memref<!tpu.dma_semaphore, #tpu.memory_space<semaphore_mem>>) src(%dma_wait3A_89 : memref<5248xf32, #tpu.memory_space<hbm>>) dst(%dma_wait3A_88 : memref<5248xf32, #tpu.memory_space<vmem_shared>>)
      tpu.yield
    }) : () -> ()
    %mul3A_13 = arith.constant 5248 : i32
    %mul3A_14 = arith.muli %arg1, %mul3A_13 : i32
    %mul3A_15 = arith.constant 5248 : i32
    %mul3A_16 = arith.muli %arg1, %mul3A_15 : i32
    "tpu.region"() ({
      %run_scoped3A = tpu.sem_alloc : memref<!tpu.dma_semaphore, #tpu.memory_space<semaphore_mem>>
      %dma_start3A = tpu.memref_slice %arg29[%mul3A_16] : memref<83968xf32, #tpu.memory_space<vmem_shared>> -> memref<5248xf32, #tpu.memory_space<vmem_shared>>
      %dma_start3A_87 = tpu.memref_slice %arg10[%mul3A_14] : memref<83968xf32, #tpu.memory_space<hbm>> -> memref<5248xf32, #tpu.memory_space<hbm>>
      tpu.enqueue_dma source(%dma_start3A_87 : memref<5248xf32, #tpu.memory_space<hbm>>) target(%dma_start3A : memref<5248xf32, #tpu.memory_space<vmem_shared>>) target_semaphore(%run_scoped3A : memref<!tpu.dma_semaphore, #tpu.memory_space<semaphore_mem>>)
      %dma_wait3A_88 = tpu.memref_slice %arg29[%mul3A_16] : memref<83968xf32, #tpu.memory_space<vmem_shared>> -> memref<5248xf32, #tpu.memory_space<vmem_shared>>
      %dma_wait3A_89 = tpu.memref_slice %arg10[%mul3A_14] : memref<83968xf32, #tpu.memory_space<hbm>> -> memref<5248xf32, #tpu.memory_space<hbm>>
      tpu.wait_dma2 semaphore(%run_scoped3A : memref<!tpu.dma_semaphore, #tpu.memory_space<semaphore_mem>>) src(%dma_wait3A_89 : memref<5248xf32, #tpu.memory_space<hbm>>) dst(%dma_wait3A_88 : memref<5248xf32, #tpu.memory_space<vmem_shared>>)
      tpu.yield
    }) : () -> ()
    %mul3A_17 = arith.constant 5248 : i32
    %mul3A_18 = arith.muli %arg1, %mul3A_17 : i32
    %mul3A_19 = arith.constant 5248 : i32
    %mul3A_20 = arith.muli %arg1, %mul3A_19 : i32
    "tpu.region"() ({
      %run_scoped3A = tpu.sem_alloc : memref<!tpu.dma_semaphore, #tpu.memory_space<semaphore_mem>>
      %dma_start3A = tpu.memref_slice %arg30[%mul3A_20] : memref<83968xf32, #tpu.memory_space<vmem_shared>> -> memref<5248xf32, #tpu.memory_space<vmem_shared>>
      %dma_start3A_87 = tpu.memref_slice %arg10[%mul3A_18] : memref<83968xf32, #tpu.memory_space<hbm>> -> memref<5248xf32, #tpu.memory_space<hbm>>
      tpu.enqueue_dma source(%dma_start3A_87 : memref<5248xf32, #tpu.memory_space<hbm>>) target(%dma_start3A : memref<5248xf32, #tpu.memory_space<vmem_shared>>) target_semaphore(%run_scoped3A : memref<!tpu.dma_semaphore, #tpu.memory_space<semaphore_mem>>)
      %dma_wait3A_88 = tpu.memref_slice %arg30[%mul3A_20] : memref<83968xf32, #tpu.memory_space<vmem_shared>> -> memref<5248xf32, #tpu.memory_space<vmem_shared>>
      %dma_wait3A_89 = tpu.memref_slice %arg10[%mul3A_18] : memref<83968xf32, #tpu.memory_space<hbm>> -> memref<5248xf32, #tpu.memory_space<hbm>>
      tpu.wait_dma2 semaphore(%run_scoped3A : memref<!tpu.dma_semaphore, #tpu.memory_space<semaphore_mem>>) src(%dma_wait3A_89 : memref<5248xf32, #tpu.memory_space<hbm>>) dst(%dma_wait3A_88 : memref<5248xf32, #tpu.memory_space<vmem_shared>>)
      tpu.yield
    }) : () -> ()
    %barrier3A = arith.constant 0 : index
    tpu.barrier barrier_id(%barrier3A)
    %mul3A_21 = arith.constant 328 : i32
    %mul3A_22 = arith.muli %add3A, %mul3A_21 : i32
    %scan3A = arith.constant 0 : i32
    %scan3A_23 = arith.constant 0 : i32
    %scan3A_24 = arith.constant 41 : i32
    %scan3A_25 = arith.addi %scan3A_23, %scan3A_24 : i32
    %scan3A_26 = arith.constant 1 : i32
    scf.for %scan3A_87 = %scan3A_23 to %scan3A_25 step %scan3A_26  : i32 {
      %mul3A_88 = arith.constant 8 : i32
      %mul3A_89 = arith.muli %scan3A_87, %mul3A_88 : i32
      %add3A_90 = arith.addi %mul3A_22, %mul3A_89 : i32
      "tpu.region"() ({
        %run_scoped3A = tpu.sem_alloc : memref<!tpu.dma_semaphore, #tpu.memory_space<semaphore_mem>>
        %dma_start3A_1186 = arith.constant 0 : i32
        %dma_start3A_1187 = tpu.memref_slice %arg2[%add3A_90, %dma_start3A_1186] : memref<10496x128xi32, #tpu.memory_space<hbm>> -> memref<8x128xi32, #tpu.memory_space<hbm>>
        %dma_start3A_1188 = arith.constant 0 : i32
        %dma_start3A_1189 = tpu.memref_slice %arg2[%add3A_90, %dma_start3A_1188] : memref<10496x128xi32, #tpu.memory_space<hbm>> -> memref<8x128xi32, #tpu.memory_space<hbm>>
        tpu.enqueue_dma source(%dma_start3A_1189 : memref<8x128xi32, #tpu.memory_space<hbm>>) target(%arg12 : memref<8x128xi32, #tpu.memory_space<vmem>>) target_semaphore(%run_scoped3A : memref<!tpu.dma_semaphore, #tpu.memory_space<semaphore_mem>>)
        %dma_wait3A_1190 = arith.constant 0 : i32
        %dma_wait3A_1191 = tpu.memref_slice %arg2[%add3A_90, %dma_wait3A_1190] : memref<10496x128xi32, #tpu.memory_space<hbm>> -> memref<8x128xi32, #tpu.memory_space<hbm>>
        %dma_wait3A_1192 = arith.constant 0 : i32
        %dma_wait3A_1193 = tpu.memref_slice %arg2[%add3A_90, %dma_wait3A_1192] : memref<10496x128xi32, #tpu.memory_space<hbm>> -> memref<8x128xi32, #tpu.memory_space<hbm>>
        tpu.wait_dma2 semaphore(%run_scoped3A : memref<!tpu.dma_semaphore, #tpu.memory_space<semaphore_mem>>) src(%dma_wait3A_1193 : memref<8x128xi32, #tpu.memory_space<hbm>>) dst(%arg12 : memref<8x128xi32, #tpu.memory_space<vmem>>)
        tpu.yield
      }) : () -> ()
      "tpu.region"() ({
        %run_scoped3A = tpu.sem_alloc : memref<!tpu.dma_semaphore, #tpu.memory_space<semaphore_mem>>
        %dma_start3A_1186 = arith.constant 0 : i32
        %dma_start3A_1187 = tpu.memref_slice %arg3[%add3A_90, %dma_start3A_1186] : memref<10496x128xi32, #tpu.memory_space<hbm>> -> memref<8x128xi32, #tpu.memory_space<hbm>>
        %dma_start3A_1188 = arith.constant 0 : i32
        %dma_start3A_1189 = tpu.memref_slice %arg3[%add3A_90, %dma_start3A_1188] : memref<10496x128xi32, #tpu.memory_space<hbm>> -> memref<8x128xi32, #tpu.memory_space<hbm>>
        tpu.enqueue_dma source(%dma_start3A_1189 : memref<8x128xi32, #tpu.memory_space<hbm>>) target(%arg13 : memref<8x128xi32, #tpu.memory_space<vmem>>) target_semaphore(%run_scoped3A : memref<!tpu.dma_semaphore, #tpu.memory_space<semaphore_mem>>)
        %dma_wait3A_1190 = arith.constant 0 : i32
        %dma_wait3A_1191 = tpu.memref_slice %arg3[%add3A_90, %dma_wait3A_1190] : memref<10496x128xi32, #tpu.memory_space<hbm>> -> memref<8x128xi32, #tpu.memory_space<hbm>>
        %dma_wait3A_1192 = arith.constant 0 : i32
        %dma_wait3A_1193 = tpu.memref_slice %arg3[%add3A_90, %dma_wait3A_1192] : memref<10496x128xi32, #tpu.memory_space<hbm>> -> memref<8x128xi32, #tpu.memory_space<hbm>>
        tpu.wait_dma2 semaphore(%run_scoped3A : memref<!tpu.dma_semaphore, #tpu.memory_space<semaphore_mem>>) src(%dma_wait3A_1193 : memref<8x128xi32, #tpu.memory_space<hbm>>) dst(%arg13 : memref<8x128xi32, #tpu.memory_space<vmem>>)
        tpu.yield
      }) : () -> ()
      %dma_start3A = arith.constant 0 : i32
      %dma_start3A_91 = arith.constant 0 : i32
      %dma_start3A_92 = tpu.memref_slice %arg14[%dma_start3A_91] : memref<1024xf32, #tpu.memory_space<vmem>> -> memref<128xf32, #tpu.memory_space<vmem>>
      %dma_start3A_93 = arith.constant 0 : i32
      %dma_start3A_94 = tpu.memref_slice %arg12[%dma_start3A, %dma_start3A_93] : memref<8x128xi32, #tpu.memory_space<vmem>> -> memref<1x128xi32, #tpu.memory_space<vmem>>
      %dma_start3A_95 = tpu.memref_squeeze %dma_start3A_94 : memref<1x128xi32, #tpu.memory_space<vmem>> -> memref<128xi32, #tpu.memory_space<vmem>>
      %dma_start3A_96 = arith.constant 0 : i32
      %dma_start3A_97 = tpu.memref_slice %arg4[%dma_start3A_96] : memref<83968xf32, #tpu.memory_space<hbm>> -> memref<83968xf32, #tpu.memory_space<hbm>>
      tpu.enqueue_indirect_dma source(%dma_start3A_97 : memref<83968xf32, #tpu.memory_space<hbm>>) target(%dma_start3A_92 : memref<128xf32, #tpu.memory_space<vmem>>) offsets(%dma_start3A_95 : memref<128xi32, #tpu.memory_space<vmem>>) semaphore(%arg31 : memref<!tpu.dma_semaphore, #tpu.memory_space<semaphore_mem>>)
      %dma_start3A_98 = arith.constant 0 : i32
      %dma_start3A_99 = arith.constant 0 : i32
      %dma_start3A_100 = tpu.memref_slice %arg15[%dma_start3A_99] : memref<1024xf32, #tpu.memory_space<vmem>> -> memref<128xf32, #tpu.memory_space<vmem>>
      %dma_start3A_101 = arith.constant 0 : i32
      %dma_start3A_102 = tpu.memref_slice %arg13[%dma_start3A_98, %dma_start3A_101] : memref<8x128xi32, #tpu.memory_space<vmem>> -> memref<1x128xi32, #tpu.memory_space<vmem>>
      %dma_start3A_103 = tpu.memref_squeeze %dma_start3A_102 : memref<1x128xi32, #tpu.memory_space<vmem>> -> memref<128xi32, #tpu.memory_space<vmem>>
      %dma_start3A_104 = arith.constant 0 : i32
      %dma_start3A_105 = tpu.memref_slice %arg5[%dma_start3A_104] : memref<83968xf32, #tpu.memory_space<hbm>> -> memref<83968xf32, #tpu.memory_space<hbm>>
      tpu.enqueue_indirect_dma source(%dma_start3A_105 : memref<83968xf32, #tpu.memory_space<hbm>>) target(%dma_start3A_100 : memref<128xf32, #tpu.memory_space<vmem>>) offsets(%dma_start3A_103 : memref<128xi32, #tpu.memory_space<vmem>>) semaphore(%arg32 : memref<!tpu.dma_semaphore, #tpu.memory_space<semaphore_mem>>)
      %dma_start3A_106 = arith.constant 0 : i32
      %dma_start3A_107 = arith.constant 0 : i32
      %dma_start3A_108 = tpu.memref_slice %arg16[%dma_start3A_107] : memref<1024xf32, #tpu.memory_space<vmem>> -> memref<128xf32, #tpu.memory_space<vmem>>
      %dma_start3A_109 = arith.constant 0 : i32
      %dma_start3A_110 = tpu.memref_slice %arg12[%dma_start3A_106, %dma_start3A_109] : memref<8x128xi32, #tpu.memory_space<vmem>> -> memref<1x128xi32, #tpu.memory_space<vmem>>
      %dma_start3A_111 = tpu.memref_squeeze %dma_start3A_110 : memref<1x128xi32, #tpu.memory_space<vmem>> -> memref<128xi32, #tpu.memory_space<vmem>>
      %dma_start3A_112 = arith.constant 0 : i32
      %dma_start3A_113 = tpu.memref_slice %arg6[%dma_start3A_112] : memref<83968xf32, #tpu.memory_space<hbm>> -> memref<83968xf32, #tpu.memory_space<hbm>>
      tpu.enqueue_indirect_dma source(%dma_start3A_113 : memref<83968xf32, #tpu.memory_space<hbm>>) target(%dma_start3A_108 : memref<128xf32, #tpu.memory_space<vmem>>) offsets(%dma_start3A_111 : memref<128xi32, #tpu.memory_space<vmem>>) semaphore(%arg33 : memref<!tpu.dma_semaphore, #tpu.memory_space<semaphore_mem>>)
      %dma_start3A_114 = arith.constant 0 : i32
      %dma_start3A_115 = arith.constant 0 : i32
      %dma_start3A_116 = tpu.memref_slice %arg17[%dma_start3A_115] : memref<1024xf32, #tpu.memory_space<vmem>> -> memref<128xf32, #tpu.memory_space<vmem>>
      %dma_start3A_117 = arith.constant 0 : i32
      %dma_start3A_118 = tpu.memref_slice %arg12[%dma_start3A_114, %dma_start3A_117] : memref<8x128xi32, #tpu.memory_space<vmem>> -> memref<1x128xi32, #tpu.memory_space<vmem>>
      %dma_start3A_119 = tpu.memref_squeeze %dma_start3A_118 : memref<1x128xi32, #tpu.memory_space<vmem>> -> memref<128xi32, #tpu.memory_space<vmem>>
      %dma_start3A_120 = arith.constant 0 : i32
      %dma_start3A_121 = tpu.memref_slice %arg7[%dma_start3A_120] : memref<83968xf32, #tpu.memory_space<hbm>> -> memref<83968xf32, #tpu.memory_space<hbm>>
      tpu.enqueue_indirect_dma source(%dma_start3A_121 : memref<83968xf32, #tpu.memory_space<hbm>>) target(%dma_start3A_116 : memref<128xf32, #tpu.memory_space<vmem>>) offsets(%dma_start3A_119 : memref<128xi32, #tpu.memory_space<vmem>>) semaphore(%arg34 : memref<!tpu.dma_semaphore, #tpu.memory_space<semaphore_mem>>)
      %dma_start3A_122 = arith.constant 0 : i32
      %dma_start3A_123 = arith.constant 0 : i32
      %dma_start3A_124 = tpu.memref_slice %arg18[%dma_start3A_123] : memref<1024xf32, #tpu.memory_space<vmem>> -> memref<128xf32, #tpu.memory_space<vmem>>
      %dma_start3A_125 = arith.constant 0 : i32
      %dma_start3A_126 = tpu.memref_slice %arg12[%dma_start3A_122, %dma_start3A_125] : memref<8x128xi32, #tpu.memory_space<vmem>> -> memref<1x128xi32, #tpu.memory_space<vmem>>
      %dma_start3A_127 = tpu.memref_squeeze %dma_start3A_126 : memref<1x128xi32, #tpu.memory_space<vmem>> -> memref<128xi32, #tpu.memory_space<vmem>>
      %dma_start3A_128 = arith.constant 0 : i32
      %dma_start3A_129 = tpu.memref_slice %arg8[%dma_start3A_128] : memref<83968xf32, #tpu.memory_space<hbm>> -> memref<83968xf32, #tpu.memory_space<hbm>>
      tpu.enqueue_indirect_dma source(%dma_start3A_129 : memref<83968xf32, #tpu.memory_space<hbm>>) target(%dma_start3A_124 : memref<128xf32, #tpu.memory_space<vmem>>) offsets(%dma_start3A_127 : memref<128xi32, #tpu.memory_space<vmem>>) semaphore(%arg35 : memref<!tpu.dma_semaphore, #tpu.memory_space<semaphore_mem>>)
      %dma_start3A_130 = arith.constant 0 : i32
      %dma_start3A_131 = arith.constant 0 : i32
      %dma_start3A_132 = tpu.memref_slice %arg19[%dma_start3A_131] : memref<1024xf32, #tpu.memory_space<vmem>> -> memref<128xf32, #tpu.memory_space<vmem>>
      %dma_start3A_133 = arith.constant 0 : i32
      %dma_start3A_134 = tpu.memref_slice %arg12[%dma_start3A_130, %dma_start3A_133] : memref<8x128xi32, #tpu.memory_space<vmem>> -> memref<1x128xi32, #tpu.memory_space<vmem>>
      %dma_start3A_135 = tpu.memref_squeeze %dma_start3A_134 : memref<1x128xi32, #tpu.memory_space<vmem>> -> memref<128xi32, #tpu.memory_space<vmem>>
      %dma_start3A_136 = arith.constant 0 : i32
      %dma_start3A_137 = tpu.memref_slice %arg9[%dma_start3A_136] : memref<83968xf32, #tpu.memory_space<hbm>> -> memref<83968xf32, #tpu.memory_space<hbm>>
      tpu.enqueue_indirect_dma source(%dma_start3A_137 : memref<83968xf32, #tpu.memory_space<hbm>>) target(%dma_start3A_132 : memref<128xf32, #tpu.memory_space<vmem>>) offsets(%dma_start3A_135 : memref<128xi32, #tpu.memory_space<vmem>>) semaphore(%arg36 : memref<!tpu.dma_semaphore, #tpu.memory_space<semaphore_mem>>)
      %dma_start3A_138 = arith.constant 1 : i32
      %dma_start3A_139 = arith.constant 128 : i32
      %dma_start3A_140 = tpu.memref_slice %arg14[%dma_start3A_139] : memref<1024xf32, #tpu.memory_space<vmem>> -> memref<128xf32, #tpu.memory_space<vmem>>
      %dma_start3A_141 = arith.constant 0 : i32
      %dma_start3A_142 = tpu.memref_slice %arg12[%dma_start3A_138, %dma_start3A_141] : memref<8x128xi32, #tpu.memory_space<vmem>> -> memref<1x128xi32, #tpu.memory_space<vmem>>
      %dma_start3A_143 = tpu.memref_squeeze %dma_start3A_142 : memref<1x128xi32, #tpu.memory_space<vmem>> -> memref<128xi32, #tpu.memory_space<vmem>>
      %dma_start3A_144 = arith.constant 0 : i32
      %dma_start3A_145 = tpu.memref_slice %arg4[%dma_start3A_144] : memref<83968xf32, #tpu.memory_space<hbm>> -> memref<83968xf32, #tpu.memory_space<hbm>>
      tpu.enqueue_indirect_dma source(%dma_start3A_145 : memref<83968xf32, #tpu.memory_space<hbm>>) target(%dma_start3A_140 : memref<128xf32, #tpu.memory_space<vmem>>) offsets(%dma_start3A_143 : memref<128xi32, #tpu.memory_space<vmem>>) semaphore(%arg31 : memref<!tpu.dma_semaphore, #tpu.memory_space<semaphore_mem>>)
      %dma_start3A_146 = arith.constant 1 : i32
      %dma_start3A_147 = arith.constant 128 : i32
      %dma_start3A_148 = tpu.memref_slice %arg15[%dma_start3A_147] : memref<1024xf32, #tpu.memory_space<vmem>> -> memref<128xf32, #tpu.memory_space<vmem>>
      %dma_start3A_149 = arith.constant 0 : i32
      %dma_start3A_150 = tpu.memref_slice %arg13[%dma_start3A_146, %dma_start3A_149] : memref<8x128xi32, #tpu.memory_space<vmem>> -> memref<1x128xi32, #tpu.memory_space<vmem>>
      %dma_start3A_151 = tpu.memref_squeeze %dma_start3A_150 : memref<1x128xi32, #tpu.memory_space<vmem>> -> memref<128xi32, #tpu.memory_space<vmem>>
      %dma_start3A_152 = arith.constant 0 : i32
      %dma_start3A_153 = tpu.memref_slice %arg5[%dma_start3A_152] : memref<83968xf32, #tpu.memory_space<hbm>> -> memref<83968xf32, #tpu.memory_space<hbm>>
      tpu.enqueue_indirect_dma source(%dma_start3A_153 : memref<83968xf32, #tpu.memory_space<hbm>>) target(%dma_start3A_148 : memref<128xf32, #tpu.memory_space<vmem>>) offsets(%dma_start3A_151 : memref<128xi32, #tpu.memory_space<vmem>>) semaphore(%arg32 : memref<!tpu.dma_semaphore, #tpu.memory_space<semaphore_mem>>)
      %dma_start3A_154 = arith.constant 1 : i32
      %dma_start3A_155 = arith.constant 128 : i32
      %dma_start3A_156 = tpu.memref_slice %arg16[%dma_start3A_155] : memref<1024xf32, #tpu.memory_space<vmem>> -> memref<128xf32, #tpu.memory_space<vmem>>
      %dma_start3A_157 = arith.constant 0 : i32
      %dma_start3A_158 = tpu.memref_slice %arg12[%dma_start3A_154, %dma_start3A_157] : memref<8x128xi32, #tpu.memory_space<vmem>> -> memref<1x128xi32, #tpu.memory_space<vmem>>
      %dma_start3A_159 = tpu.memref_squeeze %dma_start3A_158 : memref<1x128xi32, #tpu.memory_space<vmem>> -> memref<128xi32, #tpu.memory_space<vmem>>
      %dma_start3A_160 = arith.constant 0 : i32
      %dma_start3A_161 = tpu.memref_slice %arg6[%dma_start3A_160] : memref<83968xf32, #tpu.memory_space<hbm>> -> memref<83968xf32, #tpu.memory_space<hbm>>
      tpu.enqueue_indirect_dma source(%dma_start3A_161 : memref<83968xf32, #tpu.memory_space<hbm>>) target(%dma_start3A_156 : memref<128xf32, #tpu.memory_space<vmem>>) offsets(%dma_start3A_159 : memref<128xi32, #tpu.memory_space<vmem>>) semaphore(%arg33 : memref<!tpu.dma_semaphore, #tpu.memory_space<semaphore_mem>>)
      %dma_start3A_162 = arith.constant 1 : i32
      %dma_start3A_163 = arith.constant 128 : i32
      %dma_start3A_164 = tpu.memref_slice %arg17[%dma_start3A_163] : memref<1024xf32, #tpu.memory_space<vmem>> -> memref<128xf32, #tpu.memory_space<vmem>>
      %dma_start3A_165 = arith.constant 0 : i32
      %dma_start3A_166 = tpu.memref_slice %arg12[%dma_start3A_162, %dma_start3A_165] : memref<8x128xi32, #tpu.memory_space<vmem>> -> memref<1x128xi32, #tpu.memory_space<vmem>>
      %dma_start3A_167 = tpu.memref_squeeze %dma_start3A_166 : memref<1x128xi32, #tpu.memory_space<vmem>> -> memref<128xi32, #tpu.memory_space<vmem>>
      %dma_start3A_168 = arith.constant 0 : i32
      %dma_start3A_169 = tpu.memref_slice %arg7[%dma_start3A_168] : memref<83968xf32, #tpu.memory_space<hbm>> -> memref<83968xf32, #tpu.memory_space<hbm>>
      tpu.enqueue_indirect_dma source(%dma_start3A_169 : memref<83968xf32, #tpu.memory_space<hbm>>) target(%dma_start3A_164 : memref<128xf32, #tpu.memory_space<vmem>>) offsets(%dma_start3A_167 : memref<128xi32, #tpu.memory_space<vmem>>) semaphore(%arg34 : memref<!tpu.dma_semaphore, #tpu.memory_space<semaphore_mem>>)
      %dma_start3A_170 = arith.constant 1 : i32
      %dma_start3A_171 = arith.constant 128 : i32
      %dma_start3A_172 = tpu.memref_slice %arg18[%dma_start3A_171] : memref<1024xf32, #tpu.memory_space<vmem>> -> memref<128xf32, #tpu.memory_space<vmem>>
      %dma_start3A_173 = arith.constant 0 : i32
      %dma_start3A_174 = tpu.memref_slice %arg12[%dma_start3A_170, %dma_start3A_173] : memref<8x128xi32, #tpu.memory_space<vmem>> -> memref<1x128xi32, #tpu.memory_space<vmem>>
      %dma_start3A_175 = tpu.memref_squeeze %dma_start3A_174 : memref<1x128xi32, #tpu.memory_space<vmem>> -> memref<128xi32, #tpu.memory_space<vmem>>
      %dma_start3A_176 = arith.constant 0 : i32
      %dma_start3A_177 = tpu.memref_slice %arg8[%dma_start3A_176] : memref<83968xf32, #tpu.memory_space<hbm>> -> memref<83968xf32, #tpu.memory_space<hbm>>
      tpu.enqueue_indirect_dma source(%dma_start3A_177 : memref<83968xf32, #tpu.memory_space<hbm>>) target(%dma_start3A_172 : memref<128xf32, #tpu.memory_space<vmem>>) offsets(%dma_start3A_175 : memref<128xi32, #tpu.memory_space<vmem>>) semaphore(%arg35 : memref<!tpu.dma_semaphore, #tpu.memory_space<semaphore_mem>>)
      %dma_start3A_178 = arith.constant 1 : i32
      %dma_start3A_179 = arith.constant 128 : i32
      %dma_start3A_180 = tpu.memref_slice %arg19[%dma_start3A_179] : memref<1024xf32, #tpu.memory_space<vmem>> -> memref<128xf32, #tpu.memory_space<vmem>>
      %dma_start3A_181 = arith.constant 0 : i32
      %dma_start3A_182 = tpu.memref_slice %arg12[%dma_start3A_178, %dma_start3A_181] : memref<8x128xi32, #tpu.memory_space<vmem>> -> memref<1x128xi32, #tpu.memory_space<vmem>>
      %dma_start3A_183 = tpu.memref_squeeze %dma_start3A_182 : memref<1x128xi32, #tpu.memory_space<vmem>> -> memref<128xi32, #tpu.memory_space<vmem>>
      %dma_start3A_184 = arith.constant 0 : i32
      %dma_start3A_185 = tpu.memref_slice %arg9[%dma_start3A_184] : memref<83968xf32, #tpu.memory_space<hbm>> -> memref<83968xf32, #tpu.memory_space<hbm>>
      tpu.enqueue_indirect_dma source(%dma_start3A_185 : memref<83968xf32, #tpu.memory_space<hbm>>) target(%dma_start3A_180 : memref<128xf32, #tpu.memory_space<vmem>>) offsets(%dma_start3A_183 : memref<128xi32, #tpu.memory_space<vmem>>) semaphore(%arg36 : memref<!tpu.dma_semaphore, #tpu.memory_space<semaphore_mem>>)
      %dma_start3A_186 = arith.constant 2 : i32
      %dma_start3A_187 = arith.constant 256 : i32
      %dma_start3A_188 = tpu.memref_slice %arg14[%dma_start3A_187] : memref<1024xf32, #tpu.memory_space<vmem>> -> memref<128xf32, #tpu.memory_space<vmem>>
      %dma_start3A_189 = arith.constant 0 : i32
      %dma_start3A_190 = tpu.memref_slice %arg12[%dma_start3A_186, %dma_start3A_189] : memref<8x128xi32, #tpu.memory_space<vmem>> -> memref<1x128xi32, #tpu.memory_space<vmem>>
      %dma_start3A_191 = tpu.memref_squeeze %dma_start3A_190 : memref<1x128xi32, #tpu.memory_space<vmem>> -> memref<128xi32, #tpu.memory_space<vmem>>
      %dma_start3A_192 = arith.constant 0 : i32
      %dma_start3A_193 = tpu.memref_slice %arg4[%dma_start3A_192] : memref<83968xf32, #tpu.memory_space<hbm>> -> memref<83968xf32, #tpu.memory_space<hbm>>
      tpu.enqueue_indirect_dma source(%dma_start3A_193 : memref<83968xf32, #tpu.memory_space<hbm>>) target(%dma_start3A_188 : memref<128xf32, #tpu.memory_space<vmem>>) offsets(%dma_start3A_191 : memref<128xi32, #tpu.memory_space<vmem>>) semaphore(%arg31 : memref<!tpu.dma_semaphore, #tpu.memory_space<semaphore_mem>>)
      %dma_start3A_194 = arith.constant 2 : i32
      %dma_start3A_195 = arith.constant 256 : i32
      %dma_start3A_196 = tpu.memref_slice %arg15[%dma_start3A_195] : memref<1024xf32, #tpu.memory_space<vmem>> -> memref<128xf32, #tpu.memory_space<vmem>>
      %dma_start3A_197 = arith.constant 0 : i32
      %dma_start3A_198 = tpu.memref_slice %arg13[%dma_start3A_194, %dma_start3A_197] : memref<8x128xi32, #tpu.memory_space<vmem>> -> memref<1x128xi32, #tpu.memory_space<vmem>>
      %dma_start3A_199 = tpu.memref_squeeze %dma_start3A_198 : memref<1x128xi32, #tpu.memory_space<vmem>> -> memref<128xi32, #tpu.memory_space<vmem>>
      %dma_start3A_200 = arith.constant 0 : i32
      %dma_start3A_201 = tpu.memref_slice %arg5[%dma_start3A_200] : memref<83968xf32, #tpu.memory_space<hbm>> -> memref<83968xf32, #tpu.memory_space<hbm>>
      tpu.enqueue_indirect_dma source(%dma_start3A_201 : memref<83968xf32, #tpu.memory_space<hbm>>) target(%dma_start3A_196 : memref<128xf32, #tpu.memory_space<vmem>>) offsets(%dma_start3A_199 : memref<128xi32, #tpu.memory_space<vmem>>) semaphore(%arg32 : memref<!tpu.dma_semaphore, #tpu.memory_space<semaphore_mem>>)
      %dma_start3A_202 = arith.constant 2 : i32
      %dma_start3A_203 = arith.constant 256 : i32
      %dma_start3A_204 = tpu.memref_slice %arg16[%dma_start3A_203] : memref<1024xf32, #tpu.memory_space<vmem>> -> memref<128xf32, #tpu.memory_space<vmem>>
      %dma_start3A_205 = arith.constant 0 : i32
      %dma_start3A_206 = tpu.memref_slice %arg12[%dma_start3A_202, %dma_start3A_205] : memref<8x128xi32, #tpu.memory_space<vmem>> -> memref<1x128xi32, #tpu.memory_space<vmem>>
      %dma_start3A_207 = tpu.memref_squeeze %dma_start3A_206 : memref<1x128xi32, #tpu.memory_space<vmem>> -> memref<128xi32, #tpu.memory_space<vmem>>
      %dma_start3A_208 = arith.constant 0 : i32
      %dma_start3A_209 = tpu.memref_slice %arg6[%dma_start3A_208] : memref<83968xf32, #tpu.memory_space<hbm>> -> memref<83968xf32, #tpu.memory_space<hbm>>
      tpu.enqueue_indirect_dma source(%dma_start3A_209 : memref<83968xf32, #tpu.memory_space<hbm>>) target(%dma_start3A_204 : memref<128xf32, #tpu.memory_space<vmem>>) offsets(%dma_start3A_207 : memref<128xi32, #tpu.memory_space<vmem>>) semaphore(%arg33 : memref<!tpu.dma_semaphore, #tpu.memory_space<semaphore_mem>>)
      %dma_start3A_210 = arith.constant 2 : i32
      %dma_start3A_211 = arith.constant 256 : i32
      %dma_start3A_212 = tpu.memref_slice %arg17[%dma_start3A_211] : memref<1024xf32, #tpu.memory_space<vmem>> -> memref<128xf32, #tpu.memory_space<vmem>>
      %dma_start3A_213 = arith.constant 0 : i32
      %dma_start3A_214 = tpu.memref_slice %arg12[%dma_start3A_210, %dma_start3A_213] : memref<8x128xi32, #tpu.memory_space<vmem>> -> memref<1x128xi32, #tpu.memory_space<vmem>>
      %dma_start3A_215 = tpu.memref_squeeze %dma_start3A_214 : memref<1x128xi32, #tpu.memory_space<vmem>> -> memref<128xi32, #tpu.memory_space<vmem>>
      %dma_start3A_216 = arith.constant 0 : i32
      %dma_start3A_217 = tpu.memref_slice %arg7[%dma_start3A_216] : memref<83968xf32, #tpu.memory_space<hbm>> -> memref<83968xf32, #tpu.memory_space<hbm>>
      tpu.enqueue_indirect_dma source(%dma_start3A_217 : memref<83968xf32, #tpu.memory_space<hbm>>) target(%dma_start3A_212 : memref<128xf32, #tpu.memory_space<vmem>>) offsets(%dma_start3A_215 : memref<128xi32, #tpu.memory_space<vmem>>) semaphore(%arg34 : memref<!tpu.dma_semaphore, #tpu.memory_space<semaphore_mem>>)
      %dma_start3A_218 = arith.constant 2 : i32
      %dma_start3A_219 = arith.constant 256 : i32
      %dma_start3A_220 = tpu.memref_slice %arg18[%dma_start3A_219] : memref<1024xf32, #tpu.memory_space<vmem>> -> memref<128xf32, #tpu.memory_space<vmem>>
      %dma_start3A_221 = arith.constant 0 : i32
      %dma_start3A_222 = tpu.memref_slice %arg12[%dma_start3A_218, %dma_start3A_221] : memref<8x128xi32, #tpu.memory_space<vmem>> -> memref<1x128xi32, #tpu.memory_space<vmem>>
      %dma_start3A_223 = tpu.memref_squeeze %dma_start3A_222 : memref<1x128xi32, #tpu.memory_space<vmem>> -> memref<128xi32, #tpu.memory_space<vmem>>
      %dma_start3A_224 = arith.constant 0 : i32
      %dma_start3A_225 = tpu.memref_slice %arg8[%dma_start3A_224] : memref<83968xf32, #tpu.memory_space<hbm>> -> memref<83968xf32, #tpu.memory_space<hbm>>
      tpu.enqueue_indirect_dma source(%dma_start3A_225 : memref<83968xf32, #tpu.memory_space<hbm>>) target(%dma_start3A_220 : memref<128xf32, #tpu.memory_space<vmem>>) offsets(%dma_start3A_223 : memref<128xi32, #tpu.memory_space<vmem>>) semaphore(%arg35 : memref<!tpu.dma_semaphore, #tpu.memory_space<semaphore_mem>>)
      %dma_start3A_226 = arith.constant 2 : i32
      %dma_start3A_227 = arith.constant 256 : i32
      %dma_start3A_228 = tpu.memref_slice %arg19[%dma_start3A_227] : memref<1024xf32, #tpu.memory_space<vmem>> -> memref<128xf32, #tpu.memory_space<vmem>>
      %dma_start3A_229 = arith.constant 0 : i32
      %dma_start3A_230 = tpu.memref_slice %arg12[%dma_start3A_226, %dma_start3A_229] : memref<8x128xi32, #tpu.memory_space<vmem>> -> memref<1x128xi32, #tpu.memory_space<vmem>>
      %dma_start3A_231 = tpu.memref_squeeze %dma_start3A_230 : memref<1x128xi32, #tpu.memory_space<vmem>> -> memref<128xi32, #tpu.memory_space<vmem>>
      %dma_start3A_232 = arith.constant 0 : i32
      %dma_start3A_233 = tpu.memref_slice %arg9[%dma_start3A_232] : memref<83968xf32, #tpu.memory_space<hbm>> -> memref<83968xf32, #tpu.memory_space<hbm>>
      tpu.enqueue_indirect_dma source(%dma_start3A_233 : memref<83968xf32, #tpu.memory_space<hbm>>) target(%dma_start3A_228 : memref<128xf32, #tpu.memory_space<vmem>>) offsets(%dma_start3A_231 : memref<128xi32, #tpu.memory_space<vmem>>) semaphore(%arg36 : memref<!tpu.dma_semaphore, #tpu.memory_space<semaphore_mem>>)
      %dma_start3A_234 = arith.constant 3 : i32
      %dma_start3A_235 = arith.constant 384 : i32
      %dma_start3A_236 = tpu.memref_slice %arg14[%dma_start3A_235] : memref<1024xf32, #tpu.memory_space<vmem>> -> memref<128xf32, #tpu.memory_space<vmem>>
      %dma_start3A_237 = arith.constant 0 : i32
      %dma_start3A_238 = tpu.memref_slice %arg12[%dma_start3A_234, %dma_start3A_237] : memref<8x128xi32, #tpu.memory_space<vmem>> -> memref<1x128xi32, #tpu.memory_space<vmem>>
      %dma_start3A_239 = tpu.memref_squeeze %dma_start3A_238 : memref<1x128xi32, #tpu.memory_space<vmem>> -> memref<128xi32, #tpu.memory_space<vmem>>
      %dma_start3A_240 = arith.constant 0 : i32
      %dma_start3A_241 = tpu.memref_slice %arg4[%dma_start3A_240] : memref<83968xf32, #tpu.memory_space<hbm>> -> memref<83968xf32, #tpu.memory_space<hbm>>
      tpu.enqueue_indirect_dma source(%dma_start3A_241 : memref<83968xf32, #tpu.memory_space<hbm>>) target(%dma_start3A_236 : memref<128xf32, #tpu.memory_space<vmem>>) offsets(%dma_start3A_239 : memref<128xi32, #tpu.memory_space<vmem>>) semaphore(%arg31 : memref<!tpu.dma_semaphore, #tpu.memory_space<semaphore_mem>>)
      %dma_start3A_242 = arith.constant 3 : i32
      %dma_start3A_243 = arith.constant 384 : i32
      %dma_start3A_244 = tpu.memref_slice %arg15[%dma_start3A_243] : memref<1024xf32, #tpu.memory_space<vmem>> -> memref<128xf32, #tpu.memory_space<vmem>>
      %dma_start3A_245 = arith.constant 0 : i32
      %dma_start3A_246 = tpu.memref_slice %arg13[%dma_start3A_242, %dma_start3A_245] : memref<8x128xi32, #tpu.memory_space<vmem>> -> memref<1x128xi32, #tpu.memory_space<vmem>>
      %dma_start3A_247 = tpu.memref_squeeze %dma_start3A_246 : memref<1x128xi32, #tpu.memory_space<vmem>> -> memref<128xi32, #tpu.memory_space<vmem>>
      %dma_start3A_248 = arith.constant 0 : i32
      %dma_start3A_249 = tpu.memref_slice %arg5[%dma_start3A_248] : memref<83968xf32, #tpu.memory_space<hbm>> -> memref<83968xf32, #tpu.memory_space<hbm>>
      tpu.enqueue_indirect_dma source(%dma_start3A_249 : memref<83968xf32, #tpu.memory_space<hbm>>) target(%dma_start3A_244 : memref<128xf32, #tpu.memory_space<vmem>>) offsets(%dma_start3A_247 : memref<128xi32, #tpu.memory_space<vmem>>) semaphore(%arg32 : memref<!tpu.dma_semaphore, #tpu.memory_space<semaphore_mem>>)
      %dma_start3A_250 = arith.constant 3 : i32
      %dma_start3A_251 = arith.constant 384 : i32
      %dma_start3A_252 = tpu.memref_slice %arg16[%dma_start3A_251] : memref<1024xf32, #tpu.memory_space<vmem>> -> memref<128xf32, #tpu.memory_space<vmem>>
      %dma_start3A_253 = arith.constant 0 : i32
      %dma_start3A_254 = tpu.memref_slice %arg12[%dma_start3A_250, %dma_start3A_253] : memref<8x128xi32, #tpu.memory_space<vmem>> -> memref<1x128xi32, #tpu.memory_space<vmem>>
      %dma_start3A_255 = tpu.memref_squeeze %dma_start3A_254 : memref<1x128xi32, #tpu.memory_space<vmem>> -> memref<128xi32, #tpu.memory_space<vmem>>
      %dma_start3A_256 = arith.constant 0 : i32
      %dma_start3A_257 = tpu.memref_slice %arg6[%dma_start3A_256] : memref<83968xf32, #tpu.memory_space<hbm>> -> memref<83968xf32, #tpu.memory_space<hbm>>
      tpu.enqueue_indirect_dma source(%dma_start3A_257 : memref<83968xf32, #tpu.memory_space<hbm>>) target(%dma_start3A_252 : memref<128xf32, #tpu.memory_space<vmem>>) offsets(%dma_start3A_255 : memref<128xi32, #tpu.memory_space<vmem>>) semaphore(%arg33 : memref<!tpu.dma_semaphore, #tpu.memory_space<semaphore_mem>>)
      %dma_start3A_258 = arith.constant 3 : i32
      %dma_start3A_259 = arith.constant 384 : i32
      %dma_start3A_260 = tpu.memref_slice %arg17[%dma_start3A_259] : memref<1024xf32, #tpu.memory_space<vmem>> -> memref<128xf32, #tpu.memory_space<vmem>>
      %dma_start3A_261 = arith.constant 0 : i32
      %dma_start3A_262 = tpu.memref_slice %arg12[%dma_start3A_258, %dma_start3A_261] : memref<8x128xi32, #tpu.memory_space<vmem>> -> memref<1x128xi32, #tpu.memory_space<vmem>>
      %dma_start3A_263 = tpu.memref_squeeze %dma_start3A_262 : memref<1x128xi32, #tpu.memory_space<vmem>> -> memref<128xi32, #tpu.memory_space<vmem>>
      %dma_start3A_264 = arith.constant 0 : i32
      %dma_start3A_265 = tpu.memref_slice %arg7[%dma_start3A_264] : memref<83968xf32, #tpu.memory_space<hbm>> -> memref<83968xf32, #tpu.memory_space<hbm>>
      tpu.enqueue_indirect_dma source(%dma_start3A_265 : memref<83968xf32, #tpu.memory_space<hbm>>) target(%dma_start3A_260 : memref<128xf32, #tpu.memory_space<vmem>>) offsets(%dma_start3A_263 : memref<128xi32, #tpu.memory_space<vmem>>) semaphore(%arg34 : memref<!tpu.dma_semaphore, #tpu.memory_space<semaphore_mem>>)
      %dma_start3A_266 = arith.constant 3 : i32
      %dma_start3A_267 = arith.constant 384 : i32
      %dma_start3A_268 = tpu.memref_slice %arg18[%dma_start3A_267] : memref<1024xf32, #tpu.memory_space<vmem>> -> memref<128xf32, #tpu.memory_space<vmem>>
      %dma_start3A_269 = arith.constant 0 : i32
      %dma_start3A_270 = tpu.memref_slice %arg12[%dma_start3A_266, %dma_start3A_269] : memref<8x128xi32, #tpu.memory_space<vmem>> -> memref<1x128xi32, #tpu.memory_space<vmem>>
      %dma_start3A_271 = tpu.memref_squeeze %dma_start3A_270 : memref<1x128xi32, #tpu.memory_space<vmem>> -> memref<128xi32, #tpu.memory_space<vmem>>
      %dma_start3A_272 = arith.constant 0 : i32
      %dma_start3A_273 = tpu.memref_slice %arg8[%dma_start3A_272] : memref<83968xf32, #tpu.memory_space<hbm>> -> memref<83968xf32, #tpu.memory_space<hbm>>
      tpu.enqueue_indirect_dma source(%dma_start3A_273 : memref<83968xf32, #tpu.memory_space<hbm>>) target(%dma_start3A_268 : memref<128xf32, #tpu.memory_space<vmem>>) offsets(%dma_start3A_271 : memref<128xi32, #tpu.memory_space<vmem>>) semaphore(%arg35 : memref<!tpu.dma_semaphore, #tpu.memory_space<semaphore_mem>>)
      %dma_start3A_274 = arith.constant 3 : i32
      %dma_start3A_275 = arith.constant 384 : i32
      %dma_start3A_276 = tpu.memref_slice %arg19[%dma_start3A_275] : memref<1024xf32, #tpu.memory_space<vmem>> -> memref<128xf32, #tpu.memory_space<vmem>>
      %dma_start3A_277 = arith.constant 0 : i32
      %dma_start3A_278 = tpu.memref_slice %arg12[%dma_start3A_274, %dma_start3A_277] : memref<8x128xi32, #tpu.memory_space<vmem>> -> memref<1x128xi32, #tpu.memory_space<vmem>>
      %dma_start3A_279 = tpu.memref_squeeze %dma_start3A_278 : memref<1x128xi32, #tpu.memory_space<vmem>> -> memref<128xi32, #tpu.memory_space<vmem>>
      %dma_start3A_280 = arith.constant 0 : i32
      %dma_start3A_281 = tpu.memref_slice %arg9[%dma_start3A_280] : memref<83968xf32, #tpu.memory_space<hbm>> -> memref<83968xf32, #tpu.memory_space<hbm>>
      tpu.enqueue_indirect_dma source(%dma_start3A_281 : memref<83968xf32, #tpu.memory_space<hbm>>) target(%dma_start3A_276 : memref<128xf32, #tpu.memory_space<vmem>>) offsets(%dma_start3A_279 : memref<128xi32, #tpu.memory_space<vmem>>) semaphore(%arg36 : memref<!tpu.dma_semaphore, #tpu.memory_space<semaphore_mem>>)
      %dma_start3A_282 = arith.constant 4 : i32
      %dma_start3A_283 = arith.constant 512 : i32
      %dma_start3A_284 = tpu.memref_slice %arg14[%dma_start3A_283] : memref<1024xf32, #tpu.memory_space<vmem>> -> memref<128xf32, #tpu.memory_space<vmem>>
      %dma_start3A_285 = arith.constant 0 : i32
      %dma_start3A_286 = tpu.memref_slice %arg12[%dma_start3A_282, %dma_start3A_285] : memref<8x128xi32, #tpu.memory_space<vmem>> -> memref<1x128xi32, #tpu.memory_space<vmem>>
      %dma_start3A_287 = tpu.memref_squeeze %dma_start3A_286 : memref<1x128xi32, #tpu.memory_space<vmem>> -> memref<128xi32, #tpu.memory_space<vmem>>
      %dma_start3A_288 = arith.constant 0 : i32
      %dma_start3A_289 = tpu.memref_slice %arg4[%dma_start3A_288] : memref<83968xf32, #tpu.memory_space<hbm>> -> memref<83968xf32, #tpu.memory_space<hbm>>
      tpu.enqueue_indirect_dma source(%dma_start3A_289 : memref<83968xf32, #tpu.memory_space<hbm>>) target(%dma_start3A_284 : memref<128xf32, #tpu.memory_space<vmem>>) offsets(%dma_start3A_287 : memref<128xi32, #tpu.memory_space<vmem>>) semaphore(%arg31 : memref<!tpu.dma_semaphore, #tpu.memory_space<semaphore_mem>>)
      %dma_start3A_290 = arith.constant 4 : i32
      %dma_start3A_291 = arith.constant 512 : i32
      %dma_start3A_292 = tpu.memref_slice %arg15[%dma_start3A_291] : memref<1024xf32, #tpu.memory_space<vmem>> -> memref<128xf32, #tpu.memory_space<vmem>>
      %dma_start3A_293 = arith.constant 0 : i32
      %dma_start3A_294 = tpu.memref_slice %arg13[%dma_start3A_290, %dma_start3A_293] : memref<8x128xi32, #tpu.memory_space<vmem>> -> memref<1x128xi32, #tpu.memory_space<vmem>>
      %dma_start3A_295 = tpu.memref_squeeze %dma_start3A_294 : memref<1x128xi32, #tpu.memory_space<vmem>> -> memref<128xi32, #tpu.memory_space<vmem>>
      %dma_start3A_296 = arith.constant 0 : i32
      %dma_start3A_297 = tpu.memref_slice %arg5[%dma_start3A_296] : memref<83968xf32, #tpu.memory_space<hbm>> -> memref<83968xf32, #tpu.memory_space<hbm>>
      tpu.enqueue_indirect_dma source(%dma_start3A_297 : memref<83968xf32, #tpu.memory_space<hbm>>) target(%dma_start3A_292 : memref<128xf32, #tpu.memory_space<vmem>>) offsets(%dma_start3A_295 : memref<128xi32, #tpu.memory_space<vmem>>) semaphore(%arg32 : memref<!tpu.dma_semaphore, #tpu.memory_space<semaphore_mem>>)
      %dma_start3A_298 = arith.constant 4 : i32
      %dma_start3A_299 = arith.constant 512 : i32
      %dma_start3A_300 = tpu.memref_slice %arg16[%dma_start3A_299] : memref<1024xf32, #tpu.memory_space<vmem>> -> memref<128xf32, #tpu.memory_space<vmem>>
      %dma_start3A_301 = arith.constant 0 : i32
      %dma_start3A_302 = tpu.memref_slice %arg12[%dma_start3A_298, %dma_start3A_301] : memref<8x128xi32, #tpu.memory_space<vmem>> -> memref<1x128xi32, #tpu.memory_space<vmem>>
      %dma_start3A_303 = tpu.memref_squeeze %dma_start3A_302 : memref<1x128xi32, #tpu.memory_space<vmem>> -> memref<128xi32, #tpu.memory_space<vmem>>
      %dma_start3A_304 = arith.constant 0 : i32
      %dma_start3A_305 = tpu.memref_slice %arg6[%dma_start3A_304] : memref<83968xf32, #tpu.memory_space<hbm>> -> memref<83968xf32, #tpu.memory_space<hbm>>
      tpu.enqueue_indirect_dma source(%dma_start3A_305 : memref<83968xf32, #tpu.memory_space<hbm>>) target(%dma_start3A_300 : memref<128xf32, #tpu.memory_space<vmem>>) offsets(%dma_start3A_303 : memref<128xi32, #tpu.memory_space<vmem>>) semaphore(%arg33 : memref<!tpu.dma_semaphore, #tpu.memory_space<semaphore_mem>>)
      %dma_start3A_306 = arith.constant 4 : i32
      %dma_start3A_307 = arith.constant 512 : i32
      %dma_start3A_308 = tpu.memref_slice %arg17[%dma_start3A_307] : memref<1024xf32, #tpu.memory_space<vmem>> -> memref<128xf32, #tpu.memory_space<vmem>>
      %dma_start3A_309 = arith.constant 0 : i32
      %dma_start3A_310 = tpu.memref_slice %arg12[%dma_start3A_306, %dma_start3A_309] : memref<8x128xi32, #tpu.memory_space<vmem>> -> memref<1x128xi32, #tpu.memory_space<vmem>>
      %dma_start3A_311 = tpu.memref_squeeze %dma_start3A_310 : memref<1x128xi32, #tpu.memory_space<vmem>> -> memref<128xi32, #tpu.memory_space<vmem>>
      %dma_start3A_312 = arith.constant 0 : i32
      %dma_start3A_313 = tpu.memref_slice %arg7[%dma_start3A_312] : memref<83968xf32, #tpu.memory_space<hbm>> -> memref<83968xf32, #tpu.memory_space<hbm>>
      tpu.enqueue_indirect_dma source(%dma_start3A_313 : memref<83968xf32, #tpu.memory_space<hbm>>) target(%dma_start3A_308 : memref<128xf32, #tpu.memory_space<vmem>>) offsets(%dma_start3A_311 : memref<128xi32, #tpu.memory_space<vmem>>) semaphore(%arg34 : memref<!tpu.dma_semaphore, #tpu.memory_space<semaphore_mem>>)
      %dma_start3A_314 = arith.constant 4 : i32
      %dma_start3A_315 = arith.constant 512 : i32
      %dma_start3A_316 = tpu.memref_slice %arg18[%dma_start3A_315] : memref<1024xf32, #tpu.memory_space<vmem>> -> memref<128xf32, #tpu.memory_space<vmem>>
      %dma_start3A_317 = arith.constant 0 : i32
      %dma_start3A_318 = tpu.memref_slice %arg12[%dma_start3A_314, %dma_start3A_317] : memref<8x128xi32, #tpu.memory_space<vmem>> -> memref<1x128xi32, #tpu.memory_space<vmem>>
      %dma_start3A_319 = tpu.memref_squeeze %dma_start3A_318 : memref<1x128xi32, #tpu.memory_space<vmem>> -> memref<128xi32, #tpu.memory_space<vmem>>
      %dma_start3A_320 = arith.constant 0 : i32
      %dma_start3A_321 = tpu.memref_slice %arg8[%dma_start3A_320] : memref<83968xf32, #tpu.memory_space<hbm>> -> memref<83968xf32, #tpu.memory_space<hbm>>
      tpu.enqueue_indirect_dma source(%dma_start3A_321 : memref<83968xf32, #tpu.memory_space<hbm>>) target(%dma_start3A_316 : memref<128xf32, #tpu.memory_space<vmem>>) offsets(%dma_start3A_319 : memref<128xi32, #tpu.memory_space<vmem>>) semaphore(%arg35 : memref<!tpu.dma_semaphore, #tpu.memory_space<semaphore_mem>>)
      %dma_start3A_322 = arith.constant 4 : i32
      %dma_start3A_323 = arith.constant 512 : i32
      %dma_start3A_324 = tpu.memref_slice %arg19[%dma_start3A_323] : memref<1024xf32, #tpu.memory_space<vmem>> -> memref<128xf32, #tpu.memory_space<vmem>>
      %dma_start3A_325 = arith.constant 0 : i32
      %dma_start3A_326 = tpu.memref_slice %arg12[%dma_start3A_322, %dma_start3A_325] : memref<8x128xi32, #tpu.memory_space<vmem>> -> memref<1x128xi32, #tpu.memory_space<vmem>>
      %dma_start3A_327 = tpu.memref_squeeze %dma_start3A_326 : memref<1x128xi32, #tpu.memory_space<vmem>> -> memref<128xi32, #tpu.memory_space<vmem>>
      %dma_start3A_328 = arith.constant 0 : i32
      %dma_start3A_329 = tpu.memref_slice %arg9[%dma_start3A_328] : memref<83968xf32, #tpu.memory_space<hbm>> -> memref<83968xf32, #tpu.memory_space<hbm>>
      tpu.enqueue_indirect_dma source(%dma_start3A_329 : memref<83968xf32, #tpu.memory_space<hbm>>) target(%dma_start3A_324 : memref<128xf32, #tpu.memory_space<vmem>>) offsets(%dma_start3A_327 : memref<128xi32, #tpu.memory_space<vmem>>) semaphore(%arg36 : memref<!tpu.dma_semaphore, #tpu.memory_space<semaphore_mem>>)
      %dma_start3A_330 = arith.constant 5 : i32
      %dma_start3A_331 = arith.constant 640 : i32
      %dma_start3A_332 = tpu.memref_slice %arg14[%dma_start3A_331] : memref<1024xf32, #tpu.memory_space<vmem>> -> memref<128xf32, #tpu.memory_space<vmem>>
      %dma_start3A_333 = arith.constant 0 : i32
      %dma_start3A_334 = tpu.memref_slice %arg12[%dma_start3A_330, %dma_start3A_333] : memref<8x128xi32, #tpu.memory_space<vmem>> -> memref<1x128xi32, #tpu.memory_space<vmem>>
      %dma_start3A_335 = tpu.memref_squeeze %dma_start3A_334 : memref<1x128xi32, #tpu.memory_space<vmem>> -> memref<128xi32, #tpu.memory_space<vmem>>
      %dma_start3A_336 = arith.constant 0 : i32
      %dma_start3A_337 = tpu.memref_slice %arg4[%dma_start3A_336] : memref<83968xf32, #tpu.memory_space<hbm>> -> memref<83968xf32, #tpu.memory_space<hbm>>
      tpu.enqueue_indirect_dma source(%dma_start3A_337 : memref<83968xf32, #tpu.memory_space<hbm>>) target(%dma_start3A_332 : memref<128xf32, #tpu.memory_space<vmem>>) offsets(%dma_start3A_335 : memref<128xi32, #tpu.memory_space<vmem>>) semaphore(%arg31 : memref<!tpu.dma_semaphore, #tpu.memory_space<semaphore_mem>>)
      %dma_start3A_338 = arith.constant 5 : i32
      %dma_start3A_339 = arith.constant 640 : i32
      %dma_start3A_340 = tpu.memref_slice %arg15[%dma_start3A_339] : memref<1024xf32, #tpu.memory_space<vmem>> -> memref<128xf32, #tpu.memory_space<vmem>>
      %dma_start3A_341 = arith.constant 0 : i32
      %dma_start3A_342 = tpu.memref_slice %arg13[%dma_start3A_338, %dma_start3A_341] : memref<8x128xi32, #tpu.memory_space<vmem>> -> memref<1x128xi32, #tpu.memory_space<vmem>>
      %dma_start3A_343 = tpu.memref_squeeze %dma_start3A_342 : memref<1x128xi32, #tpu.memory_space<vmem>> -> memref<128xi32, #tpu.memory_space<vmem>>
      %dma_start3A_344 = arith.constant 0 : i32
      %dma_start3A_345 = tpu.memref_slice %arg5[%dma_start3A_344] : memref<83968xf32, #tpu.memory_space<hbm>> -> memref<83968xf32, #tpu.memory_space<hbm>>
      tpu.enqueue_indirect_dma source(%dma_start3A_345 : memref<83968xf32, #tpu.memory_space<hbm>>) target(%dma_start3A_340 : memref<128xf32, #tpu.memory_space<vmem>>) offsets(%dma_start3A_343 : memref<128xi32, #tpu.memory_space<vmem>>) semaphore(%arg32 : memref<!tpu.dma_semaphore, #tpu.memory_space<semaphore_mem>>)
      %dma_start3A_346 = arith.constant 5 : i32
      %dma_start3A_347 = arith.constant 640 : i32
      %dma_start3A_348 = tpu.memref_slice %arg16[%dma_start3A_347] : memref<1024xf32, #tpu.memory_space<vmem>> -> memref<128xf32, #tpu.memory_space<vmem>>
      %dma_start3A_349 = arith.constant 0 : i32
      %dma_start3A_350 = tpu.memref_slice %arg12[%dma_start3A_346, %dma_start3A_349] : memref<8x128xi32, #tpu.memory_space<vmem>> -> memref<1x128xi32, #tpu.memory_space<vmem>>
      %dma_start3A_351 = tpu.memref_squeeze %dma_start3A_350 : memref<1x128xi32, #tpu.memory_space<vmem>> -> memref<128xi32, #tpu.memory_space<vmem>>
      %dma_start3A_352 = arith.constant 0 : i32
      %dma_start3A_353 = tpu.memref_slice %arg6[%dma_start3A_352] : memref<83968xf32, #tpu.memory_space<hbm>> -> memref<83968xf32, #tpu.memory_space<hbm>>
      tpu.enqueue_indirect_dma source(%dma_start3A_353 : memref<83968xf32, #tpu.memory_space<hbm>>) target(%dma_start3A_348 : memref<128xf32, #tpu.memory_space<vmem>>) offsets(%dma_start3A_351 : memref<128xi32, #tpu.memory_space<vmem>>) semaphore(%arg33 : memref<!tpu.dma_semaphore, #tpu.memory_space<semaphore_mem>>)
      %dma_start3A_354 = arith.constant 5 : i32
      %dma_start3A_355 = arith.constant 640 : i32
      %dma_start3A_356 = tpu.memref_slice %arg17[%dma_start3A_355] : memref<1024xf32, #tpu.memory_space<vmem>> -> memref<128xf32, #tpu.memory_space<vmem>>
      %dma_start3A_357 = arith.constant 0 : i32
      %dma_start3A_358 = tpu.memref_slice %arg12[%dma_start3A_354, %dma_start3A_357] : memref<8x128xi32, #tpu.memory_space<vmem>> -> memref<1x128xi32, #tpu.memory_space<vmem>>
      %dma_start3A_359 = tpu.memref_squeeze %dma_start3A_358 : memref<1x128xi32, #tpu.memory_space<vmem>> -> memref<128xi32, #tpu.memory_space<vmem>>
      %dma_start3A_360 = arith.constant 0 : i32
      %dma_start3A_361 = tpu.memref_slice %arg7[%dma_start3A_360] : memref<83968xf32, #tpu.memory_space<hbm>> -> memref<83968xf32, #tpu.memory_space<hbm>>
      tpu.enqueue_indirect_dma source(%dma_start3A_361 : memref<83968xf32, #tpu.memory_space<hbm>>) target(%dma_start3A_356 : memref<128xf32, #tpu.memory_space<vmem>>) offsets(%dma_start3A_359 : memref<128xi32, #tpu.memory_space<vmem>>) semaphore(%arg34 : memref<!tpu.dma_semaphore, #tpu.memory_space<semaphore_mem>>)
      %dma_start3A_362 = arith.constant 5 : i32
      %dma_start3A_363 = arith.constant 640 : i32
      %dma_start3A_364 = tpu.memref_slice %arg18[%dma_start3A_363] : memref<1024xf32, #tpu.memory_space<vmem>> -> memref<128xf32, #tpu.memory_space<vmem>>
      %dma_start3A_365 = arith.constant 0 : i32
      %dma_start3A_366 = tpu.memref_slice %arg12[%dma_start3A_362, %dma_start3A_365] : memref<8x128xi32, #tpu.memory_space<vmem>> -> memref<1x128xi32, #tpu.memory_space<vmem>>
      %dma_start3A_367 = tpu.memref_squeeze %dma_start3A_366 : memref<1x128xi32, #tpu.memory_space<vmem>> -> memref<128xi32, #tpu.memory_space<vmem>>
      %dma_start3A_368 = arith.constant 0 : i32
      %dma_start3A_369 = tpu.memref_slice %arg8[%dma_start3A_368] : memref<83968xf32, #tpu.memory_space<hbm>> -> memref<83968xf32, #tpu.memory_space<hbm>>
      tpu.enqueue_indirect_dma source(%dma_start3A_369 : memref<83968xf32, #tpu.memory_space<hbm>>) target(%dma_start3A_364 : memref<128xf32, #tpu.memory_space<vmem>>) offsets(%dma_start3A_367 : memref<128xi32, #tpu.memory_space<vmem>>) semaphore(%arg35 : memref<!tpu.dma_semaphore, #tpu.memory_space<semaphore_mem>>)
      %dma_start3A_370 = arith.constant 5 : i32
      %dma_start3A_371 = arith.constant 640 : i32
      %dma_start3A_372 = tpu.memref_slice %arg19[%dma_start3A_371] : memref<1024xf32, #tpu.memory_space<vmem>> -> memref<128xf32, #tpu.memory_space<vmem>>
      %dma_start3A_373 = arith.constant 0 : i32
      %dma_start3A_374 = tpu.memref_slice %arg12[%dma_start3A_370, %dma_start3A_373] : memref<8x128xi32, #tpu.memory_space<vmem>> -> memref<1x128xi32, #tpu.memory_space<vmem>>
      %dma_start3A_375 = tpu.memref_squeeze %dma_start3A_374 : memref<1x128xi32, #tpu.memory_space<vmem>> -> memref<128xi32, #tpu.memory_space<vmem>>
      %dma_start3A_376 = arith.constant 0 : i32
      %dma_start3A_377 = tpu.memref_slice %arg9[%dma_start3A_376] : memref<83968xf32, #tpu.memory_space<hbm>> -> memref<83968xf32, #tpu.memory_space<hbm>>
      tpu.enqueue_indirect_dma source(%dma_start3A_377 : memref<83968xf32, #tpu.memory_space<hbm>>) target(%dma_start3A_372 : memref<128xf32, #tpu.memory_space<vmem>>) offsets(%dma_start3A_375 : memref<128xi32, #tpu.memory_space<vmem>>) semaphore(%arg36 : memref<!tpu.dma_semaphore, #tpu.memory_space<semaphore_mem>>)
      %dma_start3A_378 = arith.constant 6 : i32
      %dma_start3A_379 = arith.constant 768 : i32
      %dma_start3A_380 = tpu.memref_slice %arg14[%dma_start3A_379] : memref<1024xf32, #tpu.memory_space<vmem>> -> memref<128xf32, #tpu.memory_space<vmem>>
      %dma_start3A_381 = arith.constant 0 : i32
      %dma_start3A_382 = tpu.memref_slice %arg12[%dma_start3A_378, %dma_start3A_381] : memref<8x128xi32, #tpu.memory_space<vmem>> -> memref<1x128xi32, #tpu.memory_space<vmem>>
      %dma_start3A_383 = tpu.memref_squeeze %dma_start3A_382 : memref<1x128xi32, #tpu.memory_space<vmem>> -> memref<128xi32, #tpu.memory_space<vmem>>
      %dma_start3A_384 = arith.constant 0 : i32
      %dma_start3A_385 = tpu.memref_slice %arg4[%dma_start3A_384] : memref<83968xf32, #tpu.memory_space<hbm>> -> memref<83968xf32, #tpu.memory_space<hbm>>
      tpu.enqueue_indirect_dma source(%dma_start3A_385 : memref<83968xf32, #tpu.memory_space<hbm>>) target(%dma_start3A_380 : memref<128xf32, #tpu.memory_space<vmem>>) offsets(%dma_start3A_383 : memref<128xi32, #tpu.memory_space<vmem>>) semaphore(%arg31 : memref<!tpu.dma_semaphore, #tpu.memory_space<semaphore_mem>>)
      %dma_start3A_386 = arith.constant 6 : i32
      %dma_start3A_387 = arith.constant 768 : i32
      %dma_start3A_388 = tpu.memref_slice %arg15[%dma_start3A_387] : memref<1024xf32, #tpu.memory_space<vmem>> -> memref<128xf32, #tpu.memory_space<vmem>>
      %dma_start3A_389 = arith.constant 0 : i32
      %dma_start3A_390 = tpu.memref_slice %arg13[%dma_start3A_386, %dma_start3A_389] : memref<8x128xi32, #tpu.memory_space<vmem>> -> memref<1x128xi32, #tpu.memory_space<vmem>>
      %dma_start3A_391 = tpu.memref_squeeze %dma_start3A_390 : memref<1x128xi32, #tpu.memory_space<vmem>> -> memref<128xi32, #tpu.memory_space<vmem>>
      %dma_start3A_392 = arith.constant 0 : i32
      %dma_start3A_393 = tpu.memref_slice %arg5[%dma_start3A_392] : memref<83968xf32, #tpu.memory_space<hbm>> -> memref<83968xf32, #tpu.memory_space<hbm>>
      tpu.enqueue_indirect_dma source(%dma_start3A_393 : memref<83968xf32, #tpu.memory_space<hbm>>) target(%dma_start3A_388 : memref<128xf32, #tpu.memory_space<vmem>>) offsets(%dma_start3A_391 : memref<128xi32, #tpu.memory_space<vmem>>) semaphore(%arg32 : memref<!tpu.dma_semaphore, #tpu.memory_space<semaphore_mem>>)
      %dma_start3A_394 = arith.constant 6 : i32
      %dma_start3A_395 = arith.constant 768 : i32
      %dma_start3A_396 = tpu.memref_slice %arg16[%dma_start3A_395] : memref<1024xf32, #tpu.memory_space<vmem>> -> memref<128xf32, #tpu.memory_space<vmem>>
      %dma_start3A_397 = arith.constant 0 : i32
      %dma_start3A_398 = tpu.memref_slice %arg12[%dma_start3A_394, %dma_start3A_397] : memref<8x128xi32, #tpu.memory_space<vmem>> -> memref<1x128xi32, #tpu.memory_space<vmem>>
      %dma_start3A_399 = tpu.memref_squeeze %dma_start3A_398 : memref<1x128xi32, #tpu.memory_space<vmem>> -> memref<128xi32, #tpu.memory_space<vmem>>
      %dma_start3A_400 = arith.constant 0 : i32
      %dma_start3A_401 = tpu.memref_slice %arg6[%dma_start3A_400] : memref<83968xf32, #tpu.memory_space<hbm>> -> memref<83968xf32, #tpu.memory_space<hbm>>
      tpu.enqueue_indirect_dma source(%dma_start3A_401 : memref<83968xf32, #tpu.memory_space<hbm>>) target(%dma_start3A_396 : memref<128xf32, #tpu.memory_space<vmem>>) offsets(%dma_start3A_399 : memref<128xi32, #tpu.memory_space<vmem>>) semaphore(%arg33 : memref<!tpu.dma_semaphore, #tpu.memory_space<semaphore_mem>>)
      %dma_start3A_402 = arith.constant 6 : i32
      %dma_start3A_403 = arith.constant 768 : i32
      %dma_start3A_404 = tpu.memref_slice %arg17[%dma_start3A_403] : memref<1024xf32, #tpu.memory_space<vmem>> -> memref<128xf32, #tpu.memory_space<vmem>>
      %dma_start3A_405 = arith.constant 0 : i32
      %dma_start3A_406 = tpu.memref_slice %arg12[%dma_start3A_402, %dma_start3A_405] : memref<8x128xi32, #tpu.memory_space<vmem>> -> memref<1x128xi32, #tpu.memory_space<vmem>>
      %dma_start3A_407 = tpu.memref_squeeze %dma_start3A_406 : memref<1x128xi32, #tpu.memory_space<vmem>> -> memref<128xi32, #tpu.memory_space<vmem>>
      %dma_start3A_408 = arith.constant 0 : i32
      %dma_start3A_409 = tpu.memref_slice %arg7[%dma_start3A_408] : memref<83968xf32, #tpu.memory_space<hbm>> -> memref<83968xf32, #tpu.memory_space<hbm>>
      tpu.enqueue_indirect_dma source(%dma_start3A_409 : memref<83968xf32, #tpu.memory_space<hbm>>) target(%dma_start3A_404 : memref<128xf32, #tpu.memory_space<vmem>>) offsets(%dma_start3A_407 : memref<128xi32, #tpu.memory_space<vmem>>) semaphore(%arg34 : memref<!tpu.dma_semaphore, #tpu.memory_space<semaphore_mem>>)
      %dma_start3A_410 = arith.constant 6 : i32
      %dma_start3A_411 = arith.constant 768 : i32
      %dma_start3A_412 = tpu.memref_slice %arg18[%dma_start3A_411] : memref<1024xf32, #tpu.memory_space<vmem>> -> memref<128xf32, #tpu.memory_space<vmem>>
      %dma_start3A_413 = arith.constant 0 : i32
      %dma_start3A_414 = tpu.memref_slice %arg12[%dma_start3A_410, %dma_start3A_413] : memref<8x128xi32, #tpu.memory_space<vmem>> -> memref<1x128xi32, #tpu.memory_space<vmem>>
      %dma_start3A_415 = tpu.memref_squeeze %dma_start3A_414 : memref<1x128xi32, #tpu.memory_space<vmem>> -> memref<128xi32, #tpu.memory_space<vmem>>
      %dma_start3A_416 = arith.constant 0 : i32
      %dma_start3A_417 = tpu.memref_slice %arg8[%dma_start3A_416] : memref<83968xf32, #tpu.memory_space<hbm>> -> memref<83968xf32, #tpu.memory_space<hbm>>
      tpu.enqueue_indirect_dma source(%dma_start3A_417 : memref<83968xf32, #tpu.memory_space<hbm>>) target(%dma_start3A_412 : memref<128xf32, #tpu.memory_space<vmem>>) offsets(%dma_start3A_415 : memref<128xi32, #tpu.memory_space<vmem>>) semaphore(%arg35 : memref<!tpu.dma_semaphore, #tpu.memory_space<semaphore_mem>>)
      %dma_start3A_418 = arith.constant 6 : i32
      %dma_start3A_419 = arith.constant 768 : i32
      %dma_start3A_420 = tpu.memref_slice %arg19[%dma_start3A_419] : memref<1024xf32, #tpu.memory_space<vmem>> -> memref<128xf32, #tpu.memory_space<vmem>>
      %dma_start3A_421 = arith.constant 0 : i32
      %dma_start3A_422 = tpu.memref_slice %arg12[%dma_start3A_418, %dma_start3A_421] : memref<8x128xi32, #tpu.memory_space<vmem>> -> memref<1x128xi32, #tpu.memory_space<vmem>>
      %dma_start3A_423 = tpu.memref_squeeze %dma_start3A_422 : memref<1x128xi32, #tpu.memory_space<vmem>> -> memref<128xi32, #tpu.memory_space<vmem>>
      %dma_start3A_424 = arith.constant 0 : i32
      %dma_start3A_425 = tpu.memref_slice %arg9[%dma_start3A_424] : memref<83968xf32, #tpu.memory_space<hbm>> -> memref<83968xf32, #tpu.memory_space<hbm>>
      tpu.enqueue_indirect_dma source(%dma_start3A_425 : memref<83968xf32, #tpu.memory_space<hbm>>) target(%dma_start3A_420 : memref<128xf32, #tpu.memory_space<vmem>>) offsets(%dma_start3A_423 : memref<128xi32, #tpu.memory_space<vmem>>) semaphore(%arg36 : memref<!tpu.dma_semaphore, #tpu.memory_space<semaphore_mem>>)
      %dma_start3A_426 = arith.constant 7 : i32
      %dma_start3A_427 = arith.constant 896 : i32
      %dma_start3A_428 = tpu.memref_slice %arg14[%dma_start3A_427] : memref<1024xf32, #tpu.memory_space<vmem>> -> memref<128xf32, #tpu.memory_space<vmem>>
      %dma_start3A_429 = arith.constant 0 : i32
      %dma_start3A_430 = tpu.memref_slice %arg12[%dma_start3A_426, %dma_start3A_429] : memref<8x128xi32, #tpu.memory_space<vmem>> -> memref<1x128xi32, #tpu.memory_space<vmem>>
      %dma_start3A_431 = tpu.memref_squeeze %dma_start3A_430 : memref<1x128xi32, #tpu.memory_space<vmem>> -> memref<128xi32, #tpu.memory_space<vmem>>
      %dma_start3A_432 = arith.constant 0 : i32
      %dma_start3A_433 = tpu.memref_slice %arg4[%dma_start3A_432] : memref<83968xf32, #tpu.memory_space<hbm>> -> memref<83968xf32, #tpu.memory_space<hbm>>
      tpu.enqueue_indirect_dma source(%dma_start3A_433 : memref<83968xf32, #tpu.memory_space<hbm>>) target(%dma_start3A_428 : memref<128xf32, #tpu.memory_space<vmem>>) offsets(%dma_start3A_431 : memref<128xi32, #tpu.memory_space<vmem>>) semaphore(%arg31 : memref<!tpu.dma_semaphore, #tpu.memory_space<semaphore_mem>>)
      %dma_start3A_434 = arith.constant 7 : i32
      %dma_start3A_435 = arith.constant 896 : i32
      %dma_start3A_436 = tpu.memref_slice %arg15[%dma_start3A_435] : memref<1024xf32, #tpu.memory_space<vmem>> -> memref<128xf32, #tpu.memory_space<vmem>>
      %dma_start3A_437 = arith.constant 0 : i32
      %dma_start3A_438 = tpu.memref_slice %arg13[%dma_start3A_434, %dma_start3A_437] : memref<8x128xi32, #tpu.memory_space<vmem>> -> memref<1x128xi32, #tpu.memory_space<vmem>>
      %dma_start3A_439 = tpu.memref_squeeze %dma_start3A_438 : memref<1x128xi32, #tpu.memory_space<vmem>> -> memref<128xi32, #tpu.memory_space<vmem>>
      %dma_start3A_440 = arith.constant 0 : i32
      %dma_start3A_441 = tpu.memref_slice %arg5[%dma_start3A_440] : memref<83968xf32, #tpu.memory_space<hbm>> -> memref<83968xf32, #tpu.memory_space<hbm>>
      tpu.enqueue_indirect_dma source(%dma_start3A_441 : memref<83968xf32, #tpu.memory_space<hbm>>) target(%dma_start3A_436 : memref<128xf32, #tpu.memory_space<vmem>>) offsets(%dma_start3A_439 : memref<128xi32, #tpu.memory_space<vmem>>) semaphore(%arg32 : memref<!tpu.dma_semaphore, #tpu.memory_space<semaphore_mem>>)
      %dma_start3A_442 = arith.constant 7 : i32
      %dma_start3A_443 = arith.constant 896 : i32
      %dma_start3A_444 = tpu.memref_slice %arg16[%dma_start3A_443] : memref<1024xf32, #tpu.memory_space<vmem>> -> memref<128xf32, #tpu.memory_space<vmem>>
      %dma_start3A_445 = arith.constant 0 : i32
      %dma_start3A_446 = tpu.memref_slice %arg12[%dma_start3A_442, %dma_start3A_445] : memref<8x128xi32, #tpu.memory_space<vmem>> -> memref<1x128xi32, #tpu.memory_space<vmem>>
      %dma_start3A_447 = tpu.memref_squeeze %dma_start3A_446 : memref<1x128xi32, #tpu.memory_space<vmem>> -> memref<128xi32, #tpu.memory_space<vmem>>
      %dma_start3A_448 = arith.constant 0 : i32
      %dma_start3A_449 = tpu.memref_slice %arg6[%dma_start3A_448] : memref<83968xf32, #tpu.memory_space<hbm>> -> memref<83968xf32, #tpu.memory_space<hbm>>
      tpu.enqueue_indirect_dma source(%dma_start3A_449 : memref<83968xf32, #tpu.memory_space<hbm>>) target(%dma_start3A_444 : memref<128xf32, #tpu.memory_space<vmem>>) offsets(%dma_start3A_447 : memref<128xi32, #tpu.memory_space<vmem>>) semaphore(%arg33 : memref<!tpu.dma_semaphore, #tpu.memory_space<semaphore_mem>>)
      %dma_start3A_450 = arith.constant 7 : i32
      %dma_start3A_451 = arith.constant 896 : i32
      %dma_start3A_452 = tpu.memref_slice %arg17[%dma_start3A_451] : memref<1024xf32, #tpu.memory_space<vmem>> -> memref<128xf32, #tpu.memory_space<vmem>>
      %dma_start3A_453 = arith.constant 0 : i32
      %dma_start3A_454 = tpu.memref_slice %arg12[%dma_start3A_450, %dma_start3A_453] : memref<8x128xi32, #tpu.memory_space<vmem>> -> memref<1x128xi32, #tpu.memory_space<vmem>>
      %dma_start3A_455 = tpu.memref_squeeze %dma_start3A_454 : memref<1x128xi32, #tpu.memory_space<vmem>> -> memref<128xi32, #tpu.memory_space<vmem>>
      %dma_start3A_456 = arith.constant 0 : i32
      %dma_start3A_457 = tpu.memref_slice %arg7[%dma_start3A_456] : memref<83968xf32, #tpu.memory_space<hbm>> -> memref<83968xf32, #tpu.memory_space<hbm>>
      tpu.enqueue_indirect_dma source(%dma_start3A_457 : memref<83968xf32, #tpu.memory_space<hbm>>) target(%dma_start3A_452 : memref<128xf32, #tpu.memory_space<vmem>>) offsets(%dma_start3A_455 : memref<128xi32, #tpu.memory_space<vmem>>) semaphore(%arg34 : memref<!tpu.dma_semaphore, #tpu.memory_space<semaphore_mem>>)
      %dma_start3A_458 = arith.constant 7 : i32
      %dma_start3A_459 = arith.constant 896 : i32
      %dma_start3A_460 = tpu.memref_slice %arg18[%dma_start3A_459] : memref<1024xf32, #tpu.memory_space<vmem>> -> memref<128xf32, #tpu.memory_space<vmem>>
      %dma_start3A_461 = arith.constant 0 : i32
      %dma_start3A_462 = tpu.memref_slice %arg12[%dma_start3A_458, %dma_start3A_461] : memref<8x128xi32, #tpu.memory_space<vmem>> -> memref<1x128xi32, #tpu.memory_space<vmem>>
      %dma_start3A_463 = tpu.memref_squeeze %dma_start3A_462 : memref<1x128xi32, #tpu.memory_space<vmem>> -> memref<128xi32, #tpu.memory_space<vmem>>
      %dma_start3A_464 = arith.constant 0 : i32
      %dma_start3A_465 = tpu.memref_slice %arg8[%dma_start3A_464] : memref<83968xf32, #tpu.memory_space<hbm>> -> memref<83968xf32, #tpu.memory_space<hbm>>
      tpu.enqueue_indirect_dma source(%dma_start3A_465 : memref<83968xf32, #tpu.memory_space<hbm>>) target(%dma_start3A_460 : memref<128xf32, #tpu.memory_space<vmem>>) offsets(%dma_start3A_463 : memref<128xi32, #tpu.memory_space<vmem>>) semaphore(%arg35 : memref<!tpu.dma_semaphore, #tpu.memory_space<semaphore_mem>>)
      %dma_start3A_466 = arith.constant 7 : i32
      %dma_start3A_467 = arith.constant 896 : i32
      %dma_start3A_468 = tpu.memref_slice %arg19[%dma_start3A_467] : memref<1024xf32, #tpu.memory_space<vmem>> -> memref<128xf32, #tpu.memory_space<vmem>>
      %dma_start3A_469 = arith.constant 0 : i32
      %dma_start3A_470 = tpu.memref_slice %arg12[%dma_start3A_466, %dma_start3A_469] : memref<8x128xi32, #tpu.memory_space<vmem>> -> memref<1x128xi32, #tpu.memory_space<vmem>>
      %dma_start3A_471 = tpu.memref_squeeze %dma_start3A_470 : memref<1x128xi32, #tpu.memory_space<vmem>> -> memref<128xi32, #tpu.memory_space<vmem>>
      %dma_start3A_472 = arith.constant 0 : i32
      %dma_start3A_473 = tpu.memref_slice %arg9[%dma_start3A_472] : memref<83968xf32, #tpu.memory_space<hbm>> -> memref<83968xf32, #tpu.memory_space<hbm>>
      tpu.enqueue_indirect_dma source(%dma_start3A_473 : memref<83968xf32, #tpu.memory_space<hbm>>) target(%dma_start3A_468 : memref<128xf32, #tpu.memory_space<vmem>>) offsets(%dma_start3A_471 : memref<128xi32, #tpu.memory_space<vmem>>) semaphore(%arg36 : memref<!tpu.dma_semaphore, #tpu.memory_space<semaphore_mem>>)
      %gt3A = arith.constant 0 : i32
      %gt3A_474 = arith.cmpi sgt, %scan3A_87, %gt3A : i32
      %convert_element_type3A = arith.extui %gt3A_474 : i1 to i32
      %cond3A = arith.constant 0 : i32
      %cond3A_475 = arith.cmpi ne, %convert_element_type3A, %cond3A : i32
      scf.if %cond3A_475 {
        %dma_wait3A_1186 = arith.constant 0 : i32
        %dma_wait3A_1187 = tpu.memref_slice %arg10[%dma_wait3A_1186] : memref<83968xf32, #tpu.memory_space<hbm>> -> memref<5120xf32, #tpu.memory_space<hbm>>
        %dma_wait3A_1188 = arith.constant 0 : i32
        %dma_wait3A_1189 = tpu.memref_slice %arg10[%dma_wait3A_1188] : memref<83968xf32, #tpu.memory_space<hbm>> -> memref<5120xf32, #tpu.memory_space<hbm>>
        tpu.wait_dma2 semaphore(%arg37 : memref<!tpu.dma_semaphore, #tpu.memory_space<semaphore_mem>>) src(%dma_wait3A_1189 : memref<5120xf32, #tpu.memory_space<hbm>>) dst(%arg25 : memref<5120xf32, #tpu.memory_space<vmem>>)
      } else {
      }
      %dma_wait3A_476 = arith.constant 0 : i32
      %dma_wait3A_477 = arith.constant 0 : i32
      %dma_wait3A_478 = tpu.memref_slice %arg14[%dma_wait3A_477] : memref<1024xf32, #tpu.memory_space<vmem>> -> memref<128xf32, #tpu.memory_space<vmem>>
      %dma_wait3A_479 = arith.constant 0 : i32
      %dma_wait3A_480 = tpu.memref_slice %arg12[%dma_wait3A_476, %dma_wait3A_479] : memref<8x128xi32, #tpu.memory_space<vmem>> -> memref<1x128xi32, #tpu.memory_space<vmem>>
      %dma_wait3A_481 = tpu.memref_squeeze %dma_wait3A_480 : memref<1x128xi32, #tpu.memory_space<vmem>> -> memref<128xi32, #tpu.memory_space<vmem>>
      %dma_wait3A_482 = arith.constant 0 : i32
      %dma_wait3A_483 = tpu.memref_slice %arg4[%dma_wait3A_482] : memref<83968xf32, #tpu.memory_space<hbm>> -> memref<83968xf32, #tpu.memory_space<hbm>>
      tpu.wait_indirect_dma semaphore(%arg31 : memref<!tpu.dma_semaphore, #tpu.memory_space<semaphore_mem>>) src(%dma_wait3A_483 : memref<83968xf32, #tpu.memory_space<hbm>>) dst(%dma_wait3A_478 : memref<128xf32, #tpu.memory_space<vmem>>)
      %dma_wait3A_484 = arith.constant 0 : i32
      %dma_wait3A_485 = arith.constant 0 : i32
      %dma_wait3A_486 = tpu.memref_slice %arg15[%dma_wait3A_485] : memref<1024xf32, #tpu.memory_space<vmem>> -> memref<128xf32, #tpu.memory_space<vmem>>
      %dma_wait3A_487 = arith.constant 0 : i32
      %dma_wait3A_488 = tpu.memref_slice %arg13[%dma_wait3A_484, %dma_wait3A_487] : memref<8x128xi32, #tpu.memory_space<vmem>> -> memref<1x128xi32, #tpu.memory_space<vmem>>
      %dma_wait3A_489 = tpu.memref_squeeze %dma_wait3A_488 : memref<1x128xi32, #tpu.memory_space<vmem>> -> memref<128xi32, #tpu.memory_space<vmem>>
      %dma_wait3A_490 = arith.constant 0 : i32
      %dma_wait3A_491 = tpu.memref_slice %arg5[%dma_wait3A_490] : memref<83968xf32, #tpu.memory_space<hbm>> -> memref<83968xf32, #tpu.memory_space<hbm>>
      tpu.wait_indirect_dma semaphore(%arg32 : memref<!tpu.dma_semaphore, #tpu.memory_space<semaphore_mem>>) src(%dma_wait3A_491 : memref<83968xf32, #tpu.memory_space<hbm>>) dst(%dma_wait3A_486 : memref<128xf32, #tpu.memory_space<vmem>>)
      %dma_wait3A_492 = arith.constant 0 : i32
      %dma_wait3A_493 = arith.constant 0 : i32
      %dma_wait3A_494 = tpu.memref_slice %arg16[%dma_wait3A_493] : memref<1024xf32, #tpu.memory_space<vmem>> -> memref<128xf32, #tpu.memory_space<vmem>>
      %dma_wait3A_495 = arith.constant 0 : i32
      %dma_wait3A_496 = tpu.memref_slice %arg12[%dma_wait3A_492, %dma_wait3A_495] : memref<8x128xi32, #tpu.memory_space<vmem>> -> memref<1x128xi32, #tpu.memory_space<vmem>>
      %dma_wait3A_497 = tpu.memref_squeeze %dma_wait3A_496 : memref<1x128xi32, #tpu.memory_space<vmem>> -> memref<128xi32, #tpu.memory_space<vmem>>
      %dma_wait3A_498 = arith.constant 0 : i32
      %dma_wait3A_499 = tpu.memref_slice %arg6[%dma_wait3A_498] : memref<83968xf32, #tpu.memory_space<hbm>> -> memref<83968xf32, #tpu.memory_space<hbm>>
      tpu.wait_indirect_dma semaphore(%arg33 : memref<!tpu.dma_semaphore, #tpu.memory_space<semaphore_mem>>) src(%dma_wait3A_499 : memref<83968xf32, #tpu.memory_space<hbm>>) dst(%dma_wait3A_494 : memref<128xf32, #tpu.memory_space<vmem>>)
      %dma_wait3A_500 = arith.constant 0 : i32
      %dma_wait3A_501 = arith.constant 0 : i32
      %dma_wait3A_502 = tpu.memref_slice %arg17[%dma_wait3A_501] : memref<1024xf32, #tpu.memory_space<vmem>> -> memref<128xf32, #tpu.memory_space<vmem>>
      %dma_wait3A_503 = arith.constant 0 : i32
      %dma_wait3A_504 = tpu.memref_slice %arg12[%dma_wait3A_500, %dma_wait3A_503] : memref<8x128xi32, #tpu.memory_space<vmem>> -> memref<1x128xi32, #tpu.memory_space<vmem>>
      %dma_wait3A_505 = tpu.memref_squeeze %dma_wait3A_504 : memref<1x128xi32, #tpu.memory_space<vmem>> -> memref<128xi32, #tpu.memory_space<vmem>>
      %dma_wait3A_506 = arith.constant 0 : i32
      %dma_wait3A_507 = tpu.memref_slice %arg7[%dma_wait3A_506] : memref<83968xf32, #tpu.memory_space<hbm>> -> memref<83968xf32, #tpu.memory_space<hbm>>
      tpu.wait_indirect_dma semaphore(%arg34 : memref<!tpu.dma_semaphore, #tpu.memory_space<semaphore_mem>>) src(%dma_wait3A_507 : memref<83968xf32, #tpu.memory_space<hbm>>) dst(%dma_wait3A_502 : memref<128xf32, #tpu.memory_space<vmem>>)
      %dma_wait3A_508 = arith.constant 0 : i32
      %dma_wait3A_509 = arith.constant 0 : i32
      %dma_wait3A_510 = tpu.memref_slice %arg18[%dma_wait3A_509] : memref<1024xf32, #tpu.memory_space<vmem>> -> memref<128xf32, #tpu.memory_space<vmem>>
      %dma_wait3A_511 = arith.constant 0 : i32
      %dma_wait3A_512 = tpu.memref_slice %arg12[%dma_wait3A_508, %dma_wait3A_511] : memref<8x128xi32, #tpu.memory_space<vmem>> -> memref<1x128xi32, #tpu.memory_space<vmem>>
      %dma_wait3A_513 = tpu.memref_squeeze %dma_wait3A_512 : memref<1x128xi32, #tpu.memory_space<vmem>> -> memref<128xi32, #tpu.memory_space<vmem>>
      %dma_wait3A_514 = arith.constant 0 : i32
      %dma_wait3A_515 = tpu.memref_slice %arg8[%dma_wait3A_514] : memref<83968xf32, #tpu.memory_space<hbm>> -> memref<83968xf32, #tpu.memory_space<hbm>>
      tpu.wait_indirect_dma semaphore(%arg35 : memref<!tpu.dma_semaphore, #tpu.memory_space<semaphore_mem>>) src(%dma_wait3A_515 : memref<83968xf32, #tpu.memory_space<hbm>>) dst(%dma_wait3A_510 : memref<128xf32, #tpu.memory_space<vmem>>)
      %dma_wait3A_516 = arith.constant 0 : i32
      %dma_wait3A_517 = arith.constant 0 : i32
      %dma_wait3A_518 = tpu.memref_slice %arg19[%dma_wait3A_517] : memref<1024xf32, #tpu.memory_space<vmem>> -> memref<128xf32, #tpu.memory_space<vmem>>
      %dma_wait3A_519 = arith.constant 0 : i32
      %dma_wait3A_520 = tpu.memref_slice %arg12[%dma_wait3A_516, %dma_wait3A_519] : memref<8x128xi32, #tpu.memory_space<vmem>> -> memref<1x128xi32, #tpu.memory_space<vmem>>
      %dma_wait3A_521 = tpu.memref_squeeze %dma_wait3A_520 : memref<1x128xi32, #tpu.memory_space<vmem>> -> memref<128xi32, #tpu.memory_space<vmem>>
      %dma_wait3A_522 = arith.constant 0 : i32
      %dma_wait3A_523 = tpu.memref_slice %arg9[%dma_wait3A_522] : memref<83968xf32, #tpu.memory_space<hbm>> -> memref<83968xf32, #tpu.memory_space<hbm>>
      tpu.wait_indirect_dma semaphore(%arg36 : memref<!tpu.dma_semaphore, #tpu.memory_space<semaphore_mem>>) src(%dma_wait3A_523 : memref<83968xf32, #tpu.memory_space<hbm>>) dst(%dma_wait3A_518 : memref<128xf32, #tpu.memory_space<vmem>>)
      %dma_wait3A_524 = arith.constant 1 : i32
      %dma_wait3A_525 = arith.constant 128 : i32
      %dma_wait3A_526 = tpu.memref_slice %arg14[%dma_wait3A_525] : memref<1024xf32, #tpu.memory_space<vmem>> -> memref<128xf32, #tpu.memory_space<vmem>>
      %dma_wait3A_527 = arith.constant 0 : i32
      %dma_wait3A_528 = tpu.memref_slice %arg12[%dma_wait3A_524, %dma_wait3A_527] : memref<8x128xi32, #tpu.memory_space<vmem>> -> memref<1x128xi32, #tpu.memory_space<vmem>>
      %dma_wait3A_529 = tpu.memref_squeeze %dma_wait3A_528 : memref<1x128xi32, #tpu.memory_space<vmem>> -> memref<128xi32, #tpu.memory_space<vmem>>
      %dma_wait3A_530 = arith.constant 0 : i32
      %dma_wait3A_531 = tpu.memref_slice %arg4[%dma_wait3A_530] : memref<83968xf32, #tpu.memory_space<hbm>> -> memref<83968xf32, #tpu.memory_space<hbm>>
      tpu.wait_indirect_dma semaphore(%arg31 : memref<!tpu.dma_semaphore, #tpu.memory_space<semaphore_mem>>) src(%dma_wait3A_531 : memref<83968xf32, #tpu.memory_space<hbm>>) dst(%dma_wait3A_526 : memref<128xf32, #tpu.memory_space<vmem>>)
      %dma_wait3A_532 = arith.constant 1 : i32
      %dma_wait3A_533 = arith.constant 128 : i32
      %dma_wait3A_534 = tpu.memref_slice %arg15[%dma_wait3A_533] : memref<1024xf32, #tpu.memory_space<vmem>> -> memref<128xf32, #tpu.memory_space<vmem>>
      %dma_wait3A_535 = arith.constant 0 : i32
      %dma_wait3A_536 = tpu.memref_slice %arg13[%dma_wait3A_532, %dma_wait3A_535] : memref<8x128xi32, #tpu.memory_space<vmem>> -> memref<1x128xi32, #tpu.memory_space<vmem>>
      %dma_wait3A_537 = tpu.memref_squeeze %dma_wait3A_536 : memref<1x128xi32, #tpu.memory_space<vmem>> -> memref<128xi32, #tpu.memory_space<vmem>>
      %dma_wait3A_538 = arith.constant 0 : i32
      %dma_wait3A_539 = tpu.memref_slice %arg5[%dma_wait3A_538] : memref<83968xf32, #tpu.memory_space<hbm>> -> memref<83968xf32, #tpu.memory_space<hbm>>
      tpu.wait_indirect_dma semaphore(%arg32 : memref<!tpu.dma_semaphore, #tpu.memory_space<semaphore_mem>>) src(%dma_wait3A_539 : memref<83968xf32, #tpu.memory_space<hbm>>) dst(%dma_wait3A_534 : memref<128xf32, #tpu.memory_space<vmem>>)
      %dma_wait3A_540 = arith.constant 1 : i32
      %dma_wait3A_541 = arith.constant 128 : i32
      %dma_wait3A_542 = tpu.memref_slice %arg16[%dma_wait3A_541] : memref<1024xf32, #tpu.memory_space<vmem>> -> memref<128xf32, #tpu.memory_space<vmem>>
      %dma_wait3A_543 = arith.constant 0 : i32
      %dma_wait3A_544 = tpu.memref_slice %arg12[%dma_wait3A_540, %dma_wait3A_543] : memref<8x128xi32, #tpu.memory_space<vmem>> -> memref<1x128xi32, #tpu.memory_space<vmem>>
      %dma_wait3A_545 = tpu.memref_squeeze %dma_wait3A_544 : memref<1x128xi32, #tpu.memory_space<vmem>> -> memref<128xi32, #tpu.memory_space<vmem>>
      %dma_wait3A_546 = arith.constant 0 : i32
      %dma_wait3A_547 = tpu.memref_slice %arg6[%dma_wait3A_546] : memref<83968xf32, #tpu.memory_space<hbm>> -> memref<83968xf32, #tpu.memory_space<hbm>>
      tpu.wait_indirect_dma semaphore(%arg33 : memref<!tpu.dma_semaphore, #tpu.memory_space<semaphore_mem>>) src(%dma_wait3A_547 : memref<83968xf32, #tpu.memory_space<hbm>>) dst(%dma_wait3A_542 : memref<128xf32, #tpu.memory_space<vmem>>)
      %dma_wait3A_548 = arith.constant 1 : i32
      %dma_wait3A_549 = arith.constant 128 : i32
      %dma_wait3A_550 = tpu.memref_slice %arg17[%dma_wait3A_549] : memref<1024xf32, #tpu.memory_space<vmem>> -> memref<128xf32, #tpu.memory_space<vmem>>
      %dma_wait3A_551 = arith.constant 0 : i32
      %dma_wait3A_552 = tpu.memref_slice %arg12[%dma_wait3A_548, %dma_wait3A_551] : memref<8x128xi32, #tpu.memory_space<vmem>> -> memref<1x128xi32, #tpu.memory_space<vmem>>
      %dma_wait3A_553 = tpu.memref_squeeze %dma_wait3A_552 : memref<1x128xi32, #tpu.memory_space<vmem>> -> memref<128xi32, #tpu.memory_space<vmem>>
      %dma_wait3A_554 = arith.constant 0 : i32
      %dma_wait3A_555 = tpu.memref_slice %arg7[%dma_wait3A_554] : memref<83968xf32, #tpu.memory_space<hbm>> -> memref<83968xf32, #tpu.memory_space<hbm>>
      tpu.wait_indirect_dma semaphore(%arg34 : memref<!tpu.dma_semaphore, #tpu.memory_space<semaphore_mem>>) src(%dma_wait3A_555 : memref<83968xf32, #tpu.memory_space<hbm>>) dst(%dma_wait3A_550 : memref<128xf32, #tpu.memory_space<vmem>>)
      %dma_wait3A_556 = arith.constant 1 : i32
      %dma_wait3A_557 = arith.constant 128 : i32
      %dma_wait3A_558 = tpu.memref_slice %arg18[%dma_wait3A_557] : memref<1024xf32, #tpu.memory_space<vmem>> -> memref<128xf32, #tpu.memory_space<vmem>>
      %dma_wait3A_559 = arith.constant 0 : i32
      %dma_wait3A_560 = tpu.memref_slice %arg12[%dma_wait3A_556, %dma_wait3A_559] : memref<8x128xi32, #tpu.memory_space<vmem>> -> memref<1x128xi32, #tpu.memory_space<vmem>>
      %dma_wait3A_561 = tpu.memref_squeeze %dma_wait3A_560 : memref<1x128xi32, #tpu.memory_space<vmem>> -> memref<128xi32, #tpu.memory_space<vmem>>
      %dma_wait3A_562 = arith.constant 0 : i32
      %dma_wait3A_563 = tpu.memref_slice %arg8[%dma_wait3A_562] : memref<83968xf32, #tpu.memory_space<hbm>> -> memref<83968xf32, #tpu.memory_space<hbm>>
      tpu.wait_indirect_dma semaphore(%arg35 : memref<!tpu.dma_semaphore, #tpu.memory_space<semaphore_mem>>) src(%dma_wait3A_563 : memref<83968xf32, #tpu.memory_space<hbm>>) dst(%dma_wait3A_558 : memref<128xf32, #tpu.memory_space<vmem>>)
      %dma_wait3A_564 = arith.constant 1 : i32
      %dma_wait3A_565 = arith.constant 128 : i32
      %dma_wait3A_566 = tpu.memref_slice %arg19[%dma_wait3A_565] : memref<1024xf32, #tpu.memory_space<vmem>> -> memref<128xf32, #tpu.memory_space<vmem>>
      %dma_wait3A_567 = arith.constant 0 : i32
      %dma_wait3A_568 = tpu.memref_slice %arg12[%dma_wait3A_564, %dma_wait3A_567] : memref<8x128xi32, #tpu.memory_space<vmem>> -> memref<1x128xi32, #tpu.memory_space<vmem>>
      %dma_wait3A_569 = tpu.memref_squeeze %dma_wait3A_568 : memref<1x128xi32, #tpu.memory_space<vmem>> -> memref<128xi32, #tpu.memory_space<vmem>>
      %dma_wait3A_570 = arith.constant 0 : i32
      %dma_wait3A_571 = tpu.memref_slice %arg9[%dma_wait3A_570] : memref<83968xf32, #tpu.memory_space<hbm>> -> memref<83968xf32, #tpu.memory_space<hbm>>
      tpu.wait_indirect_dma semaphore(%arg36 : memref<!tpu.dma_semaphore, #tpu.memory_space<semaphore_mem>>) src(%dma_wait3A_571 : memref<83968xf32, #tpu.memory_space<hbm>>) dst(%dma_wait3A_566 : memref<128xf32, #tpu.memory_space<vmem>>)
      %dma_wait3A_572 = arith.constant 2 : i32
      %dma_wait3A_573 = arith.constant 256 : i32
      %dma_wait3A_574 = tpu.memref_slice %arg14[%dma_wait3A_573] : memref<1024xf32, #tpu.memory_space<vmem>> -> memref<128xf32, #tpu.memory_space<vmem>>
      %dma_wait3A_575 = arith.constant 0 : i32
      %dma_wait3A_576 = tpu.memref_slice %arg12[%dma_wait3A_572, %dma_wait3A_575] : memref<8x128xi32, #tpu.memory_space<vmem>> -> memref<1x128xi32, #tpu.memory_space<vmem>>
      %dma_wait3A_577 = tpu.memref_squeeze %dma_wait3A_576 : memref<1x128xi32, #tpu.memory_space<vmem>> -> memref<128xi32, #tpu.memory_space<vmem>>
      %dma_wait3A_578 = arith.constant 0 : i32
      %dma_wait3A_579 = tpu.memref_slice %arg4[%dma_wait3A_578] : memref<83968xf32, #tpu.memory_space<hbm>> -> memref<83968xf32, #tpu.memory_space<hbm>>
      tpu.wait_indirect_dma semaphore(%arg31 : memref<!tpu.dma_semaphore, #tpu.memory_space<semaphore_mem>>) src(%dma_wait3A_579 : memref<83968xf32, #tpu.memory_space<hbm>>) dst(%dma_wait3A_574 : memref<128xf32, #tpu.memory_space<vmem>>)
      %dma_wait3A_580 = arith.constant 2 : i32
      %dma_wait3A_581 = arith.constant 256 : i32
      %dma_wait3A_582 = tpu.memref_slice %arg15[%dma_wait3A_581] : memref<1024xf32, #tpu.memory_space<vmem>> -> memref<128xf32, #tpu.memory_space<vmem>>
      %dma_wait3A_583 = arith.constant 0 : i32
      %dma_wait3A_584 = tpu.memref_slice %arg13[%dma_wait3A_580, %dma_wait3A_583] : memref<8x128xi32, #tpu.memory_space<vmem>> -> memref<1x128xi32, #tpu.memory_space<vmem>>
      %dma_wait3A_585 = tpu.memref_squeeze %dma_wait3A_584 : memref<1x128xi32, #tpu.memory_space<vmem>> -> memref<128xi32, #tpu.memory_space<vmem>>
      %dma_wait3A_586 = arith.constant 0 : i32
      %dma_wait3A_587 = tpu.memref_slice %arg5[%dma_wait3A_586] : memref<83968xf32, #tpu.memory_space<hbm>> -> memref<83968xf32, #tpu.memory_space<hbm>>
      tpu.wait_indirect_dma semaphore(%arg32 : memref<!tpu.dma_semaphore, #tpu.memory_space<semaphore_mem>>) src(%dma_wait3A_587 : memref<83968xf32, #tpu.memory_space<hbm>>) dst(%dma_wait3A_582 : memref<128xf32, #tpu.memory_space<vmem>>)
      %dma_wait3A_588 = arith.constant 2 : i32
      %dma_wait3A_589 = arith.constant 256 : i32
      %dma_wait3A_590 = tpu.memref_slice %arg16[%dma_wait3A_589] : memref<1024xf32, #tpu.memory_space<vmem>> -> memref<128xf32, #tpu.memory_space<vmem>>
      %dma_wait3A_591 = arith.constant 0 : i32
      %dma_wait3A_592 = tpu.memref_slice %arg12[%dma_wait3A_588, %dma_wait3A_591] : memref<8x128xi32, #tpu.memory_space<vmem>> -> memref<1x128xi32, #tpu.memory_space<vmem>>
      %dma_wait3A_593 = tpu.memref_squeeze %dma_wait3A_592 : memref<1x128xi32, #tpu.memory_space<vmem>> -> memref<128xi32, #tpu.memory_space<vmem>>
      %dma_wait3A_594 = arith.constant 0 : i32
      %dma_wait3A_595 = tpu.memref_slice %arg6[%dma_wait3A_594] : memref<83968xf32, #tpu.memory_space<hbm>> -> memref<83968xf32, #tpu.memory_space<hbm>>
      tpu.wait_indirect_dma semaphore(%arg33 : memref<!tpu.dma_semaphore, #tpu.memory_space<semaphore_mem>>) src(%dma_wait3A_595 : memref<83968xf32, #tpu.memory_space<hbm>>) dst(%dma_wait3A_590 : memref<128xf32, #tpu.memory_space<vmem>>)
      %dma_wait3A_596 = arith.constant 2 : i32
      %dma_wait3A_597 = arith.constant 256 : i32
      %dma_wait3A_598 = tpu.memref_slice %arg17[%dma_wait3A_597] : memref<1024xf32, #tpu.memory_space<vmem>> -> memref<128xf32, #tpu.memory_space<vmem>>
      %dma_wait3A_599 = arith.constant 0 : i32
      %dma_wait3A_600 = tpu.memref_slice %arg12[%dma_wait3A_596, %dma_wait3A_599] : memref<8x128xi32, #tpu.memory_space<vmem>> -> memref<1x128xi32, #tpu.memory_space<vmem>>
      %dma_wait3A_601 = tpu.memref_squeeze %dma_wait3A_600 : memref<1x128xi32, #tpu.memory_space<vmem>> -> memref<128xi32, #tpu.memory_space<vmem>>
      %dma_wait3A_602 = arith.constant 0 : i32
      %dma_wait3A_603 = tpu.memref_slice %arg7[%dma_wait3A_602] : memref<83968xf32, #tpu.memory_space<hbm>> -> memref<83968xf32, #tpu.memory_space<hbm>>
      tpu.wait_indirect_dma semaphore(%arg34 : memref<!tpu.dma_semaphore, #tpu.memory_space<semaphore_mem>>) src(%dma_wait3A_603 : memref<83968xf32, #tpu.memory_space<hbm>>) dst(%dma_wait3A_598 : memref<128xf32, #tpu.memory_space<vmem>>)
      %dma_wait3A_604 = arith.constant 2 : i32
      %dma_wait3A_605 = arith.constant 256 : i32
      %dma_wait3A_606 = tpu.memref_slice %arg18[%dma_wait3A_605] : memref<1024xf32, #tpu.memory_space<vmem>> -> memref<128xf32, #tpu.memory_space<vmem>>
      %dma_wait3A_607 = arith.constant 0 : i32
      %dma_wait3A_608 = tpu.memref_slice %arg12[%dma_wait3A_604, %dma_wait3A_607] : memref<8x128xi32, #tpu.memory_space<vmem>> -> memref<1x128xi32, #tpu.memory_space<vmem>>
      %dma_wait3A_609 = tpu.memref_squeeze %dma_wait3A_608 : memref<1x128xi32, #tpu.memory_space<vmem>> -> memref<128xi32, #tpu.memory_space<vmem>>
      %dma_wait3A_610 = arith.constant 0 : i32
      %dma_wait3A_611 = tpu.memref_slice %arg8[%dma_wait3A_610] : memref<83968xf32, #tpu.memory_space<hbm>> -> memref<83968xf32, #tpu.memory_space<hbm>>
      tpu.wait_indirect_dma semaphore(%arg35 : memref<!tpu.dma_semaphore, #tpu.memory_space<semaphore_mem>>) src(%dma_wait3A_611 : memref<83968xf32, #tpu.memory_space<hbm>>) dst(%dma_wait3A_606 : memref<128xf32, #tpu.memory_space<vmem>>)
      %dma_wait3A_612 = arith.constant 2 : i32
      %dma_wait3A_613 = arith.constant 256 : i32
      %dma_wait3A_614 = tpu.memref_slice %arg19[%dma_wait3A_613] : memref<1024xf32, #tpu.memory_space<vmem>> -> memref<128xf32, #tpu.memory_space<vmem>>
      %dma_wait3A_615 = arith.constant 0 : i32
      %dma_wait3A_616 = tpu.memref_slice %arg12[%dma_wait3A_612, %dma_wait3A_615] : memref<8x128xi32, #tpu.memory_space<vmem>> -> memref<1x128xi32, #tpu.memory_space<vmem>>
      %dma_wait3A_617 = tpu.memref_squeeze %dma_wait3A_616 : memref<1x128xi32, #tpu.memory_space<vmem>> -> memref<128xi32, #tpu.memory_space<vmem>>
      %dma_wait3A_618 = arith.constant 0 : i32
      %dma_wait3A_619 = tpu.memref_slice %arg9[%dma_wait3A_618] : memref<83968xf32, #tpu.memory_space<hbm>> -> memref<83968xf32, #tpu.memory_space<hbm>>
      tpu.wait_indirect_dma semaphore(%arg36 : memref<!tpu.dma_semaphore, #tpu.memory_space<semaphore_mem>>) src(%dma_wait3A_619 : memref<83968xf32, #tpu.memory_space<hbm>>) dst(%dma_wait3A_614 : memref<128xf32, #tpu.memory_space<vmem>>)
      %dma_wait3A_620 = arith.constant 3 : i32
      %dma_wait3A_621 = arith.constant 384 : i32
      %dma_wait3A_622 = tpu.memref_slice %arg14[%dma_wait3A_621] : memref<1024xf32, #tpu.memory_space<vmem>> -> memref<128xf32, #tpu.memory_space<vmem>>
      %dma_wait3A_623 = arith.constant 0 : i32
      %dma_wait3A_624 = tpu.memref_slice %arg12[%dma_wait3A_620, %dma_wait3A_623] : memref<8x128xi32, #tpu.memory_space<vmem>> -> memref<1x128xi32, #tpu.memory_space<vmem>>
      %dma_wait3A_625 = tpu.memref_squeeze %dma_wait3A_624 : memref<1x128xi32, #tpu.memory_space<vmem>> -> memref<128xi32, #tpu.memory_space<vmem>>
      %dma_wait3A_626 = arith.constant 0 : i32
      %dma_wait3A_627 = tpu.memref_slice %arg4[%dma_wait3A_626] : memref<83968xf32, #tpu.memory_space<hbm>> -> memref<83968xf32, #tpu.memory_space<hbm>>
      tpu.wait_indirect_dma semaphore(%arg31 : memref<!tpu.dma_semaphore, #tpu.memory_space<semaphore_mem>>) src(%dma_wait3A_627 : memref<83968xf32, #tpu.memory_space<hbm>>) dst(%dma_wait3A_622 : memref<128xf32, #tpu.memory_space<vmem>>)
      %dma_wait3A_628 = arith.constant 3 : i32
      %dma_wait3A_629 = arith.constant 384 : i32
      %dma_wait3A_630 = tpu.memref_slice %arg15[%dma_wait3A_629] : memref<1024xf32, #tpu.memory_space<vmem>> -> memref<128xf32, #tpu.memory_space<vmem>>
      %dma_wait3A_631 = arith.constant 0 : i32
      %dma_wait3A_632 = tpu.memref_slice %arg13[%dma_wait3A_628, %dma_wait3A_631] : memref<8x128xi32, #tpu.memory_space<vmem>> -> memref<1x128xi32, #tpu.memory_space<vmem>>
      %dma_wait3A_633 = tpu.memref_squeeze %dma_wait3A_632 : memref<1x128xi32, #tpu.memory_space<vmem>> -> memref<128xi32, #tpu.memory_space<vmem>>
      %dma_wait3A_634 = arith.constant 0 : i32
      %dma_wait3A_635 = tpu.memref_slice %arg5[%dma_wait3A_634] : memref<83968xf32, #tpu.memory_space<hbm>> -> memref<83968xf32, #tpu.memory_space<hbm>>
      tpu.wait_indirect_dma semaphore(%arg32 : memref<!tpu.dma_semaphore, #tpu.memory_space<semaphore_mem>>) src(%dma_wait3A_635 : memref<83968xf32, #tpu.memory_space<hbm>>) dst(%dma_wait3A_630 : memref<128xf32, #tpu.memory_space<vmem>>)
      %dma_wait3A_636 = arith.constant 3 : i32
      %dma_wait3A_637 = arith.constant 384 : i32
      %dma_wait3A_638 = tpu.memref_slice %arg16[%dma_wait3A_637] : memref<1024xf32, #tpu.memory_space<vmem>> -> memref<128xf32, #tpu.memory_space<vmem>>
      %dma_wait3A_639 = arith.constant 0 : i32
      %dma_wait3A_640 = tpu.memref_slice %arg12[%dma_wait3A_636, %dma_wait3A_639] : memref<8x128xi32, #tpu.memory_space<vmem>> -> memref<1x128xi32, #tpu.memory_space<vmem>>
      %dma_wait3A_641 = tpu.memref_squeeze %dma_wait3A_640 : memref<1x128xi32, #tpu.memory_space<vmem>> -> memref<128xi32, #tpu.memory_space<vmem>>
      %dma_wait3A_642 = arith.constant 0 : i32
      %dma_wait3A_643 = tpu.memref_slice %arg6[%dma_wait3A_642] : memref<83968xf32, #tpu.memory_space<hbm>> -> memref<83968xf32, #tpu.memory_space<hbm>>
      tpu.wait_indirect_dma semaphore(%arg33 : memref<!tpu.dma_semaphore, #tpu.memory_space<semaphore_mem>>) src(%dma_wait3A_643 : memref<83968xf32, #tpu.memory_space<hbm>>) dst(%dma_wait3A_638 : memref<128xf32, #tpu.memory_space<vmem>>)
      %dma_wait3A_644 = arith.constant 3 : i32
      %dma_wait3A_645 = arith.constant 384 : i32
      %dma_wait3A_646 = tpu.memref_slice %arg17[%dma_wait3A_645] : memref<1024xf32, #tpu.memory_space<vmem>> -> memref<128xf32, #tpu.memory_space<vmem>>
      %dma_wait3A_647 = arith.constant 0 : i32
      %dma_wait3A_648 = tpu.memref_slice %arg12[%dma_wait3A_644, %dma_wait3A_647] : memref<8x128xi32, #tpu.memory_space<vmem>> -> memref<1x128xi32, #tpu.memory_space<vmem>>
      %dma_wait3A_649 = tpu.memref_squeeze %dma_wait3A_648 : memref<1x128xi32, #tpu.memory_space<vmem>> -> memref<128xi32, #tpu.memory_space<vmem>>
      %dma_wait3A_650 = arith.constant 0 : i32
      %dma_wait3A_651 = tpu.memref_slice %arg7[%dma_wait3A_650] : memref<83968xf32, #tpu.memory_space<hbm>> -> memref<83968xf32, #tpu.memory_space<hbm>>
      tpu.wait_indirect_dma semaphore(%arg34 : memref<!tpu.dma_semaphore, #tpu.memory_space<semaphore_mem>>) src(%dma_wait3A_651 : memref<83968xf32, #tpu.memory_space<hbm>>) dst(%dma_wait3A_646 : memref<128xf32, #tpu.memory_space<vmem>>)
      %dma_wait3A_652 = arith.constant 3 : i32
      %dma_wait3A_653 = arith.constant 384 : i32
      %dma_wait3A_654 = tpu.memref_slice %arg18[%dma_wait3A_653] : memref<1024xf32, #tpu.memory_space<vmem>> -> memref<128xf32, #tpu.memory_space<vmem>>
      %dma_wait3A_655 = arith.constant 0 : i32
      %dma_wait3A_656 = tpu.memref_slice %arg12[%dma_wait3A_652, %dma_wait3A_655] : memref<8x128xi32, #tpu.memory_space<vmem>> -> memref<1x128xi32, #tpu.memory_space<vmem>>
      %dma_wait3A_657 = tpu.memref_squeeze %dma_wait3A_656 : memref<1x128xi32, #tpu.memory_space<vmem>> -> memref<128xi32, #tpu.memory_space<vmem>>
      %dma_wait3A_658 = arith.constant 0 : i32
      %dma_wait3A_659 = tpu.memref_slice %arg8[%dma_wait3A_658] : memref<83968xf32, #tpu.memory_space<hbm>> -> memref<83968xf32, #tpu.memory_space<hbm>>
      tpu.wait_indirect_dma semaphore(%arg35 : memref<!tpu.dma_semaphore, #tpu.memory_space<semaphore_mem>>) src(%dma_wait3A_659 : memref<83968xf32, #tpu.memory_space<hbm>>) dst(%dma_wait3A_654 : memref<128xf32, #tpu.memory_space<vmem>>)
      %dma_wait3A_660 = arith.constant 3 : i32
      %dma_wait3A_661 = arith.constant 384 : i32
      %dma_wait3A_662 = tpu.memref_slice %arg19[%dma_wait3A_661] : memref<1024xf32, #tpu.memory_space<vmem>> -> memref<128xf32, #tpu.memory_space<vmem>>
      %dma_wait3A_663 = arith.constant 0 : i32
      %dma_wait3A_664 = tpu.memref_slice %arg12[%dma_wait3A_660, %dma_wait3A_663] : memref<8x128xi32, #tpu.memory_space<vmem>> -> memref<1x128xi32, #tpu.memory_space<vmem>>
      %dma_wait3A_665 = tpu.memref_squeeze %dma_wait3A_664 : memref<1x128xi32, #tpu.memory_space<vmem>> -> memref<128xi32, #tpu.memory_space<vmem>>
      %dma_wait3A_666 = arith.constant 0 : i32
      %dma_wait3A_667 = tpu.memref_slice %arg9[%dma_wait3A_666] : memref<83968xf32, #tpu.memory_space<hbm>> -> memref<83968xf32, #tpu.memory_space<hbm>>
      tpu.wait_indirect_dma semaphore(%arg36 : memref<!tpu.dma_semaphore, #tpu.memory_space<semaphore_mem>>) src(%dma_wait3A_667 : memref<83968xf32, #tpu.memory_space<hbm>>) dst(%dma_wait3A_662 : memref<128xf32, #tpu.memory_space<vmem>>)
      %dma_wait3A_668 = arith.constant 4 : i32
      %dma_wait3A_669 = arith.constant 512 : i32
      %dma_wait3A_670 = tpu.memref_slice %arg14[%dma_wait3A_669] : memref<1024xf32, #tpu.memory_space<vmem>> -> memref<128xf32, #tpu.memory_space<vmem>>
      %dma_wait3A_671 = arith.constant 0 : i32
      %dma_wait3A_672 = tpu.memref_slice %arg12[%dma_wait3A_668, %dma_wait3A_671] : memref<8x128xi32, #tpu.memory_space<vmem>> -> memref<1x128xi32, #tpu.memory_space<vmem>>
      %dma_wait3A_673 = tpu.memref_squeeze %dma_wait3A_672 : memref<1x128xi32, #tpu.memory_space<vmem>> -> memref<128xi32, #tpu.memory_space<vmem>>
      %dma_wait3A_674 = arith.constant 0 : i32
      %dma_wait3A_675 = tpu.memref_slice %arg4[%dma_wait3A_674] : memref<83968xf32, #tpu.memory_space<hbm>> -> memref<83968xf32, #tpu.memory_space<hbm>>
      tpu.wait_indirect_dma semaphore(%arg31 : memref<!tpu.dma_semaphore, #tpu.memory_space<semaphore_mem>>) src(%dma_wait3A_675 : memref<83968xf32, #tpu.memory_space<hbm>>) dst(%dma_wait3A_670 : memref<128xf32, #tpu.memory_space<vmem>>)
      %dma_wait3A_676 = arith.constant 4 : i32
      %dma_wait3A_677 = arith.constant 512 : i32
      %dma_wait3A_678 = tpu.memref_slice %arg15[%dma_wait3A_677] : memref<1024xf32, #tpu.memory_space<vmem>> -> memref<128xf32, #tpu.memory_space<vmem>>
      %dma_wait3A_679 = arith.constant 0 : i32
      %dma_wait3A_680 = tpu.memref_slice %arg13[%dma_wait3A_676, %dma_wait3A_679] : memref<8x128xi32, #tpu.memory_space<vmem>> -> memref<1x128xi32, #tpu.memory_space<vmem>>
      %dma_wait3A_681 = tpu.memref_squeeze %dma_wait3A_680 : memref<1x128xi32, #tpu.memory_space<vmem>> -> memref<128xi32, #tpu.memory_space<vmem>>
      %dma_wait3A_682 = arith.constant 0 : i32
      %dma_wait3A_683 = tpu.memref_slice %arg5[%dma_wait3A_682] : memref<83968xf32, #tpu.memory_space<hbm>> -> memref<83968xf32, #tpu.memory_space<hbm>>
      tpu.wait_indirect_dma semaphore(%arg32 : memref<!tpu.dma_semaphore, #tpu.memory_space<semaphore_mem>>) src(%dma_wait3A_683 : memref<83968xf32, #tpu.memory_space<hbm>>) dst(%dma_wait3A_678 : memref<128xf32, #tpu.memory_space<vmem>>)
      %dma_wait3A_684 = arith.constant 4 : i32
      %dma_wait3A_685 = arith.constant 512 : i32
      %dma_wait3A_686 = tpu.memref_slice %arg16[%dma_wait3A_685] : memref<1024xf32, #tpu.memory_space<vmem>> -> memref<128xf32, #tpu.memory_space<vmem>>
      %dma_wait3A_687 = arith.constant 0 : i32
      %dma_wait3A_688 = tpu.memref_slice %arg12[%dma_wait3A_684, %dma_wait3A_687] : memref<8x128xi32, #tpu.memory_space<vmem>> -> memref<1x128xi32, #tpu.memory_space<vmem>>
      %dma_wait3A_689 = tpu.memref_squeeze %dma_wait3A_688 : memref<1x128xi32, #tpu.memory_space<vmem>> -> memref<128xi32, #tpu.memory_space<vmem>>
      %dma_wait3A_690 = arith.constant 0 : i32
      %dma_wait3A_691 = tpu.memref_slice %arg6[%dma_wait3A_690] : memref<83968xf32, #tpu.memory_space<hbm>> -> memref<83968xf32, #tpu.memory_space<hbm>>
      tpu.wait_indirect_dma semaphore(%arg33 : memref<!tpu.dma_semaphore, #tpu.memory_space<semaphore_mem>>) src(%dma_wait3A_691 : memref<83968xf32, #tpu.memory_space<hbm>>) dst(%dma_wait3A_686 : memref<128xf32, #tpu.memory_space<vmem>>)
      %dma_wait3A_692 = arith.constant 4 : i32
      %dma_wait3A_693 = arith.constant 512 : i32
      %dma_wait3A_694 = tpu.memref_slice %arg17[%dma_wait3A_693] : memref<1024xf32, #tpu.memory_space<vmem>> -> memref<128xf32, #tpu.memory_space<vmem>>
      %dma_wait3A_695 = arith.constant 0 : i32
      %dma_wait3A_696 = tpu.memref_slice %arg12[%dma_wait3A_692, %dma_wait3A_695] : memref<8x128xi32, #tpu.memory_space<vmem>> -> memref<1x128xi32, #tpu.memory_space<vmem>>
      %dma_wait3A_697 = tpu.memref_squeeze %dma_wait3A_696 : memref<1x128xi32, #tpu.memory_space<vmem>> -> memref<128xi32, #tpu.memory_space<vmem>>
      %dma_wait3A_698 = arith.constant 0 : i32
      %dma_wait3A_699 = tpu.memref_slice %arg7[%dma_wait3A_698] : memref<83968xf32, #tpu.memory_space<hbm>> -> memref<83968xf32, #tpu.memory_space<hbm>>
      tpu.wait_indirect_dma semaphore(%arg34 : memref<!tpu.dma_semaphore, #tpu.memory_space<semaphore_mem>>) src(%dma_wait3A_699 : memref<83968xf32, #tpu.memory_space<hbm>>) dst(%dma_wait3A_694 : memref<128xf32, #tpu.memory_space<vmem>>)
      %dma_wait3A_700 = arith.constant 4 : i32
      %dma_wait3A_701 = arith.constant 512 : i32
      %dma_wait3A_702 = tpu.memref_slice %arg18[%dma_wait3A_701] : memref<1024xf32, #tpu.memory_space<vmem>> -> memref<128xf32, #tpu.memory_space<vmem>>
      %dma_wait3A_703 = arith.constant 0 : i32
      %dma_wait3A_704 = tpu.memref_slice %arg12[%dma_wait3A_700, %dma_wait3A_703] : memref<8x128xi32, #tpu.memory_space<vmem>> -> memref<1x128xi32, #tpu.memory_space<vmem>>
      %dma_wait3A_705 = tpu.memref_squeeze %dma_wait3A_704 : memref<1x128xi32, #tpu.memory_space<vmem>> -> memref<128xi32, #tpu.memory_space<vmem>>
      %dma_wait3A_706 = arith.constant 0 : i32
      %dma_wait3A_707 = tpu.memref_slice %arg8[%dma_wait3A_706] : memref<83968xf32, #tpu.memory_space<hbm>> -> memref<83968xf32, #tpu.memory_space<hbm>>
      tpu.wait_indirect_dma semaphore(%arg35 : memref<!tpu.dma_semaphore, #tpu.memory_space<semaphore_mem>>) src(%dma_wait3A_707 : memref<83968xf32, #tpu.memory_space<hbm>>) dst(%dma_wait3A_702 : memref<128xf32, #tpu.memory_space<vmem>>)
      %dma_wait3A_708 = arith.constant 4 : i32
      %dma_wait3A_709 = arith.constant 512 : i32
      %dma_wait3A_710 = tpu.memref_slice %arg19[%dma_wait3A_709] : memref<1024xf32, #tpu.memory_space<vmem>> -> memref<128xf32, #tpu.memory_space<vmem>>
      %dma_wait3A_711 = arith.constant 0 : i32
      %dma_wait3A_712 = tpu.memref_slice %arg12[%dma_wait3A_708, %dma_wait3A_711] : memref<8x128xi32, #tpu.memory_space<vmem>> -> memref<1x128xi32, #tpu.memory_space<vmem>>
      %dma_wait3A_713 = tpu.memref_squeeze %dma_wait3A_712 : memref<1x128xi32, #tpu.memory_space<vmem>> -> memref<128xi32, #tpu.memory_space<vmem>>
      %dma_wait3A_714 = arith.constant 0 : i32
      %dma_wait3A_715 = tpu.memref_slice %arg9[%dma_wait3A_714] : memref<83968xf32, #tpu.memory_space<hbm>> -> memref<83968xf32, #tpu.memory_space<hbm>>
      tpu.wait_indirect_dma semaphore(%arg36 : memref<!tpu.dma_semaphore, #tpu.memory_space<semaphore_mem>>) src(%dma_wait3A_715 : memref<83968xf32, #tpu.memory_space<hbm>>) dst(%dma_wait3A_710 : memref<128xf32, #tpu.memory_space<vmem>>)
      %dma_wait3A_716 = arith.constant 5 : i32
      %dma_wait3A_717 = arith.constant 640 : i32
      %dma_wait3A_718 = tpu.memref_slice %arg14[%dma_wait3A_717] : memref<1024xf32, #tpu.memory_space<vmem>> -> memref<128xf32, #tpu.memory_space<vmem>>
      %dma_wait3A_719 = arith.constant 0 : i32
      %dma_wait3A_720 = tpu.memref_slice %arg12[%dma_wait3A_716, %dma_wait3A_719] : memref<8x128xi32, #tpu.memory_space<vmem>> -> memref<1x128xi32, #tpu.memory_space<vmem>>
      %dma_wait3A_721 = tpu.memref_squeeze %dma_wait3A_720 : memref<1x128xi32, #tpu.memory_space<vmem>> -> memref<128xi32, #tpu.memory_space<vmem>>
      %dma_wait3A_722 = arith.constant 0 : i32
      %dma_wait3A_723 = tpu.memref_slice %arg4[%dma_wait3A_722] : memref<83968xf32, #tpu.memory_space<hbm>> -> memref<83968xf32, #tpu.memory_space<hbm>>
      tpu.wait_indirect_dma semaphore(%arg31 : memref<!tpu.dma_semaphore, #tpu.memory_space<semaphore_mem>>) src(%dma_wait3A_723 : memref<83968xf32, #tpu.memory_space<hbm>>) dst(%dma_wait3A_718 : memref<128xf32, #tpu.memory_space<vmem>>)
      %dma_wait3A_724 = arith.constant 5 : i32
      %dma_wait3A_725 = arith.constant 640 : i32
      %dma_wait3A_726 = tpu.memref_slice %arg15[%dma_wait3A_725] : memref<1024xf32, #tpu.memory_space<vmem>> -> memref<128xf32, #tpu.memory_space<vmem>>
      %dma_wait3A_727 = arith.constant 0 : i32
      %dma_wait3A_728 = tpu.memref_slice %arg13[%dma_wait3A_724, %dma_wait3A_727] : memref<8x128xi32, #tpu.memory_space<vmem>> -> memref<1x128xi32, #tpu.memory_space<vmem>>
      %dma_wait3A_729 = tpu.memref_squeeze %dma_wait3A_728 : memref<1x128xi32, #tpu.memory_space<vmem>> -> memref<128xi32, #tpu.memory_space<vmem>>
      %dma_wait3A_730 = arith.constant 0 : i32
      %dma_wait3A_731 = tpu.memref_slice %arg5[%dma_wait3A_730] : memref<83968xf32, #tpu.memory_space<hbm>> -> memref<83968xf32, #tpu.memory_space<hbm>>
      tpu.wait_indirect_dma semaphore(%arg32 : memref<!tpu.dma_semaphore, #tpu.memory_space<semaphore_mem>>) src(%dma_wait3A_731 : memref<83968xf32, #tpu.memory_space<hbm>>) dst(%dma_wait3A_726 : memref<128xf32, #tpu.memory_space<vmem>>)
      %dma_wait3A_732 = arith.constant 5 : i32
      %dma_wait3A_733 = arith.constant 640 : i32
      %dma_wait3A_734 = tpu.memref_slice %arg16[%dma_wait3A_733] : memref<1024xf32, #tpu.memory_space<vmem>> -> memref<128xf32, #tpu.memory_space<vmem>>
      %dma_wait3A_735 = arith.constant 0 : i32
      %dma_wait3A_736 = tpu.memref_slice %arg12[%dma_wait3A_732, %dma_wait3A_735] : memref<8x128xi32, #tpu.memory_space<vmem>> -> memref<1x128xi32, #tpu.memory_space<vmem>>
      %dma_wait3A_737 = tpu.memref_squeeze %dma_wait3A_736 : memref<1x128xi32, #tpu.memory_space<vmem>> -> memref<128xi32, #tpu.memory_space<vmem>>
      %dma_wait3A_738 = arith.constant 0 : i32
      %dma_wait3A_739 = tpu.memref_slice %arg6[%dma_wait3A_738] : memref<83968xf32, #tpu.memory_space<hbm>> -> memref<83968xf32, #tpu.memory_space<hbm>>
      tpu.wait_indirect_dma semaphore(%arg33 : memref<!tpu.dma_semaphore, #tpu.memory_space<semaphore_mem>>) src(%dma_wait3A_739 : memref<83968xf32, #tpu.memory_space<hbm>>) dst(%dma_wait3A_734 : memref<128xf32, #tpu.memory_space<vmem>>)
      %dma_wait3A_740 = arith.constant 5 : i32
      %dma_wait3A_741 = arith.constant 640 : i32
      %dma_wait3A_742 = tpu.memref_slice %arg17[%dma_wait3A_741] : memref<1024xf32, #tpu.memory_space<vmem>> -> memref<128xf32, #tpu.memory_space<vmem>>
      %dma_wait3A_743 = arith.constant 0 : i32
      %dma_wait3A_744 = tpu.memref_slice %arg12[%dma_wait3A_740, %dma_wait3A_743] : memref<8x128xi32, #tpu.memory_space<vmem>> -> memref<1x128xi32, #tpu.memory_space<vmem>>
      %dma_wait3A_745 = tpu.memref_squeeze %dma_wait3A_744 : memref<1x128xi32, #tpu.memory_space<vmem>> -> memref<128xi32, #tpu.memory_space<vmem>>
      %dma_wait3A_746 = arith.constant 0 : i32
      %dma_wait3A_747 = tpu.memref_slice %arg7[%dma_wait3A_746] : memref<83968xf32, #tpu.memory_space<hbm>> -> memref<83968xf32, #tpu.memory_space<hbm>>
      tpu.wait_indirect_dma semaphore(%arg34 : memref<!tpu.dma_semaphore, #tpu.memory_space<semaphore_mem>>) src(%dma_wait3A_747 : memref<83968xf32, #tpu.memory_space<hbm>>) dst(%dma_wait3A_742 : memref<128xf32, #tpu.memory_space<vmem>>)
      %dma_wait3A_748 = arith.constant 5 : i32
      %dma_wait3A_749 = arith.constant 640 : i32
      %dma_wait3A_750 = tpu.memref_slice %arg18[%dma_wait3A_749] : memref<1024xf32, #tpu.memory_space<vmem>> -> memref<128xf32, #tpu.memory_space<vmem>>
      %dma_wait3A_751 = arith.constant 0 : i32
      %dma_wait3A_752 = tpu.memref_slice %arg12[%dma_wait3A_748, %dma_wait3A_751] : memref<8x128xi32, #tpu.memory_space<vmem>> -> memref<1x128xi32, #tpu.memory_space<vmem>>
      %dma_wait3A_753 = tpu.memref_squeeze %dma_wait3A_752 : memref<1x128xi32, #tpu.memory_space<vmem>> -> memref<128xi32, #tpu.memory_space<vmem>>
      %dma_wait3A_754 = arith.constant 0 : i32
      %dma_wait3A_755 = tpu.memref_slice %arg8[%dma_wait3A_754] : memref<83968xf32, #tpu.memory_space<hbm>> -> memref<83968xf32, #tpu.memory_space<hbm>>
      tpu.wait_indirect_dma semaphore(%arg35 : memref<!tpu.dma_semaphore, #tpu.memory_space<semaphore_mem>>) src(%dma_wait3A_755 : memref<83968xf32, #tpu.memory_space<hbm>>) dst(%dma_wait3A_750 : memref<128xf32, #tpu.memory_space<vmem>>)
      %dma_wait3A_756 = arith.constant 5 : i32
      %dma_wait3A_757 = arith.constant 640 : i32
      %dma_wait3A_758 = tpu.memref_slice %arg19[%dma_wait3A_757] : memref<1024xf32, #tpu.memory_space<vmem>> -> memref<128xf32, #tpu.memory_space<vmem>>
      %dma_wait3A_759 = arith.constant 0 : i32
      %dma_wait3A_760 = tpu.memref_slice %arg12[%dma_wait3A_756, %dma_wait3A_759] : memref<8x128xi32, #tpu.memory_space<vmem>> -> memref<1x128xi32, #tpu.memory_space<vmem>>
      %dma_wait3A_761 = tpu.memref_squeeze %dma_wait3A_760 : memref<1x128xi32, #tpu.memory_space<vmem>> -> memref<128xi32, #tpu.memory_space<vmem>>
      %dma_wait3A_762 = arith.constant 0 : i32
      %dma_wait3A_763 = tpu.memref_slice %arg9[%dma_wait3A_762] : memref<83968xf32, #tpu.memory_space<hbm>> -> memref<83968xf32, #tpu.memory_space<hbm>>
      tpu.wait_indirect_dma semaphore(%arg36 : memref<!tpu.dma_semaphore, #tpu.memory_space<semaphore_mem>>) src(%dma_wait3A_763 : memref<83968xf32, #tpu.memory_space<hbm>>) dst(%dma_wait3A_758 : memref<128xf32, #tpu.memory_space<vmem>>)
      %dma_wait3A_764 = arith.constant 6 : i32
      %dma_wait3A_765 = arith.constant 768 : i32
      %dma_wait3A_766 = tpu.memref_slice %arg14[%dma_wait3A_765] : memref<1024xf32, #tpu.memory_space<vmem>> -> memref<128xf32, #tpu.memory_space<vmem>>
      %dma_wait3A_767 = arith.constant 0 : i32
      %dma_wait3A_768 = tpu.memref_slice %arg12[%dma_wait3A_764, %dma_wait3A_767] : memref<8x128xi32, #tpu.memory_space<vmem>> -> memref<1x128xi32, #tpu.memory_space<vmem>>
      %dma_wait3A_769 = tpu.memref_squeeze %dma_wait3A_768 : memref<1x128xi32, #tpu.memory_space<vmem>> -> memref<128xi32, #tpu.memory_space<vmem>>
      %dma_wait3A_770 = arith.constant 0 : i32
      %dma_wait3A_771 = tpu.memref_slice %arg4[%dma_wait3A_770] : memref<83968xf32, #tpu.memory_space<hbm>> -> memref<83968xf32, #tpu.memory_space<hbm>>
      tpu.wait_indirect_dma semaphore(%arg31 : memref<!tpu.dma_semaphore, #tpu.memory_space<semaphore_mem>>) src(%dma_wait3A_771 : memref<83968xf32, #tpu.memory_space<hbm>>) dst(%dma_wait3A_766 : memref<128xf32, #tpu.memory_space<vmem>>)
      %dma_wait3A_772 = arith.constant 6 : i32
      %dma_wait3A_773 = arith.constant 768 : i32
      %dma_wait3A_774 = tpu.memref_slice %arg15[%dma_wait3A_773] : memref<1024xf32, #tpu.memory_space<vmem>> -> memref<128xf32, #tpu.memory_space<vmem>>
      %dma_wait3A_775 = arith.constant 0 : i32
      %dma_wait3A_776 = tpu.memref_slice %arg13[%dma_wait3A_772, %dma_wait3A_775] : memref<8x128xi32, #tpu.memory_space<vmem>> -> memref<1x128xi32, #tpu.memory_space<vmem>>
      %dma_wait3A_777 = tpu.memref_squeeze %dma_wait3A_776 : memref<1x128xi32, #tpu.memory_space<vmem>> -> memref<128xi32, #tpu.memory_space<vmem>>
      %dma_wait3A_778 = arith.constant 0 : i32
      %dma_wait3A_779 = tpu.memref_slice %arg5[%dma_wait3A_778] : memref<83968xf32, #tpu.memory_space<hbm>> -> memref<83968xf32, #tpu.memory_space<hbm>>
      tpu.wait_indirect_dma semaphore(%arg32 : memref<!tpu.dma_semaphore, #tpu.memory_space<semaphore_mem>>) src(%dma_wait3A_779 : memref<83968xf32, #tpu.memory_space<hbm>>) dst(%dma_wait3A_774 : memref<128xf32, #tpu.memory_space<vmem>>)
      %dma_wait3A_780 = arith.constant 6 : i32
      %dma_wait3A_781 = arith.constant 768 : i32
      %dma_wait3A_782 = tpu.memref_slice %arg16[%dma_wait3A_781] : memref<1024xf32, #tpu.memory_space<vmem>> -> memref<128xf32, #tpu.memory_space<vmem>>
      %dma_wait3A_783 = arith.constant 0 : i32
      %dma_wait3A_784 = tpu.memref_slice %arg12[%dma_wait3A_780, %dma_wait3A_783] : memref<8x128xi32, #tpu.memory_space<vmem>> -> memref<1x128xi32, #tpu.memory_space<vmem>>
      %dma_wait3A_785 = tpu.memref_squeeze %dma_wait3A_784 : memref<1x128xi32, #tpu.memory_space<vmem>> -> memref<128xi32, #tpu.memory_space<vmem>>
      %dma_wait3A_786 = arith.constant 0 : i32
      %dma_wait3A_787 = tpu.memref_slice %arg6[%dma_wait3A_786] : memref<83968xf32, #tpu.memory_space<hbm>> -> memref<83968xf32, #tpu.memory_space<hbm>>
      tpu.wait_indirect_dma semaphore(%arg33 : memref<!tpu.dma_semaphore, #tpu.memory_space<semaphore_mem>>) src(%dma_wait3A_787 : memref<83968xf32, #tpu.memory_space<hbm>>) dst(%dma_wait3A_782 : memref<128xf32, #tpu.memory_space<vmem>>)
      %dma_wait3A_788 = arith.constant 6 : i32
      %dma_wait3A_789 = arith.constant 768 : i32
      %dma_wait3A_790 = tpu.memref_slice %arg17[%dma_wait3A_789] : memref<1024xf32, #tpu.memory_space<vmem>> -> memref<128xf32, #tpu.memory_space<vmem>>
      %dma_wait3A_791 = arith.constant 0 : i32
      %dma_wait3A_792 = tpu.memref_slice %arg12[%dma_wait3A_788, %dma_wait3A_791] : memref<8x128xi32, #tpu.memory_space<vmem>> -> memref<1x128xi32, #tpu.memory_space<vmem>>
      %dma_wait3A_793 = tpu.memref_squeeze %dma_wait3A_792 : memref<1x128xi32, #tpu.memory_space<vmem>> -> memref<128xi32, #tpu.memory_space<vmem>>
      %dma_wait3A_794 = arith.constant 0 : i32
      %dma_wait3A_795 = tpu.memref_slice %arg7[%dma_wait3A_794] : memref<83968xf32, #tpu.memory_space<hbm>> -> memref<83968xf32, #tpu.memory_space<hbm>>
      tpu.wait_indirect_dma semaphore(%arg34 : memref<!tpu.dma_semaphore, #tpu.memory_space<semaphore_mem>>) src(%dma_wait3A_795 : memref<83968xf32, #tpu.memory_space<hbm>>) dst(%dma_wait3A_790 : memref<128xf32, #tpu.memory_space<vmem>>)
      %dma_wait3A_796 = arith.constant 6 : i32
      %dma_wait3A_797 = arith.constant 768 : i32
      %dma_wait3A_798 = tpu.memref_slice %arg18[%dma_wait3A_797] : memref<1024xf32, #tpu.memory_space<vmem>> -> memref<128xf32, #tpu.memory_space<vmem>>
      %dma_wait3A_799 = arith.constant 0 : i32
      %dma_wait3A_800 = tpu.memref_slice %arg12[%dma_wait3A_796, %dma_wait3A_799] : memref<8x128xi32, #tpu.memory_space<vmem>> -> memref<1x128xi32, #tpu.memory_space<vmem>>
      %dma_wait3A_801 = tpu.memref_squeeze %dma_wait3A_800 : memref<1x128xi32, #tpu.memory_space<vmem>> -> memref<128xi32, #tpu.memory_space<vmem>>
      %dma_wait3A_802 = arith.constant 0 : i32
      %dma_wait3A_803 = tpu.memref_slice %arg8[%dma_wait3A_802] : memref<83968xf32, #tpu.memory_space<hbm>> -> memref<83968xf32, #tpu.memory_space<hbm>>
      tpu.wait_indirect_dma semaphore(%arg35 : memref<!tpu.dma_semaphore, #tpu.memory_space<semaphore_mem>>) src(%dma_wait3A_803 : memref<83968xf32, #tpu.memory_space<hbm>>) dst(%dma_wait3A_798 : memref<128xf32, #tpu.memory_space<vmem>>)
      %dma_wait3A_804 = arith.constant 6 : i32
      %dma_wait3A_805 = arith.constant 768 : i32
      %dma_wait3A_806 = tpu.memref_slice %arg19[%dma_wait3A_805] : memref<1024xf32, #tpu.memory_space<vmem>> -> memref<128xf32, #tpu.memory_space<vmem>>
      %dma_wait3A_807 = arith.constant 0 : i32
      %dma_wait3A_808 = tpu.memref_slice %arg12[%dma_wait3A_804, %dma_wait3A_807] : memref<8x128xi32, #tpu.memory_space<vmem>> -> memref<1x128xi32, #tpu.memory_space<vmem>>
      %dma_wait3A_809 = tpu.memref_squeeze %dma_wait3A_808 : memref<1x128xi32, #tpu.memory_space<vmem>> -> memref<128xi32, #tpu.memory_space<vmem>>
      %dma_wait3A_810 = arith.constant 0 : i32
      %dma_wait3A_811 = tpu.memref_slice %arg9[%dma_wait3A_810] : memref<83968xf32, #tpu.memory_space<hbm>> -> memref<83968xf32, #tpu.memory_space<hbm>>
      tpu.wait_indirect_dma semaphore(%arg36 : memref<!tpu.dma_semaphore, #tpu.memory_space<semaphore_mem>>) src(%dma_wait3A_811 : memref<83968xf32, #tpu.memory_space<hbm>>) dst(%dma_wait3A_806 : memref<128xf32, #tpu.memory_space<vmem>>)
      %dma_wait3A_812 = arith.constant 7 : i32
      %dma_wait3A_813 = arith.constant 896 : i32
      %dma_wait3A_814 = tpu.memref_slice %arg14[%dma_wait3A_813] : memref<1024xf32, #tpu.memory_space<vmem>> -> memref<128xf32, #tpu.memory_space<vmem>>
      %dma_wait3A_815 = arith.constant 0 : i32
      %dma_wait3A_816 = tpu.memref_slice %arg12[%dma_wait3A_812, %dma_wait3A_815] : memref<8x128xi32, #tpu.memory_space<vmem>> -> memref<1x128xi32, #tpu.memory_space<vmem>>
      %dma_wait3A_817 = tpu.memref_squeeze %dma_wait3A_816 : memref<1x128xi32, #tpu.memory_space<vmem>> -> memref<128xi32, #tpu.memory_space<vmem>>
      %dma_wait3A_818 = arith.constant 0 : i32
      %dma_wait3A_819 = tpu.memref_slice %arg4[%dma_wait3A_818] : memref<83968xf32, #tpu.memory_space<hbm>> -> memref<83968xf32, #tpu.memory_space<hbm>>
      tpu.wait_indirect_dma semaphore(%arg31 : memref<!tpu.dma_semaphore, #tpu.memory_space<semaphore_mem>>) src(%dma_wait3A_819 : memref<83968xf32, #tpu.memory_space<hbm>>) dst(%dma_wait3A_814 : memref<128xf32, #tpu.memory_space<vmem>>)
      %dma_wait3A_820 = arith.constant 7 : i32
      %dma_wait3A_821 = arith.constant 896 : i32
      %dma_wait3A_822 = tpu.memref_slice %arg15[%dma_wait3A_821] : memref<1024xf32, #tpu.memory_space<vmem>> -> memref<128xf32, #tpu.memory_space<vmem>>
      %dma_wait3A_823 = arith.constant 0 : i32
      %dma_wait3A_824 = tpu.memref_slice %arg13[%dma_wait3A_820, %dma_wait3A_823] : memref<8x128xi32, #tpu.memory_space<vmem>> -> memref<1x128xi32, #tpu.memory_space<vmem>>
      %dma_wait3A_825 = tpu.memref_squeeze %dma_wait3A_824 : memref<1x128xi32, #tpu.memory_space<vmem>> -> memref<128xi32, #tpu.memory_space<vmem>>
      %dma_wait3A_826 = arith.constant 0 : i32
      %dma_wait3A_827 = tpu.memref_slice %arg5[%dma_wait3A_826] : memref<83968xf32, #tpu.memory_space<hbm>> -> memref<83968xf32, #tpu.memory_space<hbm>>
      tpu.wait_indirect_dma semaphore(%arg32 : memref<!tpu.dma_semaphore, #tpu.memory_space<semaphore_mem>>) src(%dma_wait3A_827 : memref<83968xf32, #tpu.memory_space<hbm>>) dst(%dma_wait3A_822 : memref<128xf32, #tpu.memory_space<vmem>>)
      %dma_wait3A_828 = arith.constant 7 : i32
      %dma_wait3A_829 = arith.constant 896 : i32
      %dma_wait3A_830 = tpu.memref_slice %arg16[%dma_wait3A_829] : memref<1024xf32, #tpu.memory_space<vmem>> -> memref<128xf32, #tpu.memory_space<vmem>>
      %dma_wait3A_831 = arith.constant 0 : i32
      %dma_wait3A_832 = tpu.memref_slice %arg12[%dma_wait3A_828, %dma_wait3A_831] : memref<8x128xi32, #tpu.memory_space<vmem>> -> memref<1x128xi32, #tpu.memory_space<vmem>>
      %dma_wait3A_833 = tpu.memref_squeeze %dma_wait3A_832 : memref<1x128xi32, #tpu.memory_space<vmem>> -> memref<128xi32, #tpu.memory_space<vmem>>
      %dma_wait3A_834 = arith.constant 0 : i32
      %dma_wait3A_835 = tpu.memref_slice %arg6[%dma_wait3A_834] : memref<83968xf32, #tpu.memory_space<hbm>> -> memref<83968xf32, #tpu.memory_space<hbm>>
      tpu.wait_indirect_dma semaphore(%arg33 : memref<!tpu.dma_semaphore, #tpu.memory_space<semaphore_mem>>) src(%dma_wait3A_835 : memref<83968xf32, #tpu.memory_space<hbm>>) dst(%dma_wait3A_830 : memref<128xf32, #tpu.memory_space<vmem>>)
      %dma_wait3A_836 = arith.constant 7 : i32
      %dma_wait3A_837 = arith.constant 896 : i32
      %dma_wait3A_838 = tpu.memref_slice %arg17[%dma_wait3A_837] : memref<1024xf32, #tpu.memory_space<vmem>> -> memref<128xf32, #tpu.memory_space<vmem>>
      %dma_wait3A_839 = arith.constant 0 : i32
      %dma_wait3A_840 = tpu.memref_slice %arg12[%dma_wait3A_836, %dma_wait3A_839] : memref<8x128xi32, #tpu.memory_space<vmem>> -> memref<1x128xi32, #tpu.memory_space<vmem>>
      %dma_wait3A_841 = tpu.memref_squeeze %dma_wait3A_840 : memref<1x128xi32, #tpu.memory_space<vmem>> -> memref<128xi32, #tpu.memory_space<vmem>>
      %dma_wait3A_842 = arith.constant 0 : i32
      %dma_wait3A_843 = tpu.memref_slice %arg7[%dma_wait3A_842] : memref<83968xf32, #tpu.memory_space<hbm>> -> memref<83968xf32, #tpu.memory_space<hbm>>
      tpu.wait_indirect_dma semaphore(%arg34 : memref<!tpu.dma_semaphore, #tpu.memory_space<semaphore_mem>>) src(%dma_wait3A_843 : memref<83968xf32, #tpu.memory_space<hbm>>) dst(%dma_wait3A_838 : memref<128xf32, #tpu.memory_space<vmem>>)
      %dma_wait3A_844 = arith.constant 7 : i32
      %dma_wait3A_845 = arith.constant 896 : i32
      %dma_wait3A_846 = tpu.memref_slice %arg18[%dma_wait3A_845] : memref<1024xf32, #tpu.memory_space<vmem>> -> memref<128xf32, #tpu.memory_space<vmem>>
      %dma_wait3A_847 = arith.constant 0 : i32
      %dma_wait3A_848 = tpu.memref_slice %arg12[%dma_wait3A_844, %dma_wait3A_847] : memref<8x128xi32, #tpu.memory_space<vmem>> -> memref<1x128xi32, #tpu.memory_space<vmem>>
      %dma_wait3A_849 = tpu.memref_squeeze %dma_wait3A_848 : memref<1x128xi32, #tpu.memory_space<vmem>> -> memref<128xi32, #tpu.memory_space<vmem>>
      %dma_wait3A_850 = arith.constant 0 : i32
      %dma_wait3A_851 = tpu.memref_slice %arg8[%dma_wait3A_850] : memref<83968xf32, #tpu.memory_space<hbm>> -> memref<83968xf32, #tpu.memory_space<hbm>>
      tpu.wait_indirect_dma semaphore(%arg35 : memref<!tpu.dma_semaphore, #tpu.memory_space<semaphore_mem>>) src(%dma_wait3A_851 : memref<83968xf32, #tpu.memory_space<hbm>>) dst(%dma_wait3A_846 : memref<128xf32, #tpu.memory_space<vmem>>)
      %dma_wait3A_852 = arith.constant 7 : i32
      %dma_wait3A_853 = arith.constant 896 : i32
      %dma_wait3A_854 = tpu.memref_slice %arg19[%dma_wait3A_853] : memref<1024xf32, #tpu.memory_space<vmem>> -> memref<128xf32, #tpu.memory_space<vmem>>
      %dma_wait3A_855 = arith.constant 0 : i32
      %dma_wait3A_856 = tpu.memref_slice %arg12[%dma_wait3A_852, %dma_wait3A_855] : memref<8x128xi32, #tpu.memory_space<vmem>> -> memref<1x128xi32, #tpu.memory_space<vmem>>
      %dma_wait3A_857 = tpu.memref_squeeze %dma_wait3A_856 : memref<1x128xi32, #tpu.memory_space<vmem>> -> memref<128xi32, #tpu.memory_space<vmem>>
      %dma_wait3A_858 = arith.constant 0 : i32
      %dma_wait3A_859 = tpu.memref_slice %arg9[%dma_wait3A_858] : memref<83968xf32, #tpu.memory_space<hbm>> -> memref<83968xf32, #tpu.memory_space<hbm>>
      tpu.wait_indirect_dma semaphore(%arg36 : memref<!tpu.dma_semaphore, #tpu.memory_space<semaphore_mem>>) src(%dma_wait3A_859 : memref<83968xf32, #tpu.memory_space<hbm>>) dst(%dma_wait3A_854 : memref<128xf32, #tpu.memory_space<vmem>>)
      %scan3A_860 = arith.constant 0 : i32
      %scan3A_861 = arith.constant 0 : i32
      %scan3A_862 = arith.constant 64 : i32
      %scan3A_863 = arith.addi %scan3A_861, %scan3A_862 : i32
      %scan3A_864 = arith.constant 1 : i32
      scf.for %scan3A_1186 = %scan3A_861 to %scan3A_863 step %scan3A_864  : i32 {
        %mul3A_1187 = arith.constant 16 : i32
        %mul3A_1188 = arith.muli %scan3A_1186, %mul3A_1187 : i32
        %get3A = arith.index_cast %mul3A_1188 : i32 to index
        %get3A_1189 = tpu.vector_load %arg14[%get3A] {strides = array<i32>} : memref<1024xf32, #tpu.memory_space<vmem>>, vector<16xf32>,
        %get3A_1190 = vector.shape_cast %get3A_1189 : vector<16xf32> to vector<16xf32>
        %get3A_1191 = arith.index_cast %mul3A_1188 : i32 to index
        %get3A_1192 = tpu.vector_load %arg15[%get3A_1191] {strides = array<i32>} : memref<1024xf32, #tpu.memory_space<vmem>>, vector<16xf32>,
        %get3A_1193 = vector.shape_cast %get3A_1192 : vector<16xf32> to vector<16xf32>
        %add3A_1194 = arith.addf %get3A_1190, %get3A_1193 : vector<16xf32>
        %gt3A_1195 = arith.constant 0.000000e+00 : f32
        %gt3A_1196 = vector.broadcast %gt3A_1195 : f32 to vector<16xf32>
        %gt3A_1197 = arith.cmpf ogt, %add3A_1194, %gt3A_1196 : vector<16xf32>
        %mul3A_1198 = arith.constant 2.000000e-01 : f32
        %mul3A_1199 = vector.broadcast %mul3A_1198 : f32 to vector<16xf32>
        %mul3A_1200 = arith.mulf %add3A_1194, %mul3A_1199 : vector<16xf32>
        %select_n3A = arith.select %gt3A_1197, %add3A_1194, %mul3A_1200 : vector<16xi1>, vector<16xf32>
        %exp3A = math.exp %select_n3A : vector<16xf32>
        %swap3A = arith.index_cast %mul3A_1188 : i32 to index
        %swap3A_1201 = tpu.vector_load %arg20[%swap3A] {strides = array<i32>} : memref<1024xf32, #tpu.memory_space<vmem>>, vector<16xf32>,
        %swap3A_1202 = vector.shape_cast %swap3A_1201 : vector<16xf32> to vector<16xf32>
        %swap3A_1203 = vector.shape_cast %exp3A : vector<16xf32> to vector<16xf32>
        tpu.vector_store %arg20[%swap3A], %swap3A_1203 {strides = array<i32>} : memref<1024xf32, #tpu.memory_space<vmem>>, vector<16xf32>,
        %get3A_1204 = arith.index_cast %mul3A_1188 : i32 to index
        %get3A_1205 = tpu.vector_load %arg16[%get3A_1204] {strides = array<i32>} : memref<1024xf32, #tpu.memory_space<vmem>>, vector<16xf32>,
        %get3A_1206 = vector.shape_cast %get3A_1205 : vector<16xf32> to vector<16xf32>
        %mul3A_1207 = arith.mulf %exp3A, %get3A_1206 : vector<16xf32>
        %swap3A_1208 = arith.index_cast %mul3A_1188 : i32 to index
        %swap3A_1209 = tpu.vector_load %arg21[%swap3A_1208] {strides = array<i32>} : memref<1024xf32, #tpu.memory_space<vmem>>, vector<16xf32>,
        %swap3A_1210 = vector.shape_cast %swap3A_1209 : vector<16xf32> to vector<16xf32>
        %swap3A_1211 = vector.shape_cast %mul3A_1207 : vector<16xf32> to vector<16xf32>
        tpu.vector_store %arg21[%swap3A_1208], %swap3A_1211 {strides = array<i32>} : memref<1024xf32, #tpu.memory_space<vmem>>, vector<16xf32>,
        %get3A_1212 = arith.index_cast %mul3A_1188 : i32 to index
        %get3A_1213 = tpu.vector_load %arg17[%get3A_1212] {strides = array<i32>} : memref<1024xf32, #tpu.memory_space<vmem>>, vector<16xf32>,
        %get3A_1214 = vector.shape_cast %get3A_1213 : vector<16xf32> to vector<16xf32>
        %mul3A_1215 = arith.mulf %exp3A, %get3A_1214 : vector<16xf32>
        %swap3A_1216 = arith.index_cast %mul3A_1188 : i32 to index
        %swap3A_1217 = tpu.vector_load %arg22[%swap3A_1216] {strides = array<i32>} : memref<1024xf32, #tpu.memory_space<vmem>>, vector<16xf32>,
        %swap3A_1218 = vector.shape_cast %swap3A_1217 : vector<16xf32> to vector<16xf32>
        %swap3A_1219 = vector.shape_cast %mul3A_1215 : vector<16xf32> to vector<16xf32>
        tpu.vector_store %arg22[%swap3A_1216], %swap3A_1219 {strides = array<i32>} : memref<1024xf32, #tpu.memory_space<vmem>>, vector<16xf32>,
        %get3A_1220 = arith.index_cast %mul3A_1188 : i32 to index
        %get3A_1221 = tpu.vector_load %arg18[%get3A_1220] {strides = array<i32>} : memref<1024xf32, #tpu.memory_space<vmem>>, vector<16xf32>,
        %get3A_1222 = vector.shape_cast %get3A_1221 : vector<16xf32> to vector<16xf32>
        %mul3A_1223 = arith.mulf %exp3A, %get3A_1222 : vector<16xf32>
        %swap3A_1224 = arith.index_cast %mul3A_1188 : i32 to index
        %swap3A_1225 = tpu.vector_load %arg23[%swap3A_1224] {strides = array<i32>} : memref<1024xf32, #tpu.memory_space<vmem>>, vector<16xf32>,
        %swap3A_1226 = vector.shape_cast %swap3A_1225 : vector<16xf32> to vector<16xf32>
        %swap3A_1227 = vector.shape_cast %mul3A_1223 : vector<16xf32> to vector<16xf32>
        tpu.vector_store %arg23[%swap3A_1224], %swap3A_1227 {strides = array<i32>} : memref<1024xf32, #tpu.memory_space<vmem>>, vector<16xf32>,
        %get3A_1228 = arith.index_cast %mul3A_1188 : i32 to index
        %get3A_1229 = tpu.vector_load %arg19[%get3A_1228] {strides = array<i32>} : memref<1024xf32, #tpu.memory_space<vmem>>, vector<16xf32>,
        %get3A_1230 = vector.shape_cast %get3A_1229 : vector<16xf32> to vector<16xf32>
        %mul3A_1231 = arith.mulf %exp3A, %get3A_1230 : vector<16xf32>
        %swap3A_1232 = arith.index_cast %mul3A_1188 : i32 to index
        %swap3A_1233 = tpu.vector_load %arg24[%swap3A_1232] {strides = array<i32>} : memref<1024xf32, #tpu.memory_space<vmem>>, vector<16xf32>,
        %swap3A_1234 = vector.shape_cast %swap3A_1233 : vector<16xf32> to vector<16xf32>
        %swap3A_1235 = vector.shape_cast %mul3A_1231 : vector<16xf32> to vector<16xf32>
        tpu.vector_store %arg24[%swap3A_1232], %swap3A_1235 {strides = array<i32>} : memref<1024xf32, #tpu.memory_space<vmem>>, vector<16xf32>,
      }
      %scan3A_865 = arith.constant 64 : i32
      %dma_start3A_866 = arith.constant 0 : i32
      %dma_start3A_867 = arith.constant 0 : i32
      %dma_start3A_868 = tpu.memref_slice %arg20[%dma_start3A_867] : memref<1024xf32, #tpu.memory_space<vmem>> -> memref<128xf32, #tpu.memory_space<vmem>>
      %dma_start3A_869 = arith.constant 0 : i32
      %dma_start3A_870 = tpu.memref_slice %arg13[%dma_start3A_866, %dma_start3A_869] : memref<8x128xi32, #tpu.memory_space<vmem>> -> memref<1x128xi32, #tpu.memory_space<vmem>>
      %dma_start3A_871 = tpu.memref_squeeze %dma_start3A_870 : memref<1x128xi32, #tpu.memory_space<vmem>> -> memref<128xi32, #tpu.memory_space<vmem>>
      %dma_start3A_872 = arith.constant 0 : i32
      %dma_start3A_873 = tpu.memref_slice %arg26[%dma_start3A_872] : memref<83968xf32, #tpu.memory_space<vmem_shared>> -> memref<83968xf32, #tpu.memory_space<vmem_shared>>
      tpu.enqueue_indirect_dma source(%dma_start3A_868 : memref<128xf32, #tpu.memory_space<vmem>>) target(%dma_start3A_873 : memref<83968xf32, #tpu.memory_space<vmem_shared>>) offsets(%dma_start3A_871 : memref<128xi32, #tpu.memory_space<vmem>>) semaphore(%arg37 : memref<!tpu.dma_semaphore, #tpu.memory_space<semaphore_mem>>) {add = true}
      %dma_start3A_874 = arith.constant 0 : i32
      %dma_start3A_875 = arith.constant 0 : i32
      %dma_start3A_876 = tpu.memref_slice %arg21[%dma_start3A_875] : memref<1024xf32, #tpu.memory_space<vmem>> -> memref<128xf32, #tpu.memory_space<vmem>>
      %dma_start3A_877 = arith.constant 0 : i32
      %dma_start3A_878 = tpu.memref_slice %arg13[%dma_start3A_874, %dma_start3A_877] : memref<8x128xi32, #tpu.memory_space<vmem>> -> memref<1x128xi32, #tpu.memory_space<vmem>>
      %dma_start3A_879 = tpu.memref_squeeze %dma_start3A_878 : memref<1x128xi32, #tpu.memory_space<vmem>> -> memref<128xi32, #tpu.memory_space<vmem>>
      %dma_start3A_880 = arith.constant 0 : i32
      %dma_start3A_881 = tpu.memref_slice %arg27[%dma_start3A_880] : memref<83968xf32, #tpu.memory_space<vmem_shared>> -> memref<83968xf32, #tpu.memory_space<vmem_shared>>
      tpu.enqueue_indirect_dma source(%dma_start3A_876 : memref<128xf32, #tpu.memory_space<vmem>>) target(%dma_start3A_881 : memref<83968xf32, #tpu.memory_space<vmem_shared>>) offsets(%dma_start3A_879 : memref<128xi32, #tpu.memory_space<vmem>>) semaphore(%arg37 : memref<!tpu.dma_semaphore, #tpu.memory_space<semaphore_mem>>) {add = true}
      %dma_start3A_882 = arith.constant 0 : i32
      %dma_start3A_883 = arith.constant 0 : i32
      %dma_start3A_884 = tpu.memref_slice %arg22[%dma_start3A_883] : memref<1024xf32, #tpu.memory_space<vmem>> -> memref<128xf32, #tpu.memory_space<vmem>>
      %dma_start3A_885 = arith.constant 0 : i32
      %dma_start3A_886 = tpu.memref_slice %arg13[%dma_start3A_882, %dma_start3A_885] : memref<8x128xi32, #tpu.memory_space<vmem>> -> memref<1x128xi32, #tpu.memory_space<vmem>>
      %dma_start3A_887 = tpu.memref_squeeze %dma_start3A_886 : memref<1x128xi32, #tpu.memory_space<vmem>> -> memref<128xi32, #tpu.memory_space<vmem>>
      %dma_start3A_888 = arith.constant 0 : i32
      %dma_start3A_889 = tpu.memref_slice %arg28[%dma_start3A_888] : memref<83968xf32, #tpu.memory_space<vmem_shared>> -> memref<83968xf32, #tpu.memory_space<vmem_shared>>
      tpu.enqueue_indirect_dma source(%dma_start3A_884 : memref<128xf32, #tpu.memory_space<vmem>>) target(%dma_start3A_889 : memref<83968xf32, #tpu.memory_space<vmem_shared>>) offsets(%dma_start3A_887 : memref<128xi32, #tpu.memory_space<vmem>>) semaphore(%arg37 : memref<!tpu.dma_semaphore, #tpu.memory_space<semaphore_mem>>) {add = true}
      %dma_start3A_890 = arith.constant 0 : i32
      %dma_start3A_891 = arith.constant 0 : i32
      %dma_start3A_892 = tpu.memref_slice %arg23[%dma_start3A_891] : memref<1024xf32, #tpu.memory_space<vmem>> -> memref<128xf32, #tpu.memory_space<vmem>>
      %dma_start3A_893 = arith.constant 0 : i32
      %dma_start3A_894 = tpu.memref_slice %arg13[%dma_start3A_890, %dma_start3A_893] : memref<8x128xi32, #tpu.memory_space<vmem>> -> memref<1x128xi32, #tpu.memory_space<vmem>>
      %dma_start3A_895 = tpu.memref_squeeze %dma_start3A_894 : memref<1x128xi32, #tpu.memory_space<vmem>> -> memref<128xi32, #tpu.memory_space<vmem>>
      %dma_start3A_896 = arith.constant 0 : i32
      %dma_start3A_897 = tpu.memref_slice %arg29[%dma_start3A_896] : memref<83968xf32, #tpu.memory_space<vmem_shared>> -> memref<83968xf32, #tpu.memory_space<vmem_shared>>
      tpu.enqueue_indirect_dma source(%dma_start3A_892 : memref<128xf32, #tpu.memory_space<vmem>>) target(%dma_start3A_897 : memref<83968xf32, #tpu.memory_space<vmem_shared>>) offsets(%dma_start3A_895 : memref<128xi32, #tpu.memory_space<vmem>>) semaphore(%arg37 : memref<!tpu.dma_semaphore, #tpu.memory_space<semaphore_mem>>) {add = true}
      %dma_start3A_898 = arith.constant 0 : i32
      %dma_start3A_899 = arith.constant 0 : i32
      %dma_start3A_900 = tpu.memref_slice %arg24[%dma_start3A_899] : memref<1024xf32, #tpu.memory_space<vmem>> -> memref<128xf32, #tpu.memory_space<vmem>>
      %dma_start3A_901 = arith.constant 0 : i32
      %dma_start3A_902 = tpu.memref_slice %arg13[%dma_start3A_898, %dma_start3A_901] : memref<8x128xi32, #tpu.memory_space<vmem>> -> memref<1x128xi32, #tpu.memory_space<vmem>>
      %dma_start3A_903 = tpu.memref_squeeze %dma_start3A_902 : memref<1x128xi32, #tpu.memory_space<vmem>> -> memref<128xi32, #tpu.memory_space<vmem>>
      %dma_start3A_904 = arith.constant 0 : i32
      %dma_start3A_905 = tpu.memref_slice %arg30[%dma_start3A_904] : memref<83968xf32, #tpu.memory_space<vmem_shared>> -> memref<83968xf32, #tpu.memory_space<vmem_shared>>
      tpu.enqueue_indirect_dma source(%dma_start3A_900 : memref<128xf32, #tpu.memory_space<vmem>>) target(%dma_start3A_905 : memref<83968xf32, #tpu.memory_space<vmem_shared>>) offsets(%dma_start3A_903 : memref<128xi32, #tpu.memory_space<vmem>>) semaphore(%arg37 : memref<!tpu.dma_semaphore, #tpu.memory_space<semaphore_mem>>) {add = true}
      %dma_start3A_906 = arith.constant 1 : i32
      %dma_start3A_907 = arith.constant 128 : i32
      %dma_start3A_908 = tpu.memref_slice %arg20[%dma_start3A_907] : memref<1024xf32, #tpu.memory_space<vmem>> -> memref<128xf32, #tpu.memory_space<vmem>>
      %dma_start3A_909 = arith.constant 0 : i32
      %dma_start3A_910 = tpu.memref_slice %arg13[%dma_start3A_906, %dma_start3A_909] : memref<8x128xi32, #tpu.memory_space<vmem>> -> memref<1x128xi32, #tpu.memory_space<vmem>>
      %dma_start3A_911 = tpu.memref_squeeze %dma_start3A_910 : memref<1x128xi32, #tpu.memory_space<vmem>> -> memref<128xi32, #tpu.memory_space<vmem>>
      %dma_start3A_912 = arith.constant 0 : i32
      %dma_start3A_913 = tpu.memref_slice %arg26[%dma_start3A_912] : memref<83968xf32, #tpu.memory_space<vmem_shared>> -> memref<83968xf32, #tpu.memory_space<vmem_shared>>
      tpu.enqueue_indirect_dma source(%dma_start3A_908 : memref<128xf32, #tpu.memory_space<vmem>>) target(%dma_start3A_913 : memref<83968xf32, #tpu.memory_space<vmem_shared>>) offsets(%dma_start3A_911 : memref<128xi32, #tpu.memory_space<vmem>>) semaphore(%arg37 : memref<!tpu.dma_semaphore, #tpu.memory_space<semaphore_mem>>) {add = true}
      %dma_start3A_914 = arith.constant 1 : i32
      %dma_start3A_915 = arith.constant 128 : i32
      %dma_start3A_916 = tpu.memref_slice %arg21[%dma_start3A_915] : memref<1024xf32, #tpu.memory_space<vmem>> -> memref<128xf32, #tpu.memory_space<vmem>>
      %dma_start3A_917 = arith.constant 0 : i32
      %dma_start3A_918 = tpu.memref_slice %arg13[%dma_start3A_914, %dma_start3A_917] : memref<8x128xi32, #tpu.memory_space<vmem>> -> memref<1x128xi32, #tpu.memory_space<vmem>>
      %dma_start3A_919 = tpu.memref_squeeze %dma_start3A_918 : memref<1x128xi32, #tpu.memory_space<vmem>> -> memref<128xi32, #tpu.memory_space<vmem>>
      %dma_start3A_920 = arith.constant 0 : i32
      %dma_start3A_921 = tpu.memref_slice %arg27[%dma_start3A_920] : memref<83968xf32, #tpu.memory_space<vmem_shared>> -> memref<83968xf32, #tpu.memory_space<vmem_shared>>
      tpu.enqueue_indirect_dma source(%dma_start3A_916 : memref<128xf32, #tpu.memory_space<vmem>>) target(%dma_start3A_921 : memref<83968xf32, #tpu.memory_space<vmem_shared>>) offsets(%dma_start3A_919 : memref<128xi32, #tpu.memory_space<vmem>>) semaphore(%arg37 : memref<!tpu.dma_semaphore, #tpu.memory_space<semaphore_mem>>) {add = true}
      %dma_start3A_922 = arith.constant 1 : i32
      %dma_start3A_923 = arith.constant 128 : i32
      %dma_start3A_924 = tpu.memref_slice %arg22[%dma_start3A_923] : memref<1024xf32, #tpu.memory_space<vmem>> -> memref<128xf32, #tpu.memory_space<vmem>>
      %dma_start3A_925 = arith.constant 0 : i32
      %dma_start3A_926 = tpu.memref_slice %arg13[%dma_start3A_922, %dma_start3A_925] : memref<8x128xi32, #tpu.memory_space<vmem>> -> memref<1x128xi32, #tpu.memory_space<vmem>>
      %dma_start3A_927 = tpu.memref_squeeze %dma_start3A_926 : memref<1x128xi32, #tpu.memory_space<vmem>> -> memref<128xi32, #tpu.memory_space<vmem>>
      %dma_start3A_928 = arith.constant 0 : i32
      %dma_start3A_929 = tpu.memref_slice %arg28[%dma_start3A_928] : memref<83968xf32, #tpu.memory_space<vmem_shared>> -> memref<83968xf32, #tpu.memory_space<vmem_shared>>
      tpu.enqueue_indirect_dma source(%dma_start3A_924 : memref<128xf32, #tpu.memory_space<vmem>>) target(%dma_start3A_929 : memref<83968xf32, #tpu.memory_space<vmem_shared>>) offsets(%dma_start3A_927 : memref<128xi32, #tpu.memory_space<vmem>>) semaphore(%arg37 : memref<!tpu.dma_semaphore, #tpu.memory_space<semaphore_mem>>) {add = true}
      %dma_start3A_930 = arith.constant 1 : i32
      %dma_start3A_931 = arith.constant 128 : i32
      %dma_start3A_932 = tpu.memref_slice %arg23[%dma_start3A_931] : memref<1024xf32, #tpu.memory_space<vmem>> -> memref<128xf32, #tpu.memory_space<vmem>>
      %dma_start3A_933 = arith.constant 0 : i32
      %dma_start3A_934 = tpu.memref_slice %arg13[%dma_start3A_930, %dma_start3A_933] : memref<8x128xi32, #tpu.memory_space<vmem>> -> memref<1x128xi32, #tpu.memory_space<vmem>>
      %dma_start3A_935 = tpu.memref_squeeze %dma_start3A_934 : memref<1x128xi32, #tpu.memory_space<vmem>> -> memref<128xi32, #tpu.memory_space<vmem>>
      %dma_start3A_936 = arith.constant 0 : i32
      %dma_start3A_937 = tpu.memref_slice %arg29[%dma_start3A_936] : memref<83968xf32, #tpu.memory_space<vmem_shared>> -> memref<83968xf32, #tpu.memory_space<vmem_shared>>
      tpu.enqueue_indirect_dma source(%dma_start3A_932 : memref<128xf32, #tpu.memory_space<vmem>>) target(%dma_start3A_937 : memref<83968xf32, #tpu.memory_space<vmem_shared>>) offsets(%dma_start3A_935 : memref<128xi32, #tpu.memory_space<vmem>>) semaphore(%arg37 : memref<!tpu.dma_semaphore, #tpu.memory_space<semaphore_mem>>) {add = true}
      %dma_start3A_938 = arith.constant 1 : i32
      %dma_start3A_939 = arith.constant 128 : i32
      %dma_start3A_940 = tpu.memref_slice %arg24[%dma_start3A_939] : memref<1024xf32, #tpu.memory_space<vmem>> -> memref<128xf32, #tpu.memory_space<vmem>>
      %dma_start3A_941 = arith.constant 0 : i32
      %dma_start3A_942 = tpu.memref_slice %arg13[%dma_start3A_938, %dma_start3A_941] : memref<8x128xi32, #tpu.memory_space<vmem>> -> memref<1x128xi32, #tpu.memory_space<vmem>>
      %dma_start3A_943 = tpu.memref_squeeze %dma_start3A_942 : memref<1x128xi32, #tpu.memory_space<vmem>> -> memref<128xi32, #tpu.memory_space<vmem>>
      %dma_start3A_944 = arith.constant 0 : i32
      %dma_start3A_945 = tpu.memref_slice %arg30[%dma_start3A_944] : memref<83968xf32, #tpu.memory_space<vmem_shared>> -> memref<83968xf32, #tpu.memory_space<vmem_shared>>
      tpu.enqueue_indirect_dma source(%dma_start3A_940 : memref<128xf32, #tpu.memory_space<vmem>>) target(%dma_start3A_945 : memref<83968xf32, #tpu.memory_space<vmem_shared>>) offsets(%dma_start3A_943 : memref<128xi32, #tpu.memory_space<vmem>>) semaphore(%arg37 : memref<!tpu.dma_semaphore, #tpu.memory_space<semaphore_mem>>) {add = true}
      %dma_start3A_946 = arith.constant 2 : i32
      %dma_start3A_947 = arith.constant 256 : i32
      %dma_start3A_948 = tpu.memref_slice %arg20[%dma_start3A_947] : memref<1024xf32, #tpu.memory_space<vmem>> -> memref<128xf32, #tpu.memory_space<vmem>>
      %dma_start3A_949 = arith.constant 0 : i32
      %dma_start3A_950 = tpu.memref_slice %arg13[%dma_start3A_946, %dma_start3A_949] : memref<8x128xi32, #tpu.memory_space<vmem>> -> memref<1x128xi32, #tpu.memory_space<vmem>>
      %dma_start3A_951 = tpu.memref_squeeze %dma_start3A_950 : memref<1x128xi32, #tpu.memory_space<vmem>> -> memref<128xi32, #tpu.memory_space<vmem>>
      %dma_start3A_952 = arith.constant 0 : i32
      %dma_start3A_953 = tpu.memref_slice %arg26[%dma_start3A_952] : memref<83968xf32, #tpu.memory_space<vmem_shared>> -> memref<83968xf32, #tpu.memory_space<vmem_shared>>
      tpu.enqueue_indirect_dma source(%dma_start3A_948 : memref<128xf32, #tpu.memory_space<vmem>>) target(%dma_start3A_953 : memref<83968xf32, #tpu.memory_space<vmem_shared>>) offsets(%dma_start3A_951 : memref<128xi32, #tpu.memory_space<vmem>>) semaphore(%arg37 : memref<!tpu.dma_semaphore, #tpu.memory_space<semaphore_mem>>) {add = true}
      %dma_start3A_954 = arith.constant 2 : i32
      %dma_start3A_955 = arith.constant 256 : i32
      %dma_start3A_956 = tpu.memref_slice %arg21[%dma_start3A_955] : memref<1024xf32, #tpu.memory_space<vmem>> -> memref<128xf32, #tpu.memory_space<vmem>>
      %dma_start3A_957 = arith.constant 0 : i32
      %dma_start3A_958 = tpu.memref_slice %arg13[%dma_start3A_954, %dma_start3A_957] : memref<8x128xi32, #tpu.memory_space<vmem>> -> memref<1x128xi32, #tpu.memory_space<vmem>>
      %dma_start3A_959 = tpu.memref_squeeze %dma_start3A_958 : memref<1x128xi32, #tpu.memory_space<vmem>> -> memref<128xi32, #tpu.memory_space<vmem>>
      %dma_start3A_960 = arith.constant 0 : i32
      %dma_start3A_961 = tpu.memref_slice %arg27[%dma_start3A_960] : memref<83968xf32, #tpu.memory_space<vmem_shared>> -> memref<83968xf32, #tpu.memory_space<vmem_shared>>
      tpu.enqueue_indirect_dma source(%dma_start3A_956 : memref<128xf32, #tpu.memory_space<vmem>>) target(%dma_start3A_961 : memref<83968xf32, #tpu.memory_space<vmem_shared>>) offsets(%dma_start3A_959 : memref<128xi32, #tpu.memory_space<vmem>>) semaphore(%arg37 : memref<!tpu.dma_semaphore, #tpu.memory_space<semaphore_mem>>) {add = true}
      %dma_start3A_962 = arith.constant 2 : i32
      %dma_start3A_963 = arith.constant 256 : i32
      %dma_start3A_964 = tpu.memref_slice %arg22[%dma_start3A_963] : memref<1024xf32, #tpu.memory_space<vmem>> -> memref<128xf32, #tpu.memory_space<vmem>>
      %dma_start3A_965 = arith.constant 0 : i32
      %dma_start3A_966 = tpu.memref_slice %arg13[%dma_start3A_962, %dma_start3A_965] : memref<8x128xi32, #tpu.memory_space<vmem>> -> memref<1x128xi32, #tpu.memory_space<vmem>>
      %dma_start3A_967 = tpu.memref_squeeze %dma_start3A_966 : memref<1x128xi32, #tpu.memory_space<vmem>> -> memref<128xi32, #tpu.memory_space<vmem>>
      %dma_start3A_968 = arith.constant 0 : i32
      %dma_start3A_969 = tpu.memref_slice %arg28[%dma_start3A_968] : memref<83968xf32, #tpu.memory_space<vmem_shared>> -> memref<83968xf32, #tpu.memory_space<vmem_shared>>
      tpu.enqueue_indirect_dma source(%dma_start3A_964 : memref<128xf32, #tpu.memory_space<vmem>>) target(%dma_start3A_969 : memref<83968xf32, #tpu.memory_space<vmem_shared>>) offsets(%dma_start3A_967 : memref<128xi32, #tpu.memory_space<vmem>>) semaphore(%arg37 : memref<!tpu.dma_semaphore, #tpu.memory_space<semaphore_mem>>) {add = true}
      %dma_start3A_970 = arith.constant 2 : i32
      %dma_start3A_971 = arith.constant 256 : i32
      %dma_start3A_972 = tpu.memref_slice %arg23[%dma_start3A_971] : memref<1024xf32, #tpu.memory_space<vmem>> -> memref<128xf32, #tpu.memory_space<vmem>>
      %dma_start3A_973 = arith.constant 0 : i32
      %dma_start3A_974 = tpu.memref_slice %arg13[%dma_start3A_970, %dma_start3A_973] : memref<8x128xi32, #tpu.memory_space<vmem>> -> memref<1x128xi32, #tpu.memory_space<vmem>>
      %dma_start3A_975 = tpu.memref_squeeze %dma_start3A_974 : memref<1x128xi32, #tpu.memory_space<vmem>> -> memref<128xi32, #tpu.memory_space<vmem>>
      %dma_start3A_976 = arith.constant 0 : i32
      %dma_start3A_977 = tpu.memref_slice %arg29[%dma_start3A_976] : memref<83968xf32, #tpu.memory_space<vmem_shared>> -> memref<83968xf32, #tpu.memory_space<vmem_shared>>
      tpu.enqueue_indirect_dma source(%dma_start3A_972 : memref<128xf32, #tpu.memory_space<vmem>>) target(%dma_start3A_977 : memref<83968xf32, #tpu.memory_space<vmem_shared>>) offsets(%dma_start3A_975 : memref<128xi32, #tpu.memory_space<vmem>>) semaphore(%arg37 : memref<!tpu.dma_semaphore, #tpu.memory_space<semaphore_mem>>) {add = true}
      %dma_start3A_978 = arith.constant 2 : i32
      %dma_start3A_979 = arith.constant 256 : i32
      %dma_start3A_980 = tpu.memref_slice %arg24[%dma_start3A_979] : memref<1024xf32, #tpu.memory_space<vmem>> -> memref<128xf32, #tpu.memory_space<vmem>>
      %dma_start3A_981 = arith.constant 0 : i32
      %dma_start3A_982 = tpu.memref_slice %arg13[%dma_start3A_978, %dma_start3A_981] : memref<8x128xi32, #tpu.memory_space<vmem>> -> memref<1x128xi32, #tpu.memory_space<vmem>>
      %dma_start3A_983 = tpu.memref_squeeze %dma_start3A_982 : memref<1x128xi32, #tpu.memory_space<vmem>> -> memref<128xi32, #tpu.memory_space<vmem>>
      %dma_start3A_984 = arith.constant 0 : i32
      %dma_start3A_985 = tpu.memref_slice %arg30[%dma_start3A_984] : memref<83968xf32, #tpu.memory_space<vmem_shared>> -> memref<83968xf32, #tpu.memory_space<vmem_shared>>
      tpu.enqueue_indirect_dma source(%dma_start3A_980 : memref<128xf32, #tpu.memory_space<vmem>>) target(%dma_start3A_985 : memref<83968xf32, #tpu.memory_space<vmem_shared>>) offsets(%dma_start3A_983 : memref<128xi32, #tpu.memory_space<vmem>>) semaphore(%arg37 : memref<!tpu.dma_semaphore, #tpu.memory_space<semaphore_mem>>) {add = true}
      %dma_start3A_986 = arith.constant 3 : i32
      %dma_start3A_987 = arith.constant 384 : i32
      %dma_start3A_988 = tpu.memref_slice %arg20[%dma_start3A_987] : memref<1024xf32, #tpu.memory_space<vmem>> -> memref<128xf32, #tpu.memory_space<vmem>>
      %dma_start3A_989 = arith.constant 0 : i32
      %dma_start3A_990 = tpu.memref_slice %arg13[%dma_start3A_986, %dma_start3A_989] : memref<8x128xi32, #tpu.memory_space<vmem>> -> memref<1x128xi32, #tpu.memory_space<vmem>>
      %dma_start3A_991 = tpu.memref_squeeze %dma_start3A_990 : memref<1x128xi32, #tpu.memory_space<vmem>> -> memref<128xi32, #tpu.memory_space<vmem>>
      %dma_start3A_992 = arith.constant 0 : i32
      %dma_start3A_993 = tpu.memref_slice %arg26[%dma_start3A_992] : memref<83968xf32, #tpu.memory_space<vmem_shared>> -> memref<83968xf32, #tpu.memory_space<vmem_shared>>
      tpu.enqueue_indirect_dma source(%dma_start3A_988 : memref<128xf32, #tpu.memory_space<vmem>>) target(%dma_start3A_993 : memref<83968xf32, #tpu.memory_space<vmem_shared>>) offsets(%dma_start3A_991 : memref<128xi32, #tpu.memory_space<vmem>>) semaphore(%arg37 : memref<!tpu.dma_semaphore, #tpu.memory_space<semaphore_mem>>) {add = true}
      %dma_start3A_994 = arith.constant 3 : i32
      %dma_start3A_995 = arith.constant 384 : i32
      %dma_start3A_996 = tpu.memref_slice %arg21[%dma_start3A_995] : memref<1024xf32, #tpu.memory_space<vmem>> -> memref<128xf32, #tpu.memory_space<vmem>>
      %dma_start3A_997 = arith.constant 0 : i32
      %dma_start3A_998 = tpu.memref_slice %arg13[%dma_start3A_994, %dma_start3A_997] : memref<8x128xi32, #tpu.memory_space<vmem>> -> memref<1x128xi32, #tpu.memory_space<vmem>>
      %dma_start3A_999 = tpu.memref_squeeze %dma_start3A_998 : memref<1x128xi32, #tpu.memory_space<vmem>> -> memref<128xi32, #tpu.memory_space<vmem>>
      %dma_start3A_1000 = arith.constant 0 : i32
      %dma_start3A_1001 = tpu.memref_slice %arg27[%dma_start3A_1000] : memref<83968xf32, #tpu.memory_space<vmem_shared>> -> memref<83968xf32, #tpu.memory_space<vmem_shared>>
      tpu.enqueue_indirect_dma source(%dma_start3A_996 : memref<128xf32, #tpu.memory_space<vmem>>) target(%dma_start3A_1001 : memref<83968xf32, #tpu.memory_space<vmem_shared>>) offsets(%dma_start3A_999 : memref<128xi32, #tpu.memory_space<vmem>>) semaphore(%arg37 : memref<!tpu.dma_semaphore, #tpu.memory_space<semaphore_mem>>) {add = true}
      %dma_start3A_1002 = arith.constant 3 : i32
      %dma_start3A_1003 = arith.constant 384 : i32
      %dma_start3A_1004 = tpu.memref_slice %arg22[%dma_start3A_1003] : memref<1024xf32, #tpu.memory_space<vmem>> -> memref<128xf32, #tpu.memory_space<vmem>>
      %dma_start3A_1005 = arith.constant 0 : i32
      %dma_start3A_1006 = tpu.memref_slice %arg13[%dma_start3A_1002, %dma_start3A_1005] : memref<8x128xi32, #tpu.memory_space<vmem>> -> memref<1x128xi32, #tpu.memory_space<vmem>>
      %dma_start3A_1007 = tpu.memref_squeeze %dma_start3A_1006 : memref<1x128xi32, #tpu.memory_space<vmem>> -> memref<128xi32, #tpu.memory_space<vmem>>
      %dma_start3A_1008 = arith.constant 0 : i32
      %dma_start3A_1009 = tpu.memref_slice %arg28[%dma_start3A_1008] : memref<83968xf32, #tpu.memory_space<vmem_shared>> -> memref<83968xf32, #tpu.memory_space<vmem_shared>>
      tpu.enqueue_indirect_dma source(%dma_start3A_1004 : memref<128xf32, #tpu.memory_space<vmem>>) target(%dma_start3A_1009 : memref<83968xf32, #tpu.memory_space<vmem_shared>>) offsets(%dma_start3A_1007 : memref<128xi32, #tpu.memory_space<vmem>>) semaphore(%arg37 : memref<!tpu.dma_semaphore, #tpu.memory_space<semaphore_mem>>) {add = true}
      %dma_start3A_1010 = arith.constant 3 : i32
      %dma_start3A_1011 = arith.constant 384 : i32
      %dma_start3A_1012 = tpu.memref_slice %arg23[%dma_start3A_1011] : memref<1024xf32, #tpu.memory_space<vmem>> -> memref<128xf32, #tpu.memory_space<vmem>>
      %dma_start3A_1013 = arith.constant 0 : i32
      %dma_start3A_1014 = tpu.memref_slice %arg13[%dma_start3A_1010, %dma_start3A_1013] : memref<8x128xi32, #tpu.memory_space<vmem>> -> memref<1x128xi32, #tpu.memory_space<vmem>>
      %dma_start3A_1015 = tpu.memref_squeeze %dma_start3A_1014 : memref<1x128xi32, #tpu.memory_space<vmem>> -> memref<128xi32, #tpu.memory_space<vmem>>
      %dma_start3A_1016 = arith.constant 0 : i32
      %dma_start3A_1017 = tpu.memref_slice %arg29[%dma_start3A_1016] : memref<83968xf32, #tpu.memory_space<vmem_shared>> -> memref<83968xf32, #tpu.memory_space<vmem_shared>>
      tpu.enqueue_indirect_dma source(%dma_start3A_1012 : memref<128xf32, #tpu.memory_space<vmem>>) target(%dma_start3A_1017 : memref<83968xf32, #tpu.memory_space<vmem_shared>>) offsets(%dma_start3A_1015 : memref<128xi32, #tpu.memory_space<vmem>>) semaphore(%arg37 : memref<!tpu.dma_semaphore, #tpu.memory_space<semaphore_mem>>) {add = true}
      %dma_start3A_1018 = arith.constant 3 : i32
      %dma_start3A_1019 = arith.constant 384 : i32
      %dma_start3A_1020 = tpu.memref_slice %arg24[%dma_start3A_1019] : memref<1024xf32, #tpu.memory_space<vmem>> -> memref<128xf32, #tpu.memory_space<vmem>>
      %dma_start3A_1021 = arith.constant 0 : i32
      %dma_start3A_1022 = tpu.memref_slice %arg13[%dma_start3A_1018, %dma_start3A_1021] : memref<8x128xi32, #tpu.memory_space<vmem>> -> memref<1x128xi32, #tpu.memory_space<vmem>>
      %dma_start3A_1023 = tpu.memref_squeeze %dma_start3A_1022 : memref<1x128xi32, #tpu.memory_space<vmem>> -> memref<128xi32, #tpu.memory_space<vmem>>
      %dma_start3A_1024 = arith.constant 0 : i32
      %dma_start3A_1025 = tpu.memref_slice %arg30[%dma_start3A_1024] : memref<83968xf32, #tpu.memory_space<vmem_shared>> -> memref<83968xf32, #tpu.memory_space<vmem_shared>>
      tpu.enqueue_indirect_dma source(%dma_start3A_1020 : memref<128xf32, #tpu.memory_space<vmem>>) target(%dma_start3A_1025 : memref<83968xf32, #tpu.memory_space<vmem_shared>>) offsets(%dma_start3A_1023 : memref<128xi32, #tpu.memory_space<vmem>>) semaphore(%arg37 : memref<!tpu.dma_semaphore, #tpu.memory_space<semaphore_mem>>) {add = true}
      %dma_start3A_1026 = arith.constant 4 : i32
      %dma_start3A_1027 = arith.constant 512 : i32
      %dma_start3A_1028 = tpu.memref_slice %arg20[%dma_start3A_1027] : memref<1024xf32, #tpu.memory_space<vmem>> -> memref<128xf32, #tpu.memory_space<vmem>>
      %dma_start3A_1029 = arith.constant 0 : i32
      %dma_start3A_1030 = tpu.memref_slice %arg13[%dma_start3A_1026, %dma_start3A_1029] : memref<8x128xi32, #tpu.memory_space<vmem>> -> memref<1x128xi32, #tpu.memory_space<vmem>>
      %dma_start3A_1031 = tpu.memref_squeeze %dma_start3A_1030 : memref<1x128xi32, #tpu.memory_space<vmem>> -> memref<128xi32, #tpu.memory_space<vmem>>
      %dma_start3A_1032 = arith.constant 0 : i32
      %dma_start3A_1033 = tpu.memref_slice %arg26[%dma_start3A_1032] : memref<83968xf32, #tpu.memory_space<vmem_shared>> -> memref<83968xf32, #tpu.memory_space<vmem_shared>>
      tpu.enqueue_indirect_dma source(%dma_start3A_1028 : memref<128xf32, #tpu.memory_space<vmem>>) target(%dma_start3A_1033 : memref<83968xf32, #tpu.memory_space<vmem_shared>>) offsets(%dma_start3A_1031 : memref<128xi32, #tpu.memory_space<vmem>>) semaphore(%arg37 : memref<!tpu.dma_semaphore, #tpu.memory_space<semaphore_mem>>) {add = true}
      %dma_start3A_1034 = arith.constant 4 : i32
      %dma_start3A_1035 = arith.constant 512 : i32
      %dma_start3A_1036 = tpu.memref_slice %arg21[%dma_start3A_1035] : memref<1024xf32, #tpu.memory_space<vmem>> -> memref<128xf32, #tpu.memory_space<vmem>>
      %dma_start3A_1037 = arith.constant 0 : i32
      %dma_start3A_1038 = tpu.memref_slice %arg13[%dma_start3A_1034, %dma_start3A_1037] : memref<8x128xi32, #tpu.memory_space<vmem>> -> memref<1x128xi32, #tpu.memory_space<vmem>>
      %dma_start3A_1039 = tpu.memref_squeeze %dma_start3A_1038 : memref<1x128xi32, #tpu.memory_space<vmem>> -> memref<128xi32, #tpu.memory_space<vmem>>
      %dma_start3A_1040 = arith.constant 0 : i32
      %dma_start3A_1041 = tpu.memref_slice %arg27[%dma_start3A_1040] : memref<83968xf32, #tpu.memory_space<vmem_shared>> -> memref<83968xf32, #tpu.memory_space<vmem_shared>>
      tpu.enqueue_indirect_dma source(%dma_start3A_1036 : memref<128xf32, #tpu.memory_space<vmem>>) target(%dma_start3A_1041 : memref<83968xf32, #tpu.memory_space<vmem_shared>>) offsets(%dma_start3A_1039 : memref<128xi32, #tpu.memory_space<vmem>>) semaphore(%arg37 : memref<!tpu.dma_semaphore, #tpu.memory_space<semaphore_mem>>) {add = true}
      %dma_start3A_1042 = arith.constant 4 : i32
      %dma_start3A_1043 = arith.constant 512 : i32
      %dma_start3A_1044 = tpu.memref_slice %arg22[%dma_start3A_1043] : memref<1024xf32, #tpu.memory_space<vmem>> -> memref<128xf32, #tpu.memory_space<vmem>>
      %dma_start3A_1045 = arith.constant 0 : i32
      %dma_start3A_1046 = tpu.memref_slice %arg13[%dma_start3A_1042, %dma_start3A_1045] : memref<8x128xi32, #tpu.memory_space<vmem>> -> memref<1x128xi32, #tpu.memory_space<vmem>>
      %dma_start3A_1047 = tpu.memref_squeeze %dma_start3A_1046 : memref<1x128xi32, #tpu.memory_space<vmem>> -> memref<128xi32, #tpu.memory_space<vmem>>
      %dma_start3A_1048 = arith.constant 0 : i32
      %dma_start3A_1049 = tpu.memref_slice %arg28[%dma_start3A_1048] : memref<83968xf32, #tpu.memory_space<vmem_shared>> -> memref<83968xf32, #tpu.memory_space<vmem_shared>>
      tpu.enqueue_indirect_dma source(%dma_start3A_1044 : memref<128xf32, #tpu.memory_space<vmem>>) target(%dma_start3A_1049 : memref<83968xf32, #tpu.memory_space<vmem_shared>>) offsets(%dma_start3A_1047 : memref<128xi32, #tpu.memory_space<vmem>>) semaphore(%arg37 : memref<!tpu.dma_semaphore, #tpu.memory_space<semaphore_mem>>) {add = true}
      %dma_start3A_1050 = arith.constant 4 : i32
      %dma_start3A_1051 = arith.constant 512 : i32
      %dma_start3A_1052 = tpu.memref_slice %arg23[%dma_start3A_1051] : memref<1024xf32, #tpu.memory_space<vmem>> -> memref<128xf32, #tpu.memory_space<vmem>>
      %dma_start3A_1053 = arith.constant 0 : i32
      %dma_start3A_1054 = tpu.memref_slice %arg13[%dma_start3A_1050, %dma_start3A_1053] : memref<8x128xi32, #tpu.memory_space<vmem>> -> memref<1x128xi32, #tpu.memory_space<vmem>>
      %dma_start3A_1055 = tpu.memref_squeeze %dma_start3A_1054 : memref<1x128xi32, #tpu.memory_space<vmem>> -> memref<128xi32, #tpu.memory_space<vmem>>
      %dma_start3A_1056 = arith.constant 0 : i32
      %dma_start3A_1057 = tpu.memref_slice %arg29[%dma_start3A_1056] : memref<83968xf32, #tpu.memory_space<vmem_shared>> -> memref<83968xf32, #tpu.memory_space<vmem_shared>>
      tpu.enqueue_indirect_dma source(%dma_start3A_1052 : memref<128xf32, #tpu.memory_space<vmem>>) target(%dma_start3A_1057 : memref<83968xf32, #tpu.memory_space<vmem_shared>>) offsets(%dma_start3A_1055 : memref<128xi32, #tpu.memory_space<vmem>>) semaphore(%arg37 : memref<!tpu.dma_semaphore, #tpu.memory_space<semaphore_mem>>) {add = true}
      %dma_start3A_1058 = arith.constant 4 : i32
      %dma_start3A_1059 = arith.constant 512 : i32
      %dma_start3A_1060 = tpu.memref_slice %arg24[%dma_start3A_1059] : memref<1024xf32, #tpu.memory_space<vmem>> -> memref<128xf32, #tpu.memory_space<vmem>>
      %dma_start3A_1061 = arith.constant 0 : i32
      %dma_start3A_1062 = tpu.memref_slice %arg13[%dma_start3A_1058, %dma_start3A_1061] : memref<8x128xi32, #tpu.memory_space<vmem>> -> memref<1x128xi32, #tpu.memory_space<vmem>>
      %dma_start3A_1063 = tpu.memref_squeeze %dma_start3A_1062 : memref<1x128xi32, #tpu.memory_space<vmem>> -> memref<128xi32, #tpu.memory_space<vmem>>
      %dma_start3A_1064 = arith.constant 0 : i32
      %dma_start3A_1065 = tpu.memref_slice %arg30[%dma_start3A_1064] : memref<83968xf32, #tpu.memory_space<vmem_shared>> -> memref<83968xf32, #tpu.memory_space<vmem_shared>>
      tpu.enqueue_indirect_dma source(%dma_start3A_1060 : memref<128xf32, #tpu.memory_space<vmem>>) target(%dma_start3A_1065 : memref<83968xf32, #tpu.memory_space<vmem_shared>>) offsets(%dma_start3A_1063 : memref<128xi32, #tpu.memory_space<vmem>>) semaphore(%arg37 : memref<!tpu.dma_semaphore, #tpu.memory_space<semaphore_mem>>) {add = true}
      %dma_start3A_1066 = arith.constant 5 : i32
      %dma_start3A_1067 = arith.constant 640 : i32
      %dma_start3A_1068 = tpu.memref_slice %arg20[%dma_start3A_1067] : memref<1024xf32, #tpu.memory_space<vmem>> -> memref<128xf32, #tpu.memory_space<vmem>>
      %dma_start3A_1069 = arith.constant 0 : i32
      %dma_start3A_1070 = tpu.memref_slice %arg13[%dma_start3A_1066, %dma_start3A_1069] : memref<8x128xi32, #tpu.memory_space<vmem>> -> memref<1x128xi32, #tpu.memory_space<vmem>>
      %dma_start3A_1071 = tpu.memref_squeeze %dma_start3A_1070 : memref<1x128xi32, #tpu.memory_space<vmem>> -> memref<128xi32, #tpu.memory_space<vmem>>
      %dma_start3A_1072 = arith.constant 0 : i32
      %dma_start3A_1073 = tpu.memref_slice %arg26[%dma_start3A_1072] : memref<83968xf32, #tpu.memory_space<vmem_shared>> -> memref<83968xf32, #tpu.memory_space<vmem_shared>>
      tpu.enqueue_indirect_dma source(%dma_start3A_1068 : memref<128xf32, #tpu.memory_space<vmem>>) target(%dma_start3A_1073 : memref<83968xf32, #tpu.memory_space<vmem_shared>>) offsets(%dma_start3A_1071 : memref<128xi32, #tpu.memory_space<vmem>>) semaphore(%arg37 : memref<!tpu.dma_semaphore, #tpu.memory_space<semaphore_mem>>) {add = true}
      %dma_start3A_1074 = arith.constant 5 : i32
      %dma_start3A_1075 = arith.constant 640 : i32
      %dma_start3A_1076 = tpu.memref_slice %arg21[%dma_start3A_1075] : memref<1024xf32, #tpu.memory_space<vmem>> -> memref<128xf32, #tpu.memory_space<vmem>>
      %dma_start3A_1077 = arith.constant 0 : i32
      %dma_start3A_1078 = tpu.memref_slice %arg13[%dma_start3A_1074, %dma_start3A_1077] : memref<8x128xi32, #tpu.memory_space<vmem>> -> memref<1x128xi32, #tpu.memory_space<vmem>>
      %dma_start3A_1079 = tpu.memref_squeeze %dma_start3A_1078 : memref<1x128xi32, #tpu.memory_space<vmem>> -> memref<128xi32, #tpu.memory_space<vmem>>
      %dma_start3A_1080 = arith.constant 0 : i32
      %dma_start3A_1081 = tpu.memref_slice %arg27[%dma_start3A_1080] : memref<83968xf32, #tpu.memory_space<vmem_shared>> -> memref<83968xf32, #tpu.memory_space<vmem_shared>>
      tpu.enqueue_indirect_dma source(%dma_start3A_1076 : memref<128xf32, #tpu.memory_space<vmem>>) target(%dma_start3A_1081 : memref<83968xf32, #tpu.memory_space<vmem_shared>>) offsets(%dma_start3A_1079 : memref<128xi32, #tpu.memory_space<vmem>>) semaphore(%arg37 : memref<!tpu.dma_semaphore, #tpu.memory_space<semaphore_mem>>) {add = true}
      %dma_start3A_1082 = arith.constant 5 : i32
      %dma_start3A_1083 = arith.constant 640 : i32
      %dma_start3A_1084 = tpu.memref_slice %arg22[%dma_start3A_1083] : memref<1024xf32, #tpu.memory_space<vmem>> -> memref<128xf32, #tpu.memory_space<vmem>>
      %dma_start3A_1085 = arith.constant 0 : i32
      %dma_start3A_1086 = tpu.memref_slice %arg13[%dma_start3A_1082, %dma_start3A_1085] : memref<8x128xi32, #tpu.memory_space<vmem>> -> memref<1x128xi32, #tpu.memory_space<vmem>>
      %dma_start3A_1087 = tpu.memref_squeeze %dma_start3A_1086 : memref<1x128xi32, #tpu.memory_space<vmem>> -> memref<128xi32, #tpu.memory_space<vmem>>
      %dma_start3A_1088 = arith.constant 0 : i32
      %dma_start3A_1089 = tpu.memref_slice %arg28[%dma_start3A_1088] : memref<83968xf32, #tpu.memory_space<vmem_shared>> -> memref<83968xf32, #tpu.memory_space<vmem_shared>>
      tpu.enqueue_indirect_dma source(%dma_start3A_1084 : memref<128xf32, #tpu.memory_space<vmem>>) target(%dma_start3A_1089 : memref<83968xf32, #tpu.memory_space<vmem_shared>>) offsets(%dma_start3A_1087 : memref<128xi32, #tpu.memory_space<vmem>>) semaphore(%arg37 : memref<!tpu.dma_semaphore, #tpu.memory_space<semaphore_mem>>) {add = true}
      %dma_start3A_1090 = arith.constant 5 : i32
      %dma_start3A_1091 = arith.constant 640 : i32
      %dma_start3A_1092 = tpu.memref_slice %arg23[%dma_start3A_1091] : memref<1024xf32, #tpu.memory_space<vmem>> -> memref<128xf32, #tpu.memory_space<vmem>>
      %dma_start3A_1093 = arith.constant 0 : i32
      %dma_start3A_1094 = tpu.memref_slice %arg13[%dma_start3A_1090, %dma_start3A_1093] : memref<8x128xi32, #tpu.memory_space<vmem>> -> memref<1x128xi32, #tpu.memory_space<vmem>>
      %dma_start3A_1095 = tpu.memref_squeeze %dma_start3A_1094 : memref<1x128xi32, #tpu.memory_space<vmem>> -> memref<128xi32, #tpu.memory_space<vmem>>
      %dma_start3A_1096 = arith.constant 0 : i32
      %dma_start3A_1097 = tpu.memref_slice %arg29[%dma_start3A_1096] : memref<83968xf32, #tpu.memory_space<vmem_shared>> -> memref<83968xf32, #tpu.memory_space<vmem_shared>>
      tpu.enqueue_indirect_dma source(%dma_start3A_1092 : memref<128xf32, #tpu.memory_space<vmem>>) target(%dma_start3A_1097 : memref<83968xf32, #tpu.memory_space<vmem_shared>>) offsets(%dma_start3A_1095 : memref<128xi32, #tpu.memory_space<vmem>>) semaphore(%arg37 : memref<!tpu.dma_semaphore, #tpu.memory_space<semaphore_mem>>) {add = true}
      %dma_start3A_1098 = arith.constant 5 : i32
      %dma_start3A_1099 = arith.constant 640 : i32
      %dma_start3A_1100 = tpu.memref_slice %arg24[%dma_start3A_1099] : memref<1024xf32, #tpu.memory_space<vmem>> -> memref<128xf32, #tpu.memory_space<vmem>>
      %dma_start3A_1101 = arith.constant 0 : i32
      %dma_start3A_1102 = tpu.memref_slice %arg13[%dma_start3A_1098, %dma_start3A_1101] : memref<8x128xi32, #tpu.memory_space<vmem>> -> memref<1x128xi32, #tpu.memory_space<vmem>>
      %dma_start3A_1103 = tpu.memref_squeeze %dma_start3A_1102 : memref<1x128xi32, #tpu.memory_space<vmem>> -> memref<128xi32, #tpu.memory_space<vmem>>
      %dma_start3A_1104 = arith.constant 0 : i32
      %dma_start3A_1105 = tpu.memref_slice %arg30[%dma_start3A_1104] : memref<83968xf32, #tpu.memory_space<vmem_shared>> -> memref<83968xf32, #tpu.memory_space<vmem_shared>>
      tpu.enqueue_indirect_dma source(%dma_start3A_1100 : memref<128xf32, #tpu.memory_space<vmem>>) target(%dma_start3A_1105 : memref<83968xf32, #tpu.memory_space<vmem_shared>>) offsets(%dma_start3A_1103 : memref<128xi32, #tpu.memory_space<vmem>>) semaphore(%arg37 : memref<!tpu.dma_semaphore, #tpu.memory_space<semaphore_mem>>) {add = true}
      %dma_start3A_1106 = arith.constant 6 : i32
      %dma_start3A_1107 = arith.constant 768 : i32
      %dma_start3A_1108 = tpu.memref_slice %arg20[%dma_start3A_1107] : memref<1024xf32, #tpu.memory_space<vmem>> -> memref<128xf32, #tpu.memory_space<vmem>>
      %dma_start3A_1109 = arith.constant 0 : i32
      %dma_start3A_1110 = tpu.memref_slice %arg13[%dma_start3A_1106, %dma_start3A_1109] : memref<8x128xi32, #tpu.memory_space<vmem>> -> memref<1x128xi32, #tpu.memory_space<vmem>>
      %dma_start3A_1111 = tpu.memref_squeeze %dma_start3A_1110 : memref<1x128xi32, #tpu.memory_space<vmem>> -> memref<128xi32, #tpu.memory_space<vmem>>
      %dma_start3A_1112 = arith.constant 0 : i32
      %dma_start3A_1113 = tpu.memref_slice %arg26[%dma_start3A_1112] : memref<83968xf32, #tpu.memory_space<vmem_shared>> -> memref<83968xf32, #tpu.memory_space<vmem_shared>>
      tpu.enqueue_indirect_dma source(%dma_start3A_1108 : memref<128xf32, #tpu.memory_space<vmem>>) target(%dma_start3A_1113 : memref<83968xf32, #tpu.memory_space<vmem_shared>>) offsets(%dma_start3A_1111 : memref<128xi32, #tpu.memory_space<vmem>>) semaphore(%arg37 : memref<!tpu.dma_semaphore, #tpu.memory_space<semaphore_mem>>) {add = true}
      %dma_start3A_1114 = arith.constant 6 : i32
      %dma_start3A_1115 = arith.constant 768 : i32
      %dma_start3A_1116 = tpu.memref_slice %arg21[%dma_start3A_1115] : memref<1024xf32, #tpu.memory_space<vmem>> -> memref<128xf32, #tpu.memory_space<vmem>>
      %dma_start3A_1117 = arith.constant 0 : i32
      %dma_start3A_1118 = tpu.memref_slice %arg13[%dma_start3A_1114, %dma_start3A_1117] : memref<8x128xi32, #tpu.memory_space<vmem>> -> memref<1x128xi32, #tpu.memory_space<vmem>>
      %dma_start3A_1119 = tpu.memref_squeeze %dma_start3A_1118 : memref<1x128xi32, #tpu.memory_space<vmem>> -> memref<128xi32, #tpu.memory_space<vmem>>
      %dma_start3A_1120 = arith.constant 0 : i32
      %dma_start3A_1121 = tpu.memref_slice %arg27[%dma_start3A_1120] : memref<83968xf32, #tpu.memory_space<vmem_shared>> -> memref<83968xf32, #tpu.memory_space<vmem_shared>>
      tpu.enqueue_indirect_dma source(%dma_start3A_1116 : memref<128xf32, #tpu.memory_space<vmem>>) target(%dma_start3A_1121 : memref<83968xf32, #tpu.memory_space<vmem_shared>>) offsets(%dma_start3A_1119 : memref<128xi32, #tpu.memory_space<vmem>>) semaphore(%arg37 : memref<!tpu.dma_semaphore, #tpu.memory_space<semaphore_mem>>) {add = true}
      %dma_start3A_1122 = arith.constant 6 : i32
      %dma_start3A_1123 = arith.constant 768 : i32
      %dma_start3A_1124 = tpu.memref_slice %arg22[%dma_start3A_1123] : memref<1024xf32, #tpu.memory_space<vmem>> -> memref<128xf32, #tpu.memory_space<vmem>>
      %dma_start3A_1125 = arith.constant 0 : i32
      %dma_start3A_1126 = tpu.memref_slice %arg13[%dma_start3A_1122, %dma_start3A_1125] : memref<8x128xi32, #tpu.memory_space<vmem>> -> memref<1x128xi32, #tpu.memory_space<vmem>>
      %dma_start3A_1127 = tpu.memref_squeeze %dma_start3A_1126 : memref<1x128xi32, #tpu.memory_space<vmem>> -> memref<128xi32, #tpu.memory_space<vmem>>
      %dma_start3A_1128 = arith.constant 0 : i32
      %dma_start3A_1129 = tpu.memref_slice %arg28[%dma_start3A_1128] : memref<83968xf32, #tpu.memory_space<vmem_shared>> -> memref<83968xf32, #tpu.memory_space<vmem_shared>>
      tpu.enqueue_indirect_dma source(%dma_start3A_1124 : memref<128xf32, #tpu.memory_space<vmem>>) target(%dma_start3A_1129 : memref<83968xf32, #tpu.memory_space<vmem_shared>>) offsets(%dma_start3A_1127 : memref<128xi32, #tpu.memory_space<vmem>>) semaphore(%arg37 : memref<!tpu.dma_semaphore, #tpu.memory_space<semaphore_mem>>) {add = true}
      %dma_start3A_1130 = arith.constant 6 : i32
      %dma_start3A_1131 = arith.constant 768 : i32
      %dma_start3A_1132 = tpu.memref_slice %arg23[%dma_start3A_1131] : memref<1024xf32, #tpu.memory_space<vmem>> -> memref<128xf32, #tpu.memory_space<vmem>>
      %dma_start3A_1133 = arith.constant 0 : i32
      %dma_start3A_1134 = tpu.memref_slice %arg13[%dma_start3A_1130, %dma_start3A_1133] : memref<8x128xi32, #tpu.memory_space<vmem>> -> memref<1x128xi32, #tpu.memory_space<vmem>>
      %dma_start3A_1135 = tpu.memref_squeeze %dma_start3A_1134 : memref<1x128xi32, #tpu.memory_space<vmem>> -> memref<128xi32, #tpu.memory_space<vmem>>
      %dma_start3A_1136 = arith.constant 0 : i32
      %dma_start3A_1137 = tpu.memref_slice %arg29[%dma_start3A_1136] : memref<83968xf32, #tpu.memory_space<vmem_shared>> -> memref<83968xf32, #tpu.memory_space<vmem_shared>>
      tpu.enqueue_indirect_dma source(%dma_start3A_1132 : memref<128xf32, #tpu.memory_space<vmem>>) target(%dma_start3A_1137 : memref<83968xf32, #tpu.memory_space<vmem_shared>>) offsets(%dma_start3A_1135 : memref<128xi32, #tpu.memory_space<vmem>>) semaphore(%arg37 : memref<!tpu.dma_semaphore, #tpu.memory_space<semaphore_mem>>) {add = true}
      %dma_start3A_1138 = arith.constant 6 : i32
      %dma_start3A_1139 = arith.constant 768 : i32
      %dma_start3A_1140 = tpu.memref_slice %arg24[%dma_start3A_1139] : memref<1024xf32, #tpu.memory_space<vmem>> -> memref<128xf32, #tpu.memory_space<vmem>>
      %dma_start3A_1141 = arith.constant 0 : i32
      %dma_start3A_1142 = tpu.memref_slice %arg13[%dma_start3A_1138, %dma_start3A_1141] : memref<8x128xi32, #tpu.memory_space<vmem>> -> memref<1x128xi32, #tpu.memory_space<vmem>>
      %dma_start3A_1143 = tpu.memref_squeeze %dma_start3A_1142 : memref<1x128xi32, #tpu.memory_space<vmem>> -> memref<128xi32, #tpu.memory_space<vmem>>
      %dma_start3A_1144 = arith.constant 0 : i32
      %dma_start3A_1145 = tpu.memref_slice %arg30[%dma_start3A_1144] : memref<83968xf32, #tpu.memory_space<vmem_shared>> -> memref<83968xf32, #tpu.memory_space<vmem_shared>>
      tpu.enqueue_indirect_dma source(%dma_start3A_1140 : memref<128xf32, #tpu.memory_space<vmem>>) target(%dma_start3A_1145 : memref<83968xf32, #tpu.memory_space<vmem_shared>>) offsets(%dma_start3A_1143 : memref<128xi32, #tpu.memory_space<vmem>>) semaphore(%arg37 : memref<!tpu.dma_semaphore, #tpu.memory_space<semaphore_mem>>) {add = true}
      %dma_start3A_1146 = arith.constant 7 : i32
      %dma_start3A_1147 = arith.constant 896 : i32
      %dma_start3A_1148 = tpu.memref_slice %arg20[%dma_start3A_1147] : memref<1024xf32, #tpu.memory_space<vmem>> -> memref<128xf32, #tpu.memory_space<vmem>>
      %dma_start3A_1149 = arith.constant 0 : i32
      %dma_start3A_1150 = tpu.memref_slice %arg13[%dma_start3A_1146, %dma_start3A_1149] : memref<8x128xi32, #tpu.memory_space<vmem>> -> memref<1x128xi32, #tpu.memory_space<vmem>>
      %dma_start3A_1151 = tpu.memref_squeeze %dma_start3A_1150 : memref<1x128xi32, #tpu.memory_space<vmem>> -> memref<128xi32, #tpu.memory_space<vmem>>
      %dma_start3A_1152 = arith.constant 0 : i32
      %dma_start3A_1153 = tpu.memref_slice %arg26[%dma_start3A_1152] : memref<83968xf32, #tpu.memory_space<vmem_shared>> -> memref<83968xf32, #tpu.memory_space<vmem_shared>>
      tpu.enqueue_indirect_dma source(%dma_start3A_1148 : memref<128xf32, #tpu.memory_space<vmem>>) target(%dma_start3A_1153 : memref<83968xf32, #tpu.memory_space<vmem_shared>>) offsets(%dma_start3A_1151 : memref<128xi32, #tpu.memory_space<vmem>>) semaphore(%arg37 : memref<!tpu.dma_semaphore, #tpu.memory_space<semaphore_mem>>) {add = true}
      %dma_start3A_1154 = arith.constant 7 : i32
      %dma_start3A_1155 = arith.constant 896 : i32
      %dma_start3A_1156 = tpu.memref_slice %arg21[%dma_start3A_1155] : memref<1024xf32, #tpu.memory_space<vmem>> -> memref<128xf32, #tpu.memory_space<vmem>>
      %dma_start3A_1157 = arith.constant 0 : i32
      %dma_start3A_1158 = tpu.memref_slice %arg13[%dma_start3A_1154, %dma_start3A_1157] : memref<8x128xi32, #tpu.memory_space<vmem>> -> memref<1x128xi32, #tpu.memory_space<vmem>>
      %dma_start3A_1159 = tpu.memref_squeeze %dma_start3A_1158 : memref<1x128xi32, #tpu.memory_space<vmem>> -> memref<128xi32, #tpu.memory_space<vmem>>
      %dma_start3A_1160 = arith.constant 0 : i32
      %dma_start3A_1161 = tpu.memref_slice %arg27[%dma_start3A_1160] : memref<83968xf32, #tpu.memory_space<vmem_shared>> -> memref<83968xf32, #tpu.memory_space<vmem_shared>>
      tpu.enqueue_indirect_dma source(%dma_start3A_1156 : memref<128xf32, #tpu.memory_space<vmem>>) target(%dma_start3A_1161 : memref<83968xf32, #tpu.memory_space<vmem_shared>>) offsets(%dma_start3A_1159 : memref<128xi32, #tpu.memory_space<vmem>>) semaphore(%arg37 : memref<!tpu.dma_semaphore, #tpu.memory_space<semaphore_mem>>) {add = true}
      %dma_start3A_1162 = arith.constant 7 : i32
      %dma_start3A_1163 = arith.constant 896 : i32
      %dma_start3A_1164 = tpu.memref_slice %arg22[%dma_start3A_1163] : memref<1024xf32, #tpu.memory_space<vmem>> -> memref<128xf32, #tpu.memory_space<vmem>>
      %dma_start3A_1165 = arith.constant 0 : i32
      %dma_start3A_1166 = tpu.memref_slice %arg13[%dma_start3A_1162, %dma_start3A_1165] : memref<8x128xi32, #tpu.memory_space<vmem>> -> memref<1x128xi32, #tpu.memory_space<vmem>>
      %dma_start3A_1167 = tpu.memref_squeeze %dma_start3A_1166 : memref<1x128xi32, #tpu.memory_space<vmem>> -> memref<128xi32, #tpu.memory_space<vmem>>
      %dma_start3A_1168 = arith.constant 0 : i32
      %dma_start3A_1169 = tpu.memref_slice %arg28[%dma_start3A_1168] : memref<83968xf32, #tpu.memory_space<vmem_shared>> -> memref<83968xf32, #tpu.memory_space<vmem_shared>>
      tpu.enqueue_indirect_dma source(%dma_start3A_1164 : memref<128xf32, #tpu.memory_space<vmem>>) target(%dma_start3A_1169 : memref<83968xf32, #tpu.memory_space<vmem_shared>>) offsets(%dma_start3A_1167 : memref<128xi32, #tpu.memory_space<vmem>>) semaphore(%arg37 : memref<!tpu.dma_semaphore, #tpu.memory_space<semaphore_mem>>) {add = true}
      %dma_start3A_1170 = arith.constant 7 : i32
      %dma_start3A_1171 = arith.constant 896 : i32
      %dma_start3A_1172 = tpu.memref_slice %arg23[%dma_start3A_1171] : memref<1024xf32, #tpu.memory_space<vmem>> -> memref<128xf32, #tpu.memory_space<vmem>>
      %dma_start3A_1173 = arith.constant 0 : i32
      %dma_start3A_1174 = tpu.memref_slice %arg13[%dma_start3A_1170, %dma_start3A_1173] : memref<8x128xi32, #tpu.memory_space<vmem>> -> memref<1x128xi32, #tpu.memory_space<vmem>>
      %dma_start3A_1175 = tpu.memref_squeeze %dma_start3A_1174 : memref<1x128xi32, #tpu.memory_space<vmem>> -> memref<128xi32, #tpu.memory_space<vmem>>
      %dma_start3A_1176 = arith.constant 0 : i32
      %dma_start3A_1177 = tpu.memref_slice %arg29[%dma_start3A_1176] : memref<83968xf32, #tpu.memory_space<vmem_shared>> -> memref<83968xf32, #tpu.memory_space<vmem_shared>>
      tpu.enqueue_indirect_dma source(%dma_start3A_1172 : memref<128xf32, #tpu.memory_space<vmem>>) target(%dma_start3A_1177 : memref<83968xf32, #tpu.memory_space<vmem_shared>>) offsets(%dma_start3A_1175 : memref<128xi32, #tpu.memory_space<vmem>>) semaphore(%arg37 : memref<!tpu.dma_semaphore, #tpu.memory_space<semaphore_mem>>) {add = true}
      %dma_start3A_1178 = arith.constant 7 : i32
      %dma_start3A_1179 = arith.constant 896 : i32
      %dma_start3A_1180 = tpu.memref_slice %arg24[%dma_start3A_1179] : memref<1024xf32, #tpu.memory_space<vmem>> -> memref<128xf32, #tpu.memory_space<vmem>>
      %dma_start3A_1181 = arith.constant 0 : i32
      %dma_start3A_1182 = tpu.memref_slice %arg13[%dma_start3A_1178, %dma_start3A_1181] : memref<8x128xi32, #tpu.memory_space<vmem>> -> memref<1x128xi32, #tpu.memory_space<vmem>>
      %dma_start3A_1183 = tpu.memref_squeeze %dma_start3A_1182 : memref<1x128xi32, #tpu.memory_space<vmem>> -> memref<128xi32, #tpu.memory_space<vmem>>
      %dma_start3A_1184 = arith.constant 0 : i32
      %dma_start3A_1185 = tpu.memref_slice %arg30[%dma_start3A_1184] : memref<83968xf32, #tpu.memory_space<vmem_shared>> -> memref<83968xf32, #tpu.memory_space<vmem_shared>>
      tpu.enqueue_indirect_dma source(%dma_start3A_1180 : memref<128xf32, #tpu.memory_space<vmem>>) target(%dma_start3A_1185 : memref<83968xf32, #tpu.memory_space<vmem_shared>>) offsets(%dma_start3A_1183 : memref<128xi32, #tpu.memory_space<vmem>>) semaphore(%arg37 : memref<!tpu.dma_semaphore, #tpu.memory_space<semaphore_mem>>) {add = true}
    }
    %scan3A_27 = arith.constant 41 : i32
    %dma_wait3A = arith.constant 0 : i32
    %dma_wait3A_28 = tpu.memref_slice %arg10[%dma_wait3A] : memref<83968xf32, #tpu.memory_space<hbm>> -> memref<5120xf32, #tpu.memory_space<hbm>>
    %dma_wait3A_29 = arith.constant 0 : i32
    %dma_wait3A_30 = tpu.memref_slice %arg10[%dma_wait3A_29] : memref<83968xf32, #tpu.memory_space<hbm>> -> memref<5120xf32, #tpu.memory_space<hbm>>
    tpu.wait_dma2 semaphore(%arg37 : memref<!tpu.dma_semaphore, #tpu.memory_space<semaphore_mem>>) src(%dma_wait3A_30 : memref<5120xf32, #tpu.memory_space<hbm>>) dst(%arg25 : memref<5120xf32, #tpu.memory_space<vmem>>)
    %barrier3A_31 = arith.constant 0 : index
    tpu.barrier barrier_id(%barrier3A_31)
    %mul3A_32 = arith.constant 5 : i32
    %mul3A_33 = arith.muli %arg0, %mul3A_32 : i32
    %add3A_34 = arith.constant 0 : i32
    %add3A_35 = arith.addi %mul3A_33, %add3A_34 : i32
    %mul3A_36 = arith.constant 83968 : i32
    %mul3A_37 = arith.muli %add3A_35, %mul3A_36 : i32
    %mul3A_38 = arith.constant 5248 : i32
    %mul3A_39 = arith.muli %arg1, %mul3A_38 : i32
    %add3A_40 = arith.addi %mul3A_37, %mul3A_39 : i32
    %mul3A_41 = arith.constant 5248 : i32
    %mul3A_42 = arith.muli %arg1, %mul3A_41 : i32
    "tpu.region"() ({
      %run_scoped3A = tpu.sem_alloc : memref<!tpu.dma_semaphore, #tpu.memory_space<semaphore_mem>>
      %dma_start3A = tpu.memref_slice %arg11[%add3A_40] : memref<839680xf32, #tpu.memory_space<hbm>> -> memref<5248xf32, #tpu.memory_space<hbm>>
      %dma_start3A_87 = tpu.memref_slice %arg26[%mul3A_42] : memref<83968xf32, #tpu.memory_space<vmem_shared>> -> memref<5248xf32, #tpu.memory_space<vmem_shared>>
      tpu.enqueue_dma source(%dma_start3A_87 : memref<5248xf32, #tpu.memory_space<vmem_shared>>) target(%dma_start3A : memref<5248xf32, #tpu.memory_space<hbm>>) target_semaphore(%run_scoped3A : memref<!tpu.dma_semaphore, #tpu.memory_space<semaphore_mem>>)
      %dma_wait3A_88 = tpu.memref_slice %arg11[%add3A_40] : memref<839680xf32, #tpu.memory_space<hbm>> -> memref<5248xf32, #tpu.memory_space<hbm>>
      %dma_wait3A_89 = tpu.memref_slice %arg26[%mul3A_42] : memref<83968xf32, #tpu.memory_space<vmem_shared>> -> memref<5248xf32, #tpu.memory_space<vmem_shared>>
      tpu.wait_dma2 semaphore(%run_scoped3A : memref<!tpu.dma_semaphore, #tpu.memory_space<semaphore_mem>>) src(%dma_wait3A_89 : memref<5248xf32, #tpu.memory_space<vmem_shared>>) dst(%dma_wait3A_88 : memref<5248xf32, #tpu.memory_space<hbm>>)
      tpu.yield
    }) : () -> ()
    %mul3A_43 = arith.constant 5 : i32
    %mul3A_44 = arith.muli %arg0, %mul3A_43 : i32
    %add3A_45 = arith.constant 1 : i32
    %add3A_46 = arith.addi %mul3A_44, %add3A_45 : i32
    %mul3A_47 = arith.constant 83968 : i32
    %mul3A_48 = arith.muli %add3A_46, %mul3A_47 : i32
    %mul3A_49 = arith.constant 5248 : i32
    %mul3A_50 = arith.muli %arg1, %mul3A_49 : i32
    %add3A_51 = arith.addi %mul3A_48, %mul3A_50 : i32
    %mul3A_52 = arith.constant 5248 : i32
    %mul3A_53 = arith.muli %arg1, %mul3A_52 : i32
    "tpu.region"() ({
      %run_scoped3A = tpu.sem_alloc : memref<!tpu.dma_semaphore, #tpu.memory_space<semaphore_mem>>
      %dma_start3A = tpu.memref_slice %arg11[%add3A_51] : memref<839680xf32, #tpu.memory_space<hbm>> -> memref<5248xf32, #tpu.memory_space<hbm>>
      %dma_start3A_87 = tpu.memref_slice %arg27[%mul3A_53] : memref<83968xf32, #tpu.memory_space<vmem_shared>> -> memref<5248xf32, #tpu.memory_space<vmem_shared>>
      tpu.enqueue_dma source(%dma_start3A_87 : memref<5248xf32, #tpu.memory_space<vmem_shared>>) target(%dma_start3A : memref<5248xf32, #tpu.memory_space<hbm>>) target_semaphore(%run_scoped3A : memref<!tpu.dma_semaphore, #tpu.memory_space<semaphore_mem>>)
      %dma_wait3A_88 = tpu.memref_slice %arg11[%add3A_51] : memref<839680xf32, #tpu.memory_space<hbm>> -> memref<5248xf32, #tpu.memory_space<hbm>>
      %dma_wait3A_89 = tpu.memref_slice %arg27[%mul3A_53] : memref<83968xf32, #tpu.memory_space<vmem_shared>> -> memref<5248xf32, #tpu.memory_space<vmem_shared>>
      tpu.wait_dma2 semaphore(%run_scoped3A : memref<!tpu.dma_semaphore, #tpu.memory_space<semaphore_mem>>) src(%dma_wait3A_89 : memref<5248xf32, #tpu.memory_space<vmem_shared>>) dst(%dma_wait3A_88 : memref<5248xf32, #tpu.memory_space<hbm>>)
      tpu.yield
    }) : () -> ()
    %mul3A_54 = arith.constant 5 : i32
    %mul3A_55 = arith.muli %arg0, %mul3A_54 : i32
    %add3A_56 = arith.constant 2 : i32
    %add3A_57 = arith.addi %mul3A_55, %add3A_56 : i32
    %mul3A_58 = arith.constant 83968 : i32
    %mul3A_59 = arith.muli %add3A_57, %mul3A_58 : i32
    %mul3A_60 = arith.constant 5248 : i32
    %mul3A_61 = arith.muli %arg1, %mul3A_60 : i32
    %add3A_62 = arith.addi %mul3A_59, %mul3A_61 : i32
    %mul3A_63 = arith.constant 5248 : i32
    %mul3A_64 = arith.muli %arg1, %mul3A_63 : i32
    "tpu.region"() ({
      %run_scoped3A = tpu.sem_alloc : memref<!tpu.dma_semaphore, #tpu.memory_space<semaphore_mem>>
      %dma_start3A = tpu.memref_slice %arg11[%add3A_62] : memref<839680xf32, #tpu.memory_space<hbm>> -> memref<5248xf32, #tpu.memory_space<hbm>>
      %dma_start3A_87 = tpu.memref_slice %arg28[%mul3A_64] : memref<83968xf32, #tpu.memory_space<vmem_shared>> -> memref<5248xf32, #tpu.memory_space<vmem_shared>>
      tpu.enqueue_dma source(%dma_start3A_87 : memref<5248xf32, #tpu.memory_space<vmem_shared>>) target(%dma_start3A : memref<5248xf32, #tpu.memory_space<hbm>>) target_semaphore(%run_scoped3A : memref<!tpu.dma_semaphore, #tpu.memory_space<semaphore_mem>>)
      %dma_wait3A_88 = tpu.memref_slice %arg11[%add3A_62] : memref<839680xf32, #tpu.memory_space<hbm>> -> memref<5248xf32, #tpu.memory_space<hbm>>
      %dma_wait3A_89 = tpu.memref_slice %arg28[%mul3A_64] : memref<83968xf32, #tpu.memory_space<vmem_shared>> -> memref<5248xf32, #tpu.memory_space<vmem_shared>>
      tpu.wait_dma2 semaphore(%run_scoped3A : memref<!tpu.dma_semaphore, #tpu.memory_space<semaphore_mem>>) src(%dma_wait3A_89 : memref<5248xf32, #tpu.memory_space<vmem_shared>>) dst(%dma_wait3A_88 : memref<5248xf32, #tpu.memory_space<hbm>>)
      tpu.yield
    }) : () -> ()
    %mul3A_65 = arith.constant 5 : i32
    %mul3A_66 = arith.muli %arg0, %mul3A_65 : i32
    %add3A_67 = arith.constant 3 : i32
    %add3A_68 = arith.addi %mul3A_66, %add3A_67 : i32
    %mul3A_69 = arith.constant 83968 : i32
    %mul3A_70 = arith.muli %add3A_68, %mul3A_69 : i32
    %mul3A_71 = arith.constant 5248 : i32
    %mul3A_72 = arith.muli %arg1, %mul3A_71 : i32
    %add3A_73 = arith.addi %mul3A_70, %mul3A_72 : i32
    %mul3A_74 = arith.constant 5248 : i32
    %mul3A_75 = arith.muli %arg1, %mul3A_74 : i32
    "tpu.region"() ({
      %run_scoped3A = tpu.sem_alloc : memref<!tpu.dma_semaphore, #tpu.memory_space<semaphore_mem>>
      %dma_start3A = tpu.memref_slice %arg11[%add3A_73] : memref<839680xf32, #tpu.memory_space<hbm>> -> memref<5248xf32, #tpu.memory_space<hbm>>
      %dma_start3A_87 = tpu.memref_slice %arg29[%mul3A_75] : memref<83968xf32, #tpu.memory_space<vmem_shared>> -> memref<5248xf32, #tpu.memory_space<vmem_shared>>
      tpu.enqueue_dma source(%dma_start3A_87 : memref<5248xf32, #tpu.memory_space<vmem_shared>>) target(%dma_start3A : memref<5248xf32, #tpu.memory_space<hbm>>) target_semaphore(%run_scoped3A : memref<!tpu.dma_semaphore, #tpu.memory_space<semaphore_mem>>)
      %dma_wait3A_88 = tpu.memref_slice %arg11[%add3A_73] : memref<839680xf32, #tpu.memory_space<hbm>> -> memref<5248xf32, #tpu.memory_space<hbm>>
      %dma_wait3A_89 = tpu.memref_slice %arg29[%mul3A_75] : memref<83968xf32, #tpu.memory_space<vmem_shared>> -> memref<5248xf32, #tpu.memory_space<vmem_shared>>
      tpu.wait_dma2 semaphore(%run_scoped3A : memref<!tpu.dma_semaphore, #tpu.memory_space<semaphore_mem>>) src(%dma_wait3A_89 : memref<5248xf32, #tpu.memory_space<vmem_shared>>) dst(%dma_wait3A_88 : memref<5248xf32, #tpu.memory_space<hbm>>)
      tpu.yield
    }) : () -> ()
    %mul3A_76 = arith.constant 5 : i32
    %mul3A_77 = arith.muli %arg0, %mul3A_76 : i32
    %add3A_78 = arith.constant 4 : i32
    %add3A_79 = arith.addi %mul3A_77, %add3A_78 : i32
    %mul3A_80 = arith.constant 83968 : i32
    %mul3A_81 = arith.muli %add3A_79, %mul3A_80 : i32
    %mul3A_82 = arith.constant 5248 : i32
    %mul3A_83 = arith.muli %arg1, %mul3A_82 : i32
    %add3A_84 = arith.addi %mul3A_81, %mul3A_83 : i32
    %mul3A_85 = arith.constant 5248 : i32
    %mul3A_86 = arith.muli %arg1, %mul3A_85 : i32
    "tpu.region"() ({
      %run_scoped3A = tpu.sem_alloc : memref<!tpu.dma_semaphore, #tpu.memory_space<semaphore_mem>>
      %dma_start3A = tpu.memref_slice %arg11[%add3A_84] : memref<839680xf32, #tpu.memory_space<hbm>> -> memref<5248xf32, #tpu.memory_space<hbm>>
      %dma_start3A_87 = tpu.memref_slice %arg30[%mul3A_86] : memref<83968xf32, #tpu.memory_space<vmem_shared>> -> memref<5248xf32, #tpu.memory_space<vmem_shared>>
      tpu.enqueue_dma source(%dma_start3A_87 : memref<5248xf32, #tpu.memory_space<vmem_shared>>) target(%dma_start3A : memref<5248xf32, #tpu.memory_space<hbm>>) target_semaphore(%run_scoped3A : memref<!tpu.dma_semaphore, #tpu.memory_space<semaphore_mem>>)
      %dma_wait3A_88 = tpu.memref_slice %arg11[%add3A_84] : memref<839680xf32, #tpu.memory_space<hbm>> -> memref<5248xf32, #tpu.memory_space<hbm>>
      %dma_wait3A_89 = tpu.memref_slice %arg30[%mul3A_86] : memref<83968xf32, #tpu.memory_space<vmem_shared>> -> memref<5248xf32, #tpu.memory_space<vmem_shared>>
      tpu.wait_dma2 semaphore(%run_scoped3A : memref<!tpu.dma_semaphore, #tpu.memory_space<semaphore_mem>>) src(%dma_wait3A_89 : memref<5248xf32, #tpu.memory_space<vmem_shared>>) dst(%dma_wait3A_88 : memref<5248xf32, #tpu.memory_space<hbm>>)
      tpu.yield
    }) : () -> ()
    return
  }
}

module attributes {stable_mosaic.version = 14 : i64} {
  func.func @_tc_a(%arg0: i32, %arg1: memref<4x2048xf32, #tpu.memory_space<vmem>>, %arg2: memref<1x4xf32, #tpu.memory_space<vmem>>, %arg3: memref<1x4xf32, #tpu.memory_space<vmem>>, %arg4: memref<1x2048xf32, #tpu.memory_space<vmem>>, %arg5: memref<1x2048xf32, #tpu.memory_space<vmem>>) attributes {dimension_semantics = [#tpu.dimension_semantics<arbitrary>], iteration_bounds = array<i64: 41>, scalar_prefetch = 0 : i64, scratch_operands = 0 : i64, tpu.core_type = #tpu.core_type<tc>, window_params = [{transform_indices = @transform_0, window_bounds = array<i64: 4, 2048>}, {pipeline_mode = #tpu.pipeline_mode<synchronous>, transform_indices = @transform_1, window_bounds = array<i64: 1, 4>}, {pipeline_mode = #tpu.pipeline_mode<synchronous>, transform_indices = @transform_2, window_bounds = array<i64: 1, 4>}, {transform_indices = @transform_3, window_bounds = array<i64: 1, 2048>}, {transform_indices = @transform_4, window_bounds = array<i64: 1, 2048>}]} {
    %get3A = arith.constant 0 : index
    %get3A_0 = arith.constant 0 : index
    %get3A_1 = vector.load %arg1[%get3A, %get3A_0] : memref<4x2048xf32, #tpu.memory_space<vmem>>, vector<4x2048xf32>
    %get3A_2 = arith.constant 0 : index
    %get3A_3 = arith.constant 0 : index
    %get3A_4 = vector.load %arg2[%get3A_2, %get3A_3] : memref<1x4xf32, #tpu.memory_space<vmem>>, vector<1x4xf32>
    %dot_general3A = arith.constant dense<0.000000e+00> : vector<1x2048xf32>
    %dot_general3A_5 = tpu.matmul %get3A_4, %get3A_1, %dot_general3A {dimension_numbers = #tpu.dot_dimension_numbers<[1], [0], [0], [1], [0, 0, 1, 1], [], []>, precision = #tpu.contract_precision<fp32>, transpose_lhs_hint = false} : vector<1x4xf32>, vector<4x2048xf32>, vector<1x2048xf32> -> vector<1x2048xf32>
    %swap3A = arith.constant 0 : index
    %swap3A_6 = arith.constant 0 : index
    %swap3A_7 = vector.load %arg4[%swap3A, %swap3A_6] : memref<1x2048xf32, #tpu.memory_space<vmem>>, vector<1x2048xf32>
    tpu.vector_store %arg4[%swap3A, %swap3A_6], %dot_general3A_5 {strides = array<i32>} : memref<1x2048xf32, #tpu.memory_space<vmem>>, vector<1x2048xf32>,
    %get3A_8 = arith.constant 0 : index
    %get3A_9 = arith.constant 0 : index
    %get3A_10 = vector.load %arg3[%get3A_8, %get3A_9] : memref<1x4xf32, #tpu.memory_space<vmem>>, vector<1x4xf32>
    %dot_general3A_11 = arith.constant dense<0.000000e+00> : vector<1x2048xf32>
    %dot_general3A_12 = tpu.matmul %get3A_10, %get3A_1, %dot_general3A_11 {dimension_numbers = #tpu.dot_dimension_numbers<[1], [0], [0], [1], [0, 0, 1, 1], [], []>, precision = #tpu.contract_precision<fp32>, transpose_lhs_hint = false} : vector<1x4xf32>, vector<4x2048xf32>, vector<1x2048xf32> -> vector<1x2048xf32>
    %swap3A_13 = arith.constant 0 : index
    %swap3A_14 = arith.constant 0 : index
    %swap3A_15 = vector.load %arg5[%swap3A_13, %swap3A_14] : memref<1x2048xf32, #tpu.memory_space<vmem>>, vector<1x2048xf32>
    tpu.vector_store %arg5[%swap3A_13, %swap3A_14], %dot_general3A_12 {strides = array<i32>} : memref<1x2048xf32, #tpu.memory_space<vmem>>, vector<1x2048xf32>,
    return
  }
  func.func @transform_0(%arg0: i32) -> (i32, i32) {
    %c0_i32 = arith.constant 0 : i32
    %c0_i32_0 = arith.constant 0 : i32
    return %c0_i32, %arg0 : i32, i32
  }
  func.func @transform_1(%arg0: i32) -> (i32, i32) {
    %c0_i32 = arith.constant 0 : i32
    %c0_i32_0 = arith.constant 0 : i32
    %c0_i32_1 = arith.constant 0 : i32
    return %c0_i32, %c0_i32_0 : i32, i32
  }
  func.func @transform_2(%arg0: i32) -> (i32, i32) {
    %c0_i32 = arith.constant 0 : i32
    %c0_i32_0 = arith.constant 0 : i32
    %c0_i32_1 = arith.constant 0 : i32
    return %c0_i32, %c0_i32_0 : i32, i32
  }
  func.func @transform_3(%arg0: i32) -> (i32, i32) {
    %c0_i32 = arith.constant 0 : i32
    %c0_i32_0 = arith.constant 0 : i32
    return %c0_i32, %arg0 : i32, i32
  }
  func.func @transform_4(%arg0: i32) -> (i32, i32) {
    %c0_i32 = arith.constant 0 : i32
    %c0_i32_0 = arith.constant 0 : i32
    return %c0_i32, %arg0 : i32, i32
  }
}

module attributes {stable_mosaic.version = 14 : i64} {
  func.func @_tc_b(%arg0: i32, %arg1: memref<10x2048xf32, #tpu.memory_space<vmem>>, %arg2: memref<4x2048xf32, #tpu.memory_space<vmem>>, %arg3: memref<1x2048xf32, #tpu.memory_space<vmem>>, %arg4: memref<1x2048xf32, #tpu.memory_space<vmem>>, %arg5: memref<41x4xf32, #tpu.memory_space<vmem>>, %arg6: memref<41x1xf32, #tpu.memory_space<vmem>>, %arg7: memref<1x41xf32, #tpu.memory_space<vmem>>, %arg8: memref<1x2048xf32, #tpu.memory_space<vmem>>) attributes {dimension_semantics = [#tpu.dimension_semantics<arbitrary>], iteration_bounds = array<i64: 41>, scalar_prefetch = 0 : i64, scratch_operands = 0 : i64, tpu.core_type = #tpu.core_type<tc>, window_params = [{transform_indices = @transform_0, window_bounds = array<i64: 10, 2048>}, {transform_indices = @transform_1, window_bounds = array<i64: 4, 2048>}, {transform_indices = @transform_2, window_bounds = array<i64: 1, 2048>}, {transform_indices = @transform_3, window_bounds = array<i64: 1, 2048>}, {pipeline_mode = #tpu.pipeline_mode<synchronous>, transform_indices = @transform_4, window_bounds = array<i64: 41, 4>}, {pipeline_mode = #tpu.pipeline_mode<synchronous>, transform_indices = @transform_5, window_bounds = array<i64: 41, 1>}, {pipeline_mode = #tpu.pipeline_mode<synchronous>, transform_indices = @transform_6, window_bounds = array<i64: 1, 41>}, {transform_indices = @transform_7, window_bounds = array<i64: 1, 2048>}]} {
    %get3A = arith.constant 0 : index
    %get3A_0 = arith.constant 0 : index
    %get3A_1 = vector.load %arg1[%get3A, %get3A_0] : memref<10x2048xf32, #tpu.memory_space<vmem>>, vector<10x2048xf32>
    %get3A_2 = arith.constant 0 : index
    %get3A_3 = arith.constant 0 : index
    %get3A_4 = vector.load %arg2[%get3A_2, %get3A_3] : memref<4x2048xf32, #tpu.memory_space<vmem>>, vector<4x2048xf32>
    %get3A_5 = arith.constant 0 : index
    %get3A_6 = arith.constant 0 : index
    %get3A_7 = vector.load %arg3[%get3A_5, %get3A_6] : memref<1x2048xf32, #tpu.memory_space<vmem>>, vector<1x2048xf32>
    %get3A_8 = arith.constant 0 : index
    %get3A_9 = arith.constant 0 : index
    %get3A_10 = vector.load %arg4[%get3A_8, %get3A_9] : memref<1x2048xf32, #tpu.memory_space<vmem>>, vector<1x2048xf32>
    %add3A = arith.addf %get3A_7, %get3A_10 : vector<1x2048xf32>
    %gt3A = arith.constant 0.000000e+00 : f32
    %gt3A_11 = vector.broadcast %gt3A : f32 to vector<1x2048xf32>
    %gt3A_12 = arith.cmpf ogt, %add3A, %gt3A_11 : vector<1x2048xf32>
    %mul3A = arith.constant 2.000000e-01 : f32
    %mul3A_13 = vector.broadcast %mul3A : f32 to vector<1x2048xf32>
    %mul3A_14 = arith.mulf %add3A, %mul3A_13 : vector<1x2048xf32>
    %select_n3A = arith.select %gt3A_12, %add3A, %mul3A_14 : vector<1x2048xi1>, vector<1x2048xf32>
    %exp3A = math.exp %select_n3A : vector<1x2048xf32>
    %slice3A = vector.extract_strided_slice %get3A_1 {offsets = [0, 0], sizes = [1, 2048], strides = [1, 1]} : vector<10x2048xf32> to vector<1x2048xf32>
    %slice3A_15 = vector.extract_strided_slice %get3A_1 {offsets = [5, 0], sizes = [1, 2048], strides = [1, 1]} : vector<10x2048xf32> to vector<1x2048xf32>
    %add3A_16 = arith.addf %slice3A, %slice3A_15 : vector<1x2048xf32>
    %add3A_17 = arith.addf %add3A_16, %exp3A : vector<1x2048xf32>
    %slice3A_18 = vector.extract_strided_slice %get3A_1 {offsets = [1, 0], sizes = [4, 2048], strides = [1, 1]} : vector<10x2048xf32> to vector<4x2048xf32>
    %slice3A_19 = vector.extract_strided_slice %get3A_1 {offsets = [6, 0], sizes = [4, 2048], strides = [1, 1]} : vector<10x2048xf32> to vector<4x2048xf32>
    %add3A_20 = arith.addf %slice3A_18, %slice3A_19 : vector<4x2048xf32>
    %mul3A_21 = vector.broadcast %exp3A : vector<1x2048xf32> to vector<4x2048xf32>
    %mul3A_22 = arith.mulf %mul3A_21, %get3A_4 : vector<4x2048xf32>
    %add3A_23 = arith.addf %add3A_20, %mul3A_22 : vector<4x2048xf32>
    %get3A_24 = arith.constant 0 : index
    %get3A_25 = arith.constant 0 : index
    %get3A_26 = vector.load %arg5[%get3A_24, %get3A_25] : memref<41x4xf32, #tpu.memory_space<vmem>>, vector<41x4xf32>
    %dot_general3A = arith.constant dense<0.000000e+00> : vector<41x2048xf32>
    %dot_general3A_27 = tpu.matmul %get3A_26, %add3A_23, %dot_general3A {dimension_numbers = #tpu.dot_dimension_numbers<[1], [0], [0], [1], [0, 0, 1, 1], [], []>, precision = #tpu.contract_precision<fp32>, transpose_lhs_hint = false} : vector<41x4xf32>, vector<4x2048xf32>, vector<41x2048xf32> -> vector<41x2048xf32>
    %add3A_28 = arith.constant 1.000000e-16 : f32
    %add3A_29 = vector.broadcast %add3A_28 : f32 to vector<1x2048xf32>
    %add3A_30 = arith.addf %add3A_17, %add3A_29 : vector<1x2048xf32>
    %div3A = vector.broadcast %add3A_30 : vector<1x2048xf32> to vector<41x2048xf32>
    %div3A_31 = arith.divf %dot_general3A_27, %div3A : vector<41x2048xf32>
    %get3A_32 = arith.constant 0 : index
    %get3A_33 = arith.constant 0 : index
    %get3A_34 = vector.load %arg6[%get3A_32, %get3A_33] : memref<41x1xf32, #tpu.memory_space<vmem>>, vector<41x1xf32>
    %add3A_35 = vector.broadcast %get3A_34 : vector<41x1xf32> to vector<41x2048xf32>
    %add3A_36 = arith.addf %div3A_31, %add3A_35 : vector<41x2048xf32>
    %max3A = arith.constant 0.000000e+00 : f32
    %max3A_37 = vector.broadcast %max3A : f32 to vector<41x2048xf32>
    %max3A_38 = arith.maximumf %add3A_36, %max3A_37 : vector<41x2048xf32>
    %get3A_39 = arith.constant 0 : index
    %get3A_40 = arith.constant 0 : index
    %get3A_41 = vector.load %arg7[%get3A_39, %get3A_40] : memref<1x41xf32, #tpu.memory_space<vmem>>, vector<1x41xf32>
    %dot_general3A_42 = arith.constant dense<0.000000e+00> : vector<1x2048xf32>
    %dot_general3A_43 = tpu.matmul %get3A_41, %max3A_38, %dot_general3A_42 {dimension_numbers = #tpu.dot_dimension_numbers<[1], [0], [0], [1], [0, 0, 1, 1], [], []>, precision = #tpu.contract_precision<fp32>, transpose_lhs_hint = false} : vector<1x41xf32>, vector<41x2048xf32>, vector<1x2048xf32> -> vector<1x2048xf32>
    %swap3A = arith.constant 0 : index
    %swap3A_44 = arith.constant 0 : index
    %swap3A_45 = vector.load %arg8[%swap3A, %swap3A_44] : memref<1x2048xf32, #tpu.memory_space<vmem>>, vector<1x2048xf32>
    tpu.vector_store %arg8[%swap3A, %swap3A_44], %dot_general3A_43 {strides = array<i32>} : memref<1x2048xf32, #tpu.memory_space<vmem>>, vector<1x2048xf32>,
    return
  }
  func.func @transform_0(%arg0: i32) -> (i32, i32) {
    %c0_i32 = arith.constant 0 : i32
    %c0_i32_0 = arith.constant 0 : i32
    return %c0_i32, %arg0 : i32, i32
  }
  func.func @transform_1(%arg0: i32) -> (i32, i32) {
    %c0_i32 = arith.constant 0 : i32
    %c0_i32_0 = arith.constant 0 : i32
    return %c0_i32, %arg0 : i32, i32
  }
  func.func @transform_2(%arg0: i32) -> (i32, i32) {
    %c0_i32 = arith.constant 0 : i32
    %c0_i32_0 = arith.constant 0 : i32
    return %c0_i32, %arg0 : i32, i32
  }
  func.func @transform_3(%arg0: i32) -> (i32, i32) {
    %c0_i32 = arith.constant 0 : i32
    %c0_i32_0 = arith.constant 0 : i32
    return %c0_i32, %arg0 : i32, i32
  }
  func.func @transform_4(%arg0: i32) -> (i32, i32) {
    %c0_i32 = arith.constant 0 : i32
    %c0_i32_0 = arith.constant 0 : i32
    %c0_i32_1 = arith.constant 0 : i32
    return %c0_i32, %c0_i32_0 : i32, i32
  }
  func.func @transform_5(%arg0: i32) -> (i32, i32) {
    %c0_i32 = arith.constant 0 : i32
    %c0_i32_0 = arith.constant 0 : i32
    %c0_i32_1 = arith.constant 0 : i32
    return %c0_i32, %c0_i32_0 : i32, i32
  }
  func.func @transform_6(%arg0: i32) -> (i32, i32) {
    %c0_i32 = arith.constant 0 : i32
    %c0_i32_0 = arith.constant 0 : i32
    %c0_i32_1 = arith.constant 0 : i32
    return %c0_i32, %c0_i32_0 : i32, i32
  }
  func.func @transform_7(%arg0: i32) -> (i32, i32) {
    %c0_i32 = arith.constant 0 : i32
    %c0_i32_0 = arith.constant 0 : i32
    return %c0_i32, %arg0 : i32, i32
  }
}

module attributes {stable_mosaic.version = 14 : i64} {
  func.func @_tc_c(%arg0: i32, %arg1: memref<4x2048xf32, #tpu.memory_space<vmem>>, %arg2: memref<1x2048xf32, #tpu.memory_space<vmem>>, %arg3: memref<1xf32, #tpu.memory_space<smem>>, %arg4: memref<1xf32, #tpu.memory_space<smem>>, %arg5: memref<1xf32, #tpu.memory_space<smem>>, %arg6: memref<1x2048xf32, #tpu.memory_space<vmem>>) attributes {dimension_semantics = [#tpu.dimension_semantics<arbitrary>], iteration_bounds = array<i64: 41>, scalar_prefetch = 0 : i64, scratch_operands = 0 : i64, tpu.core_type = #tpu.core_type<tc>, window_params = [{transform_indices = @transform_0, window_bounds = array<i64: 4, 2048>}, {transform_indices = @transform_1, window_bounds = array<i64: 1, 2048>}, {transform_indices = @transform_2, window_bounds = array<i64: 1>}, {transform_indices = @transform_3, window_bounds = array<i64: 1>}, {transform_indices = @transform_4, window_bounds = array<i64: 1>}, {transform_indices = @transform_5, window_bounds = array<i64: 1, 2048>}]} {
    %get3A = arith.constant 0 : index
    %get3A_0 = arith.constant 0 : index
    %get3A_1 = vector.load %arg1[%get3A, %get3A_0] : memref<4x2048xf32, #tpu.memory_space<vmem>>, vector<4x2048xf32>
    %get3A_2 = arith.constant 0 : index
    %get3A_3 = arith.constant 0 : index
    %get3A_4 = vector.load %arg2[%get3A_2, %get3A_3] : memref<1x2048xf32, #tpu.memory_space<vmem>>, vector<1x2048xf32>
    %get3A_5 = arith.constant 0 : index
    %get3A_6 = memref.load %arg3[%get3A_5] : memref<1xf32, #tpu.memory_space<smem>>
    %get3A_7 = arith.constant 0 : index
    %get3A_8 = memref.load %arg4[%get3A_7] : memref<1xf32, #tpu.memory_space<smem>>
    %add3A = arith.addf %get3A_6, %get3A_8 : f32
    %mul3A = vector.broadcast %add3A : f32 to vector<1x2048xf32>
    %mul3A_9 = arith.mulf %mul3A, %get3A_4 : vector<1x2048xf32>
    %gt3A = arith.constant 0.000000e+00 : f32
    %gt3A_10 = vector.broadcast %gt3A : f32 to vector<1x2048xf32>
    %gt3A_11 = arith.cmpf ogt, %mul3A_9, %gt3A_10 : vector<1x2048xf32>
    %mul3A_12 = arith.constant 2.000000e-01 : f32
    %mul3A_13 = vector.broadcast %mul3A_12 : f32 to vector<1x2048xf32>
    %mul3A_14 = arith.mulf %mul3A_9, %mul3A_13 : vector<1x2048xf32>
    %select_n3A = arith.select %gt3A_11, %mul3A_9, %mul3A_14 : vector<1x2048xi1>, vector<1x2048xf32>
    %exp3A = math.exp %select_n3A : vector<1x2048xf32>
    %slice3A = vector.extract_strided_slice %get3A_1 {offsets = [0, 0], sizes = [1, 2048], strides = [1, 1]} : vector<4x2048xf32> to vector<1x2048xf32>
    %slice3A_15 = vector.extract_strided_slice %get3A_1 {offsets = [2, 0], sizes = [1, 2048], strides = [1, 1]} : vector<4x2048xf32> to vector<1x2048xf32>
    %add3A_16 = arith.addf %slice3A, %slice3A_15 : vector<1x2048xf32>
    %add3A_17 = arith.addf %add3A_16, %exp3A : vector<1x2048xf32>
    %slice3A_18 = vector.extract_strided_slice %get3A_1 {offsets = [1, 0], sizes = [1, 2048], strides = [1, 1]} : vector<4x2048xf32> to vector<1x2048xf32>
    %slice3A_19 = vector.extract_strided_slice %get3A_1 {offsets = [3, 0], sizes = [1, 2048], strides = [1, 1]} : vector<4x2048xf32> to vector<1x2048xf32>
    %add3A_20 = arith.addf %slice3A_18, %slice3A_19 : vector<1x2048xf32>
    %mul3A_21 = arith.mulf %exp3A, %get3A_4 : vector<1x2048xf32>
    %add3A_22 = arith.addf %add3A_20, %mul3A_21 : vector<1x2048xf32>
    %add3A_23 = arith.constant 1.000000e-16 : f32
    %add3A_24 = vector.broadcast %add3A_23 : f32 to vector<1x2048xf32>
    %add3A_25 = arith.addf %add3A_17, %add3A_24 : vector<1x2048xf32>
    %div3A = arith.divf %add3A_22, %add3A_25 : vector<1x2048xf32>
    %get3A_26 = arith.constant 0 : index
    %get3A_27 = memref.load %arg5[%get3A_26] : memref<1xf32, #tpu.memory_space<smem>>
    %add3A_28 = vector.broadcast %get3A_27 : f32 to vector<1x2048xf32>
    %add3A_29 = arith.addf %div3A, %add3A_28 : vector<1x2048xf32>
    %max3A = arith.constant 0.000000e+00 : f32
    %max3A_30 = vector.broadcast %max3A : f32 to vector<1x2048xf32>
    %max3A_31 = arith.maximumf %add3A_29, %max3A_30 : vector<1x2048xf32>
    %swap3A = arith.constant 0 : index
    %swap3A_32 = arith.constant 0 : index
    %swap3A_33 = vector.load %arg6[%swap3A, %swap3A_32] : memref<1x2048xf32, #tpu.memory_space<vmem>>, vector<1x2048xf32>
    tpu.vector_store %arg6[%swap3A, %swap3A_32], %max3A_31 {strides = array<i32>} : memref<1x2048xf32, #tpu.memory_space<vmem>>, vector<1x2048xf32>,
    return
  }
  func.func @transform_0(%arg0: i32) -> (i32, i32) {
    %c0_i32 = arith.constant 0 : i32
    %c0_i32_0 = arith.constant 0 : i32
    return %c0_i32, %arg0 : i32, i32
  }
  func.func @transform_1(%arg0: i32) -> (i32, i32) {
    %c0_i32 = arith.constant 0 : i32
    %c0_i32_0 = arith.constant 0 : i32
    return %c0_i32, %arg0 : i32, i32
  }
  func.func @transform_2(%arg0: i32) -> i32 {
    %c0_i32 = arith.constant 0 : i32
    %c0_i32_0 = arith.constant 0 : i32
    return %c0_i32 : i32
  }
  func.func @transform_3(%arg0: i32) -> i32 {
    %c0_i32 = arith.constant 0 : i32
    %c0_i32_0 = arith.constant 0 : i32
    return %c0_i32 : i32
  }
  func.func @transform_4(%arg0: i32) -> i32 {
    %c0_i32 = arith.constant 0 : i32
    %c0_i32_0 = arith.constant 0 : i32
    return %c0_i32 : i32
  }
  func.func @transform_5(%arg0: i32) -> (i32, i32) {
    %c0_i32 = arith.constant 0 : i32
    %c0_i32_0 = arith.constant 0 : i32
    return %c0_i32, %arg0 : i32, i32
  }
}

module attributes {stable_mosaic.version = 14 : i64} {
  func.func @_tc_d(%arg0: memref<2048x41xf32, #tpu.memory_space<vmem>>, %arg1: memref<41x41xf32, #tpu.memory_space<vmem>>, %arg2: memref<1x41xf32, #tpu.memory_space<vmem>>, %arg3: memref<41x41xf32, #tpu.memory_space<vmem>>, %arg4: memref<1x41xf32, #tpu.memory_space<vmem>>, %arg5: memref<2048x41xf32, #tpu.memory_space<vmem>>, %arg6: memref<2048x41xf32, #tpu.memory_space<vmem>>) attributes {dimension_semantics = [], scalar_prefetch = 0 : i64, scratch_operands = 0 : i64, tpu.core_type = #tpu.core_type<tc>} {
    %get3A = arith.constant 0 : index
    %get3A_0 = arith.constant 0 : index
    %get3A_1 = vector.load %arg0[%get3A, %get3A_0] : memref<2048x41xf32, #tpu.memory_space<vmem>>, vector<2048x41xf32>
    %get3A_2 = arith.constant 0 : index
    %get3A_3 = arith.constant 0 : index
    %get3A_4 = vector.load %arg1[%get3A_2, %get3A_3] : memref<41x41xf32, #tpu.memory_space<vmem>>, vector<41x41xf32>
    %dot_general3A = arith.constant dense<0.000000e+00> : vector<2048x41xf32>
    %dot_general3A_5 = tpu.matmul %get3A_1, %get3A_4, %dot_general3A {dimension_numbers = #tpu.dot_dimension_numbers<[1], [0], [0], [1], [0, 0, 1, 1], [], []>, precision = #tpu.contract_precision<fp32>, transpose_lhs_hint = false} : vector<2048x41xf32>, vector<41x41xf32>, vector<2048x41xf32> -> vector<2048x41xf32>
    %get3A_6 = arith.constant 0 : index
    %get3A_7 = arith.constant 0 : index
    %get3A_8 = vector.load %arg2[%get3A_6, %get3A_7] : memref<1x41xf32, #tpu.memory_space<vmem>>, vector<1x41xf32>
    %add3A = vector.broadcast %get3A_8 : vector<1x41xf32> to vector<2048x41xf32>
    %add3A_9 = arith.addf %dot_general3A_5, %add3A : vector<2048x41xf32>
    %max3A = arith.constant 0.000000e+00 : f32
    %max3A_10 = vector.broadcast %max3A : f32 to vector<2048x41xf32>
    %max3A_11 = arith.maximumf %add3A_9, %max3A_10 : vector<2048x41xf32>
    %swap3A = arith.constant 0 : index
    %swap3A_12 = arith.constant 0 : index
    %swap3A_13 = vector.load %arg5[%swap3A, %swap3A_12] : memref<2048x41xf32, #tpu.memory_space<vmem>>, vector<2048x41xf32>
    tpu.vector_store %arg5[%swap3A, %swap3A_12], %max3A_11 {strides = array<i32>} : memref<2048x41xf32, #tpu.memory_space<vmem>>, vector<2048x41xf32>,
    %get3A_14 = arith.constant 0 : index
    %get3A_15 = arith.constant 0 : index
    %get3A_16 = vector.load %arg3[%get3A_14, %get3A_15] : memref<41x41xf32, #tpu.memory_space<vmem>>, vector<41x41xf32>
    %dot_general3A_17 = arith.constant dense<0.000000e+00> : vector<2048x41xf32>
    %dot_general3A_18 = tpu.matmul %get3A_1, %get3A_16, %dot_general3A_17 {dimension_numbers = #tpu.dot_dimension_numbers<[1], [0], [0], [1], [0, 0, 1, 1], [], []>, precision = #tpu.contract_precision<fp32>, transpose_lhs_hint = false} : vector<2048x41xf32>, vector<41x41xf32>, vector<2048x41xf32> -> vector<2048x41xf32>
    %get3A_19 = arith.constant 0 : index
    %get3A_20 = arith.constant 0 : index
    %get3A_21 = vector.load %arg4[%get3A_19, %get3A_20] : memref<1x41xf32, #tpu.memory_space<vmem>>, vector<1x41xf32>
    %add3A_22 = vector.broadcast %get3A_21 : vector<1x41xf32> to vector<2048x41xf32>
    %add3A_23 = arith.addf %dot_general3A_18, %add3A_22 : vector<2048x41xf32>
    %max3A_24 = arith.constant 0.000000e+00 : f32
    %max3A_25 = vector.broadcast %max3A_24 : f32 to vector<2048x41xf32>
    %max3A_26 = arith.maximumf %add3A_23, %max3A_25 : vector<2048x41xf32>
    %swap3A_27 = arith.constant 0 : index
    %swap3A_28 = arith.constant 0 : index
    %swap3A_29 = vector.load %arg6[%swap3A_27, %swap3A_28] : memref<2048x41xf32, #tpu.memory_space<vmem>>, vector<2048x41xf32>
    tpu.vector_store %arg6[%swap3A_27, %swap3A_28], %max3A_26 {strides = array<i32>} : memref<2048x41xf32, #tpu.memory_space<vmem>>, vector<2048x41xf32>,
    return
  }
}

</mosaic_0001>

<sc_bundles>
// kernel: kernel.11.cloned.1.call-start
scs
__scs_entry_jumppad:
0x0: {  	(pc) =	sbr.rel $0x88, $3  }
0x1: {  	(tag) =	ssettag $0x0;
	lr =	simm.s32 $0x1  }
0x2: {  	[smem:$0x3F93] =	sst lr;
	_ =	strace $0xD0000000  }
0x3: {  	_ = 	snop  }
0x4: {  	_ = 	snop  }
0x5: {  	_ = 	snop  }
0x6: {  	_ = 	snop  }
0x7: {  	_ = 	snop  }
__scs_overlays_trampoline_lowered:
0x8: {  	[smem:$0x3FA2] =	sst s0  }
0x9: {  	[smem:$0x3FA3] =	sst s1  }
0xa: {  	[smem:$0x3FA4] =	sst s2  }
0xb: {  	[smem:$0x3FA5] =	sst s3  }
0xc: {  	[smem:$0x3FA6] =	sst s4  }
0xd: {  	[smem:$0x3FA7] =	sst s5  }
0xe: {  	[smem:$0x3FA8] =	sst s6  }
0xf: {  	[smem:$0x3FA9] =	sst s7  }
0x10: {  	[smem:$0x3FAA] =	sst s8  }
0x11: {  	[smem:$0x3FAB] =	sst s9;
	s0 =	simm.s32 @!p0 $0x0  }
0x12: {  	s1 =	sld [smem:$0x3F91];
	s0 =	simm.s32 @p0 $0x1  }
0x13: {  	[smem:$0x3FAC] =	sst s0;
	s0 =	simm.s32 @!p1 $0x0  }
0x14: {  	s2 =	sld [smem:$0x3F90];
	s0 =	simm.s32 @p1 $0x1  }
0x15: {  	[smem:$0x3FAD] =	sst s0;
	s0 =	simm.s32 @!p2 $0x0  }
0x16: {  	s3 =	sld [smem:$0x3FDB];
	s0 =	simm.s32 @p2 $0x1  }
0x17: {  	s4 =	simm.s32 $0x1BF5;
	[smem:$0x3FAF] =	sst s0  }
0x18: {  	s0 =	sld [smem:$0x3F92];
	_ =	swait.ge [sflag:s4], $0x0  }
0x19: {  	s7 =	sld [smem:$0x3F93]  }
0x1a: {  	s8 =	sadd.s32 $0xFFFFE003, lr  }
0x1b: {  	s9 =	sadd.s32 $0xFFFFFEF7, lr;
	s5 =	simm.s32 $0xFFFFFFFF;
	p2 =	slt.u32 s8, $0xFFFFF086  }
0x1c: {  	p1 =	slt.u32 s9, $0xF7A;
	s5 =	simm.s32 @!p2 $0x0  }
0x1d: {  	s5 =	simm.s32 @p1 $0x1;
	p0 =	seq.s32 s7, s2  }
0x1e: {  	s7 =	smul.u32 @!p0 $0xF7A, s2;
	p2 =	seq.s32 @!p0 s5, $0x0  }
0x1f: {  	s9 =	smul.u32 $0xF7A, s1;
	s8 =	simm.s32 @!p0 $0x1BF5;
	p2 =	por !p2, p0  }
0x20: {  	[sflag:s8] =	ssyncset.s32 @!p0 $0xFFFFF086;
	s6 =	sadd.s32 @!p0 s3, s7;
	s7 =	simm.s32 @!p0 $0x108  }
0x21: {  	s3 =	sadd.s32 s3, s9;
	s6 =	sadd.s32 @!p0 $0x88, s6;
	s7 =	simm.s32 @p2 $0x1082  }
0x22: {  	[simem:s7], [sflag:s8] =	dma.local @!p0 [hbm:s6], $0xF7A  }
0x23: {  	s9 =	sor.u32 $0xD0000000, s2;
	s6 =	simm.s32 $0x108;
	_ =	swait.ge @!p0 [sflag:s8], $0x0  }
0x24: {  	s3 =	sadd.s32 $0x88, s3;
	s6 =	simm.s32 @!p1 $0x1082;
	[sflag:s4] =	ssyncset.s32 $0xFFFFF086  }
0x25: {  	[simem:s6], [sflag:s4] =	dma.local [hbm:s3], $0xF7A  }
0x26: {  	[smem:$0x3F93] =	sst s1;
	(tag) =	ssettag s2;
	_ =	strace s9  }
0x27: {  	s1 =	sld [smem:$0x3FA3]  }
0x28: {  	s2 =	sld [smem:$0x3FA4]  }
0x29: {  	s4 =	sld [smem:$0x3FA6]  }
0x2a: {  	p0 =	seq.s32 s5, $0x0;
	s5 =	sld [smem:$0x3FA7]  }
0x2b: {  	s6 =	sld [smem:$0x3FA8]  }
0x2c: {  	s7 =	sld [smem:$0x3FA9]  }
0x2d: {  	s3 =	simm.s32 $0x108;
	s8 =	sld [smem:$0x3FAA]  }
0x2e: {  	s3 =	simm.s32 @!p0 $0x1082;
	s9 =	sld [smem:$0x3FAB]  }
0x2f: {  	lr =	sadd.s32 s0, s3;
	s0 =	sld [smem:$0x3FA2]  }
0x30: {  	s3 =	sld [smem:$0x3FA5]  }
0x31: {  	[smem:$0x3FAE] =	sst s10  }
0x32: {  	s10 =	sld [smem:$0x3FAC];
	_ =	sdelay $0x3  }
0x33: {  	p0 =	seq.s32 s10, $0x1;
	s10 =	sld [smem:$0x3FAE];
	_ =	sdelay $0x3  }
0x34: {  	[smem:$0x3FAE] =	sst s10  }
0x35: {  	s10 =	sld [smem:$0x3FAD];
	_ =	sdelay $0x3  }
0x36: {  	p1 =	seq.s32 s10, $0x1;
	s10 =	sld [smem:$0x3FAE];
	_ =	sdelay $0x3  }
0x37: {  	[smem:$0x3FAE] =	sst s10  }
0x38: {  	s10 =	sld [smem:$0x3FAF]  }
0x39: {  	_ = 	snop;
	(pc) =	sbr.ind lr, $3  }
0x3a: {  	_ = 	snop  }
0x3b: {  	_ = 	snop  }
0x3c: {  	p2 =	seq.s32 s10, $0x1;
	s10 =	sld [smem:$0x3FAE]  }
0x3d: {  	_ =	shalt  }
0x3e: {  	_ =	shalt  }
0x3f: {  	_ =	shalt  }
0x40: {  	_ =	shalt  }
0x41: {  	_ =	shalt  }
0x42: {  	_ =	shalt  }
0x43: {  	_ =	shalt  }
0x44: {  	_ =	shalt  }
0x45: {  	_ =	shalt  }
0x46: {  	_ =	shalt  }
0x47: {  	_ =	shalt  }
0x48: {  	_ =	shalt  }
0x49: {  	_ =	shalt  }
0x4a: {  	_ =	shalt  }
0x4b: {  	_ =	shalt  }
0x4c: {  	_ =	shalt  }
0x4d: {  	_ =	shalt  }
0x4e: {  	_ =	shalt  }
0x4f: {  	_ =	shalt  }
0x50: {  	_ =	shalt  }
0x51: {  	_ =	shalt  }
0x52: {  	_ =	shalt  }
0x53: {  	_ =	shalt  }
0x54: {  	_ =	shalt  }
0x55: {  	_ =	shalt  }
0x56: {  	_ =	shalt  }
0x57: {  	_ =	shalt  }
0x58: {  	_ =	shalt  }
0x59: {  	_ =	shalt  }
0x5a: {  	_ =	shalt  }
0x5b: {  	_ =	shalt  }
0x5c: {  	_ =	shalt  }
0x5d: {  	_ =	shalt  }
0x5e: {  	_ =	shalt  }
0x5f: {  	_ =	shalt  }
0x60: {  	_ =	shalt  }
0x61: {  	_ =	shalt  }
0x62: {  	_ =	shalt  }
0x63: {  	_ =	shalt  }
0x64: {  	_ =	shalt  }
0x65: {  	_ =	shalt  }
0x66: {  	_ =	shalt  }
0x67: {  	_ =	shalt  }
0x68: {  	_ =	shalt  }
0x69: {  	_ =	shalt  }
0x6a: {  	_ =	shalt  }
0x6b: {  	_ =	shalt  }
0x6c: {  	_ =	shalt  }
0x6d: {  	_ =	shalt  }
0x6e: {  	_ =	shalt  }
0x6f: {  	_ =	shalt  }
0x70: {  	_ =	shalt  }
0x71: {  	_ =	shalt  }
0x72: {  	_ =	shalt  }
0x73: {  	_ =	shalt  }
0x74: {  	_ =	shalt  }
0x75: {  	_ =	shalt  }
0x76: {  	_ =	shalt  }
0x77: {  	_ =	shalt  }
0x78: {  	_ =	shalt  }
0x79: {  	_ =	shalt  }
0x7a: {  	_ =	shalt  }
0x7b: {  	_ =	shalt  }
0x7c: {  	_ =	shalt  }
0x7d: {  	_ =	shalt  }
0x7e: {  	_ =	shalt  }
0x7f: {  	_ =	shalt  }
0x80: {  	_ =	shalt  }
0x81: {  	_ =	shalt  }
0x82: {  	_ =	shalt  }
0x83: {  	_ =	shalt  }
0x84: {  	_ =	shalt  }
0x85: {  	_ =	shalt  }
0x86: {  	_ =	shalt  }
0x87: {  	_ =	shalt  }
.Lfunc_end0:
.L_simem_size_0:
called_computation.1_lowered:
.L_overlay_start_0:
0x88: {  	s2 =	sld [smem:$0x3FD9]  }
0x89: {  	s3 =	sld [smem:$0x3FFE];
	_ =	sdelay $0x1  }
0x8a: {  	s1 =	srdreg.scid  }
0x8b: {  	s0 =	sand.u32 $0x1, s1  }
0x8c: {  	s14 =	sshll.u32 s0, $0xA;
	s2 =	sadd.s32 s3, s2  }
0x8d: {  	s2 =	sadd.s32 s2, s14  }
0x8e: {  	[smem:$0x3FBA] =	sst s2  }
0x8f: {  	_ = 	snop  }
0x90: {  	s2 =	sld [smem:$0x3FD0];
	_ =	sdelay $0x2  }
0x91: {  	s15 =	simm.s32 $0xA;
	s4 =	simm.s32 $0x10  }
0x92: {  	[smem:s4], [sflag:s15] =	dma.local [hbm:s2], $0x1  }
0x93: {  	_ =	swait.eq [sflag:s15], $0x1  }
0x94: {  	[sflag:s15] =	ssyncset.done $0x0  }
0x95: {  	s16 =	sld [smem:$0x10];
	[sflag:s15] =	ssyncadd.s32 $0xFFFFFFFF  }
0x96: {  	s17 =	sld [smem:$0x11];
	(tm) =	ssettm $0x1  }
0x97: {  	s18 =	sld [smem:$0x3FFB];
	_ =	sdelay $0x3  }
0x98: {  	_ =	strace s18  }
0x99: {  	s4 =	sld [smem:$0x3FFC];
	_ =	sdelay $0x3  }
0x9a: {  	_ =	strace s4  }
0x9b: {  	s4 =	sld [smem:$0x3FFD];
	_ =	sdelay $0x3  }
0x9c: {  	_ =	strace s4  }
0x9d: {  	_ =	strace $0x8FFFFFFF  }
0x9e: {  	s19 =	sld [smem:$0x3FDB];
	_ =	sdelay $0x1  }
0x9f: {  	s5 =	simm.s32 $_scs_section_size  }
0xa0: {  	s6 =	simm.s32 $_size__tile_overlayer_lowered;
	s7 =	simm.s32 $_tile_overlayer_lowered  }
0xa1: {  	s22 =	simm.s32 $0x1BFF;
	s21 =	sshll.u32 s7, $0x1;
	s4 =	sadd.s32 s5, s19  }
0xa2: {  	s8 =	simm.s32 $0x0;
	s20 =	sshll.u32 s6, $0x1;
	s6 =	sadd.s32 s21, s4  }
0xa3: {  	[timem:s8], [sflag:s22] =	dma.local [hbm:s6], s20  }
0xa4: {  	_ =	swait.ge [sflag:s22], s20  }
0xa5: {  	s5 =	ssub.s32 $0x0, s20;
	[sflag:s22] =	ssyncset.done $0x0  }
0xa6: {  	[sflag:s22] =	ssyncadd.s32 s5;
	_ =	sdelay $0x1  }
0xa7: {  	s23 =	simm.s32 $0x1B8B  }
0xa8: {  	_ =	swait.ge [sflag:s23], $0x1  }
0xa9: {  	[sflag:s23] =	ssyncset.done $0x0  }
0xaa: {  	s25 =	simm.s32 $0x1B8E;
	s24 =	sld [smem:$0x3FFE];
	[sflag:s23] =	ssyncadd.s32 $0xFFFFFFFF  }
0xab: {  	s26 =	simm.s32 $execute0_lowered;
	[smem:$0x3FD2] =	sst s25  }
0xac: {  	s6 =	sshll.u32 s26, $0x1;
	_ =	strace $0x80000049;
	[dreg:$0x1] =	wrdreg $0xFFFFFFFF  }
0xad: {  	s28 =	simm.s32 $_size_execute0_lowered;
	s4 =	sadd.s32 s4, s6;
	[dreg:$0x0] =	wrdreg $0x0  }
0xae: {  	s6 =	sshll.u32 s28, $0x1;
	[dreg:$0x2] =	wrdreg s4  }
0xaf: {  	[dreg:$0x3] =	wrdreg s6  }
0xb0: {  	[dreg:$0x4] =	wrdreg $0xC0  }
0xb1: {  	_ =	task [dreg:s8], $0x5FFFF  }
0xb2: {  	[dreg:$0x1] =	wrdreg $0xFFFFFFFF  }
0xb3: {  	[dreg:$0x0] =	wrdreg $0x60  }
0xb4: {  	[dreg:$0x2] =	wrdreg s24  }
0xb5: {  	[dreg:$0x3] =	wrdreg s17  }
0xb6: {  	[dreg:$0x4] =	wrdreg s16  }
0xb7: {  	[dreg:$0x5] =	wrdreg $0x19000  }
0xb8: {  	[dreg:$0x6] =	wrdreg $0x2D800  }
0xb9: {  	[dreg:$0x7] =	wrdreg $0x9  }
0xba: {  	_ =	task.clear_ibuf [dreg:s8], $0x8FFFF;
	_ =	strace $0x90000049  }
0xbb: {  	s29 =	simm.s32 $0x9;
	_ =	strace $0x8000004B  }
0xbc: {  	_ =	swait.ge [sflag:s29], $0x1  }
0xbd: {  	[sflag:s29] =	ssyncadd.s32 $0xFFFFFFFF  }
0xbe: {  	_ =	strace $0x9000004B  }
0xbf: {  	_ =	sfence  }
0xc0: {  	s30 =	sld [smem:$0x0];
	_ =	sdelay $0x2  }
0xc1: {  	s31 =	sshll.u32 s1, $0xD;
	s1 =	sshrl.u32 s1, $0x2  }
0xc2: {  	s3 =	sand.u32 $0x4000, s31;
	s1 =	sadd.s32 s1, s30  }
0xc3: {  	s0 =	sor.u32 s3, s0;
	s1 =	sshll.u32 s1, $0x11  }
0xc4: {  	s0 =	sor.u32 s1, s0  }
0xc5: {  	s0 =	sadd.s32 $0x8F2B, s0  }
0xc6: {  	[sflag:s0] =	ssyncadd.remote.s32 $0x1  }
0xc7: {  	_ =	sfence.sel $0xFFFF  }
0xc8: {  	[dreg:$0x0] =	wrdreg $0xFFFFFFFF;
	(pc) =	sbr.abs _section_cstart, $3  }
0xc9: {  	[dreg:$0x1] =	wrdreg $0xFFFFFFFF  }
0xca: {  	_ =	task.clear_ibuf [dreg:s8], $0x2FFFF;
	_ =	strace $0x9FFFFFFF  }
0xcb: {  	(tm) =	ssettm $0x7FFFFFFF  }
tec
execute0_lowered:
.L_overlay_start_1:
0x0: {  	(tag) =	ssettag $0x1  }
0x1: {  	s0 =	rddreg [dreg:$0x0]  }
0x2: {  	s1 =	rddreg [dreg:$0x1]  }
0x3: {  	s4 =	rddreg [dreg:$0x3]  }
0x4: {  	s5 =	rddreg [dreg:$0x4];
	s6 =	simm.s32 $0x0  }
0x5: {  	s13 =	stileid.u32;
	s2 =	srdreg.scid;
	s17 =	simm.s32 $0x4  }
0x6: {  	s21 =	simm.s32 $0x400;
	s31 =	simm.s32 $0x500;
	s19 =	simm.s32 $0x580  }
0x7: {  	s14 =	simm.s32 $0x600;
	s18 =	simm.s32 $0x680;
	s20 =	simm.s32 $0x2  }
0x8: {  	s15 =	simm.s32 $0x1380;
	s28 =	simm.s32 $0x0;
	[smem:$0x7FF] =	sst s6  }
0x9: {  	s3 =	smul.u32 $0x1480, s13;
	s2 =	sand.u32 $0x1, s2;
	s7 =	sadd.s32 $0x36200, s0  }
0xa: {  	s8 =	sadd.s32 $0xD200, s0;
	s10 =	sadd.s32 $0x2A00, s0;
	s24 =	sshll.u32 s13, $0x1  }
0xb: {  	s26 =	sshll.u32 s13, $0x6;
	s13 =	simm.s32 $0x1700;
	_ =	strace $0x8000004A  }
0xc: {  	s9 =	smul.u32 $0x29000, s2;
	[dreg:$0x6] =	wrdreg s10;
	s11 =	ssub.s32 $0x2, s2  }
0xd: {  	s2 =	sor.u32 s2, s24;
	s16 =	sor.u32 $0x1C04, s26;
	s26 =	simm.s32 $0x480  }
0xe: {  	s22 =	sshrl.u32 s3, $0x3;
	s12 =	sshrl.u32 s11, $0x1;
	s25 =	sadd.s32 s3, s4  }
0xf: {  	[dreg:$0x8] =	wrdreg s16;
	s9 =	sadd.s32 s3, s9;
	s10 =	sadd.s32 s22, s0  }
0x10: {  	s23 =	ssub.s32 s11, s12;
	s3 =	sadd.s32 s3, s5;
	s12 =	smul.u32 $0x29, s2  }
0x11: {  	s22 =	simm.s32 $0x80;
	s2 =	simm.s32 $0x1;
	s10 =	sadd.s32 $0x5F200, s10  }
0x12: {  	s9 =	sshrl.u32 s9, $0x3;
	s30 =	smax.u32 s23, $0x1;
	[dreg:$0x7] =	wrdreg s10  }
0x13: {  	s23 =	sshrl.u32 s25, $0x3;
	s24 =	sshrl.u32 s3, $0x3;
	[dreg:$0xb] =	wrdreg s30  }
0x14: {  	s25 =	simm.s32 $0x700;
	s0 =	sadd.s32 s9, s0;
	[dreg:$0xc] =	wrdreg s23  }
0x15: {  	s3 =	simm.s32 $0x1680;
	[dreg:$0xd] =	wrdreg s24;
	s29 =	sadd.s32 $0x2C00, s0  }
0x16: {  	s9 =	simm.s32 $0x1300;
	s0 =	sadd.s32 $0x5500, s0;
	[dreg:$0x9] =	wrdreg s29  }
0x17: {  	s10 =	simm.s32 $0x1780;
	[dreg:$0xa] =	wrdreg s0;
	s0 =	simm.s32 $0x780  }
.LBB2_1:
0x18: {  	[dreg:$0xe] =	wrdreg s28  }
0x19: {  	s11 =	rddreg [dreg:$0x7]  }
0x1a: {  	[spmem:s23], [sflag:s16] =	dma.local [hbm:s11], $0x290  }
0x1b: {  	_ =	swait.ge [sflag:s17], $0x290  }
0x1c: {  	[sflag:s17] =	ssyncset.done $0x0  }
0x1d: {  	[sflag:s17] =	ssyncadd.s32 $0xFFFFFD70  }
0x1e: {  	[spmem:s24], [sflag:s16] =	dma.local [hbm:s11], $0x290  }
0x1f: {  	_ =	swait.ge [sflag:s17], $0x290  }
0x20: {  	[sflag:s17] =	ssyncset.done $0x0  }
0x21: {  	[sflag:s17] =	ssyncadd.s32 $0xFFFFFD70  }
0x22: {  	s28 =	simm.s32 $0x1800;
	s24 =	rddreg [dreg:$0x2]  }
0x23: {  	[tilespmem:s28], [sflag:$0x4] =	stream.linear.gather [hbm4b:s24+s6], $0x80, $0x38;
	[tilespmem:$0x4200] =	vst v63  }
0x24: {  	_ =	swait.ge [sflag:s17], $0x80  }
0x25: {  	[sflag:s17] =	ssyncset.done $0x0  }
0x26: {  	s30 =	simm.s32 $0x1880;
	s29 =	rddreg [dreg:$0x6];
	[sflag:s17] =	ssyncadd.s32 $0xFFFFFF80  }
0x27: {  	[tilespmem:s30], [sflag:$0x4] =	stream.linear.gather [hbm4b:s29+s6], $0x80, $0x38;
	[tilespmem:$0x4200] =	vst v63  }
0x28: {  	_ =	swait.ge [sflag:s17], $0x80  }
0x29: {  	[sflag:s17] =	ssyncset.done $0x0  }
0x2a: {  	[sflag:s17] =	ssyncadd.s32 $0xFFFFFF80  }
0x2b: {  	[bflag:$0x0] =	sbarrier.arrive $0xFFFF  }
0x2c: {  	v0 =	vld [tilespmem:$0x1800]  }
0x2d: {  	v1 =	vld [tilespmem:$0x1880];
	_ =	sdelay $0x2  }
0x2e: {  	s16 =	simm.s32 $0x0  }
.LBB2_2:
0x2f: {  	s11 =	sadd.s32 s12, s16  }
0x30: {  	s11 =	sshll.u32 s11, $0x7  }
0x31: {  	s23 =	sadd.s32 s7, s11  }
0x32: {  	[tilespmem:s6], [sflag:$0x4] =	stream.linear.gather [hbm4b:s23+s6], $0x400, $0x38;
	[tilespmem:$0x4200] =	vst v63  }
0x33: {  	_ =	swait.ge [sflag:s17], $0x400  }
0x34: {  	[sflag:s17] =	ssyncset.done $0x0  }
0x35: {  	s11 =	sadd.s32 s8, s11;
	[sflag:s17] =	ssyncadd.s32 $0xFFFFFC00  }
0x36: {  	[tilespmem:s21], [sflag:$0x4] =	stream.linear.gather [hbm4b:s11+s6], $0x400, $0x38;
	[tilespmem:$0x4200] =	vst v63  }
0x37: {  	_ =	swait.ge [sflag:s17], $0x400  }
0x38: {  	[sflag:s17] =	ssyncset.done $0x0  }
0x39: {  	s30 =	simm.s32 $0x800;
	[sflag:s17] =	ssyncadd.s32 $0xFFFFFC00  }
0x3a: {  	[tilespmem:s30], [sflag:$0x1] =	stream.indirect.gather [hbm4b:s1+s22], $0x1, s6, s22, $0xb8;
	[tilespmem:$0x4200] =	vst v63  }
0x3b: {  	s23 =	simm.s32 $0xC00  }
0x3c: {  	[tilespmem:s23], [sflag:$0x2] =	stream.indirect.gather [hbm4b:s1+s22], $0x1, s21, s22, $0xb8;
	[tilespmem:$0x4200] =	vst v63  }
0x3d: {  	s24 =	simm.s32 $0x880  }
0x3e: {  	[tilespmem:s24], [sflag:$0x1] =	stream.indirect.gather [hbm4b:s1+s22], $0x1, s22, s22, $0xb8;
	[tilespmem:$0x4200] =	vst v63  }
0x3f: {  	s30 =	simm.s32 $0xC80  }
0x40: {  	[tilespmem:s30], [sflag:$0x2] =	stream.indirect.gather [hbm4b:s1+s22], $0x1, s26, s22, $0xb8;
	[tilespmem:$0x4200] =	vst v63  }
0x41: {  	s23 =	simm.s32 $0x100;
	s24 =	simm.s32 $0x900  }
0x42: {  	[tilespmem:s24], [sflag:$0x1] =	stream.indirect.gather [hbm4b:s1+s22], $0x1, s23, s22, $0xb8;
	[tilespmem:$0x4200] =	vst v63  }
0x43: {  	s30 =	simm.s32 $0xD00  }
0x44: {  	[tilespmem:s30], [sflag:$0x2] =	stream.indirect.gather [hbm4b:s1+s22], $0x1, s31, s22, $0xb8;
	[tilespmem:$0x4200] =	vst v63  }
0x45: {  	s23 =	simm.s32 $0x180;
	s24 =	simm.s32 $0x980  }
0x46: {  	[tilespmem:s24], [sflag:$0x1] =	stream.indirect.gather [hbm4b:s1+s22], $0x1, s23, s22, $0xb8;
	[tilespmem:$0x4200] =	vst v63  }
0x47: {  	s30 =	simm.s32 $0xD80  }
0x48: {  	[tilespmem:s30], [sflag:$0x2] =	stream.indirect.gather [hbm4b:s1+s22], $0x1, s19, s22, $0xb8;
	[tilespmem:$0x4200] =	vst v63  }
0x49: {  	s23 =	simm.s32 $0x200;
	s24 =	simm.s32 $0xA00  }
0x4a: {  	[tilespmem:s24], [sflag:$0x1] =	stream.indirect.gather [hbm4b:s1+s22], $0x1, s23, s22, $0xb8;
	[tilespmem:$0x4200] =	vst v63  }
0x4b: {  	s30 =	simm.s32 $0xE00  }
0x4c: {  	[tilespmem:s30], [sflag:$0x2] =	stream.indirect.gather [hbm4b:s1+s22], $0x1, s14, s22, $0xb8;
	[tilespmem:$0x4200] =	vst v63  }
0x4d: {  	s23 =	simm.s32 $0x280;
	s24 =	simm.s32 $0xA80  }
0x4e: {  	[tilespmem:s24], [sflag:$0x1] =	stream.indirect.gather [hbm4b:s1+s22], $0x1, s23, s22, $0xb8;
	[tilespmem:$0x4200] =	vst v63  }
0x4f: {  	s30 =	simm.s32 $0xE80  }
0x50: {  	[tilespmem:s30], [sflag:$0x2] =	stream.indirect.gather [hbm4b:s1+s22], $0x1, s18, s22, $0xb8;
	[tilespmem:$0x4200] =	vst v63  }
0x51: {  	s23 =	simm.s32 $0x300;
	s24 =	simm.s32 $0xB00  }
0x52: {  	[tilespmem:s24], [sflag:$0x1] =	stream.indirect.gather [hbm4b:s1+s22], $0x1, s23, s22, $0xb8;
	[tilespmem:$0x4200] =	vst v63  }
0x53: {  	s30 =	simm.s32 $0xF00  }
0x54: {  	[tilespmem:s30], [sflag:$0x2] =	stream.indirect.gather [hbm4b:s1+s22], $0x1, s25, s22, $0xb8;
	[tilespmem:$0x4200] =	vst v63  }
0x55: {  	p0 =	seq.s32 s16, $0x0;
	s23 =	simm.s32 $0x380;
	s24 =	simm.s32 $0xB80  }
0x56: {  	[tilespmem:s24], [sflag:$0x1] =	stream.indirect.gather [hbm4b:s1+s22], $0x1, s23, s22, $0xb8;
	[tilespmem:$0x4200] =	vst v63  }
0x57: {  	s11 =	simm.s32 @!p0 $0x3;
	s30 =	simm.s32 $0xF80  }
0x58: {  	[tilespmem:s30], [sflag:$0x2] =	stream.indirect.gather [hbm4b:s1+s22], $0x1, s0, s22, $0xb8;
	[tilespmem:$0x4200] =	vst v63  }
0x59: {  	_ =	swait.ge @!p0 [sflag:s11], $0x800  }
0x5a: {  	[sflag:s11] =	ssyncset.done @!p0 $0x0  }
0x5b: {  	[sflag:s11] =	ssyncadd.s32 @!p0 $0xFFFFF800  }
0x5c: {  	_ =	swait.ge [sflag:s2], $0x80  }
0x5d: {  	[sflag:s2] =	ssyncset.done $0x0  }
0x5e: {  	[sflag:s2] =	ssyncadd.s32 $0xFFFFFF80  }
0x5f: {  	_ =	swait.ge [sflag:s20], $0x80  }
0x60: {  	[sflag:s20] =	ssyncset.done $0x0  }
0x61: {  	[sflag:s20] =	ssyncadd.s32 $0xFFFFFF80  }
0x62: {  	_ =	swait.ge [sflag:s2], $0x80  }
0x63: {  	[sflag:s2] =	ssyncset.done $0x0  }
0x64: {  	[sflag:s2] =	ssyncadd.s32 $0xFFFFFF80  }
0x65: {  	_ =	swait.ge [sflag:s20], $0x80  }
0x66: {  	[sflag:s20] =	ssyncset.done $0x0  }
0x67: {  	[sflag:s20] =	ssyncadd.s32 $0xFFFFFF80  }
0x68: {  	_ =	swait.ge [sflag:s2], $0x80  }
0x69: {  	[sflag:s2] =	ssyncset.done $0x0  }
0x6a: {  	[sflag:s2] =	ssyncadd.s32 $0xFFFFFF80  }
0x6b: {  	_ =	swait.ge [sflag:s20], $0x80  }
0x6c: {  	[sflag:s20] =	ssyncset.done $0x0  }
0x6d: {  	[sflag:s20] =	ssyncadd.s32 $0xFFFFFF80  }
0x6e: {  	_ =	swait.ge [sflag:s2], $0x80  }
0x6f: {  	[sflag:s2] =	ssyncset.done $0x0  }
0x70: {  	[sflag:s2] =	ssyncadd.s32 $0xFFFFFF80  }
0x71: {  	_ =	swait.ge [sflag:s20], $0x80  }
0x72: {  	[sflag:s20] =	ssyncset.done $0x0  }
0x73: {  	[sflag:s20] =	ssyncadd.s32 $0xFFFFFF80  }
0x74: {  	_ =	swait.ge [sflag:s2], $0x80  }
0x75: {  	[sflag:s2] =	ssyncset.done $0x0  }
0x76: {  	[sflag:s2] =	ssyncadd.s32 $0xFFFFFF80  }
0x77: {  	_ =	swait.ge [sflag:s20], $0x80  }
0x78: {  	[sflag:s20] =	ssyncset.done $0x0  }
0x79: {  	[sflag:s20] =	ssyncadd.s32 $0xFFFFFF80  }
0x7a: {  	_ =	swait.ge [sflag:s2], $0x80  }
0x7b: {  	[sflag:s2] =	ssyncset.done $0x0  }
0x7c: {  	[sflag:s2] =	ssyncadd.s32 $0xFFFFFF80  }
0x7d: {  	_ =	swait.ge [sflag:s20], $0x80  }
0x7e: {  	[sflag:s20] =	ssyncset.done $0x0  }
0x7f: {  	[sflag:s20] =	ssyncadd.s32 $0xFFFFFF80  }
0x80: {  	_ =	swait.ge [sflag:s2], $0x80  }
0x81: {  	[sflag:s2] =	ssyncset.done $0x0  }
0x82: {  	[sflag:s2] =	ssyncadd.s32 $0xFFFFFF80  }
0x83: {  	_ =	swait.ge [sflag:s20], $0x80  }
0x84: {  	[sflag:s20] =	ssyncset.done $0x0  }
0x85: {  	[sflag:s20] =	ssyncadd.s32 $0xFFFFFF80  }
0x86: {  	_ =	swait.ge [sflag:s2], $0x80  }
0x87: {  	[sflag:s2] =	ssyncset.done $0x0  }
0x88: {  	[sflag:s2] =	ssyncadd.s32 $0xFFFFFF80  }
0x89: {  	_ =	swait.ge [sflag:s20], $0x80  }
0x8a: {  	[sflag:s20] =	ssyncset.done $0x0  }
0x8b: {  	s23 =	simm.s32 $0x0;
	[sflag:s20] =	ssyncadd.s32 $0xFFFFFF80  }
0x8c: {  	v3 =	vld [tilespmem:s23+$0x800]  }
0x8d: {  	v4 =	vld [tilespmem:s23+$0xC00];
	_ =	sdelay $0x1  }
0x8e: {  	s11 =	simm.s32 $0x10  }
0x8f: {  	v5 =	vld [tilespmem:s11+$0xC00]  }
0x90: {  	v2 =	vld [tilespmem:s11+$0x800]  }
0x91: {  	v6 =	vmul.f32 v3, v0;
	v7 =	vmul.f32 v4, v1;
	_ =	sdelay $0x1  }
0x92: {  	v6 =	vadd.f32 v7, v6  }
0x93: {  	v5 =	vmul.f32 v5, v1  }
0x94: {  	v7 =	vmul.f32 v2, v0;
	v9 =	vmul.f32 $2.000000030e-01, v6  }
0x95: {  	s24 =	simm.s32 $0x20;
	vm0 =	vgt.f32 v6, $0.0e+00  }
0x96: {  	v8 =	vld [tilespmem:s24+$0xC00];
	v5 =	vadd.f32 v5, v7;
	v6 =	vsel vm0, v6, v9  }
0x97: {  	v4 =	vld [tilespmem:s24+$0x800];
	v10 =	vmul.f32 $1.442695020e+00, v6  }
0x98: {  	v7 =	vmul.f32 $2.000000030e-01, v5  }
0x99: {  	vm15 =	vgt.f32 v5, $0.0e+00;
	(erf) = vpow2.f32 v10  }
0x9a: {  	v5 =	vsel vm15, v5, v7  }
0x9b: {  	s28 =	simm.s32 $0x30;
	v11 =	vmul.f32 $1.442695020e+00, v5  }
0x9c: {  	v8 =	vmul.f32 v8, v1;
	v9 =	vmul.f32 v4, v0;
	v5 =	vld [tilespmem:s28+$0x800]  }
0x9d: {  	v7 =	vld [tilespmem:s28+$0xC00];
	(erf) = vpow2.f32 v11  }
0x9e: {  	v6 =	vadd.f32 v8, v9;
	_ =	sdelay $0x1  }
0x9f: {  	s29 =	simm.s32 $0x100;
	v8 =	vmul.f32 $2.000000030e-01, v6  }
.LBB2_3:
0xa0: {  	s30 =	sshra.s32 s29, $0x2;
	vm0 =	vgt.f32 v6, $0.0e+00;
	v9 =	vmov v5;
	p0 =	sne.s32 s29, $0xFC0  }
.Ltmp0:
0xa1: {  	s29 =	sadd.s32 $0x40, s29;
	v5 =	vld [tilespmem:s30+$0x800];
	v10 =	vmul.f32 v9, v0;
	v11 =	vmul.f32 v7, v1;
	v6 =	vsel vm0, v6, v8;
	v8 =	vpop (erf);
	(pc) =	sbr.rel @p0 .LBB2_3-.Ltmp0, $4  }
0xa2: {  	v7 =	vld [tilespmem:s30+$0xC00];
	v12 =	vmul.f32 $1.442695020e+00, v6;
	[tilespmem:s23+$0x1000] =	vst v8;
	v8 =	vmul.f32 v8, v3;
	v3 =	vmovc v2;
	v2 =	vmovc v4;
	v4 =	vmov v9  }
0xa3: {  	v6 =	vadd.f32 v11, v10  }
0xa4: {  	(erf) = vpow2.f32 v12;
	[tilespmem:s23+$0x1400] =	vst v8;
	s23 =	smov.u32 s11;
	s11 =	smov.u32 s24;
	s24 =	smov.u32 s28  }
0xa5: {  	s28 =	smov.u32 s30;
	v8 =	vmul.f32 $2.000000030e-01, v6  }
0xa6: {  	_ = 	snop  }
0xa7: {  	v9 =	vmul.f32 v5, v0;
	v7 =	vmul.f32 v7, v1;
	_ =	sdelay $0x1  }
0xa8: {  	v7 =	vadd.f32 v7, v9  }
0xa9: {  	vm0 =	vgt.f32 v6, $0.0e+00  }
0xaa: {  	v6 =	vsel vm0, v6, v8;
	v60 =	vmul.f32 $2.000000030e-01, v7  }
0xab: {  	v6 =	vmul.f32 $1.442695020e+00, v6;
	vm15 =	vgt.f32 v7, $0.0e+00  }
0xac: {  	v7 =	vsel vm15, v7, v60  }
0xad: {  	(erf) = vpow2.f32 v6;
	v61 =	vmul.f32 $1.442695020e+00, v7;
	_ =	sdelay $0x1  }
0xae: {  	(erf) = vpow2.f32 v61;
	_ =	sdelay $0x1  }
0xaf: {  	v62 =	vpop (erf)  }
0xb0: {  	v3 =	vmul.f32 v62, v3;
	_ =	sdelay $0x1  }
0xb1: {  	[tilespmem:s23+$0x1000] =	vst v62;
	v63 =	vpop (erf)  }
0xb2: {  	[tilespmem:s23+$0x1400] =	vst v3;
	v2 =	vmul.f32 v63, v2  }
0xb3: {  	[tilespmem:s11+$0x1000] =	vst v63;
	v3 =	vpop (erf)  }
0xb4: {  	[tilespmem:s11+$0x1400] =	vst v2;
	v2 =	vmul.f32 v3, v4  }
0xb5: {  	[tilespmem:s24+$0x1000] =	vst v3;
	v3 =	vpop (erf)  }
0xb6: {  	[tilespmem:s24+$0x1400] =	vst v2;
	v2 =	vmul.f32 v3, v5  }
0xb7: {  	[tilespmem:s28+$0x1000] =	vst v3  }
0xb8: {  	s30 =	simm.s32 $0x1000;
	[tilespmem:s28+$0x1400] =	vst v2  }
0xb9: {  	[spmem:s4] =	stream.indirect.scatter.add.f32 [tilespmem:s30], [sflag:$0x3], $0x1, s21, s22, $0xb8;
	[tilespmem:$0x4200] =	vst v63  }
0xba: {  	s23 =	simm.s32 $0x1400  }
0xbb: {  	[spmem:s5] =	stream.indirect.scatter.add.f32 [tilespmem:s23], [sflag:$0x3], $0x1, s21, s22, $0xb8;
	[tilespmem:$0x4200] =	vst v63  }
0xbc: {  	s24 =	simm.s32 $0x1080  }
0xbd: {  	[spmem:s4] =	stream.indirect.scatter.add.f32 [tilespmem:s24], [sflag:$0x3], $0x1, s26, s22, $0xb8;
	[tilespmem:$0x4200] =	vst v63  }
0xbe: {  	s28 =	simm.s32 $0x1480  }
0xbf: {  	[spmem:s5] =	stream.indirect.scatter.add.f32 [tilespmem:s28], [sflag:$0x3], $0x1, s26, s22, $0xb8;
	[tilespmem:$0x4200] =	vst v63  }
0xc0: {  	s29 =	simm.s32 $0x1100  }
0xc1: {  	[spmem:s4] =	stream.indirect.scatter.add.f32 [tilespmem:s29], [sflag:$0x3], $0x1, s31, s22, $0xb8;
	[tilespmem:$0x4200] =	vst v63  }
0xc2: {  	s30 =	simm.s32 $0x1500  }
0xc3: {  	[spmem:s5] =	stream.indirect.scatter.add.f32 [tilespmem:s30], [sflag:$0x3], $0x1, s31, s22, $0xb8;
	[tilespmem:$0x4200] =	vst v63  }
0xc4: {  	s23 =	simm.s32 $0x1180  }
0xc5: {  	[spmem:s4] =	stream.indirect.scatter.add.f32 [tilespmem:s23], [sflag:$0x3], $0x1, s19, s22, $0xb8;
	[tilespmem:$0x4200] =	vst v63  }
0xc6: {  	s24 =	simm.s32 $0x1580  }
0xc7: {  	[spmem:s5] =	stream.indirect.scatter.add.f32 [tilespmem:s24], [sflag:$0x3], $0x1, s19, s22, $0xb8;
	[tilespmem:$0x4200] =	vst v63  }
0xc8: {  	s28 =	simm.s32 $0x1200  }
0xc9: {  	[spmem:s4] =	stream.indirect.scatter.add.f32 [tilespmem:s28], [sflag:$0x3], $0x1, s14, s22, $0xb8;
	[tilespmem:$0x4200] =	vst v63  }
0xca: {  	s29 =	simm.s32 $0x1600  }
0xcb: {  	[spmem:s5] =	stream.indirect.scatter.add.f32 [tilespmem:s29], [sflag:$0x3], $0x1, s14, s22, $0xb8;
	[tilespmem:$0x4200] =	vst v63  }
0xcc: {  	s30 =	simm.s32 $0x1280  }
0xcd: {  	[spmem:s4] =	stream.indirect.scatter.add.f32 [tilespmem:s30], [sflag:$0x3], $0x1, s18, s22, $0xb8;
	[tilespmem:$0x4200] =	vst v63  }
0xce: {  	_ = 	snop  }
0xcf: {  	[spmem:s5] =	stream.indirect.scatter.add.f32 [tilespmem:s3], [sflag:$0x3], $0x1, s18, s22, $0xb8;
	[tilespmem:$0x4200] =	vst v63  }
0xd0: {  	s16 =	sadd.s32 $0x1, s16  }
0xd1: {  	[spmem:s4] =	stream.indirect.scatter.add.f32 [tilespmem:s9], [sflag:$0x3], $0x1, s25, s22, $0xb8;
	[tilespmem:$0x4200] =	vst v63  }
0xd2: {  	p0 =	sne.s32 s16, $0x29  }
0xd3: {  	[spmem:s5] =	stream.indirect.scatter.add.f32 [tilespmem:s13], [sflag:$0x3], $0x1, s25, s22, $0xb8;
	[tilespmem:$0x4200] =	vst v63  }
.Ltmp1:
0xd4: {  	_ = 	snop;
	(pc) =	sbr.rel @p0 .LBB2_2-.Ltmp1, $4  }
0xd5: {  	_ = 	snop  }
0xd6: {  	[spmem:s4] =	stream.indirect.scatter.add.f32 [tilespmem:s15], [sflag:$0x3], $0x1, s0, s22, $0xb8;
	[tilespmem:$0x4200] =	vst v63  }
0xd7: {  	_ = 	snop  }
0xd8: {  	[spmem:s5] =	stream.indirect.scatter.add.f32 [tilespmem:s10], [sflag:$0x3], $0x1, s0, s22, $0xb8;
	[tilespmem:$0x4200] =	vst v63  }
0xd9: {  	s11 =	simm.s32 $0x3  }
0xda: {  	_ =	swait.ge [sflag:s11], $0x800  }
0xdb: {  	[sflag:s11] =	ssyncset.done $0x0  }
0xdc: {  	[sflag:s11] =	ssyncadd.s32 $0xFFFFF800  }
0xdd: {  	[bflag:$0x0] =	sbarrier.arrive $0xFFFF  }
0xde: {  	s16 =	rddreg [dreg:$0x8]  }
0xdf: {  	s24 =	rddreg [dreg:$0x9]  }
0xe0: {  	s23 =	rddreg [dreg:$0xc]  }
0xe1: {  	[hbm:s24], [sflag:s16] =	dma.local [spmem:s23], $0x290  }
0xe2: {  	_ =	swait.ge [sflag:s17], $0x290  }
0xe3: {  	[sflag:s17] =	ssyncset.done $0x0;
	s29 =	rddreg [dreg:$0xa]  }
0xe4: {  	s24 =	rddreg [dreg:$0xd];
	[sflag:s17] =	ssyncadd.s32 $0xFFFFFD70  }
0xe5: {  	[hbm:s29], [sflag:s16] =	dma.local [spmem:s24], $0x290  }
0xe6: {  	_ =	swait.ge [sflag:s17], $0x290  }
0xe7: {  	s28 =	rddreg [dreg:$0xe]  }
0xe8: {  	s30 =	rddreg [dreg:$0xb];
	s28 =	sadd.s32 $0x1, s28  }
0xe9: {  	p0 =	sne.s32 s28, s30  }
.Ltmp2:
0xea: {  	_ = 	snop;
	(pc) =	sbr.rel @p0 .LBB2_1-.Ltmp2, $3  }
0xeb: {  	_ =	sdelay $0x1  }
0xec: {  	[sflag:s17] =	ssyncset.done $0x0  }
0xed: {  	[sflag:s17] =	ssyncadd.s32 $0xFFFFFD70  }
0xee: {  	_ =	sfence.sel $0x180000  }
0xef: {  	[bflag:$0x0] =	sbarrier.arrive $0xFFFF  }
0xf0: {  	_ =	strace $0x9000004A  }
0xf1: {  	s0 =	stileid.u32;
	[bflag:$0x2] =	sbarrier.arrive $0xFFFF  }
0xf2: {  	p0 =	sne.s32 s0, $0x0;
	s0 =	rddreg [dreg:$0x5]  }
0xf3: {  	s0 =	sadd.s32 @!p0 $0x100000, s0  }
0xf4: {  	[sflag:s0] =	ssyncadd.tile.s32 @!p0 $0x1;
	_ =	shalt  }
.Lfunc_end2:
_tile_overlayer_lowered:
.L_overlay_start_2:
0xf5: {  	(tag) =	ssettag $0x2  }
0xf6: {  	s0 =	rddreg [dreg:$0x0];
	s2 =	stileid.u32  }
0xf7: {  	s1 =	rddreg [dreg:$0x1];
	p0 =	sne.s32 s2, $0x0  }
0xf8: {  	s3 =	rddreg [dreg:$0x2];
	[bflag:$0x3] =	sbarrier.arrive $0xFFFF;
	s2 =	simm.s32 @!p0 $0x1C04  }
0xf9: {  	[timem:s3], [sflag:s2] =	dma.local @!p0 [hbm:s0], s1  }
0xfa: {  	s0 =	simm.s32 @!p0 $0x4  }
0xfb: {  	_ =	swait.ge @!p0 [sflag:s0], s1  }
0xfc: {  	s1 =	ssub.s32 @!p0 $0x0, s1;
	[sflag:s0] =	ssyncset.done @!p0 $0x0  }
0xfd: {  	[sflag:s0] =	ssyncadd.s32 @!p0 s1  }
0xfe: {  	[bflag:$0x3] =	sbarrier.arrive $0xFFFF  }
0xff: {  	_ =	shalt  }

// kernel: kernel.8.cloned.1.call-start
scs
__scs_entry_jumppad:
0x0: {  	(pc) =	sbr.rel $0x88, $3  }
0x1: {  	(tag) =	ssettag $0x0;
	lr =	simm.s32 $0x1  }
0x2: {  	[smem:$0x3F93] =	sst lr;
	_ =	strace $0xD0000000  }
0x3: {  	_ = 	snop  }
0x4: {  	_ = 	snop  }
0x5: {  	_ = 	snop  }
0x6: {  	_ = 	snop  }
0x7: {  	_ = 	snop  }
__scs_overlays_trampoline_lowered:
0x8: {  	[smem:$0x3FA2] =	sst s0  }
0x9: {  	[smem:$0x3FA3] =	sst s1  }
0xa: {  	[smem:$0x3FA4] =	sst s2  }
0xb: {  	[smem:$0x3FA5] =	sst s3  }
0xc: {  	[smem:$0x3FA6] =	sst s4  }
0xd: {  	[smem:$0x3FA7] =	sst s5  }
0xe: {  	[smem:$0x3FA8] =	sst s6  }
0xf: {  	[smem:$0x3FA9] =	sst s7  }
0x10: {  	[smem:$0x3FAA] =	sst s8  }
0x11: {  	[smem:$0x3FAB] =	sst s9;
	s0 =	simm.s32 @!p0 $0x0  }
0x12: {  	s1 =	sld [smem:$0x3F91];
	s0 =	simm.s32 @p0 $0x1  }
0x13: {  	[smem:$0x3FAC] =	sst s0;
	s0 =	simm.s32 @!p1 $0x0  }
0x14: {  	s2 =	sld [smem:$0x3F90];
	s0 =	simm.s32 @p1 $0x1  }
0x15: {  	[smem:$0x3FAD] =	sst s0;
	s0 =	simm.s32 @!p2 $0x0  }
0x16: {  	s3 =	sld [smem:$0x3FDB];
	s0 =	simm.s32 @p2 $0x1  }
0x17: {  	s4 =	simm.s32 $0x1BF5;
	[smem:$0x3FAF] =	sst s0  }
0x18: {  	s0 =	sld [smem:$0x3F92];
	_ =	swait.ge [sflag:s4], $0x0  }
0x19: {  	s7 =	sld [smem:$0x3F93]  }
0x1a: {  	s8 =	sadd.s32 $0xFFFFE003, lr  }
0x1b: {  	s9 =	sadd.s32 $0xFFFFFEF7, lr;
	s5 =	simm.s32 $0xFFFFFFFF;
	p2 =	slt.u32 s8, $0xFFFFF086  }
0x1c: {  	p1 =	slt.u32 s9, $0xF7A;
	s5 =	simm.s32 @!p2 $0x0  }
0x1d: {  	s5 =	simm.s32 @p1 $0x1;
	p0 =	seq.s32 s7, s2  }
0x1e: {  	s7 =	smul.u32 @!p0 $0xF7A, s2;
	p2 =	seq.s32 @!p0 s5, $0x0  }
0x1f: {  	s9 =	smul.u32 $0xF7A, s1;
	s8 =	simm.s32 @!p0 $0x1BF5;
	p2 =	por !p2, p0  }
0x20: {  	[sflag:s8] =	ssyncset.s32 @!p0 $0xFFFFF086;
	s6 =	sadd.s32 @!p0 s3, s7;
	s7 =	simm.s32 @!p0 $0x108  }
0x21: {  	s3 =	sadd.s32 s3, s9;
	s6 =	sadd.s32 @!p0 $0x88, s6;
	s7 =	simm.s32 @p2 $0x1082  }
0x22: {  	[simem:s7], [sflag:s8] =	dma.local @!p0 [hbm:s6], $0xF7A  }
0x23: {  	s9 =	sor.u32 $0xD0000000, s2;
	s6 =	simm.s32 $0x108;
	_ =	swait.ge @!p0 [sflag:s8], $0x0  }
0x24: {  	s3 =	sadd.s32 $0x88, s3;
	s6 =	simm.s32 @!p1 $0x1082;
	[sflag:s4] =	ssyncset.s32 $0xFFFFF086  }
0x25: {  	[simem:s6], [sflag:s4] =	dma.local [hbm:s3], $0xF7A  }
0x26: {  	[smem:$0x3F93] =	sst s1;
	(tag) =	ssettag s2;
	_ =	strace s9  }
0x27: {  	s1 =	sld [smem:$0x3FA3]  }
0x28: {  	s2 =	sld [smem:$0x3FA4]  }
0x29: {  	s4 =	sld [smem:$0x3FA6]  }
0x2a: {  	p0 =	seq.s32 s5, $0x0;
	s5 =	sld [smem:$0x3FA7]  }
0x2b: {  	s6 =	sld [smem:$0x3FA8]  }
0x2c: {  	s7 =	sld [smem:$0x3FA9]  }
0x2d: {  	s3 =	simm.s32 $0x108;
	s8 =	sld [smem:$0x3FAA]  }
0x2e: {  	s3 =	simm.s32 @!p0 $0x1082;
	s9 =	sld [smem:$0x3FAB]  }
0x2f: {  	lr =	sadd.s32 s0, s3;
	s0 =	sld [smem:$0x3FA2]  }
0x30: {  	s3 =	sld [smem:$0x3FA5]  }
0x31: {  	[smem:$0x3FAE] =	sst s10  }
0x32: {  	s10 =	sld [smem:$0x3FAC];
	_ =	sdelay $0x3  }
0x33: {  	p0 =	seq.s32 s10, $0x1;
	s10 =	sld [smem:$0x3FAE];
	_ =	sdelay $0x3  }
0x34: {  	[smem:$0x3FAE] =	sst s10  }
0x35: {  	s10 =	sld [smem:$0x3FAD];
	_ =	sdelay $0x3  }
0x36: {  	p1 =	seq.s32 s10, $0x1;
	s10 =	sld [smem:$0x3FAE];
	_ =	sdelay $0x3  }
0x37: {  	[smem:$0x3FAE] =	sst s10  }
0x38: {  	s10 =	sld [smem:$0x3FAF]  }
0x39: {  	_ = 	snop;
	(pc) =	sbr.ind lr, $3  }
0x3a: {  	_ = 	snop  }
0x3b: {  	_ = 	snop  }
0x3c: {  	p2 =	seq.s32 s10, $0x1;
	s10 =	sld [smem:$0x3FAE]  }
0x3d: {  	_ =	shalt  }
0x3e: {  	_ =	shalt  }
0x3f: {  	_ =	shalt  }
0x40: {  	_ =	shalt  }
0x41: {  	_ =	shalt  }
0x42: {  	_ =	shalt  }
0x43: {  	_ =	shalt  }
0x44: {  	_ =	shalt  }
0x45: {  	_ =	shalt  }
0x46: {  	_ =	shalt  }
0x47: {  	_ =	shalt  }
0x48: {  	_ =	shalt  }
0x49: {  	_ =	shalt  }
0x4a: {  	_ =	shalt  }
0x4b: {  	_ =	shalt  }
0x4c: {  	_ =	shalt  }
0x4d: {  	_ =	shalt  }
0x4e: {  	_ =	shalt  }
0x4f: {  	_ =	shalt  }
0x50: {  	_ =	shalt  }
0x51: {  	_ =	shalt  }
0x52: {  	_ =	shalt  }
0x53: {  	_ =	shalt  }
0x54: {  	_ =	shalt  }
0x55: {  	_ =	shalt  }
0x56: {  	_ =	shalt  }
0x57: {  	_ =	shalt  }
0x58: {  	_ =	shalt  }
0x59: {  	_ =	shalt  }
0x5a: {  	_ =	shalt  }
0x5b: {  	_ =	shalt  }
0x5c: {  	_ =	shalt  }
0x5d: {  	_ =	shalt  }
0x5e: {  	_ =	shalt  }
0x5f: {  	_ =	shalt  }
0x60: {  	_ =	shalt  }
0x61: {  	_ =	shalt  }
0x62: {  	_ =	shalt  }
0x63: {  	_ =	shalt  }
0x64: {  	_ =	shalt  }
0x65: {  	_ =	shalt  }
0x66: {  	_ =	shalt  }
0x67: {  	_ =	shalt  }
0x68: {  	_ =	shalt  }
0x69: {  	_ =	shalt  }
0x6a: {  	_ =	shalt  }
0x6b: {  	_ =	shalt  }
0x6c: {  	_ =	shalt  }
0x6d: {  	_ =	shalt  }
0x6e: {  	_ =	shalt  }
0x6f: {  	_ =	shalt  }
0x70: {  	_ =	shalt  }
0x71: {  	_ =	shalt  }
0x72: {  	_ =	shalt  }
0x73: {  	_ =	shalt  }
0x74: {  	_ =	shalt  }
0x75: {  	_ =	shalt  }
0x76: {  	_ =	shalt  }
0x77: {  	_ =	shalt  }
0x78: {  	_ =	shalt  }
0x79: {  	_ =	shalt  }
0x7a: {  	_ =	shalt  }
0x7b: {  	_ =	shalt  }
0x7c: {  	_ =	shalt  }
0x7d: {  	_ =	shalt  }
0x7e: {  	_ =	shalt  }
0x7f: {  	_ =	shalt  }
0x80: {  	_ =	shalt  }
0x81: {  	_ =	shalt  }
0x82: {  	_ =	shalt  }
0x83: {  	_ =	shalt  }
0x84: {  	_ =	shalt  }
0x85: {  	_ =	shalt  }
0x86: {  	_ =	shalt  }
0x87: {  	_ =	shalt  }
.Lfunc_end0:
.L_simem_size_0:
called_computation_lowered:
.L_overlay_start_0:
0x88: {  	s2 =	sld [smem:$0x3FD9]  }
0x89: {  	s3 =	sld [smem:$0x3FFE];
	_ =	sdelay $0x1  }
0x8a: {  	s1 =	srdreg.scid  }
0x8b: {  	s0 =	sand.u32 $0x1, s1  }
0x8c: {  	s14 =	sshll.u32 s0, $0xA;
	s2 =	sadd.s32 s3, s2  }
0x8d: {  	s2 =	sadd.s32 s2, s14  }
0x8e: {  	[smem:$0x3FBA] =	sst s2  }
0x8f: {  	_ = 	snop  }
0x90: {  	s2 =	sld [smem:$0x3FD0];
	_ =	sdelay $0x2  }
0x91: {  	s15 =	simm.s32 $0xA;
	s4 =	simm.s32 $0x10  }
0x92: {  	[smem:s4], [sflag:s15] =	dma.local [hbm:s2], $0x1  }
0x93: {  	_ =	swait.eq [sflag:s15], $0x1  }
0x94: {  	[sflag:s15] =	ssyncset.done $0x0  }
0x95: {  	s16 =	sld [smem:$0x10];
	[sflag:s15] =	ssyncadd.s32 $0xFFFFFFFF  }
0x96: {  	s17 =	sld [smem:$0x11];
	(tm) =	ssettm $0x1  }
0x97: {  	s18 =	sld [smem:$0x3FFB];
	_ =	sdelay $0x3  }
0x98: {  	_ =	strace s18  }
0x99: {  	s4 =	sld [smem:$0x3FFC];
	_ =	sdelay $0x3  }
0x9a: {  	_ =	strace s4  }
0x9b: {  	s4 =	sld [smem:$0x3FFD];
	_ =	sdelay $0x3  }
0x9c: {  	_ =	strace s4  }
0x9d: {  	_ =	strace $0x8FFFFFFF  }
0x9e: {  	s19 =	sld [smem:$0x3FDB];
	_ =	sdelay $0x1  }
0x9f: {  	s5 =	simm.s32 $_scs_section_size  }
0xa0: {  	s6 =	simm.s32 $_size__tile_overlayer_lowered;
	s7 =	simm.s32 $_tile_overlayer_lowered  }
0xa1: {  	s22 =	simm.s32 $0x1BFF;
	s21 =	sshll.u32 s7, $0x1;
	s4 =	sadd.s32 s5, s19  }
0xa2: {  	s8 =	simm.s32 $0x0;
	s20 =	sshll.u32 s6, $0x1;
	s6 =	sadd.s32 s21, s4  }
0xa3: {  	[timem:s8], [sflag:s22] =	dma.local [hbm:s6], s20  }
0xa4: {  	_ =	swait.ge [sflag:s22], s20  }
0xa5: {  	s5 =	ssub.s32 $0x0, s20;
	[sflag:s22] =	ssyncset.done $0x0  }
0xa6: {  	[sflag:s22] =	ssyncadd.s32 s5;
	_ =	sdelay $0x1  }
0xa7: {  	s23 =	simm.s32 $0x1B8B  }
0xa8: {  	_ =	swait.ge [sflag:s23], $0x1  }
0xa9: {  	[sflag:s23] =	ssyncset.done $0x0  }
0xaa: {  	s25 =	simm.s32 $0x1B8E;
	s24 =	sld [smem:$0x3FFE];
	[sflag:s23] =	ssyncadd.s32 $0xFFFFFFFF  }
0xab: {  	s26 =	simm.s32 $execute0_lowered;
	[smem:$0x3FD2] =	sst s25  }
0xac: {  	s6 =	sshll.u32 s26, $0x1;
	_ =	strace $0x80000046;
	[dreg:$0x1] =	wrdreg $0xFFFFFFFF  }
0xad: {  	s28 =	simm.s32 $_size_execute0_lowered;
	s4 =	sadd.s32 s4, s6;
	[dreg:$0x0] =	wrdreg $0x0  }
0xae: {  	s6 =	sshll.u32 s28, $0x1;
	[dreg:$0x2] =	wrdreg s4  }
0xaf: {  	[dreg:$0x3] =	wrdreg s6  }
0xb0: {  	[dreg:$0x4] =	wrdreg $0xC0  }
0xb1: {  	_ =	task [dreg:s8], $0x5FFFF  }
0xb2: {  	[dreg:$0x1] =	wrdreg $0xFFFFFFFF  }
0xb3: {  	[dreg:$0x0] =	wrdreg $0x60  }
0xb4: {  	[dreg:$0x2] =	wrdreg s24  }
0xb5: {  	[dreg:$0x3] =	wrdreg s17  }
0xb6: {  	[dreg:$0x4] =	wrdreg s16  }
0xb7: {  	[dreg:$0x5] =	wrdreg $0x34000  }
0xb8: {  	[dreg:$0x6] =	wrdreg $0x48800  }
0xb9: {  	[dreg:$0x7] =	wrdreg $0x5D000  }
0xba: {  	[dreg:$0x8] =	wrdreg $0x71800  }
0xbb: {  	[dreg:$0x9] =	wrdreg $0x86000  }
0xbc: {  	[dreg:$0xa] =	wrdreg $0x9  }
0xbd: {  	_ =	task.clear_ibuf [dreg:s8], $0xBFFFF;
	_ =	strace $0x90000046  }
0xbe: {  	s29 =	simm.s32 $0x9;
	_ =	strace $0x80000048  }
0xbf: {  	_ =	swait.ge [sflag:s29], $0x1  }
0xc0: {  	[sflag:s29] =	ssyncadd.s32 $0xFFFFFFFF  }
0xc1: {  	_ =	strace $0x90000048  }
0xc2: {  	_ =	sfence  }
0xc3: {  	s30 =	sld [smem:$0x0];
	_ =	sdelay $0x2  }
0xc4: {  	s31 =	sshll.u32 s1, $0xD;
	s1 =	sshrl.u32 s1, $0x2  }
0xc5: {  	s3 =	sand.u32 $0x4000, s31;
	s1 =	sadd.s32 s1, s30  }
0xc6: {  	s0 =	sor.u32 s3, s0;
	s1 =	sshll.u32 s1, $0x11  }
0xc7: {  	s0 =	sor.u32 s1, s0  }
0xc8: {  	s0 =	sadd.s32 $0x8F2B, s0  }
0xc9: {  	[sflag:s0] =	ssyncadd.remote.s32 $0x1  }
0xca: {  	_ =	sfence.sel $0xFFFF  }
0xcb: {  	[dreg:$0x0] =	wrdreg $0xFFFFFFFF;
	(pc) =	sbr.abs _section_cstart, $3  }
0xcc: {  	[dreg:$0x1] =	wrdreg $0xFFFFFFFF  }
0xcd: {  	_ =	task.clear_ibuf [dreg:s8], $0x2FFFF;
	_ =	strace $0x9FFFFFFF  }
0xce: {  	(tm) =	ssettm $0x7FFFFFFF  }
0xcf: {  	_ =	shalt  }
tec
execute0_lowered:
.L_overlay_start_1:
0x0: {  	(tag) =	ssettag $0x1  }
0x1: {  	s1 =	rddreg [dreg:$0x0]  }
0x2: {  	s0 =	rddreg [dreg:$0x1]  }
0x3: {  	s2 =	rddreg [dreg:$0x2]  }
0x4: {  	s3 =	rddreg [dreg:$0x3]  }
0x5: {  	s4 =	rddreg [dreg:$0x4]  }
0x6: {  	s5 =	rddreg [dreg:$0x5]  }
0x7: {  	s6 =	rddreg [dreg:$0x6]  }
0x8: {  	s8 =	rddreg [dreg:$0x7];
	s9 =	simm.s32 $0x0;
	s19 =	stileid.u32  }
0x9: {  	s7 =	srdreg.scid;
	s31 =	simm.s32 $0x8;
	s30 =	simm.s32 $0x580  }
0xa: {  	s29 =	simm.s32 $0x5;
	[smem:$0x7FF] =	sst s9;
	s10 =	smul.u32 $0x1480, s19  }
0xb: {  	s7 =	sand.u32 $0x1, s7;
	s11 =	sadd.s32 $0x36200, s1;
	s23 =	sadd.s32 $0xD200, s1  }
0xc: {  	s12 =	sadd.s32 $0xA800, s1;
	s13 =	sadd.s32 $0x7E00, s1;
	s14 =	sadd.s32 $0x5400, s1  }
0xd: {  	s15 =	sadd.s32 $0x2A00, s1;
	_ =	strace $0x80000047;
	[dreg:$0x9] =	wrdreg s11  }
0xe: {  	s18 =	sshll.u32 s19, $0x1;
	s26 =	sshll.u32 s19, $0x6;
	[dreg:$0xa] =	wrdreg s23  }
0xf: {  	s24 =	smul.u32 $0x66800, s7;
	s17 =	ssub.s32 $0x2, s7;
	s7 =	sor.u32 s7, s18  }
0x10: {  	s20 =	sor.u32 $0x1C08, s26;
	s18 =	simm.s32 $0x700;
	s16 =	sshrl.u32 s10, $0x3  }
0x11: {  	s25 =	sshrl.u32 s17, $0x1;
	s28 =	sadd.s32 s10, s3;
	[dreg:$0xd] =	wrdreg s20  }
0x12: {  	s19 =	sadd.s32 s10, s4;
	s21 =	sadd.s32 s10, s5;
	[dreg:$0xb] =	wrdreg s28  }
0x13: {  	s22 =	sadd.s32 s10, s6;
	s7 =	smul.u32 $0x29, s7;
	[dreg:$0xe] =	wrdreg s19  }
0x14: {  	s11 =	sadd.s32 s10, s24;
	s16 =	sadd.s32 s16, s1;
	[dreg:$0xf] =	wrdreg s21  }
0x15: {  	[dreg:$0x10] =	wrdreg s22;
	s10 =	sadd.s32 s10, s8;
	s19 =	simm.s32 $0x680  }
0x16: {  	s21 =	simm.s32 $0x780;
	s11 =	sshrl.u32 s11, $0x3;
	[dreg:$0x11] =	wrdreg s10  }
0x17: {  	s16 =	sadd.s32 $0x5F200, s16;
	[dreg:$0x12] =	wrdreg s7;
	s1 =	sadd.s32 s11, s1  }
0x18: {  	s22 =	simm.s32 $0x0;
	[dreg:$0xc] =	wrdreg s16;
	s23 =	sadd.s32 $0x61C00, s1  }
0x19: {  	s7 =	simm.s32 $0x80;
	s24 =	sadd.s32 $0x64500, s1;
	[dreg:$0x13] =	wrdreg s23  }
0x1a: {  	s11 =	ssub.s32 s17, s25;
	s25 =	sadd.s32 $0x66E00, s1;
	[dreg:$0x14] =	wrdreg s24  }
0x1b: {  	s10 =	simm.s32 $0x1;
	s26 =	sadd.s32 $0x69700, s1;
	[dreg:$0x15] =	wrdreg s25  }
0x1c: {  	s16 =	simm.s32 $0x4;
	s1 =	sadd.s32 $0x6C000, s1;
	[dreg:$0x16] =	wrdreg s26  }
0x1d: {  	s28 =	smax.u32 s11, $0x1;
	s11 =	simm.s32 $0x2;
	[dreg:$0x17] =	wrdreg s1  }
0x1e: {  	[dreg:$0x18] =	wrdreg s28;
	s1 =	simm.s32 $0x400;
	s24 =	simm.s32 $0x480  }
0x1f: {  	s26 =	simm.s32 $0x500;
	s23 =	simm.s32 $0x3;
	s25 =	simm.s32 $0x6  }
.LBB2_1:
0x20: {  	[dreg:$0x19] =	wrdreg s22  }
0x21: {  	s17 =	rddreg [dreg:$0xb]  }
0x22: {  	s22 =	sshrl.u32 s17, $0x3;
	s17 =	rddreg [dreg:$0xc]  }
0x23: {  	[dreg:$0x1a] =	wrdreg s22  }
0x24: {  	[spmem:s22], [sflag:s20] =	dma.local [hbm:s17], $0x290  }
0x25: {  	_ =	swait.ge [sflag:s31], $0x290  }
0x26: {  	s22 =	rddreg [dreg:$0xe]  }
0x27: {  	[sflag:s31] =	ssyncset.done $0x0;
	s22 =	sshrl.u32 s22, $0x3  }
0x28: {  	[sflag:s31] =	ssyncadd.s32 $0xFFFFFD70;
	[dreg:$0x1b] =	wrdreg s22  }
0x29: {  	[spmem:s22], [sflag:s20] =	dma.local [hbm:s17], $0x290  }
0x2a: {  	_ =	swait.ge [sflag:s31], $0x290  }
0x2b: {  	s22 =	rddreg [dreg:$0xf]  }
0x2c: {  	[sflag:s31] =	ssyncset.done $0x0;
	s22 =	sshrl.u32 s22, $0x3  }
0x2d: {  	[sflag:s31] =	ssyncadd.s32 $0xFFFFFD70;
	[dreg:$0x1c] =	wrdreg s22  }
0x2e: {  	[spmem:s22], [sflag:s20] =	dma.local [hbm:s17], $0x290  }
0x2f: {  	_ =	swait.ge [sflag:s31], $0x290  }
0x30: {  	s22 =	rddreg [dreg:$0x10]  }
0x31: {  	[sflag:s31] =	ssyncset.done $0x0;
	s22 =	sshrl.u32 s22, $0x3  }
0x32: {  	[sflag:s31] =	ssyncadd.s32 $0xFFFFFD70;
	[dreg:$0x1d] =	wrdreg s22  }
0x33: {  	[spmem:s22], [sflag:s20] =	dma.local [hbm:s17], $0x290  }
0x34: {  	_ =	swait.ge [sflag:s31], $0x290  }
0x35: {  	s22 =	rddreg [dreg:$0x11]  }
0x36: {  	[sflag:s31] =	ssyncset.done $0x0;
	s28 =	sshrl.u32 s22, $0x3  }
0x37: {  	[sflag:s31] =	ssyncadd.s32 $0xFFFFFD70;
	[dreg:$0x1e] =	wrdreg s28  }
0x38: {  	[spmem:s28], [sflag:s20] =	dma.local [hbm:s17], $0x290  }
0x39: {  	_ =	swait.ge [sflag:s31], $0x290  }
0x3a: {  	[sflag:s31] =	ssyncset.done $0x0  }
0x3b: {  	[sflag:s31] =	ssyncadd.s32 $0xFFFFFD70  }
0x3c: {  	s22 =	simm.s32 $0x600;
	s28 =	simm.s32 $0x0;
	[bflag:$0x0] =	sbarrier.arrive $0xFFFF  }
.LBB2_2:
0x3d: {  	s17 =	rddreg [dreg:$0x12]  }
0x3e: {  	s17 =	sadd.s32 s17, s28  }
0x3f: {  	s20 =	rddreg [dreg:$0x9];
	s17 =	sshll.u32 s17, $0x7  }
0x40: {  	s20 =	sadd.s32 s20, s17  }
0x41: {  	[tilespmem:s9], [sflag:$0x8] =	stream.linear.gather [hbm4b:s20+s9], $0x400, $0x38;
	[tilespmem:$0x9A80] =	vst v63  }
0x42: {  	_ =	swait.ge [sflag:s31], $0x400  }
0x43: {  	[sflag:s31] =	ssyncset.done $0x0;
	s20 =	rddreg [dreg:$0xa]  }
0x44: {  	[sflag:s31] =	ssyncadd.s32 $0xFFFFFC00;
	s17 =	sadd.s32 s20, s17  }
0x45: {  	[tilespmem:s1], [sflag:$0x8] =	stream.linear.gather [hbm4b:s17+s9], $0x400, $0x38;
	[tilespmem:$0x9A80] =	vst v63  }
0x46: {  	_ =	swait.ge [sflag:s31], $0x400  }
0x47: {  	[sflag:s31] =	ssyncset.done $0x0  }
0x48: {  	s20 =	simm.s32 $0x800;
	[sflag:s31] =	ssyncadd.s32 $0xFFFFFC00  }
0x49: {  	[tilespmem:s20], [sflag:$0x1] =	stream.indirect.gather [hbm4b:s0+s7], $0x1, s9, s7, $0xb8;
	[tilespmem:$0x9A80] =	vst v63  }
0x4a: {  	s20 =	simm.s32 $0xC00  }
0x4b: {  	[tilespmem:s20], [sflag:$0x2] =	stream.indirect.gather [hbm4b:s2+s7], $0x1, s1, s7, $0xb8;
	[tilespmem:$0x9A80] =	vst v63  }
0x4c: {  	s20 =	simm.s32 $0x1000  }
0x4d: {  	[tilespmem:s20], [sflag:$0x3] =	stream.indirect.gather [hbm4b:s12+s7], $0x1, s9, s7, $0xb8;
	[tilespmem:$0x9A80] =	vst v63  }
0x4e: {  	s20 =	simm.s32 $0x1400  }
0x4f: {  	[tilespmem:s20], [sflag:$0x4] =	stream.indirect.gather [hbm4b:s13+s7], $0x1, s9, s7, $0xb8;
	[tilespmem:$0x9A80] =	vst v63  }
0x50: {  	s20 =	simm.s32 $0x1800  }
0x51: {  	[tilespmem:s20], [sflag:$0x5] =	stream.indirect.gather [hbm4b:s14+s7], $0x1, s9, s7, $0xb8;
	[tilespmem:$0x9A80] =	vst v63  }
0x52: {  	s20 =	simm.s32 $0x1C00  }
0x53: {  	[tilespmem:s20], [sflag:$0x6] =	stream.indirect.gather [hbm4b:s15+s7], $0x1, s9, s7, $0xb8;
	[tilespmem:$0x9A80] =	vst v63  }
0x54: {  	s20 =	simm.s32 $0x880  }
0x55: {  	[tilespmem:s20], [sflag:$0x1] =	stream.indirect.gather [hbm4b:s0+s7], $0x1, s7, s7, $0xb8;
	[tilespmem:$0x9A80] =	vst v63  }
0x56: {  	s20 =	simm.s32 $0xC80  }
0x57: {  	[tilespmem:s20], [sflag:$0x2] =	stream.indirect.gather [hbm4b:s2+s7], $0x1, s24, s7, $0xb8;
	[tilespmem:$0x9A80] =	vst v63  }
0x58: {  	s24 =	simm.s32 $0x1080  }
0x59: {  	[tilespmem:s24], [sflag:$0x3] =	stream.indirect.gather [hbm4b:s12+s7], $0x1, s7, s7, $0xb8;
	[tilespmem:$0x9A80] =	vst v63  }
0x5a: {  	s20 =	simm.s32 $0x1480  }
0x5b: {  	[tilespmem:s20], [sflag:$0x4] =	stream.indirect.gather [hbm4b:s13+s7], $0x1, s7, s7, $0xb8;
	[tilespmem:$0x9A80] =	vst v63  }
0x5c: {  	s24 =	simm.s32 $0x1880  }
0x5d: {  	[tilespmem:s24], [sflag:$0x5] =	stream.indirect.gather [hbm4b:s14+s7], $0x1, s7, s7, $0xb8;
	[tilespmem:$0x9A80] =	vst v63  }
0x5e: {  	s20 =	simm.s32 $0x1C80  }
0x5f: {  	[tilespmem:s20], [sflag:$0x6] =	stream.indirect.gather [hbm4b:s15+s7], $0x1, s7, s7, $0xb8;
	[tilespmem:$0x9A80] =	vst v63  }
0x60: {  	s17 =	simm.s32 $0x100;
	s24 =	simm.s32 $0x900  }
0x61: {  	[tilespmem:s24], [sflag:$0x1] =	stream.indirect.gather [hbm4b:s0+s7], $0x1, s17, s7, $0xb8;
	[tilespmem:$0x9A80] =	vst v63  }
0x62: {  	s24 =	simm.s32 $0xD00  }
0x63: {  	[tilespmem:s24], [sflag:$0x2] =	stream.indirect.gather [hbm4b:s2+s7], $0x1, s26, s7, $0xb8;
	[tilespmem:$0x9A80] =	vst v63  }
0x64: {  	s26 =	simm.s32 $0x1100  }
0x65: {  	[tilespmem:s26], [sflag:$0x3] =	stream.indirect.gather [hbm4b:s12+s7], $0x1, s17, s7, $0xb8;
	[tilespmem:$0x9A80] =	vst v63  }
0x66: {  	s24 =	simm.s32 $0x1500  }
0x67: {  	[tilespmem:s24], [sflag:$0x4] =	stream.indirect.gather [hbm4b:s13+s7], $0x1, s17, s7, $0xb8;
	[tilespmem:$0x9A80] =	vst v63  }
0x68: {  	s26 =	simm.s32 $0x1900  }
0x69: {  	[tilespmem:s26], [sflag:$0x5] =	stream.indirect.gather [hbm4b:s14+s7], $0x1, s17, s7, $0xb8;
	[tilespmem:$0x9A80] =	vst v63  }
0x6a: {  	s24 =	simm.s32 $0x1D00  }
0x6b: {  	[tilespmem:s24], [sflag:$0x6] =	stream.indirect.gather [hbm4b:s15+s7], $0x1, s17, s7, $0xb8;
	[tilespmem:$0x9A80] =	vst v63  }
0x6c: {  	s26 =	simm.s32 $0x980;
	s17 =	simm.s32 $0x180  }
0x6d: {  	[tilespmem:s26], [sflag:$0x1] =	stream.indirect.gather [hbm4b:s0+s7], $0x1, s17, s7, $0xb8;
	[tilespmem:$0x9A80] =	vst v63  }
0x6e: {  	s24 =	simm.s32 $0xD80  }
0x6f: {  	[tilespmem:s24], [sflag:$0x2] =	stream.indirect.gather [hbm4b:s2+s7], $0x1, s30, s7, $0xb8;
	[tilespmem:$0x9A80] =	vst v63  }
0x70: {  	s26 =	simm.s32 $0x1180  }
0x71: {  	[tilespmem:s26], [sflag:$0x3] =	stream.indirect.gather [hbm4b:s12+s7], $0x1, s17, s7, $0xb8;
	[tilespmem:$0x9A80] =	vst v63  }
0x72: {  	s30 =	simm.s32 $0x1580  }
0x73: {  	[tilespmem:s30], [sflag:$0x4] =	stream.indirect.gather [hbm4b:s13+s7], $0x1, s17, s7, $0xb8;
	[tilespmem:$0x9A80] =	vst v63  }
0x74: {  	s24 =	simm.s32 $0x1980  }
0x75: {  	[tilespmem:s24], [sflag:$0x5] =	stream.indirect.gather [hbm4b:s14+s7], $0x1, s17, s7, $0xb8;
	[tilespmem:$0x9A80] =	vst v63  }
0x76: {  	s26 =	simm.s32 $0x1D80  }
0x77: {  	[tilespmem:s26], [sflag:$0x6] =	stream.indirect.gather [hbm4b:s15+s7], $0x1, s17, s7, $0xb8;
	[tilespmem:$0x9A80] =	vst v63  }
0x78: {  	s30 =	simm.s32 $0xA00;
	s17 =	simm.s32 $0x200  }
0x79: {  	[tilespmem:s30], [sflag:$0x1] =	stream.indirect.gather [hbm4b:s0+s7], $0x1, s17, s7, $0xb8;
	[tilespmem:$0x9A80] =	vst v63  }
0x7a: {  	s24 =	simm.s32 $0xE00  }
0x7b: {  	[tilespmem:s24], [sflag:$0x2] =	stream.indirect.gather [hbm4b:s2+s7], $0x1, s22, s7, $0xb8;
	[tilespmem:$0x9A80] =	vst v63  }
0x7c: {  	s26 =	simm.s32 $0x1200  }
0x7d: {  	[tilespmem:s26], [sflag:$0x3] =	stream.indirect.gather [hbm4b:s12+s7], $0x1, s17, s7, $0xb8;
	[tilespmem:$0x9A80] =	vst v63  }
0x7e: {  	s30 =	simm.s32 $0x1600  }
0x7f: {  	[tilespmem:s30], [sflag:$0x4] =	stream.indirect.gather [hbm4b:s13+s7], $0x1, s17, s7, $0xb8;
	[tilespmem:$0x9A80] =	vst v63  }
0x80: {  	s22 =	simm.s32 $0x1A00  }
0x81: {  	[tilespmem:s22], [sflag:$0x5] =	stream.indirect.gather [hbm4b:s14+s7], $0x1, s17, s7, $0xb8;
	[tilespmem:$0x9A80] =	vst v63  }
0x82: {  	s24 =	simm.s32 $0x1E00  }
0x83: {  	[tilespmem:s24], [sflag:$0x6] =	stream.indirect.gather [hbm4b:s15+s7], $0x1, s17, s7, $0xb8;
	[tilespmem:$0x9A80] =	vst v63  }
0x84: {  	s26 =	simm.s32 $0xA80;
	s17 =	simm.s32 $0x280  }
0x85: {  	[tilespmem:s26], [sflag:$0x1] =	stream.indirect.gather [hbm4b:s0+s7], $0x1, s17, s7, $0xb8;
	[tilespmem:$0x9A80] =	vst v63  }
0x86: {  	s30 =	simm.s32 $0xE80  }
0x87: {  	[tilespmem:s30], [sflag:$0x2] =	stream.indirect.gather [hbm4b:s2+s7], $0x1, s19, s7, $0xb8;
	[tilespmem:$0x9A80] =	vst v63  }
0x88: {  	s22 =	simm.s32 $0x1280  }
0x89: {  	[tilespmem:s22], [sflag:$0x3] =	stream.indirect.gather [hbm4b:s12+s7], $0x1, s17, s7, $0xb8;
	[tilespmem:$0x9A80] =	vst v63  }
0x8a: {  	s24 =	simm.s32 $0x1680  }
0x8b: {  	[tilespmem:s24], [sflag:$0x4] =	stream.indirect.gather [hbm4b:s13+s7], $0x1, s17, s7, $0xb8;
	[tilespmem:$0x9A80] =	vst v63  }
0x8c: {  	s26 =	simm.s32 $0x1A80  }
0x8d: {  	[tilespmem:s26], [sflag:$0x5] =	stream.indirect.gather [hbm4b:s14+s7], $0x1, s17, s7, $0xb8;
	[tilespmem:$0x9A80] =	vst v63  }
0x8e: {  	s30 =	simm.s32 $0x1E80  }
0x8f: {  	[tilespmem:s30], [sflag:$0x6] =	stream.indirect.gather [hbm4b:s15+s7], $0x1, s17, s7, $0xb8;
	[tilespmem:$0x9A80] =	vst v63  }
0x90: {  	s22 =	simm.s32 $0xB00;
	s17 =	simm.s32 $0x300  }
0x91: {  	[tilespmem:s22], [sflag:$0x1] =	stream.indirect.gather [hbm4b:s0+s7], $0x1, s17, s7, $0xb8;
	[tilespmem:$0x9A80] =	vst v63  }
0x92: {  	s24 =	simm.s32 $0xF00  }
0x93: {  	[tilespmem:s24], [sflag:$0x2] =	stream.indirect.gather [hbm4b:s2+s7], $0x1, s18, s7, $0xb8;
	[tilespmem:$0x9A80] =	vst v63  }
0x94: {  	s26 =	simm.s32 $0x1300  }
0x95: {  	[tilespmem:s26], [sflag:$0x3] =	stream.indirect.gather [hbm4b:s12+s7], $0x1, s17, s7, $0xb8;
	[tilespmem:$0x9A80] =	vst v63  }
0x96: {  	s30 =	simm.s32 $0x1700  }
0x97: {  	[tilespmem:s30], [sflag:$0x4] =	stream.indirect.gather [hbm4b:s13+s7], $0x1, s17, s7, $0xb8;
	[tilespmem:$0x9A80] =	vst v63  }
0x98: {  	s22 =	simm.s32 $0x1B00  }
0x99: {  	[tilespmem:s22], [sflag:$0x5] =	stream.indirect.gather [hbm4b:s14+s7], $0x1, s17, s7, $0xb8;
	[tilespmem:$0x9A80] =	vst v63  }
0x9a: {  	s24 =	simm.s32 $0x1F00  }
0x9b: {  	[tilespmem:s24], [sflag:$0x6] =	stream.indirect.gather [hbm4b:s15+s7], $0x1, s17, s7, $0xb8;
	[tilespmem:$0x9A80] =	vst v63  }
0x9c: {  	s26 =	simm.s32 $0xB80;
	s17 =	simm.s32 $0x380  }
0x9d: {  	[tilespmem:s26], [sflag:$0x1] =	stream.indirect.gather [hbm4b:s0+s7], $0x1, s17, s7, $0xb8;
	[tilespmem:$0x9A80] =	vst v63  }
0x9e: {  	s30 =	simm.s32 $0xF80  }
0x9f: {  	[tilespmem:s30], [sflag:$0x2] =	stream.indirect.gather [hbm4b:s2+s7], $0x1, s21, s7, $0xb8;
	[tilespmem:$0x9A80] =	vst v63  }
0xa0: {  	s22 =	simm.s32 $0x1380  }
0xa1: {  	[tilespmem:s22], [sflag:$0x3] =	stream.indirect.gather [hbm4b:s12+s7], $0x1, s17, s7, $0xb8;
	[tilespmem:$0x9A80] =	vst v63  }
0xa2: {  	s24 =	simm.s32 $0x1780  }
0xa3: {  	[tilespmem:s24], [sflag:$0x4] =	stream.indirect.gather [hbm4b:s13+s7], $0x1, s17, s7, $0xb8;
	[tilespmem:$0x9A80] =	vst v63  }
0xa4: {  	s26 =	simm.s32 $0x1B80  }
0xa5: {  	[tilespmem:s26], [sflag:$0x5] =	stream.indirect.gather [hbm4b:s14+s7], $0x1, s17, s7, $0xb8;
	[tilespmem:$0x9A80] =	vst v63  }
0xa6: {  	p0 =	seq.s32 s28, $0x0;
	s30 =	simm.s32 $0x1F80  }
0xa7: {  	[tilespmem:s30], [sflag:$0x6] =	stream.indirect.gather [hbm4b:s15+s7], $0x1, s17, s7, $0xb8;
	[tilespmem:$0x9A80] =	vst v63  }
0xa8: {  	s17 =	simm.s32 @!p0 $0x7  }
0xa9: {  	_ =	swait.ge @!p0 [sflag:s17], $0x1400  }
0xaa: {  	[sflag:s17] =	ssyncset.done @!p0 $0x0  }
0xab: {  	[sflag:s17] =	ssyncadd.s32 @!p0 $0xFFFFEC00  }
0xac: {  	_ =	swait.ge [sflag:s10], $0x80  }
0xad: {  	[sflag:s10] =	ssyncset.done $0x0  }
0xae: {  	[sflag:s10] =	ssyncadd.s32 $0xFFFFFF80  }
0xaf: {  	_ =	swait.ge [sflag:s11], $0x80  }
0xb0: {  	[sflag:s11] =	ssyncset.done $0x0  }
0xb1: {  	[sflag:s11] =	ssyncadd.s32 $0xFFFFFF80  }
0xb2: {  	_ =	swait.ge [sflag:s23], $0x80  }
0xb3: {  	[sflag:s23] =	ssyncset.done $0x0  }
0xb4: {  	[sflag:s23] =	ssyncadd.s32 $0xFFFFFF80  }
0xb5: {  	_ =	swait.ge [sflag:s16], $0x80  }
0xb6: {  	[sflag:s16] =	ssyncset.done $0x0  }
0xb7: {  	[sflag:s16] =	ssyncadd.s32 $0xFFFFFF80  }
0xb8: {  	_ =	swait.ge [sflag:s29], $0x80  }
0xb9: {  	[sflag:s29] =	ssyncset.done $0x0  }
0xba: {  	[sflag:s29] =	ssyncadd.s32 $0xFFFFFF80  }
0xbb: {  	_ =	swait.ge [sflag:s25], $0x80  }
0xbc: {  	[sflag:s25] =	ssyncset.done $0x0  }
0xbd: {  	[sflag:s25] =	ssyncadd.s32 $0xFFFFFF80  }
0xbe: {  	_ =	swait.ge [sflag:s10], $0x80  }
0xbf: {  	[sflag:s10] =	ssyncset.done $0x0  }
0xc0: {  	[sflag:s10] =	ssyncadd.s32 $0xFFFFFF80  }
0xc1: {  	_ =	swait.ge [sflag:s11], $0x80  }
0xc2: {  	[sflag:s11] =	ssyncset.done $0x0  }
0xc3: {  	[sflag:s11] =	ssyncadd.s32 $0xFFFFFF80  }
0xc4: {  	_ =	swait.ge [sflag:s23], $0x80  }
0xc5: {  	[sflag:s23] =	ssyncset.done $0x0  }
0xc6: {  	[sflag:s23] =	ssyncadd.s32 $0xFFFFFF80  }
0xc7: {  	_ =	swait.ge [sflag:s16], $0x80  }
0xc8: {  	[sflag:s16] =	ssyncset.done $0x0  }
0xc9: {  	[sflag:s16] =	ssyncadd.s32 $0xFFFFFF80  }
0xca: {  	_ =	swait.ge [sflag:s29], $0x80  }
0xcb: {  	[sflag:s29] =	ssyncset.done $0x0  }
0xcc: {  	[sflag:s29] =	ssyncadd.s32 $0xFFFFFF80  }
0xcd: {  	_ =	swait.ge [sflag:s25], $0x80  }
0xce: {  	[sflag:s25] =	ssyncset.done $0x0  }
0xcf: {  	[sflag:s25] =	ssyncadd.s32 $0xFFFFFF80  }
0xd0: {  	_ =	swait.ge [sflag:s10], $0x80  }
0xd1: {  	[sflag:s10] =	ssyncset.done $0x0  }
0xd2: {  	[sflag:s10] =	ssyncadd.s32 $0xFFFFFF80  }
0xd3: {  	_ =	swait.ge [sflag:s11], $0x80  }
0xd4: {  	[sflag:s11] =	ssyncset.done $0x0  }
0xd5: {  	[sflag:s11] =	ssyncadd.s32 $0xFFFFFF80  }
0xd6: {  	_ =	swait.ge [sflag:s23], $0x80  }
0xd7: {  	[sflag:s23] =	ssyncset.done $0x0  }
0xd8: {  	[sflag:s23] =	ssyncadd.s32 $0xFFFFFF80  }
0xd9: {  	_ =	swait.ge [sflag:s16], $0x80  }
0xda: {  	[sflag:s16] =	ssyncset.done $0x0  }
0xdb: {  	[sflag:s16] =	ssyncadd.s32 $0xFFFFFF80  }
0xdc: {  	_ =	swait.ge [sflag:s29], $0x80  }
0xdd: {  	[sflag:s29] =	ssyncset.done $0x0  }
0xde: {  	[sflag:s29] =	ssyncadd.s32 $0xFFFFFF80  }
0xdf: {  	_ =	swait.ge [sflag:s25], $0x80  }
0xe0: {  	[sflag:s25] =	ssyncset.done $0x0  }
0xe1: {  	[sflag:s25] =	ssyncadd.s32 $0xFFFFFF80  }
0xe2: {  	_ =	swait.ge [sflag:s10], $0x80  }
0xe3: {  	[sflag:s10] =	ssyncset.done $0x0  }
0xe4: {  	[sflag:s10] =	ssyncadd.s32 $0xFFFFFF80  }
0xe5: {  	_ =	swait.ge [sflag:s11], $0x80  }
0xe6: {  	[sflag:s11] =	ssyncset.done $0x0  }
0xe7: {  	[sflag:s11] =	ssyncadd.s32 $0xFFFFFF80  }
0xe8: {  	_ =	swait.ge [sflag:s23], $0x80  }
0xe9: {  	[sflag:s23] =	ssyncset.done $0x0  }
0xea: {  	[sflag:s23] =	ssyncadd.s32 $0xFFFFFF80  }
0xeb: {  	_ =	swait.ge [sflag:s16], $0x80  }
0xec: {  	[sflag:s16] =	ssyncset.done $0x0  }
0xed: {  	[sflag:s16] =	ssyncadd.s32 $0xFFFFFF80  }
0xee: {  	_ =	swait.ge [sflag:s29], $0x80  }
0xef: {  	[sflag:s29] =	ssyncset.done $0x0  }
0xf0: {  	[sflag:s29] =	ssyncadd.s32 $0xFFFFFF80  }
0xf1: {  	_ =	swait.ge [sflag:s25], $0x80  }
0xf2: {  	[sflag:s25] =	ssyncset.done $0x0  }
0xf3: {  	[sflag:s25] =	ssyncadd.s32 $0xFFFFFF80  }
0xf4: {  	_ =	swait.ge [sflag:s10], $0x80  }
0xf5: {  	[sflag:s10] =	ssyncset.done $0x0  }
0xf6: {  	[sflag:s10] =	ssyncadd.s32 $0xFFFFFF80  }
0xf7: {  	_ =	swait.ge [sflag:s11], $0x80  }
0xf8: {  	[sflag:s11] =	ssyncset.done $0x0  }
0xf9: {  	[sflag:s11] =	ssyncadd.s32 $0xFFFFFF80  }
0xfa: {  	_ =	swait.ge [sflag:s23], $0x80  }
0xfb: {  	[sflag:s23] =	ssyncset.done $0x0  }
0xfc: {  	[sflag:s23] =	ssyncadd.s32 $0xFFFFFF80  }
0xfd: {  	_ =	swait.ge [sflag:s16], $0x80  }
0xfe: {  	[sflag:s16] =	ssyncset.done $0x0  }
0xff: {  	[sflag:s16] =	ssyncadd.s32 $0xFFFFFF80  }
0x100: {  	_ =	swait.ge [sflag:s29], $0x80  }
0x101: {  	[sflag:s29] =	ssyncset.done $0x0  }
0x102: {  	[sflag:s29] =	ssyncadd.s32 $0xFFFFFF80  }
0x103: {  	_ =	swait.ge [sflag:s25], $0x80  }
0x104: {  	[sflag:s25] =	ssyncset.done $0x0  }
0x105: {  	[sflag:s25] =	ssyncadd.s32 $0xFFFFFF80  }
0x106: {  	_ =	swait.ge [sflag:s10], $0x80  }
0x107: {  	[sflag:s10] =	ssyncset.done $0x0  }
0x108: {  	[sflag:s10] =	ssyncadd.s32 $0xFFFFFF80  }
0x109: {  	_ =	swait.ge [sflag:s11], $0x80  }
0x10a: {  	[sflag:s11] =	ssyncset.done $0x0  }
0x10b: {  	[sflag:s11] =	ssyncadd.s32 $0xFFFFFF80  }
0x10c: {  	_ =	swait.ge [sflag:s23], $0x80  }
0x10d: {  	[sflag:s23] =	ssyncset.done $0x0  }
0x10e: {  	[sflag:s23] =	ssyncadd.s32 $0xFFFFFF80  }
0x10f: {  	_ =	swait.ge [sflag:s16], $0x80  }
0x110: {  	[sflag:s16] =	ssyncset.done $0x0  }
0x111: {  	[sflag:s16] =	ssyncadd.s32 $0xFFFFFF80  }
0x112: {  	_ =	swait.ge [sflag:s29], $0x80  }
0x113: {  	[sflag:s29] =	ssyncset.done $0x0  }
0x114: {  	[sflag:s29] =	ssyncadd.s32 $0xFFFFFF80  }
0x115: {  	_ =	swait.ge [sflag:s25], $0x80  }
0x116: {  	[sflag:s25] =	ssyncset.done $0x0  }
0x117: {  	[sflag:s25] =	ssyncadd.s32 $0xFFFFFF80  }
0x118: {  	_ =	swait.ge [sflag:s10], $0x80  }
0x119: {  	[sflag:s10] =	ssyncset.done $0x0  }
0x11a: {  	[sflag:s10] =	ssyncadd.s32 $0xFFFFFF80  }
0x11b: {  	_ =	swait.ge [sflag:s11], $0x80  }
0x11c: {  	[sflag:s11] =	ssyncset.done $0x0  }
0x11d: {  	[sflag:s11] =	ssyncadd.s32 $0xFFFFFF80  }
0x11e: {  	_ =	swait.ge [sflag:s23], $0x80  }
0x11f: {  	[sflag:s23] =	ssyncset.done $0x0  }
0x120: {  	[sflag:s23] =	ssyncadd.s32 $0xFFFFFF80  }
0x121: {  	_ =	swait.ge [sflag:s16], $0x80  }
0x122: {  	[sflag:s16] =	ssyncset.done $0x0  }
0x123: {  	[sflag:s16] =	ssyncadd.s32 $0xFFFFFF80  }
0x124: {  	_ =	swait.ge [sflag:s29], $0x80  }
0x125: {  	[sflag:s29] =	ssyncset.done $0x0  }
0x126: {  	[sflag:s29] =	ssyncadd.s32 $0xFFFFFF80  }
0x127: {  	_ =	swait.ge [sflag:s25], $0x80  }
0x128: {  	[sflag:s25] =	ssyncset.done $0x0  }
0x129: {  	[sflag:s25] =	ssyncadd.s32 $0xFFFFFF80  }
0x12a: {  	_ =	swait.ge [sflag:s10], $0x80  }
0x12b: {  	[sflag:s10] =	ssyncset.done $0x0  }
0x12c: {  	[sflag:s10] =	ssyncadd.s32 $0xFFFFFF80  }
0x12d: {  	_ =	swait.ge [sflag:s11], $0x80  }
0x12e: {  	[sflag:s11] =	ssyncset.done $0x0  }
0x12f: {  	[sflag:s11] =	ssyncadd.s32 $0xFFFFFF80  }
0x130: {  	_ =	swait.ge [sflag:s23], $0x80  }
0x131: {  	[sflag:s23] =	ssyncset.done $0x0  }
0x132: {  	[sflag:s23] =	ssyncadd.s32 $0xFFFFFF80  }
0x133: {  	_ =	swait.ge [sflag:s16], $0x80  }
0x134: {  	[sflag:s16] =	ssyncset.done $0x0  }
0x135: {  	[sflag:s16] =	ssyncadd.s32 $0xFFFFFF80  }
0x136: {  	_ =	swait.ge [sflag:s29], $0x80  }
0x137: {  	[sflag:s29] =	ssyncset.done $0x0  }
0x138: {  	[sflag:s29] =	ssyncadd.s32 $0xFFFFFF80  }
0x139: {  	_ =	swait.ge [sflag:s25], $0x80  }
0x13a: {  	[sflag:s25] =	ssyncset.done $0x0  }
0x13b: {  	s20 =	simm.s32 $0x0;
	[sflag:s25] =	ssyncadd.s32 $0xFFFFFF80  }
0x13c: {  	v0 =	vld [tilespmem:s20+$0x800]  }
0x13d: {  	v1 =	vld [tilespmem:s20+$0xC00];
	_ =	sdelay $0x2  }
0x13e: {  	v9 =	vld [tilespmem:s20+$0x1000]  }
0x13f: {  	s26 =	simm.s32 $0x10;
	v11 =	vld [tilespmem:s20+$0x1400]  }
0x140: {  	v3 =	vld [tilespmem:s26+$0xC00];
	v0 =	vadd.f32 v1, v0  }
0x141: {  	v1 =	vld [tilespmem:s26+$0x800]  }
0x142: {  	s22 =	simm.s32 $0x20;
	v10 =	vld [tilespmem:s20+$0x1800];
	v2 =	vmul.f32 $2.000000030e-01, v0  }
0x143: {  	v4 =	vld [tilespmem:s22+$0x800];
	vm0 =	vgt.f32 v0, $0.0e+00  }
0x144: {  	v7 =	vld [tilespmem:s22+$0xC00];
	v0 =	vsel vm0, v0, v2  }
0x145: {  	v6 =	vld [tilespmem:s26+$0x1000];
	v0 =	vmul.f32 $1.442695020e+00, v0  }
0x146: {  	v5 =	vld [tilespmem:s26+$0x1400];
	v8 =	vadd.f32 v3, v1  }
0x147: {  	s24 =	simm.s32 $0x30;
	v12 =	vld [tilespmem:s20+$0x1C00];
	(erf) = vpow2.f32 v0  }
0x148: {  	v13 =	vld [tilespmem:s24+$0x800];
	v14 =	vmul.f32 $2.000000030e-01, v8  }
0x149: {  	v15 =	vadd.f32 v7, v4;
	v7 =	vld [tilespmem:s24+$0x1400];
	vm14 =	vgt.f32 v8, $0.0e+00  }
0x14a: {  	v2 =	vld [tilespmem:s26+$0x1800];
	v4 =	vsel vm14, v8, v14  }
0x14b: {  	v1 =	vld [tilespmem:s22+$0x1400];
	v8 =	vmul.f32 $1.442695020e+00, v4  }
0x14c: {  	v0 =	vld [tilespmem:s22+$0x1000]  }
0x14d: {  	v14 =	vld [tilespmem:s24+$0xC00];
	(erf) = vpow2.f32 v8  }
0x14e: {  	v16 =	vmul.f32 $2.000000030e-01, v15;
	v4 =	vld [tilespmem:s24+$0x1000]  }
0x14f: {  	vm15 =	vgt.f32 v15, $0.0e+00;
	v3 =	vld [tilespmem:s22+$0x1800]  }
0x150: {  	s17 =	simm.s32 $0x100;
	v16 =	vsel vm15, v15, v16;
	v8 =	vld [tilespmem:s24+$0x1800];
	v15 =	vpop (erf)  }
.LBB2_3:
0x151: {  	v16 =	vmul.f32 $1.442695020e+00, v16;
	[tilespmem:s20+$0x2000] =	vst v15;
	v17 =	vmul.f32 v12, v15;
	v12 =	vld [tilespmem:s26+$0x1C00];
	s30 =	smov.u32 s24;
	s24 =	sshra.s32 s17, $0x2;
	p0 =	sne.s32 s17, $0xFC0  }
.Ltmp0:
0x152: {  	s17 =	sadd.s32 $0x40, s17;
	v19 =	vmul.f32 v15, v9;
	v20 =	vmul.f32 v15, v11;
	v9 =	vmovc v6;
	v18 =	vadd.f32 v14, v13;
	v13 =	vld [tilespmem:s24+$0x800];
	(pc) =	sbr.rel @p0 .LBB2_3-.Ltmp0, $4  }
0x153: {  	v21 =	vmul.f32 v10, v15;
	v6 =	vmovc v0;
	v11 =	vmovc v5;
	v14 =	vld [tilespmem:s24+$0xC00];
	(erf) = vpow2.f32 v16;
	[tilespmem:s20+$0x3000] =	vst v17;
	v0 =	vmov v4  }
0x154: {  	v5 =	vmovc v1;
	v10 =	vmovc v2;
	v2 =	vmov v3;
	v4 =	vld [tilespmem:s24+$0x1000];
	v17 =	vmul.f32 $2.000000030e-01, v18;
	[tilespmem:s20+$0x2400] =	vst v19;
	v1 =	vmov v7  }
0x155: {  	vm0 =	vgt.f32 v18, $0.0e+00;
	v7 =	vld [tilespmem:s24+$0x1400];
	[tilespmem:s20+$0x2800] =	vst v20;
	v3 =	vmov v8  }
0x156: {  	v8 =	vld [tilespmem:s24+$0x1800];
	v16 =	vsel vm0, v18, v17;
	v15 =	vpop (erf);
	[tilespmem:s20+$0x2C00] =	vst v21;
	s20 =	smov.u32 s26;
	s26 =	smov.u32 s22;
	s22 =	smov.u32 s30  }
0x157: {  	_ = 	snop  }
0x158: {  	v16 =	vmul.f32 $1.442695020e+00, v16;
	v13 =	vadd.f32 v14, v13  }
0x159: {  	v17 =	vld [tilespmem:s26+$0x1C00];
	v12 =	vmul.f32 v12, v15;
	v9 =	vmul.f32 v15, v9  }
0x15a: {  	[tilespmem:s20+$0x2000] =	vst v15;
	(erf) = vpow2.f32 v16;
	v54 =	vmul.f32 $2.000000030e-01, v13  }
0x15b: {  	v11 =	vmul.f32 v15, v11;
	[tilespmem:s20+$0x3000] =	vst v12;
	vm0 =	vgt.f32 v13, $0.0e+00  }
0x15c: {  	v10 =	vmul.f32 v10, v15;
	[tilespmem:s20+$0x2400] =	vst v9;
	v55 =	vsel vm0, v13, v54  }
0x15d: {  	[tilespmem:s20+$0x2800] =	vst v11;
	v56 =	vpop (erf);
	v9 =	vmul.f32 $1.442695020e+00, v55  }
0x15e: {  	[tilespmem:s20+$0x2C00] =	vst v10;
	v57 =	vmul.f32 v17, v56  }
0x15f: {  	v11 =	vld [tilespmem:s22+$0x1C00];
	[tilespmem:s26+$0x2000] =	vst v56;
	v6 =	vmul.f32 v56, v6;
	(erf) = vpow2.f32 v9  }
0x160: {  	v5 =	vmul.f32 v56, v5;
	[tilespmem:s26+$0x3000] =	vst v57  }
0x161: {  	v2 =	vmul.f32 v2, v56;
	[tilespmem:s26+$0x2400] =	vst v6  }
0x162: {  	[tilespmem:s26+$0x2800] =	vst v5  }
0x163: {  	[tilespmem:s26+$0x2C00] =	vst v2;
	v58 =	vpop (erf)  }
0x164: {  	v5 =	vld [tilespmem:s24+$0x1C00];
	v59 =	vmul.f32 v11, v58  }
0x165: {  	[tilespmem:s22+$0x2000] =	vst v58;
	v0 =	vmul.f32 v58, v0  }
0x166: {  	v1 =	vmul.f32 v58, v1;
	[tilespmem:s22+$0x3000] =	vst v59  }
0x167: {  	v2 =	vmul.f32 v3, v58;
	[tilespmem:s22+$0x2400] =	vst v0  }
0x168: {  	[tilespmem:s22+$0x2800] =	vst v1;
	v60 =	vpop (erf)  }
0x169: {  	[tilespmem:s22+$0x2C00] =	vst v2;
	v61 =	vmul.f32 v5, v60  }
0x16a: {  	[tilespmem:s24+$0x2000] =	vst v60;
	v62 =	vmul.f32 v60, v4  }
0x16b: {  	v63 =	vmul.f32 v60, v7;
	[tilespmem:s24+$0x3000] =	vst v61  }
0x16c: {  	v0 =	vmul.f32 v8, v60;
	[tilespmem:s24+$0x2400] =	vst v62  }
0x16d: {  	[tilespmem:s24+$0x2800] =	vst v63  }
0x16e: {  	s17 =	simm.s32 $0x2000;
	[tilespmem:s24+$0x2C00] =	vst v0  }
0x16f: {  	[spmem:s3] =	stream.indirect.scatter.add.f32 [tilespmem:s17], [sflag:$0x7], $0x1, s1, s7, $0xb8;
	[tilespmem:$0x9A80] =	vst v63  }
0x170: {  	s22 =	simm.s32 $0x2400  }
0x171: {  	[spmem:s4] =	stream.indirect.scatter.add.f32 [tilespmem:s22], [sflag:$0x7], $0x1, s1, s7, $0xb8;
	[tilespmem:$0x9A80] =	vst v63  }
0x172: {  	s24 =	simm.s32 $0x2800  }
0x173: {  	[spmem:s5] =	stream.indirect.scatter.add.f32 [tilespmem:s24], [sflag:$0x7], $0x1, s1, s7, $0xb8;
	[tilespmem:$0x9A80] =	vst v63  }
0x174: {  	s26 =	simm.s32 $0x2C00  }
0x175: {  	[spmem:s6] =	stream.indirect.scatter.add.f32 [tilespmem:s26], [sflag:$0x7], $0x1, s1, s7, $0xb8;
	[tilespmem:$0x9A80] =	vst v63  }
0x176: {  	s20 =	simm.s32 $0x3000  }
0x177: {  	[spmem:s8] =	stream.indirect.scatter.add.f32 [tilespmem:s20], [sflag:$0x7], $0x1, s1, s7, $0xb8;
	[tilespmem:$0x9A80] =	vst v63  }
0x178: {  	s22 =	simm.s32 $0x2080;
	s24 =	simm.s32 $0x480  }
0x179: {  	[spmem:s3] =	stream.indirect.scatter.add.f32 [tilespmem:s22], [sflag:$0x7], $0x1, s24, s7, $0xb8;
	[tilespmem:$0x9A80] =	vst v63  }
0x17a: {  	s26 =	simm.s32 $0x2480  }
0x17b: {  	[spmem:s4] =	stream.indirect.scatter.add.f32 [tilespmem:s26], [sflag:$0x7], $0x1, s24, s7, $0xb8;
	[tilespmem:$0x9A80] =	vst v63  }
0x17c: {  	s20 =	simm.s32 $0x2880  }
0x17d: {  	[spmem:s5] =	stream.indirect.scatter.add.f32 [tilespmem:s20], [sflag:$0x7], $0x1, s24, s7, $0xb8;
	[tilespmem:$0x9A80] =	vst v63  }
0x17e: {  	s22 =	simm.s32 $0x2C80  }
0x17f: {  	[spmem:s6] =	stream.indirect.scatter.add.f32 [tilespmem:s22], [sflag:$0x7], $0x1, s24, s7, $0xb8;
	[tilespmem:$0x9A80] =	vst v63  }
0x180: {  	s26 =	simm.s32 $0x3080  }
0x181: {  	[spmem:s8] =	stream.indirect.scatter.add.f32 [tilespmem:s26], [sflag:$0x7], $0x1, s24, s7, $0xb8;
	[tilespmem:$0x9A80] =	vst v63  }
0x182: {  	s20 =	simm.s32 $0x2100;
	s26 =	simm.s32 $0x500  }
0x183: {  	[spmem:s3] =	stream.indirect.scatter.add.f32 [tilespmem:s20], [sflag:$0x7], $0x1, s26, s7, $0xb8;
	[tilespmem:$0x9A80] =	vst v63  }
0x184: {  	s22 =	simm.s32 $0x2500  }
0x185: {  	[spmem:s4] =	stream.indirect.scatter.add.f32 [tilespmem:s22], [sflag:$0x7], $0x1, s26, s7, $0xb8;
	[tilespmem:$0x9A80] =	vst v63  }
0x186: {  	s20 =	simm.s32 $0x2900  }
0x187: {  	[spmem:s5] =	stream.indirect.scatter.add.f32 [tilespmem:s20], [sflag:$0x7], $0x1, s26, s7, $0xb8;
	[tilespmem:$0x9A80] =	vst v63  }
0x188: {  	s22 =	simm.s32 $0x2D00  }
0x189: {  	[spmem:s6] =	stream.indirect.scatter.add.f32 [tilespmem:s22], [sflag:$0x7], $0x1, s26, s7, $0xb8;
	[tilespmem:$0x9A80] =	vst v63  }
0x18a: {  	s20 =	simm.s32 $0x3100  }
0x18b: {  	[spmem:s8] =	stream.indirect.scatter.add.f32 [tilespmem:s20], [sflag:$0x7], $0x1, s26, s7, $0xb8;
	[tilespmem:$0x9A80] =	vst v63  }
0x18c: {  	s30 =	simm.s32 $0x580;
	s22 =	simm.s32 $0x2180  }
0x18d: {  	[spmem:s3] =	stream.indirect.scatter.add.f32 [tilespmem:s22], [sflag:$0x7], $0x1, s30, s7, $0xb8;
	[tilespmem:$0x9A80] =	vst v63  }
0x18e: {  	s20 =	simm.s32 $0x2580  }
0x18f: {  	[spmem:s4] =	stream.indirect.scatter.add.f32 [tilespmem:s20], [sflag:$0x7], $0x1, s30, s7, $0xb8;
	[tilespmem:$0x9A80] =	vst v63  }
0x190: {  	s22 =	simm.s32 $0x2980  }
0x191: {  	[spmem:s5] =	stream.indirect.scatter.add.f32 [tilespmem:s22], [sflag:$0x7], $0x1, s30, s7, $0xb8;
	[tilespmem:$0x9A80] =	vst v63  }
0x192: {  	s20 =	simm.s32 $0x2D80  }
0x193: {  	[spmem:s6] =	stream.indirect.scatter.add.f32 [tilespmem:s20], [sflag:$0x7], $0x1, s30, s7, $0xb8;
	[tilespmem:$0x9A80] =	vst v63  }
0x194: {  	s22 =	simm.s32 $0x3180  }
0x195: {  	[spmem:s8] =	stream.indirect.scatter.add.f32 [tilespmem:s22], [sflag:$0x7], $0x1, s30, s7, $0xb8;
	[tilespmem:$0x9A80] =	vst v63  }
0x196: {  	s20 =	simm.s32 $0x2200;
	s22 =	simm.s32 $0x600  }
0x197: {  	[spmem:s3] =	stream.indirect.scatter.add.f32 [tilespmem:s20], [sflag:$0x7], $0x1, s22, s7, $0xb8;
	[tilespmem:$0x9A80] =	vst v63  }
0x198: {  	s20 =	simm.s32 $0x2600  }
0x199: {  	[spmem:s4] =	stream.indirect.scatter.add.f32 [tilespmem:s20], [sflag:$0x7], $0x1, s22, s7, $0xb8;
	[tilespmem:$0x9A80] =	vst v63  }
0x19a: {  	s20 =	simm.s32 $0x2A00  }
0x19b: {  	[spmem:s5] =	stream.indirect.scatter.add.f32 [tilespmem:s20], [sflag:$0x7], $0x1, s22, s7, $0xb8;
	[tilespmem:$0x9A80] =	vst v63  }
0x19c: {  	s20 =	simm.s32 $0x2E00  }
0x19d: {  	[spmem:s6] =	stream.indirect.scatter.add.f32 [tilespmem:s20], [sflag:$0x7], $0x1, s22, s7, $0xb8;
	[tilespmem:$0x9A80] =	vst v63  }
0x19e: {  	s20 =	simm.s32 $0x3200  }
0x19f: {  	[spmem:s8] =	stream.indirect.scatter.add.f32 [tilespmem:s20], [sflag:$0x7], $0x1, s22, s7, $0xb8;
	[tilespmem:$0x9A80] =	vst v63  }
0x1a0: {  	s20 =	simm.s32 $0x2280  }
0x1a1: {  	[spmem:s3] =	stream.indirect.scatter.add.f32 [tilespmem:s20], [sflag:$0x7], $0x1, s19, s7, $0xb8;
	[tilespmem:$0x9A80] =	vst v63  }
0x1a2: {  	s20 =	simm.s32 $0x2680  }
0x1a3: {  	[spmem:s4] =	stream.indirect.scatter.add.f32 [tilespmem:s20], [sflag:$0x7], $0x1, s19, s7, $0xb8;
	[tilespmem:$0x9A80] =	vst v63  }
0x1a4: {  	s20 =	simm.s32 $0x2A80  }
0x1a5: {  	[spmem:s5] =	stream.indirect.scatter.add.f32 [tilespmem:s20], [sflag:$0x7], $0x1, s19, s7, $0xb8;
	[tilespmem:$0x9A80] =	vst v63  }
0x1a6: {  	s20 =	simm.s32 $0x2E80  }
0x1a7: {  	[spmem:s6] =	stream.indirect.scatter.add.f32 [tilespmem:s20], [sflag:$0x7], $0x1, s19, s7, $0xb8;
	[tilespmem:$0x9A80] =	vst v63  }
0x1a8: {  	s20 =	simm.s32 $0x3280  }
0x1a9: {  	[spmem:s8] =	stream.indirect.scatter.add.f32 [tilespmem:s20], [sflag:$0x7], $0x1, s19, s7, $0xb8;
	[tilespmem:$0x9A80] =	vst v63  }
0x1aa: {  	s20 =	simm.s32 $0x2300  }
0x1ab: {  	[spmem:s3] =	stream.indirect.scatter.add.f32 [tilespmem:s20], [sflag:$0x7], $0x1, s18, s7, $0xb8;
	[tilespmem:$0x9A80] =	vst v63  }
0x1ac: {  	s20 =	simm.s32 $0x2700  }
0x1ad: {  	[spmem:s4] =	stream.indirect.scatter.add.f32 [tilespmem:s20], [sflag:$0x7], $0x1, s18, s7, $0xb8;
	[tilespmem:$0x9A80] =	vst v63  }
0x1ae: {  	s20 =	simm.s32 $0x2B00  }
0x1af: {  	[spmem:s5] =	stream.indirect.scatter.add.f32 [tilespmem:s20], [sflag:$0x7], $0x1, s18, s7, $0xb8;
	[tilespmem:$0x9A80] =	vst v63  }
0x1b0: {  	s20 =	simm.s32 $0x2F00  }
0x1b1: {  	[spmem:s6] =	stream.indirect.scatter.add.f32 [tilespmem:s20], [sflag:$0x7], $0x1, s18, s7, $0xb8;
	[tilespmem:$0x9A80] =	vst v63  }
0x1b2: {  	s20 =	simm.s32 $0x3300  }
0x1b3: {  	[spmem:s8] =	stream.indirect.scatter.add.f32 [tilespmem:s20], [sflag:$0x7], $0x1, s18, s7, $0xb8;
	[tilespmem:$0x9A80] =	vst v63  }
0x1b4: {  	s20 =	simm.s32 $0x2380  }
0x1b5: {  	[spmem:s3] =	stream.indirect.scatter.add.f32 [tilespmem:s20], [sflag:$0x7], $0x1, s21, s7, $0xb8;
	[tilespmem:$0x9A80] =	vst v63  }
0x1b6: {  	s28 =	sadd.s32 $0x1, s28;
	s20 =	simm.s32 $0x2780  }
0x1b7: {  	[spmem:s4] =	stream.indirect.scatter.add.f32 [tilespmem:s20], [sflag:$0x7], $0x1, s21, s7, $0xb8;
	[tilespmem:$0x9A80] =	vst v63  }
0x1b8: {  	p0 =	sne.s32 s28, $0x29;
	s20 =	simm.s32 $0x2B80  }
0x1b9: {  	[spmem:s5] =	stream.indirect.scatter.add.f32 [tilespmem:s20], [sflag:$0x7], $0x1, s21, s7, $0xb8;
	[tilespmem:$0x9A80] =	vst v63  }
.Ltmp1:
0x1ba: {  	_ = 	snop;
	(pc) =	sbr.rel @p0 .LBB2_2-.Ltmp1, $4  }
0x1bb: {  	s20 =	simm.s32 $0x2F80  }
0x1bc: {  	[spmem:s6] =	stream.indirect.scatter.add.f32 [tilespmem:s20], [sflag:$0x7], $0x1, s21, s7, $0xb8;
	[tilespmem:$0x9A80] =	vst v63  }
0x1bd: {  	s20 =	simm.s32 $0x3380  }
0x1be: {  	[spmem:s8] =	stream.indirect.scatter.add.f32 [tilespmem:s20], [sflag:$0x7], $0x1, s21, s7, $0xb8;
	[tilespmem:$0x9A80] =	vst v63  }
0x1bf: {  	s17 =	simm.s32 $0x7  }
0x1c0: {  	_ =	swait.ge [sflag:s17], $0x1400  }
0x1c1: {  	[sflag:s17] =	ssyncset.done $0x0  }
0x1c2: {  	[sflag:s17] =	ssyncadd.s32 $0xFFFFEC00  }
0x1c3: {  	[bflag:$0x0] =	sbarrier.arrive $0xFFFF  }
0x1c4: {  	s20 =	rddreg [dreg:$0xd]  }
0x1c5: {  	s28 =	rddreg [dreg:$0x13]  }
0x1c6: {  	s22 =	rddreg [dreg:$0x1a]  }
0x1c7: {  	[hbm:s28], [sflag:s20] =	dma.local [spmem:s22], $0x290  }
0x1c8: {  	_ =	swait.ge [sflag:s31], $0x290  }
0x1c9: {  	[sflag:s31] =	ssyncset.done $0x0;
	s22 =	rddreg [dreg:$0x14]  }
0x1ca: {  	s28 =	rddreg [dreg:$0x1b];
	[sflag:s31] =	ssyncadd.s32 $0xFFFFFD70  }
0x1cb: {  	[hbm:s22], [sflag:s20] =	dma.local [spmem:s28], $0x290  }
0x1cc: {  	_ =	swait.ge [sflag:s31], $0x290  }
0x1cd: {  	[sflag:s31] =	ssyncset.done $0x0;
	s22 =	rddreg [dreg:$0x15]  }
0x1ce: {  	s28 =	rddreg [dreg:$0x1c];
	[sflag:s31] =	ssyncadd.s32 $0xFFFFFD70  }
0x1cf: {  	[hbm:s22], [sflag:s20] =	dma.local [spmem:s28], $0x290  }
0x1d0: {  	_ =	swait.ge [sflag:s31], $0x290  }
0x1d1: {  	[sflag:s31] =	ssyncset.done $0x0;
	s22 =	rddreg [dreg:$0x16]  }
0x1d2: {  	s28 =	rddreg [dreg:$0x1d];
	[sflag:s31] =	ssyncadd.s32 $0xFFFFFD70  }
0x1d3: {  	[hbm:s22], [sflag:s20] =	dma.local [spmem:s28], $0x290  }
0x1d4: {  	_ =	swait.ge [sflag:s31], $0x290  }
0x1d5: {  	[sflag:s31] =	ssyncset.done $0x0;
	s22 =	rddreg [dreg:$0x17]  }
0x1d6: {  	s28 =	rddreg [dreg:$0x1e];
	[sflag:s31] =	ssyncadd.s32 $0xFFFFFD70  }
0x1d7: {  	[hbm:s22], [sflag:s20] =	dma.local [spmem:s28], $0x290  }
0x1d8: {  	_ =	swait.ge [sflag:s31], $0x290  }
0x1d9: {  	s17 =	rddreg [dreg:$0x19]  }
0x1da: {  	s28 =	rddreg [dreg:$0x18];
	s22 =	sadd.s32 $0x1, s17  }
0x1db: {  	p0 =	sne.s32 s22, s28  }
.Ltmp2:
0x1dc: {  	_ = 	snop;
	(pc) =	sbr.rel @p0 .LBB2_1-.Ltmp2, $3  }
0x1dd: {  	_ =	sdelay $0x1  }
0x1de: {  	[sflag:s31] =	ssyncset.done $0x0  }
0x1df: {  	[sflag:s31] =	ssyncadd.s32 $0xFFFFFD70  }
0x1e0: {  	_ =	sfence.sel $0x180000  }
0x1e1: {  	[bflag:$0x0] =	sbarrier.arrive $0xFFFF  }
0x1e2: {  	_ =	strace $0x90000047  }
0x1e3: {  	s0 =	stileid.u32;
	[bflag:$0x2] =	sbarrier.arrive $0xFFFF  }
0x1e4: {  	p0 =	sne.s32 s0, $0x0;
	s0 =	rddreg [dreg:$0x8]  }
0x1e5: {  	s0 =	sadd.s32 @!p0 $0x100000, s0  }
0x1e6: {  	[sflag:s0] =	ssyncadd.tile.s32 @!p0 $0x1;
	_ =	shalt  }
.Lfunc_end2:
_tile_overlayer_lowered:
.L_overlay_start_2:
0x1e7: {  	(tag) =	ssettag $0x2  }
0x1e8: {  	s0 =	rddreg [dreg:$0x0];
	s2 =	stileid.u32  }
0x1e9: {  	s1 =	rddreg [dreg:$0x1];
	p0 =	sne.s32 s2, $0x0  }
0x1ea: {  	s3 =	rddreg [dreg:$0x2];
	[bflag:$0x3] =	sbarrier.arrive $0xFFFF;
	s2 =	simm.s32 @!p0 $0x1C08  }
0x1eb: {  	[timem:s3], [sflag:s2] =	dma.local @!p0 [hbm:s0], s1  }
0x1ec: {  	s0 =	simm.s32 @!p0 $0x8  }
0x1ed: {  	_ =	swait.ge @!p0 [sflag:s0], s1  }
0x1ee: {  	s1 =	ssub.s32 @!p0 $0x0, s1;
	[sflag:s0] =	ssyncset.done @!p0 $0x0  }
0x1ef: {  	[sflag:s0] =	ssyncadd.s32 @!p0 s1  }
0x1f0: {  	[bflag:$0x3] =	sbarrier.arrive $0xFFFF  }
0x1f1: {  	_ =	shalt  }

</sc_bundles>
